<compile_context>
chip_gen: v7x
topology: tpu7x:2x2x1
jax: 0.10.2.dev20260603
libtpu: 0.0.44.dev20260713+nightly
codegen_flags: <defaults>
</compile_context>

<pallas_src>
import functools

import jax
import jax.numpy as jnp
from jax import lax
from jax.experimental import pallas as pl
from jax.experimental.pallas import tpu as pltpu
from jax.experimental.pallas import tpu_sc as plsc

VOCAB = 100000
D = 128
HID = 512
ODIM = 128
B = 4096
T = 50

NC = 2
NS = 16
NW = NC * NS
BPW = B // NW
L = 16
DV = D // L
NBUF = 5

_mesh = plsc.VectorSubcoreMesh(core_axis_name="c", subcore_axis_name="s")


@functools.partial(
    pl.kernel,
    mesh=_mesh,
    out_type=jax.ShapeDtypeStruct((NW, T, D), jnp.float32),
    scratch_types=[
        pltpu.VMEM((T, BPW), jnp.int32),
        pltpu.VMEM((NBUF, BPW, D), jnp.float32),
        pltpu.VMEM((T, D), jnp.float32),
        pltpu.SemaphoreType.DMA,
        pltpu.SemaphoreType.DMA,
        pltpu.SemaphoreType.DMA,
        pltpu.SemaphoreType.DMA,
        pltpu.SemaphoreType.DMA,
    ],
)
def _sc_gather_sum(xs_hbm, table_hbm, out_hbm, idx_v, ring, acc_v, *sems):
    wid = lax.axis_index("s") * NC + lax.axis_index("c")

    pltpu.sync_copy(xs_hbm.at[wid], idx_v)

    def fire(t, b):
        pltpu.async_copy(table_hbm.at[idx_v.at[t]], ring.at[b], sems[b])

    def wait(t, b):
        pltpu.make_async_copy(table_hbm.at[idx_v.at[t]], ring.at[b], sems[b]).wait()

    def accumulate(t, b):
        buf = ring.at[b]

        def body(j, carry):
            return tuple(carry[k] + buf[j, pl.ds(k * L, L)] for k in range(DV))

        init = tuple(buf[0, pl.ds(k * L, L)] for k in range(DV))
        total = lax.fori_loop(1, BPW, body, init, unroll=4)
        for k in range(DV):
            acc_v[t, pl.ds(k * L, L)] = total[k]

    for b in range(NBUF - 1):
        fire(b, b)

    def chunk(i, _):
        g = NBUF * i
        for b in range(NBUF):
            t = g + b

            @pl.when(t + NBUF - 1 < T)
            def _():
                fire(t + NBUF - 1, (b + NBUF - 1) % NBUF)

            wait(t, b)
            accumulate(t, b)
        return 0

    lax.fori_loop(0, T // NBUF, chunk, 0)

    pltpu.sync_copy(acc_v, out_hbm.at[wid])


def _mlp_body(p_ref, w1_ref, b1_ref, w2_ref, b2_ref, o_ref):
    xhat = jnp.sum(p_ref[...], axis=0) * (1.0 / B)
    h = jnp.dot(xhat, w1_ref[...], preferred_element_type=jnp.float32)
    h = jnp.maximum(h + b1_ref[...], 0.0)
    o_ref[...] = jnp.dot(h, w2_ref[...], preferred_element_type=jnp.float32) + b2_ref[...]


def kernel(x, embeddings, W1, b1, W2, b2):
    xs = x.astype(jnp.int32).reshape(NW, BPW, T).transpose(0, 2, 1)
    partials = _sc_gather_sum(xs, embeddings)
    return pl.pallas_call(
        _mlp_body,
        out_shape=jax.ShapeDtypeStruct((T, ODIM), jnp.float32),
    )(partials, W1, b1.reshape(1, HID), W2, b2.reshape(1, ODIM))

# --- scband reference (transcript-rebuilt; emitter-appended) ---
"""Pipeline reference for scband-basic-attention-7121055776967 (READ-ONLY COPY).

The authoritative reference and input builder live on the scoring server;
editing this copy changes nothing except your own understanding.
"""

import jax, jax.numpy as jnp
import numpy as np

VOCAB = 100000
EMBED_DIM = 128
HIDDEN_DIM = 512
OUTPUT_DIM = 128
BATCH = 4096
HIST = 50


def setup_inputs(seed: int = 0) -> dict:
    key = jax.random.key(seed)
    k1, k2, k3, k4, k5, k6 = jax.random.split(key, 6)
    x = jax.random.randint(k1, (BATCH, HIST), 0, VOCAB, dtype=jnp.int64 if jax.config.jax_enable_x64 else jnp.int32)
    embeddings = jax.random.normal(k2, (VOCAB, EMBED_DIM), dtype=jnp.float32)
    lim1 = 1.0 / np.sqrt(EMBED_DIM)
    W1 = jax.random.uniform(k3, (EMBED_DIM, HIDDEN_DIM), minval=-lim1, maxval=lim1, dtype=jnp.float32)
    b1 = jax.random.uniform(k4, (HIDDEN_DIM,), minval=-lim1, maxval=lim1, dtype=jnp.float32)
    lim2 = 1.0 / np.sqrt(HIDDEN_DIM)
    W2 = jax.random.uniform(k5, (HIDDEN_DIM, OUTPUT_DIM), minval=-lim2, maxval=lim2, dtype=jnp.float32)
    b2 = jax.random.uniform(k6, (OUTPUT_DIM,), minval=-lim2, maxval=lim2, dtype=jnp.float32)
    return {"x": x, "embeddings": embeddings, "W1": W1, "b1": b1, "W2": W2, "b2": b2}


def reference(x, embeddings, W1, b1, W2, b2):
    # emb = self.embeddings[x]
    emb = jnp.take(embeddings, x, axis=0)  # [BATCH, HIST, EMBED_DIM]
    # xhat = emb.mean(axis=0)
    xhat = jnp.mean(emb, axis=0)  # [HIST, EMBED_DIM]
    # yhat = linear2(relu(linear1(xhat)))
    h = jnp.maximum(xhat @ W1 + b1, 0.0)
    yhat = h @ W2 + b2
    return yhat

if __name__ == "__main__":
    import jax
    _d = setup_inputs()
    print(jax.jit(kernel)(*tuple(_d.values())))

</pallas_src>

<mosaic_0001>
#map = affine_map<(d0, d1) -> (0, 0, 0)>
#map1 = affine_map<(d0, d1) -> (0, 0)>
module attributes {stable_mosaic.version = 14 : i64} {
  func.func @_sc_gather_sum(%arg0: i32, %arg1: i32, %arg2: memref<32x50x128xi32, #tpu.memory_space<hbm>>, %arg3: memref<100000x128xf32, #tpu.memory_space<hbm>>, %arg4: memref<32x50x128xf32, #tpu.memory_space<hbm>>, %arg5: memref<50x128xi32, #tpu.memory_space<vmem>>, %arg6: memref<5x128x128xf32, #tpu.memory_space<vmem>>, %arg7: memref<50x128xf32, #tpu.memory_space<vmem>>, %arg8: memref<!tpu.dma_semaphore, #tpu.memory_space<semaphore_mem>>, %arg9: memref<!tpu.dma_semaphore, #tpu.memory_space<semaphore_mem>>, %arg10: memref<!tpu.dma_semaphore, #tpu.memory_space<semaphore_mem>>, %arg11: memref<!tpu.dma_semaphore, #tpu.memory_space<semaphore_mem>>, %arg12: memref<!tpu.dma_semaphore, #tpu.memory_space<semaphore_mem>>) attributes {dimension_semantics = [#tpu.dimension_semantics<core_parallel>, #tpu.dimension_semantics<subcore_parallel>], iteration_bounds = array<i64: 2, 16>, scalar_prefetch = 0 : i64, scratch_operands = 8 : i64, tpu.core_type = #tpu.core_type<sc_vector_subcore>, window_params = [{transform_indices = #map}, {transform_indices = #map1}, {transform_indices = #map}]} {
    %mul3A = arith.constant 2 : i32
    %mul3A_0 = arith.muli %arg1, %mul3A : i32
    %add3A = arith.addi %mul3A_0, %arg0 : i32
    "tpu.region"() ({
      %run_scoped3A = tpu.sem_alloc : memref<!tpu.dma_semaphore, #tpu.memory_space<semaphore_mem>>
      %dma_start3A_54 = arith.constant 0 : i32
      %dma_start3A_55 = arith.constant 0 : i32
      %dma_start3A_56 = tpu.memref_slice %arg2[%add3A, %dma_start3A_54, %dma_start3A_55] : memref<32x50x128xi32, #tpu.memory_space<hbm>> -> memref<1x50x128xi32, #tpu.memory_space<hbm>>
      %dma_start3A_57 = tpu.memref_squeeze %dma_start3A_56 : memref<1x50x128xi32, #tpu.memory_space<hbm>> -> memref<50x128xi32, #tpu.memory_space<hbm>>
      %dma_start3A_58 = arith.constant 0 : i32
      %dma_start3A_59 = arith.constant 0 : i32
      %dma_start3A_60 = tpu.memref_slice %arg2[%add3A, %dma_start3A_58, %dma_start3A_59] : memref<32x50x128xi32, #tpu.memory_space<hbm>> -> memref<1x50x128xi32, #tpu.memory_space<hbm>>
      %dma_start3A_61 = tpu.memref_squeeze %dma_start3A_60 : memref<1x50x128xi32, #tpu.memory_space<hbm>> -> memref<50x128xi32, #tpu.memory_space<hbm>>
      tpu.enqueue_dma source(%dma_start3A_61 : memref<50x128xi32, #tpu.memory_space<hbm>>) target(%arg5 : memref<50x128xi32, #tpu.memory_space<vmem>>) target_semaphore(%run_scoped3A : memref<!tpu.dma_semaphore, #tpu.memory_space<semaphore_mem>>)
      %dma_wait3A = arith.constant 0 : i32
      %dma_wait3A_62 = arith.constant 0 : i32
      %dma_wait3A_63 = tpu.memref_slice %arg2[%add3A, %dma_wait3A, %dma_wait3A_62] : memref<32x50x128xi32, #tpu.memory_space<hbm>> -> memref<1x50x128xi32, #tpu.memory_space<hbm>>
      %dma_wait3A_64 = tpu.memref_squeeze %dma_wait3A_63 : memref<1x50x128xi32, #tpu.memory_space<hbm>> -> memref<50x128xi32, #tpu.memory_space<hbm>>
      %dma_wait3A_65 = arith.constant 0 : i32
      %dma_wait3A_66 = arith.constant 0 : i32
      %dma_wait3A_67 = tpu.memref_slice %arg2[%add3A, %dma_wait3A_65, %dma_wait3A_66] : memref<32x50x128xi32, #tpu.memory_space<hbm>> -> memref<1x50x128xi32, #tpu.memory_space<hbm>>
      %dma_wait3A_68 = tpu.memref_squeeze %dma_wait3A_67 : memref<1x50x128xi32, #tpu.memory_space<hbm>> -> memref<50x128xi32, #tpu.memory_space<hbm>>
      tpu.wait_dma2 semaphore(%run_scoped3A : memref<!tpu.dma_semaphore, #tpu.memory_space<semaphore_mem>>) src(%dma_wait3A_68 : memref<50x128xi32, #tpu.memory_space<hbm>>) dst(%arg5 : memref<50x128xi32, #tpu.memory_space<vmem>>)
      tpu.yield
    }) : () -> ()
    %dma_start3A = arith.constant 0 : i32
    %dma_start3A_1 = arith.constant 0 : i32
    %dma_start3A_2 = arith.constant 0 : i32
    %dma_start3A_3 = arith.constant 0 : i32
    %dma_start3A_4 = tpu.memref_slice %arg6[%dma_start3A_1, %dma_start3A_2, %dma_start3A_3] : memref<5x128x128xf32, #tpu.memory_space<vmem>> -> memref<1x128x128xf32, #tpu.memory_space<vmem>>
    %dma_start3A_5 = tpu.memref_squeeze %dma_start3A_4 : memref<1x128x128xf32, #tpu.memory_space<vmem>> -> memref<128x128xf32, #tpu.memory_space<vmem>>
    %dma_start3A_6 = arith.constant 0 : i32
    %dma_start3A_7 = tpu.memref_slice %arg5[%dma_start3A, %dma_start3A_6] : memref<50x128xi32, #tpu.memory_space<vmem>> -> memref<1x128xi32, #tpu.memory_space<vmem>>
    %dma_start3A_8 = tpu.memref_squeeze %dma_start3A_7 : memref<1x128xi32, #tpu.memory_space<vmem>> -> memref<128xi32, #tpu.memory_space<vmem>>
    %dma_start3A_9 = arith.constant 0 : i32
    %dma_start3A_10 = arith.constant 0 : i32
    %dma_start3A_11 = tpu.memref_slice %arg3[%dma_start3A_9, %dma_start3A_10] : memref<100000x128xf32, #tpu.memory_space<hbm>> -> memref<100000x128xf32, #tpu.memory_space<hbm>>
    tpu.enqueue_indirect_dma source(%dma_start3A_11 : memref<100000x128xf32, #tpu.memory_space<hbm>>) target(%dma_start3A_5 : memref<128x128xf32, #tpu.memory_space<vmem>>) offsets(%dma_start3A_8 : memref<128xi32, #tpu.memory_space<vmem>>) semaphore(%arg8 : memref<!tpu.dma_semaphore, #tpu.memory_space<semaphore_mem>>)
    %dma_start3A_12 = arith.constant 1 : i32
    %dma_start3A_13 = arith.constant 1 : i32
    %dma_start3A_14 = arith.constant 0 : i32
    %dma_start3A_15 = arith.constant 0 : i32
    %dma_start3A_16 = tpu.memref_slice %arg6[%dma_start3A_13, %dma_start3A_14, %dma_start3A_15] : memref<5x128x128xf32, #tpu.memory_space<vmem>> -> memref<1x128x128xf32, #tpu.memory_space<vmem>>
    %dma_start3A_17 = tpu.memref_squeeze %dma_start3A_16 : memref<1x128x128xf32, #tpu.memory_space<vmem>> -> memref<128x128xf32, #tpu.memory_space<vmem>>
    %dma_start3A_18 = arith.constant 0 : i32
    %dma_start3A_19 = tpu.memref_slice %arg5[%dma_start3A_12, %dma_start3A_18] : memref<50x128xi32, #tpu.memory_space<vmem>> -> memref<1x128xi32, #tpu.memory_space<vmem>>
    %dma_start3A_20 = tpu.memref_squeeze %dma_start3A_19 : memref<1x128xi32, #tpu.memory_space<vmem>> -> memref<128xi32, #tpu.memory_space<vmem>>
    %dma_start3A_21 = arith.constant 0 : i32
    %dma_start3A_22 = arith.constant 0 : i32
    %dma_start3A_23 = tpu.memref_slice %arg3[%dma_start3A_21, %dma_start3A_22] : memref<100000x128xf32, #tpu.memory_space<hbm>> -> memref<100000x128xf32, #tpu.memory_space<hbm>>
    tpu.enqueue_indirect_dma source(%dma_start3A_23 : memref<100000x128xf32, #tpu.memory_space<hbm>>) target(%dma_start3A_17 : memref<128x128xf32, #tpu.memory_space<vmem>>) offsets(%dma_start3A_20 : memref<128xi32, #tpu.memory_space<vmem>>) semaphore(%arg9 : memref<!tpu.dma_semaphore, #tpu.memory_space<semaphore_mem>>)
    %dma_start3A_24 = arith.constant 2 : i32
    %dma_start3A_25 = arith.constant 2 : i32
    %dma_start3A_26 = arith.constant 0 : i32
    %dma_start3A_27 = arith.constant 0 : i32
    %dma_start3A_28 = tpu.memref_slice %arg6[%dma_start3A_25, %dma_start3A_26, %dma_start3A_27] : memref<5x128x128xf32, #tpu.memory_space<vmem>> -> memref<1x128x128xf32, #tpu.memory_space<vmem>>
    %dma_start3A_29 = tpu.memref_squeeze %dma_start3A_28 : memref<1x128x128xf32, #tpu.memory_space<vmem>> -> memref<128x128xf32, #tpu.memory_space<vmem>>
    %dma_start3A_30 = arith.constant 0 : i32
    %dma_start3A_31 = tpu.memref_slice %arg5[%dma_start3A_24, %dma_start3A_30] : memref<50x128xi32, #tpu.memory_space<vmem>> -> memref<1x128xi32, #tpu.memory_space<vmem>>
    %dma_start3A_32 = tpu.memref_squeeze %dma_start3A_31 : memref<1x128xi32, #tpu.memory_space<vmem>> -> memref<128xi32, #tpu.memory_space<vmem>>
    %dma_start3A_33 = arith.constant 0 : i32
    %dma_start3A_34 = arith.constant 0 : i32
    %dma_start3A_35 = tpu.memref_slice %arg3[%dma_start3A_33, %dma_start3A_34] : memref<100000x128xf32, #tpu.memory_space<hbm>> -> memref<100000x128xf32, #tpu.memory_space<hbm>>
    tpu.enqueue_indirect_dma source(%dma_start3A_35 : memref<100000x128xf32, #tpu.memory_space<hbm>>) target(%dma_start3A_29 : memref<128x128xf32, #tpu.memory_space<vmem>>) offsets(%dma_start3A_32 : memref<128xi32, #tpu.memory_space<vmem>>) semaphore(%arg10 : memref<!tpu.dma_semaphore, #tpu.memory_space<semaphore_mem>>)
    %dma_start3A_36 = arith.constant 3 : i32
    %dma_start3A_37 = arith.constant 3 : i32
    %dma_start3A_38 = arith.constant 0 : i32
    %dma_start3A_39 = arith.constant 0 : i32
    %dma_start3A_40 = tpu.memref_slice %arg6[%dma_start3A_37, %dma_start3A_38, %dma_start3A_39] : memref<5x128x128xf32, #tpu.memory_space<vmem>> -> memref<1x128x128xf32, #tpu.memory_space<vmem>>
    %dma_start3A_41 = tpu.memref_squeeze %dma_start3A_40 : memref<1x128x128xf32, #tpu.memory_space<vmem>> -> memref<128x128xf32, #tpu.memory_space<vmem>>
    %dma_start3A_42 = arith.constant 0 : i32
    %dma_start3A_43 = tpu.memref_slice %arg5[%dma_start3A_36, %dma_start3A_42] : memref<50x128xi32, #tpu.memory_space<vmem>> -> memref<1x128xi32, #tpu.memory_space<vmem>>
    %dma_start3A_44 = tpu.memref_squeeze %dma_start3A_43 : memref<1x128xi32, #tpu.memory_space<vmem>> -> memref<128xi32, #tpu.memory_space<vmem>>
    %dma_start3A_45 = arith.constant 0 : i32
    %dma_start3A_46 = arith.constant 0 : i32
    %dma_start3A_47 = tpu.memref_slice %arg3[%dma_start3A_45, %dma_start3A_46] : memref<100000x128xf32, #tpu.memory_space<hbm>> -> memref<100000x128xf32, #tpu.memory_space<hbm>>
    tpu.enqueue_indirect_dma source(%dma_start3A_47 : memref<100000x128xf32, #tpu.memory_space<hbm>>) target(%dma_start3A_41 : memref<128x128xf32, #tpu.memory_space<vmem>>) offsets(%dma_start3A_44 : memref<128xi32, #tpu.memory_space<vmem>>) semaphore(%arg11 : memref<!tpu.dma_semaphore, #tpu.memory_space<semaphore_mem>>)
    %scan3A = arith.constant 0 : i32
    %scan3A_48 = arith.constant 0 : i32
    %scan3A_49 = arith.constant 10 : i32
    %scan3A_50 = arith.addi %scan3A_48, %scan3A_49 : i32
    %scan3A_51 = arith.constant 1 : i32
    %scan3A_52 = scf.for %scan3A_54 = %scan3A_48 to %scan3A_50 step %scan3A_51 iter_args(%scan3A_55 = %scan3A) -> (i32)  : i32 {
      %mul3A_56 = arith.constant 5 : i32
      %mul3A_57 = arith.muli %mul3A_56, %scan3A_54 : i32
      %add3A_58 = arith.constant 0 : i32
      %add3A_59 = arith.addi %mul3A_57, %add3A_58 : i32
      %add3A_60 = arith.constant 5 : i32
      %add3A_61 = arith.addi %add3A_59, %add3A_60 : i32
      %sub3A = arith.constant 1 : i32
      %sub3A_62 = arith.subi %add3A_61, %sub3A : i32
      %lt3A = arith.constant 50 : i32
      %lt3A_63 = arith.cmpi slt, %sub3A_62, %lt3A : i32
      %convert_element_type3A = arith.extui %lt3A_63 : i1 to i32
      %cond3A = arith.constant 0 : i32
      %cond3A_64 = arith.cmpi ne, %convert_element_type3A, %cond3A : i32
      scf.if %cond3A_64 {
        %add3A_1907 = arith.constant 5 : i32
        %add3A_1908 = arith.addi %add3A_59, %add3A_1907 : i32
        %sub3A_1909 = arith.constant 1 : i32
        %sub3A_1910 = arith.subi %add3A_1908, %sub3A_1909 : i32
        %dma_start3A_1911 = arith.constant 4 : i32
        %dma_start3A_1912 = arith.constant 0 : i32
        %dma_start3A_1913 = arith.constant 0 : i32
        %dma_start3A_1914 = tpu.memref_slice %arg6[%dma_start3A_1911, %dma_start3A_1912, %dma_start3A_1913] : memref<5x128x128xf32, #tpu.memory_space<vmem>> -> memref<1x128x128xf32, #tpu.memory_space<vmem>>
        %dma_start3A_1915 = tpu.memref_squeeze %dma_start3A_1914 : memref<1x128x128xf32, #tpu.memory_space<vmem>> -> memref<128x128xf32, #tpu.memory_space<vmem>>
        %dma_start3A_1916 = arith.constant 0 : i32
        %dma_start3A_1917 = tpu.memref_slice %arg5[%sub3A_1910, %dma_start3A_1916] : memref<50x128xi32, #tpu.memory_space<vmem>> -> memref<1x128xi32, #tpu.memory_space<vmem>>
        %dma_start3A_1918 = tpu.memref_squeeze %dma_start3A_1917 : memref<1x128xi32, #tpu.memory_space<vmem>> -> memref<128xi32, #tpu.memory_space<vmem>>
        %dma_start3A_1919 = arith.constant 0 : i32
        %dma_start3A_1920 = arith.constant 0 : i32
        %dma_start3A_1921 = tpu.memref_slice %arg3[%dma_start3A_1919, %dma_start3A_1920] : memref<100000x128xf32, #tpu.memory_space<hbm>> -> memref<100000x128xf32, #tpu.memory_space<hbm>>
        tpu.enqueue_indirect_dma source(%dma_start3A_1921 : memref<100000x128xf32, #tpu.memory_space<hbm>>) target(%dma_start3A_1915 : memref<128x128xf32, #tpu.memory_space<vmem>>) offsets(%dma_start3A_1918 : memref<128xi32, #tpu.memory_space<vmem>>) semaphore(%arg12 : memref<!tpu.dma_semaphore, #tpu.memory_space<semaphore_mem>>)
      } else {
      }
      %dma_wait3A = arith.constant 0 : i32
      %dma_wait3A_65 = arith.constant 0 : i32
      %dma_wait3A_66 = arith.constant 0 : i32
      %dma_wait3A_67 = tpu.memref_slice %arg6[%dma_wait3A, %dma_wait3A_65, %dma_wait3A_66] : memref<5x128x128xf32, #tpu.memory_space<vmem>> -> memref<1x128x128xf32, #tpu.memory_space<vmem>>
      %dma_wait3A_68 = tpu.memref_squeeze %dma_wait3A_67 : memref<1x128x128xf32, #tpu.memory_space<vmem>> -> memref<128x128xf32, #tpu.memory_space<vmem>>
      %dma_wait3A_69 = arith.constant 0 : i32
      %dma_wait3A_70 = tpu.memref_slice %arg5[%add3A_59, %dma_wait3A_69] : memref<50x128xi32, #tpu.memory_space<vmem>> -> memref<1x128xi32, #tpu.memory_space<vmem>>
      %dma_wait3A_71 = tpu.memref_squeeze %dma_wait3A_70 : memref<1x128xi32, #tpu.memory_space<vmem>> -> memref<128xi32, #tpu.memory_space<vmem>>
      %dma_wait3A_72 = arith.constant 0 : i32
      %dma_wait3A_73 = arith.constant 0 : i32
      %dma_wait3A_74 = tpu.memref_slice %arg3[%dma_wait3A_72, %dma_wait3A_73] : memref<100000x128xf32, #tpu.memory_space<hbm>> -> memref<100000x128xf32, #tpu.memory_space<hbm>>
      tpu.wait_indirect_dma semaphore(%arg8 : memref<!tpu.dma_semaphore, #tpu.memory_space<semaphore_mem>>) src(%dma_wait3A_74 : memref<100000x128xf32, #tpu.memory_space<hbm>>) dst(%dma_wait3A_68 : memref<128x128xf32, #tpu.memory_space<vmem>>)
      %get3A = arith.constant 0 : i32
      %get3A_75 = arith.constant 0 : i32
      %get3A_76 = arith.constant 0 : i32
      %get3A_77 = arith.constant 0 : i32
      %get3A_78 = tpu.memref_slice %arg6[%get3A, %get3A_76, %get3A_77] : memref<5x128x128xf32, #tpu.memory_space<vmem>> -> memref<1x128x128xf32, #tpu.memory_space<vmem>>
      %get3A_79 = tpu.memref_squeeze %get3A_78 : memref<1x128x128xf32, #tpu.memory_space<vmem>> -> memref<128x128xf32, #tpu.memory_space<vmem>>
      %get3A_80 = arith.index_cast %get3A_75 : i32 to index
      %get3A_81 = arith.constant 0 : index
      %get3A_82 = tpu.vector_load %get3A_79[%get3A_80, %get3A_81] {strides = array<i32>} : memref<128x128xf32, #tpu.memory_space<vmem>>, vector<1x16xf32>,
      %get3A_83 = vector.shape_cast %get3A_82 : vector<1x16xf32> to vector<16xf32>
      %get3A_84 = arith.constant 0 : i32
      %get3A_85 = arith.constant 0 : i32
      %get3A_86 = arith.constant 0 : i32
      %get3A_87 = arith.constant 0 : i32
      %get3A_88 = tpu.memref_slice %arg6[%get3A_84, %get3A_86, %get3A_87] : memref<5x128x128xf32, #tpu.memory_space<vmem>> -> memref<1x128x128xf32, #tpu.memory_space<vmem>>
      %get3A_89 = tpu.memref_squeeze %get3A_88 : memref<1x128x128xf32, #tpu.memory_space<vmem>> -> memref<128x128xf32, #tpu.memory_space<vmem>>
      %get3A_90 = arith.index_cast %get3A_85 : i32 to index
      %get3A_91 = arith.constant 16 : index
      %get3A_92 = tpu.vector_load %get3A_89[%get3A_90, %get3A_91] {strides = array<i32>} : memref<128x128xf32, #tpu.memory_space<vmem>>, vector<1x16xf32>,
      %get3A_93 = vector.shape_cast %get3A_92 : vector<1x16xf32> to vector<16xf32>
      %get3A_94 = arith.constant 0 : i32
      %get3A_95 = arith.constant 0 : i32
      %get3A_96 = arith.constant 0 : i32
      %get3A_97 = arith.constant 0 : i32
      %get3A_98 = tpu.memref_slice %arg6[%get3A_94, %get3A_96, %get3A_97] : memref<5x128x128xf32, #tpu.memory_space<vmem>> -> memref<1x128x128xf32, #tpu.memory_space<vmem>>
      %get3A_99 = tpu.memref_squeeze %get3A_98 : memref<1x128x128xf32, #tpu.memory_space<vmem>> -> memref<128x128xf32, #tpu.memory_space<vmem>>
      %get3A_100 = arith.index_cast %get3A_95 : i32 to index
      %get3A_101 = arith.constant 32 : index
      %get3A_102 = tpu.vector_load %get3A_99[%get3A_100, %get3A_101] {strides = array<i32>} : memref<128x128xf32, #tpu.memory_space<vmem>>, vector<1x16xf32>,
      %get3A_103 = vector.shape_cast %get3A_102 : vector<1x16xf32> to vector<16xf32>
      %get3A_104 = arith.constant 0 : i32
      %get3A_105 = arith.constant 0 : i32
      %get3A_106 = arith.constant 0 : i32
      %get3A_107 = arith.constant 0 : i32
      %get3A_108 = tpu.memref_slice %arg6[%get3A_104, %get3A_106, %get3A_107] : memref<5x128x128xf32, #tpu.memory_space<vmem>> -> memref<1x128x128xf32, #tpu.memory_space<vmem>>
      %get3A_109 = tpu.memref_squeeze %get3A_108 : memref<1x128x128xf32, #tpu.memory_space<vmem>> -> memref<128x128xf32, #tpu.memory_space<vmem>>
      %get3A_110 = arith.index_cast %get3A_105 : i32 to index
      %get3A_111 = arith.constant 48 : index
      %get3A_112 = tpu.vector_load %get3A_109[%get3A_110, %get3A_111] {strides = array<i32>} : memref<128x128xf32, #tpu.memory_space<vmem>>, vector<1x16xf32>,
      %get3A_113 = vector.shape_cast %get3A_112 : vector<1x16xf32> to vector<16xf32>
      %get3A_114 = arith.constant 0 : i32
      %get3A_115 = arith.constant 0 : i32
      %get3A_116 = arith.constant 0 : i32
      %get3A_117 = arith.constant 0 : i32
      %get3A_118 = tpu.memref_slice %arg6[%get3A_114, %get3A_116, %get3A_117] : memref<5x128x128xf32, #tpu.memory_space<vmem>> -> memref<1x128x128xf32, #tpu.memory_space<vmem>>
      %get3A_119 = tpu.memref_squeeze %get3A_118 : memref<1x128x128xf32, #tpu.memory_space<vmem>> -> memref<128x128xf32, #tpu.memory_space<vmem>>
      %get3A_120 = arith.index_cast %get3A_115 : i32 to index
      %get3A_121 = arith.constant 64 : index
      %get3A_122 = tpu.vector_load %get3A_119[%get3A_120, %get3A_121] {strides = array<i32>} : memref<128x128xf32, #tpu.memory_space<vmem>>, vector<1x16xf32>,
      %get3A_123 = vector.shape_cast %get3A_122 : vector<1x16xf32> to vector<16xf32>
      %get3A_124 = arith.constant 0 : i32
      %get3A_125 = arith.constant 0 : i32
      %get3A_126 = arith.constant 0 : i32
      %get3A_127 = arith.constant 0 : i32
      %get3A_128 = tpu.memref_slice %arg6[%get3A_124, %get3A_126, %get3A_127] : memref<5x128x128xf32, #tpu.memory_space<vmem>> -> memref<1x128x128xf32, #tpu.memory_space<vmem>>
      %get3A_129 = tpu.memref_squeeze %get3A_128 : memref<1x128x128xf32, #tpu.memory_space<vmem>> -> memref<128x128xf32, #tpu.memory_space<vmem>>
      %get3A_130 = arith.index_cast %get3A_125 : i32 to index
      %get3A_131 = arith.constant 80 : index
      %get3A_132 = tpu.vector_load %get3A_129[%get3A_130, %get3A_131] {strides = array<i32>} : memref<128x128xf32, #tpu.memory_space<vmem>>, vector<1x16xf32>,
      %get3A_133 = vector.shape_cast %get3A_132 : vector<1x16xf32> to vector<16xf32>
      %get3A_134 = arith.constant 0 : i32
      %get3A_135 = arith.constant 0 : i32
      %get3A_136 = arith.constant 0 : i32
      %get3A_137 = arith.constant 0 : i32
      %get3A_138 = tpu.memref_slice %arg6[%get3A_134, %get3A_136, %get3A_137] : memref<5x128x128xf32, #tpu.memory_space<vmem>> -> memref<1x128x128xf32, #tpu.memory_space<vmem>>
      %get3A_139 = tpu.memref_squeeze %get3A_138 : memref<1x128x128xf32, #tpu.memory_space<vmem>> -> memref<128x128xf32, #tpu.memory_space<vmem>>
      %get3A_140 = arith.index_cast %get3A_135 : i32 to index
      %get3A_141 = arith.constant 96 : index
      %get3A_142 = tpu.vector_load %get3A_139[%get3A_140, %get3A_141] {strides = array<i32>} : memref<128x128xf32, #tpu.memory_space<vmem>>, vector<1x16xf32>,
      %get3A_143 = vector.shape_cast %get3A_142 : vector<1x16xf32> to vector<16xf32>
      %get3A_144 = arith.constant 0 : i32
      %get3A_145 = arith.constant 0 : i32
      %get3A_146 = arith.constant 0 : i32
      %get3A_147 = arith.constant 0 : i32
      %get3A_148 = tpu.memref_slice %arg6[%get3A_144, %get3A_146, %get3A_147] : memref<5x128x128xf32, #tpu.memory_space<vmem>> -> memref<1x128x128xf32, #tpu.memory_space<vmem>>
      %get3A_149 = tpu.memref_squeeze %get3A_148 : memref<1x128x128xf32, #tpu.memory_space<vmem>> -> memref<128x128xf32, #tpu.memory_space<vmem>>
      %get3A_150 = arith.index_cast %get3A_145 : i32 to index
      %get3A_151 = arith.constant 112 : index
      %get3A_152 = tpu.vector_load %get3A_149[%get3A_150, %get3A_151] {strides = array<i32>} : memref<128x128xf32, #tpu.memory_space<vmem>>, vector<1x16xf32>,
      %get3A_153 = vector.shape_cast %get3A_152 : vector<1x16xf32> to vector<16xf32>
      %scan3A_154 = arith.constant 0 : i32
      %scan3A_155 = arith.constant 1 : i32
      %scan3A_156 = arith.constant 124 : i32
      %scan3A_157 = arith.addi %scan3A_155, %scan3A_156 : i32
      %scan3A_158 = arith.constant 4 : i32
      %scan3A_159:8 = scf.for %scan3A_1907 = %scan3A_155 to %scan3A_157 step %scan3A_158 iter_args(%scan3A_1908 = %get3A_83, %scan3A_1909 = %get3A_93, %scan3A_1910 = %get3A_103, %scan3A_1911 = %get3A_113, %scan3A_1912 = %get3A_123, %scan3A_1913 = %get3A_133, %scan3A_1914 = %get3A_143, %scan3A_1915 = %get3A_153) -> (vector<16xf32>, vector<16xf32>, vector<16xf32>, vector<16xf32>, vector<16xf32>, vector<16xf32>, vector<16xf32>, vector<16xf32>)  : i32 {
        %get3A_1916 = arith.constant 0 : i32
        %get3A_1917 = arith.constant 0 : i32
        %get3A_1918 = tpu.memref_slice %arg6[%scan3A_154, %get3A_1916, %get3A_1917] : memref<5x128x128xf32, #tpu.memory_space<vmem>> -> memref<1x128x128xf32, #tpu.memory_space<vmem>>
        %get3A_1919 = tpu.memref_squeeze %get3A_1918 : memref<1x128x128xf32, #tpu.memory_space<vmem>> -> memref<128x128xf32, #tpu.memory_space<vmem>>
        %get3A_1920 = arith.index_cast %scan3A_1907 : i32 to index
        %get3A_1921 = arith.constant 0 : index
        %get3A_1922 = tpu.vector_load %get3A_1919[%get3A_1920, %get3A_1921] {strides = array<i32>} : memref<128x128xf32, #tpu.memory_space<vmem>>, vector<1x16xf32>,
        %get3A_1923 = vector.shape_cast %get3A_1922 : vector<1x16xf32> to vector<16xf32>
        %add3A_1924 = arith.addf %scan3A_1908, %get3A_1923 : vector<16xf32>
        %get3A_1925 = arith.constant 0 : i32
        %get3A_1926 = arith.constant 0 : i32
        %get3A_1927 = tpu.memref_slice %arg6[%scan3A_154, %get3A_1925, %get3A_1926] : memref<5x128x128xf32, #tpu.memory_space<vmem>> -> memref<1x128x128xf32, #tpu.memory_space<vmem>>
        %get3A_1928 = tpu.memref_squeeze %get3A_1927 : memref<1x128x128xf32, #tpu.memory_space<vmem>> -> memref<128x128xf32, #tpu.memory_space<vmem>>
        %get3A_1929 = arith.index_cast %scan3A_1907 : i32 to index
        %get3A_1930 = arith.constant 16 : index
        %get3A_1931 = tpu.vector_load %get3A_1928[%get3A_1929, %get3A_1930] {strides = array<i32>} : memref<128x128xf32, #tpu.memory_space<vmem>>, vector<1x16xf32>,
        %get3A_1932 = vector.shape_cast %get3A_1931 : vector<1x16xf32> to vector<16xf32>
        %add3A_1933 = arith.addf %scan3A_1909, %get3A_1932 : vector<16xf32>
        %get3A_1934 = arith.constant 0 : i32
        %get3A_1935 = arith.constant 0 : i32
        %get3A_1936 = tpu.memref_slice %arg6[%scan3A_154, %get3A_1934, %get3A_1935] : memref<5x128x128xf32, #tpu.memory_space<vmem>> -> memref<1x128x128xf32, #tpu.memory_space<vmem>>
        %get3A_1937 = tpu.memref_squeeze %get3A_1936 : memref<1x128x128xf32, #tpu.memory_space<vmem>> -> memref<128x128xf32, #tpu.memory_space<vmem>>
        %get3A_1938 = arith.index_cast %scan3A_1907 : i32 to index
        %get3A_1939 = arith.constant 32 : index
        %get3A_1940 = tpu.vector_load %get3A_1937[%get3A_1938, %get3A_1939] {strides = array<i32>} : memref<128x128xf32, #tpu.memory_space<vmem>>, vector<1x16xf32>,
        %get3A_1941 = vector.shape_cast %get3A_1940 : vector<1x16xf32> to vector<16xf32>
        %add3A_1942 = arith.addf %scan3A_1910, %get3A_1941 : vector<16xf32>
        %get3A_1943 = arith.constant 0 : i32
        %get3A_1944 = arith.constant 0 : i32
        %get3A_1945 = tpu.memref_slice %arg6[%scan3A_154, %get3A_1943, %get3A_1944] : memref<5x128x128xf32, #tpu.memory_space<vmem>> -> memref<1x128x128xf32, #tpu.memory_space<vmem>>
        %get3A_1946 = tpu.memref_squeeze %get3A_1945 : memref<1x128x128xf32, #tpu.memory_space<vmem>> -> memref<128x128xf32, #tpu.memory_space<vmem>>
        %get3A_1947 = arith.index_cast %scan3A_1907 : i32 to index
        %get3A_1948 = arith.constant 48 : index
        %get3A_1949 = tpu.vector_load %get3A_1946[%get3A_1947, %get3A_1948] {strides = array<i32>} : memref<128x128xf32, #tpu.memory_space<vmem>>, vector<1x16xf32>,
        %get3A_1950 = vector.shape_cast %get3A_1949 : vector<1x16xf32> to vector<16xf32>
        %add3A_1951 = arith.addf %scan3A_1911, %get3A_1950 : vector<16xf32>
        %get3A_1952 = arith.constant 0 : i32
        %get3A_1953 = arith.constant 0 : i32
        %get3A_1954 = tpu.memref_slice %arg6[%scan3A_154, %get3A_1952, %get3A_1953] : memref<5x128x128xf32, #tpu.memory_space<vmem>> -> memref<1x128x128xf32, #tpu.memory_space<vmem>>
        %get3A_1955 = tpu.memref_squeeze %get3A_1954 : memref<1x128x128xf32, #tpu.memory_space<vmem>> -> memref<128x128xf32, #tpu.memory_space<vmem>>
        %get3A_1956 = arith.index_cast %scan3A_1907 : i32 to index
        %get3A_1957 = arith.constant 64 : index
        %get3A_1958 = tpu.vector_load %get3A_1955[%get3A_1956, %get3A_1957] {strides = array<i32>} : memref<128x128xf32, #tpu.memory_space<vmem>>, vector<1x16xf32>,
        %get3A_1959 = vector.shape_cast %get3A_1958 : vector<1x16xf32> to vector<16xf32>
        %add3A_1960 = arith.addf %scan3A_1912, %get3A_1959 : vector<16xf32>
        %get3A_1961 = arith.constant 0 : i32
        %get3A_1962 = arith.constant 0 : i32
        %get3A_1963 = tpu.memref_slice %arg6[%scan3A_154, %get3A_1961, %get3A_1962] : memref<5x128x128xf32, #tpu.memory_space<vmem>> -> memref<1x128x128xf32, #tpu.memory_space<vmem>>
        %get3A_1964 = tpu.memref_squeeze %get3A_1963 : memref<1x128x128xf32, #tpu.memory_space<vmem>> -> memref<128x128xf32, #tpu.memory_space<vmem>>
        %get3A_1965 = arith.index_cast %scan3A_1907 : i32 to index
        %get3A_1966 = arith.constant 80 : index
        %get3A_1967 = tpu.vector_load %get3A_1964[%get3A_1965, %get3A_1966] {strides = array<i32>} : memref<128x128xf32, #tpu.memory_space<vmem>>, vector<1x16xf32>,
        %get3A_1968 = vector.shape_cast %get3A_1967 : vector<1x16xf32> to vector<16xf32>
        %add3A_1969 = arith.addf %scan3A_1913, %get3A_1968 : vector<16xf32>
        %get3A_1970 = arith.constant 0 : i32
        %get3A_1971 = arith.constant 0 : i32
        %get3A_1972 = tpu.memref_slice %arg6[%scan3A_154, %get3A_1970, %get3A_1971] : memref<5x128x128xf32, #tpu.memory_space<vmem>> -> memref<1x128x128xf32, #tpu.memory_space<vmem>>
        %get3A_1973 = tpu.memref_squeeze %get3A_1972 : memref<1x128x128xf32, #tpu.memory_space<vmem>> -> memref<128x128xf32, #tpu.memory_space<vmem>>
        %get3A_1974 = arith.index_cast %scan3A_1907 : i32 to index
        %get3A_1975 = arith.constant 96 : index
        %get3A_1976 = tpu.vector_load %get3A_1973[%get3A_1974, %get3A_1975] {strides = array<i32>} : memref<128x128xf32, #tpu.memory_space<vmem>>, vector<1x16xf32>,
        %get3A_1977 = vector.shape_cast %get3A_1976 : vector<1x16xf32> to vector<16xf32>
        %add3A_1978 = arith.addf %scan3A_1914, %get3A_1977 : vector<16xf32>
        %get3A_1979 = arith.constant 0 : i32
        %get3A_1980 = arith.constant 0 : i32
        %get3A_1981 = tpu.memref_slice %arg6[%scan3A_154, %get3A_1979, %get3A_1980] : memref<5x128x128xf32, #tpu.memory_space<vmem>> -> memref<1x128x128xf32, #tpu.memory_space<vmem>>
        %get3A_1982 = tpu.memref_squeeze %get3A_1981 : memref<1x128x128xf32, #tpu.memory_space<vmem>> -> memref<128x128xf32, #tpu.memory_space<vmem>>
        %get3A_1983 = arith.index_cast %scan3A_1907 : i32 to index
        %get3A_1984 = arith.constant 112 : index
        %get3A_1985 = tpu.vector_load %get3A_1982[%get3A_1983, %get3A_1984] {strides = array<i32>} : memref<128x128xf32, #tpu.memory_space<vmem>>, vector<1x16xf32>,
        %get3A_1986 = vector.shape_cast %get3A_1985 : vector<1x16xf32> to vector<16xf32>
        %add3A_1987 = arith.addf %scan3A_1915, %get3A_1986 : vector<16xf32>
        %scan3A_1988 = arith.constant 1 : i32
        %scan3A_1989 = arith.addi %scan3A_1907, %scan3A_1988 : i32
        %get3A_1990 = arith.constant 0 : i32
        %get3A_1991 = arith.constant 0 : i32
        %get3A_1992 = tpu.memref_slice %arg6[%scan3A_154, %get3A_1990, %get3A_1991] : memref<5x128x128xf32, #tpu.memory_space<vmem>> -> memref<1x128x128xf32, #tpu.memory_space<vmem>>
        %get3A_1993 = tpu.memref_squeeze %get3A_1992 : memref<1x128x128xf32, #tpu.memory_space<vmem>> -> memref<128x128xf32, #tpu.memory_space<vmem>>
        %get3A_1994 = arith.index_cast %scan3A_1989 : i32 to index
        %get3A_1995 = arith.constant 0 : index
        %get3A_1996 = tpu.vector_load %get3A_1993[%get3A_1994, %get3A_1995] {strides = array<i32>} : memref<128x128xf32, #tpu.memory_space<vmem>>, vector<1x16xf32>,
        %get3A_1997 = vector.shape_cast %get3A_1996 : vector<1x16xf32> to vector<16xf32>
        %add3A_1998 = arith.addf %add3A_1924, %get3A_1997 : vector<16xf32>
        %get3A_1999 = arith.constant 0 : i32
        %get3A_2000 = arith.constant 0 : i32
        %get3A_2001 = tpu.memref_slice %arg6[%scan3A_154, %get3A_1999, %get3A_2000] : memref<5x128x128xf32, #tpu.memory_space<vmem>> -> memref<1x128x128xf32, #tpu.memory_space<vmem>>
        %get3A_2002 = tpu.memref_squeeze %get3A_2001 : memref<1x128x128xf32, #tpu.memory_space<vmem>> -> memref<128x128xf32, #tpu.memory_space<vmem>>
        %get3A_2003 = arith.index_cast %scan3A_1989 : i32 to index
        %get3A_2004 = arith.constant 16 : index
        %get3A_2005 = tpu.vector_load %get3A_2002[%get3A_2003, %get3A_2004] {strides = array<i32>} : memref<128x128xf32, #tpu.memory_space<vmem>>, vector<1x16xf32>,
        %get3A_2006 = vector.shape_cast %get3A_2005 : vector<1x16xf32> to vector<16xf32>
        %add3A_2007 = arith.addf %add3A_1933, %get3A_2006 : vector<16xf32>
        %get3A_2008 = arith.constant 0 : i32
        %get3A_2009 = arith.constant 0 : i32
        %get3A_2010 = tpu.memref_slice %arg6[%scan3A_154, %get3A_2008, %get3A_2009] : memref<5x128x128xf32, #tpu.memory_space<vmem>> -> memref<1x128x128xf32, #tpu.memory_space<vmem>>
        %get3A_2011 = tpu.memref_squeeze %get3A_2010 : memref<1x128x128xf32, #tpu.memory_space<vmem>> -> memref<128x128xf32, #tpu.memory_space<vmem>>
        %get3A_2012 = arith.index_cast %scan3A_1989 : i32 to index
        %get3A_2013 = arith.constant 32 : index
        %get3A_2014 = tpu.vector_load %get3A_2011[%get3A_2012, %get3A_2013] {strides = array<i32>} : memref<128x128xf32, #tpu.memory_space<vmem>>, vector<1x16xf32>,
        %get3A_2015 = vector.shape_cast %get3A_2014 : vector<1x16xf32> to vector<16xf32>
        %add3A_2016 = arith.addf %add3A_1942, %get3A_2015 : vector<16xf32>
        %get3A_2017 = arith.constant 0 : i32
        %get3A_2018 = arith.constant 0 : i32
        %get3A_2019 = tpu.memref_slice %arg6[%scan3A_154, %get3A_2017, %get3A_2018] : memref<5x128x128xf32, #tpu.memory_space<vmem>> -> memref<1x128x128xf32, #tpu.memory_space<vmem>>
        %get3A_2020 = tpu.memref_squeeze %get3A_2019 : memref<1x128x128xf32, #tpu.memory_space<vmem>> -> memref<128x128xf32, #tpu.memory_space<vmem>>
        %get3A_2021 = arith.index_cast %scan3A_1989 : i32 to index
        %get3A_2022 = arith.constant 48 : index
        %get3A_2023 = tpu.vector_load %get3A_2020[%get3A_2021, %get3A_2022] {strides = array<i32>} : memref<128x128xf32, #tpu.memory_space<vmem>>, vector<1x16xf32>,
        %get3A_2024 = vector.shape_cast %get3A_2023 : vector<1x16xf32> to vector<16xf32>
        %add3A_2025 = arith.addf %add3A_1951, %get3A_2024 : vector<16xf32>
        %get3A_2026 = arith.constant 0 : i32
        %get3A_2027 = arith.constant 0 : i32
        %get3A_2028 = tpu.memref_slice %arg6[%scan3A_154, %get3A_2026, %get3A_2027] : memref<5x128x128xf32, #tpu.memory_space<vmem>> -> memref<1x128x128xf32, #tpu.memory_space<vmem>>
        %get3A_2029 = tpu.memref_squeeze %get3A_2028 : memref<1x128x128xf32, #tpu.memory_space<vmem>> -> memref<128x128xf32, #tpu.memory_space<vmem>>
        %get3A_2030 = arith.index_cast %scan3A_1989 : i32 to index
        %get3A_2031 = arith.constant 64 : index
        %get3A_2032 = tpu.vector_load %get3A_2029[%get3A_2030, %get3A_2031] {strides = array<i32>} : memref<128x128xf32, #tpu.memory_space<vmem>>, vector<1x16xf32>,
        %get3A_2033 = vector.shape_cast %get3A_2032 : vector<1x16xf32> to vector<16xf32>
        %add3A_2034 = arith.addf %add3A_1960, %get3A_2033 : vector<16xf32>
        %get3A_2035 = arith.constant 0 : i32
        %get3A_2036 = arith.constant 0 : i32
        %get3A_2037 = tpu.memref_slice %arg6[%scan3A_154, %get3A_2035, %get3A_2036] : memref<5x128x128xf32, #tpu.memory_space<vmem>> -> memref<1x128x128xf32, #tpu.memory_space<vmem>>
        %get3A_2038 = tpu.memref_squeeze %get3A_2037 : memref<1x128x128xf32, #tpu.memory_space<vmem>> -> memref<128x128xf32, #tpu.memory_space<vmem>>
        %get3A_2039 = arith.index_cast %scan3A_1989 : i32 to index
        %get3A_2040 = arith.constant 80 : index
        %get3A_2041 = tpu.vector_load %get3A_2038[%get3A_2039, %get3A_2040] {strides = array<i32>} : memref<128x128xf32, #tpu.memory_space<vmem>>, vector<1x16xf32>,
        %get3A_2042 = vector.shape_cast %get3A_2041 : vector<1x16xf32> to vector<16xf32>
        %add3A_2043 = arith.addf %add3A_1969, %get3A_2042 : vector<16xf32>
        %get3A_2044 = arith.constant 0 : i32
        %get3A_2045 = arith.constant 0 : i32
        %get3A_2046 = tpu.memref_slice %arg6[%scan3A_154, %get3A_2044, %get3A_2045] : memref<5x128x128xf32, #tpu.memory_space<vmem>> -> memref<1x128x128xf32, #tpu.memory_space<vmem>>
        %get3A_2047 = tpu.memref_squeeze %get3A_2046 : memref<1x128x128xf32, #tpu.memory_space<vmem>> -> memref<128x128xf32, #tpu.memory_space<vmem>>
        %get3A_2048 = arith.index_cast %scan3A_1989 : i32 to index
        %get3A_2049 = arith.constant 96 : index
        %get3A_2050 = tpu.vector_load %get3A_2047[%get3A_2048, %get3A_2049] {strides = array<i32>} : memref<128x128xf32, #tpu.memory_space<vmem>>, vector<1x16xf32>,
        %get3A_2051 = vector.shape_cast %get3A_2050 : vector<1x16xf32> to vector<16xf32>
        %add3A_2052 = arith.addf %add3A_1978, %get3A_2051 : vector<16xf32>
        %get3A_2053 = arith.constant 0 : i32
        %get3A_2054 = arith.constant 0 : i32
        %get3A_2055 = tpu.memref_slice %arg6[%scan3A_154, %get3A_2053, %get3A_2054] : memref<5x128x128xf32, #tpu.memory_space<vmem>> -> memref<1x128x128xf32, #tpu.memory_space<vmem>>
        %get3A_2056 = tpu.memref_squeeze %get3A_2055 : memref<1x128x128xf32, #tpu.memory_space<vmem>> -> memref<128x128xf32, #tpu.memory_space<vmem>>
        %get3A_2057 = arith.index_cast %scan3A_1989 : i32 to index
        %get3A_2058 = arith.constant 112 : index
        %get3A_2059 = tpu.vector_load %get3A_2056[%get3A_2057, %get3A_2058] {strides = array<i32>} : memref<128x128xf32, #tpu.memory_space<vmem>>, vector<1x16xf32>,
        %get3A_2060 = vector.shape_cast %get3A_2059 : vector<1x16xf32> to vector<16xf32>
        %add3A_2061 = arith.addf %add3A_1987, %get3A_2060 : vector<16xf32>
        %scan3A_2062 = arith.constant 2 : i32
        %scan3A_2063 = arith.addi %scan3A_1907, %scan3A_2062 : i32
        %get3A_2064 = arith.constant 0 : i32
        %get3A_2065 = arith.constant 0 : i32
        %get3A_2066 = tpu.memref_slice %arg6[%scan3A_154, %get3A_2064, %get3A_2065] : memref<5x128x128xf32, #tpu.memory_space<vmem>> -> memref<1x128x128xf32, #tpu.memory_space<vmem>>
        %get3A_2067 = tpu.memref_squeeze %get3A_2066 : memref<1x128x128xf32, #tpu.memory_space<vmem>> -> memref<128x128xf32, #tpu.memory_space<vmem>>
        %get3A_2068 = arith.index_cast %scan3A_2063 : i32 to index
        %get3A_2069 = arith.constant 0 : index
        %get3A_2070 = tpu.vector_load %get3A_2067[%get3A_2068, %get3A_2069] {strides = array<i32>} : memref<128x128xf32, #tpu.memory_space<vmem>>, vector<1x16xf32>,
        %get3A_2071 = vector.shape_cast %get3A_2070 : vector<1x16xf32> to vector<16xf32>
        %add3A_2072 = arith.addf %add3A_1998, %get3A_2071 : vector<16xf32>
        %get3A_2073 = arith.constant 0 : i32
        %get3A_2074 = arith.constant 0 : i32
        %get3A_2075 = tpu.memref_slice %arg6[%scan3A_154, %get3A_2073, %get3A_2074] : memref<5x128x128xf32, #tpu.memory_space<vmem>> -> memref<1x128x128xf32, #tpu.memory_space<vmem>>
        %get3A_2076 = tpu.memref_squeeze %get3A_2075 : memref<1x128x128xf32, #tpu.memory_space<vmem>> -> memref<128x128xf32, #tpu.memory_space<vmem>>
        %get3A_2077 = arith.index_cast %scan3A_2063 : i32 to index
        %get3A_2078 = arith.constant 16 : index
        %get3A_2079 = tpu.vector_load %get3A_2076[%get3A_2077, %get3A_2078] {strides = array<i32>} : memref<128x128xf32, #tpu.memory_space<vmem>>, vector<1x16xf32>,
        %get3A_2080 = vector.shape_cast %get3A_2079 : vector<1x16xf32> to vector<16xf32>
        %add3A_2081 = arith.addf %add3A_2007, %get3A_2080 : vector<16xf32>
        %get3A_2082 = arith.constant 0 : i32
        %get3A_2083 = arith.constant 0 : i32
        %get3A_2084 = tpu.memref_slice %arg6[%scan3A_154, %get3A_2082, %get3A_2083] : memref<5x128x128xf32, #tpu.memory_space<vmem>> -> memref<1x128x128xf32, #tpu.memory_space<vmem>>
        %get3A_2085 = tpu.memref_squeeze %get3A_2084 : memref<1x128x128xf32, #tpu.memory_space<vmem>> -> memref<128x128xf32, #tpu.memory_space<vmem>>
        %get3A_2086 = arith.index_cast %scan3A_2063 : i32 to index
        %get3A_2087 = arith.constant 32 : index
        %get3A_2088 = tpu.vector_load %get3A_2085[%get3A_2086, %get3A_2087] {strides = array<i32>} : memref<128x128xf32, #tpu.memory_space<vmem>>, vector<1x16xf32>,
        %get3A_2089 = vector.shape_cast %get3A_2088 : vector<1x16xf32> to vector<16xf32>
        %add3A_2090 = arith.addf %add3A_2016, %get3A_2089 : vector<16xf32>
        %get3A_2091 = arith.constant 0 : i32
        %get3A_2092 = arith.constant 0 : i32
        %get3A_2093 = tpu.memref_slice %arg6[%scan3A_154, %get3A_2091, %get3A_2092] : memref<5x128x128xf32, #tpu.memory_space<vmem>> -> memref<1x128x128xf32, #tpu.memory_space<vmem>>
        %get3A_2094 = tpu.memref_squeeze %get3A_2093 : memref<1x128x128xf32, #tpu.memory_space<vmem>> -> memref<128x128xf32, #tpu.memory_space<vmem>>
        %get3A_2095 = arith.index_cast %scan3A_2063 : i32 to index
        %get3A_2096 = arith.constant 48 : index
        %get3A_2097 = tpu.vector_load %get3A_2094[%get3A_2095, %get3A_2096] {strides = array<i32>} : memref<128x128xf32, #tpu.memory_space<vmem>>, vector<1x16xf32>,
        %get3A_2098 = vector.shape_cast %get3A_2097 : vector<1x16xf32> to vector<16xf32>
        %add3A_2099 = arith.addf %add3A_2025, %get3A_2098 : vector<16xf32>
        %get3A_2100 = arith.constant 0 : i32
        %get3A_2101 = arith.constant 0 : i32
        %get3A_2102 = tpu.memref_slice %arg6[%scan3A_154, %get3A_2100, %get3A_2101] : memref<5x128x128xf32, #tpu.memory_space<vmem>> -> memref<1x128x128xf32, #tpu.memory_space<vmem>>
        %get3A_2103 = tpu.memref_squeeze %get3A_2102 : memref<1x128x128xf32, #tpu.memory_space<vmem>> -> memref<128x128xf32, #tpu.memory_space<vmem>>
        %get3A_2104 = arith.index_cast %scan3A_2063 : i32 to index
        %get3A_2105 = arith.constant 64 : index
        %get3A_2106 = tpu.vector_load %get3A_2103[%get3A_2104, %get3A_2105] {strides = array<i32>} : memref<128x128xf32, #tpu.memory_space<vmem>>, vector<1x16xf32>,
        %get3A_2107 = vector.shape_cast %get3A_2106 : vector<1x16xf32> to vector<16xf32>
        %add3A_2108 = arith.addf %add3A_2034, %get3A_2107 : vector<16xf32>
        %get3A_2109 = arith.constant 0 : i32
        %get3A_2110 = arith.constant 0 : i32
        %get3A_2111 = tpu.memref_slice %arg6[%scan3A_154, %get3A_2109, %get3A_2110] : memref<5x128x128xf32, #tpu.memory_space<vmem>> -> memref<1x128x128xf32, #tpu.memory_space<vmem>>
        %get3A_2112 = tpu.memref_squeeze %get3A_2111 : memref<1x128x128xf32, #tpu.memory_space<vmem>> -> memref<128x128xf32, #tpu.memory_space<vmem>>
        %get3A_2113 = arith.index_cast %scan3A_2063 : i32 to index
        %get3A_2114 = arith.constant 80 : index
        %get3A_2115 = tpu.vector_load %get3A_2112[%get3A_2113, %get3A_2114] {strides = array<i32>} : memref<128x128xf32, #tpu.memory_space<vmem>>, vector<1x16xf32>,
        %get3A_2116 = vector.shape_cast %get3A_2115 : vector<1x16xf32> to vector<16xf32>
        %add3A_2117 = arith.addf %add3A_2043, %get3A_2116 : vector<16xf32>
        %get3A_2118 = arith.constant 0 : i32
        %get3A_2119 = arith.constant 0 : i32
        %get3A_2120 = tpu.memref_slice %arg6[%scan3A_154, %get3A_2118, %get3A_2119] : memref<5x128x128xf32, #tpu.memory_space<vmem>> -> memref<1x128x128xf32, #tpu.memory_space<vmem>>
        %get3A_2121 = tpu.memref_squeeze %get3A_2120 : memref<1x128x128xf32, #tpu.memory_space<vmem>> -> memref<128x128xf32, #tpu.memory_space<vmem>>
        %get3A_2122 = arith.index_cast %scan3A_2063 : i32 to index
        %get3A_2123 = arith.constant 96 : index
        %get3A_2124 = tpu.vector_load %get3A_2121[%get3A_2122, %get3A_2123] {strides = array<i32>} : memref<128x128xf32, #tpu.memory_space<vmem>>, vector<1x16xf32>,
        %get3A_2125 = vector.shape_cast %get3A_2124 : vector<1x16xf32> to vector<16xf32>
        %add3A_2126 = arith.addf %add3A_2052, %get3A_2125 : vector<16xf32>
        %get3A_2127 = arith.constant 0 : i32
        %get3A_2128 = arith.constant 0 : i32
        %get3A_2129 = tpu.memref_slice %arg6[%scan3A_154, %get3A_2127, %get3A_2128] : memref<5x128x128xf32, #tpu.memory_space<vmem>> -> memref<1x128x128xf32, #tpu.memory_space<vmem>>
        %get3A_2130 = tpu.memref_squeeze %get3A_2129 : memref<1x128x128xf32, #tpu.memory_space<vmem>> -> memref<128x128xf32, #tpu.memory_space<vmem>>
        %get3A_2131 = arith.index_cast %scan3A_2063 : i32 to index
        %get3A_2132 = arith.constant 112 : index
        %get3A_2133 = tpu.vector_load %get3A_2130[%get3A_2131, %get3A_2132] {strides = array<i32>} : memref<128x128xf32, #tpu.memory_space<vmem>>, vector<1x16xf32>,
        %get3A_2134 = vector.shape_cast %get3A_2133 : vector<1x16xf32> to vector<16xf32>
        %add3A_2135 = arith.addf %add3A_2061, %get3A_2134 : vector<16xf32>
        %scan3A_2136 = arith.constant 3 : i32
        %scan3A_2137 = arith.addi %scan3A_1907, %scan3A_2136 : i32
        %get3A_2138 = arith.constant 0 : i32
        %get3A_2139 = arith.constant 0 : i32
        %get3A_2140 = tpu.memref_slice %arg6[%scan3A_154, %get3A_2138, %get3A_2139] : memref<5x128x128xf32, #tpu.memory_space<vmem>> -> memref<1x128x128xf32, #tpu.memory_space<vmem>>
        %get3A_2141 = tpu.memref_squeeze %get3A_2140 : memref<1x128x128xf32, #tpu.memory_space<vmem>> -> memref<128x128xf32, #tpu.memory_space<vmem>>
        %get3A_2142 = arith.index_cast %scan3A_2137 : i32 to index
        %get3A_2143 = arith.constant 0 : index
        %get3A_2144 = tpu.vector_load %get3A_2141[%get3A_2142, %get3A_2143] {strides = array<i32>} : memref<128x128xf32, #tpu.memory_space<vmem>>, vector<1x16xf32>,
        %get3A_2145 = vector.shape_cast %get3A_2144 : vector<1x16xf32> to vector<16xf32>
        %add3A_2146 = arith.addf %add3A_2072, %get3A_2145 : vector<16xf32>
        %get3A_2147 = arith.constant 0 : i32
        %get3A_2148 = arith.constant 0 : i32
        %get3A_2149 = tpu.memref_slice %arg6[%scan3A_154, %get3A_2147, %get3A_2148] : memref<5x128x128xf32, #tpu.memory_space<vmem>> -> memref<1x128x128xf32, #tpu.memory_space<vmem>>
        %get3A_2150 = tpu.memref_squeeze %get3A_2149 : memref<1x128x128xf32, #tpu.memory_space<vmem>> -> memref<128x128xf32, #tpu.memory_space<vmem>>
        %get3A_2151 = arith.index_cast %scan3A_2137 : i32 to index
        %get3A_2152 = arith.constant 16 : index
        %get3A_2153 = tpu.vector_load %get3A_2150[%get3A_2151, %get3A_2152] {strides = array<i32>} : memref<128x128xf32, #tpu.memory_space<vmem>>, vector<1x16xf32>,
        %get3A_2154 = vector.shape_cast %get3A_2153 : vector<1x16xf32> to vector<16xf32>
        %add3A_2155 = arith.addf %add3A_2081, %get3A_2154 : vector<16xf32>
        %get3A_2156 = arith.constant 0 : i32
        %get3A_2157 = arith.constant 0 : i32
        %get3A_2158 = tpu.memref_slice %arg6[%scan3A_154, %get3A_2156, %get3A_2157] : memref<5x128x128xf32, #tpu.memory_space<vmem>> -> memref<1x128x128xf32, #tpu.memory_space<vmem>>
        %get3A_2159 = tpu.memref_squeeze %get3A_2158 : memref<1x128x128xf32, #tpu.memory_space<vmem>> -> memref<128x128xf32, #tpu.memory_space<vmem>>
        %get3A_2160 = arith.index_cast %scan3A_2137 : i32 to index
        %get3A_2161 = arith.constant 32 : index
        %get3A_2162 = tpu.vector_load %get3A_2159[%get3A_2160, %get3A_2161] {strides = array<i32>} : memref<128x128xf32, #tpu.memory_space<vmem>>, vector<1x16xf32>,
        %get3A_2163 = vector.shape_cast %get3A_2162 : vector<1x16xf32> to vector<16xf32>
        %add3A_2164 = arith.addf %add3A_2090, %get3A_2163 : vector<16xf32>
        %get3A_2165 = arith.constant 0 : i32
        %get3A_2166 = arith.constant 0 : i32
        %get3A_2167 = tpu.memref_slice %arg6[%scan3A_154, %get3A_2165, %get3A_2166] : memref<5x128x128xf32, #tpu.memory_space<vmem>> -> memref<1x128x128xf32, #tpu.memory_space<vmem>>
        %get3A_2168 = tpu.memref_squeeze %get3A_2167 : memref<1x128x128xf32, #tpu.memory_space<vmem>> -> memref<128x128xf32, #tpu.memory_space<vmem>>
        %get3A_2169 = arith.index_cast %scan3A_2137 : i32 to index
        %get3A_2170 = arith.constant 48 : index
        %get3A_2171 = tpu.vector_load %get3A_2168[%get3A_2169, %get3A_2170] {strides = array<i32>} : memref<128x128xf32, #tpu.memory_space<vmem>>, vector<1x16xf32>,
        %get3A_2172 = vector.shape_cast %get3A_2171 : vector<1x16xf32> to vector<16xf32>
        %add3A_2173 = arith.addf %add3A_2099, %get3A_2172 : vector<16xf32>
        %get3A_2174 = arith.constant 0 : i32
        %get3A_2175 = arith.constant 0 : i32
        %get3A_2176 = tpu.memref_slice %arg6[%scan3A_154, %get3A_2174, %get3A_2175] : memref<5x128x128xf32, #tpu.memory_space<vmem>> -> memref<1x128x128xf32, #tpu.memory_space<vmem>>
        %get3A_2177 = tpu.memref_squeeze %get3A_2176 : memref<1x128x128xf32, #tpu.memory_space<vmem>> -> memref<128x128xf32, #tpu.memory_space<vmem>>
        %get3A_2178 = arith.index_cast %scan3A_2137 : i32 to index
        %get3A_2179 = arith.constant 64 : index
        %get3A_2180 = tpu.vector_load %get3A_2177[%get3A_2178, %get3A_2179] {strides = array<i32>} : memref<128x128xf32, #tpu.memory_space<vmem>>, vector<1x16xf32>,
        %get3A_2181 = vector.shape_cast %get3A_2180 : vector<1x16xf32> to vector<16xf32>
        %add3A_2182 = arith.addf %add3A_2108, %get3A_2181 : vector<16xf32>
        %get3A_2183 = arith.constant 0 : i32
        %get3A_2184 = arith.constant 0 : i32
        %get3A_2185 = tpu.memref_slice %arg6[%scan3A_154, %get3A_2183, %get3A_2184] : memref<5x128x128xf32, #tpu.memory_space<vmem>> -> memref<1x128x128xf32, #tpu.memory_space<vmem>>
        %get3A_2186 = tpu.memref_squeeze %get3A_2185 : memref<1x128x128xf32, #tpu.memory_space<vmem>> -> memref<128x128xf32, #tpu.memory_space<vmem>>
        %get3A_2187 = arith.index_cast %scan3A_2137 : i32 to index
        %get3A_2188 = arith.constant 80 : index
        %get3A_2189 = tpu.vector_load %get3A_2186[%get3A_2187, %get3A_2188] {strides = array<i32>} : memref<128x128xf32, #tpu.memory_space<vmem>>, vector<1x16xf32>,
        %get3A_2190 = vector.shape_cast %get3A_2189 : vector<1x16xf32> to vector<16xf32>
        %add3A_2191 = arith.addf %add3A_2117, %get3A_2190 : vector<16xf32>
        %get3A_2192 = arith.constant 0 : i32
        %get3A_2193 = arith.constant 0 : i32
        %get3A_2194 = tpu.memref_slice %arg6[%scan3A_154, %get3A_2192, %get3A_2193] : memref<5x128x128xf32, #tpu.memory_space<vmem>> -> memref<1x128x128xf32, #tpu.memory_space<vmem>>
        %get3A_2195 = tpu.memref_squeeze %get3A_2194 : memref<1x128x128xf32, #tpu.memory_space<vmem>> -> memref<128x128xf32, #tpu.memory_space<vmem>>
        %get3A_2196 = arith.index_cast %scan3A_2137 : i32 to index
        %get3A_2197 = arith.constant 96 : index
        %get3A_2198 = tpu.vector_load %get3A_2195[%get3A_2196, %get3A_2197] {strides = array<i32>} : memref<128x128xf32, #tpu.memory_space<vmem>>, vector<1x16xf32>,
        %get3A_2199 = vector.shape_cast %get3A_2198 : vector<1x16xf32> to vector<16xf32>
        %add3A_2200 = arith.addf %add3A_2126, %get3A_2199 : vector<16xf32>
        %get3A_2201 = arith.constant 0 : i32
        %get3A_2202 = arith.constant 0 : i32
        %get3A_2203 = tpu.memref_slice %arg6[%scan3A_154, %get3A_2201, %get3A_2202] : memref<5x128x128xf32, #tpu.memory_space<vmem>> -> memref<1x128x128xf32, #tpu.memory_space<vmem>>
        %get3A_2204 = tpu.memref_squeeze %get3A_2203 : memref<1x128x128xf32, #tpu.memory_space<vmem>> -> memref<128x128xf32, #tpu.memory_space<vmem>>
        %get3A_2205 = arith.index_cast %scan3A_2137 : i32 to index
        %get3A_2206 = arith.constant 112 : index
        %get3A_2207 = tpu.vector_load %get3A_2204[%get3A_2205, %get3A_2206] {strides = array<i32>} : memref<128x128xf32, #tpu.memory_space<vmem>>, vector<1x16xf32>,
        %get3A_2208 = vector.shape_cast %get3A_2207 : vector<1x16xf32> to vector<16xf32>
        %add3A_2209 = arith.addf %add3A_2135, %get3A_2208 : vector<16xf32>
        scf.yield %add3A_2146, %add3A_2155, %add3A_2164, %add3A_2173, %add3A_2182, %add3A_2191, %add3A_2200, %add3A_2209 : vector<16xf32>, vector<16xf32>, vector<16xf32>, vector<16xf32>, vector<16xf32>, vector<16xf32>, vector<16xf32>, vector<16xf32>
      }
      %scan3A_160 = arith.constant 124 : i32
      %scan3A_161 = arith.addi %scan3A_155, %scan3A_160 : i32
      %get3A_162 = arith.constant 0 : i32
      %get3A_163 = arith.constant 0 : i32
      %get3A_164 = tpu.memref_slice %arg6[%scan3A_154, %get3A_162, %get3A_163] : memref<5x128x128xf32, #tpu.memory_space<vmem>> -> memref<1x128x128xf32, #tpu.memory_space<vmem>>
      %get3A_165 = tpu.memref_squeeze %get3A_164 : memref<1x128x128xf32, #tpu.memory_space<vmem>> -> memref<128x128xf32, #tpu.memory_space<vmem>>
      %get3A_166 = arith.index_cast %scan3A_161 : i32 to index
      %get3A_167 = arith.constant 0 : index
      %get3A_168 = tpu.vector_load %get3A_165[%get3A_166, %get3A_167] {strides = array<i32>} : memref<128x128xf32, #tpu.memory_space<vmem>>, vector<1x16xf32>,
      %get3A_169 = vector.shape_cast %get3A_168 : vector<1x16xf32> to vector<16xf32>
      %add3A_170 = arith.addf %scan3A_159#0, %get3A_169 : vector<16xf32>
      %get3A_171 = arith.constant 0 : i32
      %get3A_172 = arith.constant 0 : i32
      %get3A_173 = tpu.memref_slice %arg6[%scan3A_154, %get3A_171, %get3A_172] : memref<5x128x128xf32, #tpu.memory_space<vmem>> -> memref<1x128x128xf32, #tpu.memory_space<vmem>>
      %get3A_174 = tpu.memref_squeeze %get3A_173 : memref<1x128x128xf32, #tpu.memory_space<vmem>> -> memref<128x128xf32, #tpu.memory_space<vmem>>
      %get3A_175 = arith.index_cast %scan3A_161 : i32 to index
      %get3A_176 = arith.constant 16 : index
      %get3A_177 = tpu.vector_load %get3A_174[%get3A_175, %get3A_176] {strides = array<i32>} : memref<128x128xf32, #tpu.memory_space<vmem>>, vector<1x16xf32>,
      %get3A_178 = vector.shape_cast %get3A_177 : vector<1x16xf32> to vector<16xf32>
      %add3A_179 = arith.addf %scan3A_159#1, %get3A_178 : vector<16xf32>
      %get3A_180 = arith.constant 0 : i32
      %get3A_181 = arith.constant 0 : i32
      %get3A_182 = tpu.memref_slice %arg6[%scan3A_154, %get3A_180, %get3A_181] : memref<5x128x128xf32, #tpu.memory_space<vmem>> -> memref<1x128x128xf32, #tpu.memory_space<vmem>>
      %get3A_183 = tpu.memref_squeeze %get3A_182 : memref<1x128x128xf32, #tpu.memory_space<vmem>> -> memref<128x128xf32, #tpu.memory_space<vmem>>
      %get3A_184 = arith.index_cast %scan3A_161 : i32 to index
      %get3A_185 = arith.constant 32 : index
      %get3A_186 = tpu.vector_load %get3A_183[%get3A_184, %get3A_185] {strides = array<i32>} : memref<128x128xf32, #tpu.memory_space<vmem>>, vector<1x16xf32>,
      %get3A_187 = vector.shape_cast %get3A_186 : vector<1x16xf32> to vector<16xf32>
      %add3A_188 = arith.addf %scan3A_159#2, %get3A_187 : vector<16xf32>
      %get3A_189 = arith.constant 0 : i32
      %get3A_190 = arith.constant 0 : i32
      %get3A_191 = tpu.memref_slice %arg6[%scan3A_154, %get3A_189, %get3A_190] : memref<5x128x128xf32, #tpu.memory_space<vmem>> -> memref<1x128x128xf32, #tpu.memory_space<vmem>>
      %get3A_192 = tpu.memref_squeeze %get3A_191 : memref<1x128x128xf32, #tpu.memory_space<vmem>> -> memref<128x128xf32, #tpu.memory_space<vmem>>
      %get3A_193 = arith.index_cast %scan3A_161 : i32 to index
      %get3A_194 = arith.constant 48 : index
      %get3A_195 = tpu.vector_load %get3A_192[%get3A_193, %get3A_194] {strides = array<i32>} : memref<128x128xf32, #tpu.memory_space<vmem>>, vector<1x16xf32>,
      %get3A_196 = vector.shape_cast %get3A_195 : vector<1x16xf32> to vector<16xf32>
      %add3A_197 = arith.addf %scan3A_159#3, %get3A_196 : vector<16xf32>
      %get3A_198 = arith.constant 0 : i32
      %get3A_199 = arith.constant 0 : i32
      %get3A_200 = tpu.memref_slice %arg6[%scan3A_154, %get3A_198, %get3A_199] : memref<5x128x128xf32, #tpu.memory_space<vmem>> -> memref<1x128x128xf32, #tpu.memory_space<vmem>>
      %get3A_201 = tpu.memref_squeeze %get3A_200 : memref<1x128x128xf32, #tpu.memory_space<vmem>> -> memref<128x128xf32, #tpu.memory_space<vmem>>
      %get3A_202 = arith.index_cast %scan3A_161 : i32 to index
      %get3A_203 = arith.constant 64 : index
      %get3A_204 = tpu.vector_load %get3A_201[%get3A_202, %get3A_203] {strides = array<i32>} : memref<128x128xf32, #tpu.memory_space<vmem>>, vector<1x16xf32>,
      %get3A_205 = vector.shape_cast %get3A_204 : vector<1x16xf32> to vector<16xf32>
      %add3A_206 = arith.addf %scan3A_159#4, %get3A_205 : vector<16xf32>
      %get3A_207 = arith.constant 0 : i32
      %get3A_208 = arith.constant 0 : i32
      %get3A_209 = tpu.memref_slice %arg6[%scan3A_154, %get3A_207, %get3A_208] : memref<5x128x128xf32, #tpu.memory_space<vmem>> -> memref<1x128x128xf32, #tpu.memory_space<vmem>>
      %get3A_210 = tpu.memref_squeeze %get3A_209 : memref<1x128x128xf32, #tpu.memory_space<vmem>> -> memref<128x128xf32, #tpu.memory_space<vmem>>
      %get3A_211 = arith.index_cast %scan3A_161 : i32 to index
      %get3A_212 = arith.constant 80 : index
      %get3A_213 = tpu.vector_load %get3A_210[%get3A_211, %get3A_212] {strides = array<i32>} : memref<128x128xf32, #tpu.memory_space<vmem>>, vector<1x16xf32>,
      %get3A_214 = vector.shape_cast %get3A_213 : vector<1x16xf32> to vector<16xf32>
      %add3A_215 = arith.addf %scan3A_159#5, %get3A_214 : vector<16xf32>
      %get3A_216 = arith.constant 0 : i32
      %get3A_217 = arith.constant 0 : i32
      %get3A_218 = tpu.memref_slice %arg6[%scan3A_154, %get3A_216, %get3A_217] : memref<5x128x128xf32, #tpu.memory_space<vmem>> -> memref<1x128x128xf32, #tpu.memory_space<vmem>>
      %get3A_219 = tpu.memref_squeeze %get3A_218 : memref<1x128x128xf32, #tpu.memory_space<vmem>> -> memref<128x128xf32, #tpu.memory_space<vmem>>
      %get3A_220 = arith.index_cast %scan3A_161 : i32 to index
      %get3A_221 = arith.constant 96 : index
      %get3A_222 = tpu.vector_load %get3A_219[%get3A_220, %get3A_221] {strides = array<i32>} : memref<128x128xf32, #tpu.memory_space<vmem>>, vector<1x16xf32>,
      %get3A_223 = vector.shape_cast %get3A_222 : vector<1x16xf32> to vector<16xf32>
      %add3A_224 = arith.addf %scan3A_159#6, %get3A_223 : vector<16xf32>
      %get3A_225 = arith.constant 0 : i32
      %get3A_226 = arith.constant 0 : i32
      %get3A_227 = tpu.memref_slice %arg6[%scan3A_154, %get3A_225, %get3A_226] : memref<5x128x128xf32, #tpu.memory_space<vmem>> -> memref<1x128x128xf32, #tpu.memory_space<vmem>>
      %get3A_228 = tpu.memref_squeeze %get3A_227 : memref<1x128x128xf32, #tpu.memory_space<vmem>> -> memref<128x128xf32, #tpu.memory_space<vmem>>
      %get3A_229 = arith.index_cast %scan3A_161 : i32 to index
      %get3A_230 = arith.constant 112 : index
      %get3A_231 = tpu.vector_load %get3A_228[%get3A_229, %get3A_230] {strides = array<i32>} : memref<128x128xf32, #tpu.memory_space<vmem>>, vector<1x16xf32>,
      %get3A_232 = vector.shape_cast %get3A_231 : vector<1x16xf32> to vector<16xf32>
      %add3A_233 = arith.addf %scan3A_159#7, %get3A_232 : vector<16xf32>
      %scan3A_234 = arith.constant 125 : i32
      %scan3A_235 = arith.addi %scan3A_155, %scan3A_234 : i32
      %get3A_236 = arith.constant 0 : i32
      %get3A_237 = arith.constant 0 : i32
      %get3A_238 = tpu.memref_slice %arg6[%scan3A_154, %get3A_236, %get3A_237] : memref<5x128x128xf32, #tpu.memory_space<vmem>> -> memref<1x128x128xf32, #tpu.memory_space<vmem>>
      %get3A_239 = tpu.memref_squeeze %get3A_238 : memref<1x128x128xf32, #tpu.memory_space<vmem>> -> memref<128x128xf32, #tpu.memory_space<vmem>>
      %get3A_240 = arith.index_cast %scan3A_235 : i32 to index
      %get3A_241 = arith.constant 0 : index
      %get3A_242 = tpu.vector_load %get3A_239[%get3A_240, %get3A_241] {strides = array<i32>} : memref<128x128xf32, #tpu.memory_space<vmem>>, vector<1x16xf32>,
      %get3A_243 = vector.shape_cast %get3A_242 : vector<1x16xf32> to vector<16xf32>
      %add3A_244 = arith.addf %add3A_170, %get3A_243 : vector<16xf32>
      %get3A_245 = arith.constant 0 : i32
      %get3A_246 = arith.constant 0 : i32
      %get3A_247 = tpu.memref_slice %arg6[%scan3A_154, %get3A_245, %get3A_246] : memref<5x128x128xf32, #tpu.memory_space<vmem>> -> memref<1x128x128xf32, #tpu.memory_space<vmem>>
      %get3A_248 = tpu.memref_squeeze %get3A_247 : memref<1x128x128xf32, #tpu.memory_space<vmem>> -> memref<128x128xf32, #tpu.memory_space<vmem>>
      %get3A_249 = arith.index_cast %scan3A_235 : i32 to index
      %get3A_250 = arith.constant 16 : index
      %get3A_251 = tpu.vector_load %get3A_248[%get3A_249, %get3A_250] {strides = array<i32>} : memref<128x128xf32, #tpu.memory_space<vmem>>, vector<1x16xf32>,
      %get3A_252 = vector.shape_cast %get3A_251 : vector<1x16xf32> to vector<16xf32>
      %add3A_253 = arith.addf %add3A_179, %get3A_252 : vector<16xf32>
      %get3A_254 = arith.constant 0 : i32
      %get3A_255 = arith.constant 0 : i32
      %get3A_256 = tpu.memref_slice %arg6[%scan3A_154, %get3A_254, %get3A_255] : memref<5x128x128xf32, #tpu.memory_space<vmem>> -> memref<1x128x128xf32, #tpu.memory_space<vmem>>
      %get3A_257 = tpu.memref_squeeze %get3A_256 : memref<1x128x128xf32, #tpu.memory_space<vmem>> -> memref<128x128xf32, #tpu.memory_space<vmem>>
      %get3A_258 = arith.index_cast %scan3A_235 : i32 to index
      %get3A_259 = arith.constant 32 : index
      %get3A_260 = tpu.vector_load %get3A_257[%get3A_258, %get3A_259] {strides = array<i32>} : memref<128x128xf32, #tpu.memory_space<vmem>>, vector<1x16xf32>,
      %get3A_261 = vector.shape_cast %get3A_260 : vector<1x16xf32> to vector<16xf32>
      %add3A_262 = arith.addf %add3A_188, %get3A_261 : vector<16xf32>
      %get3A_263 = arith.constant 0 : i32
      %get3A_264 = arith.constant 0 : i32
      %get3A_265 = tpu.memref_slice %arg6[%scan3A_154, %get3A_263, %get3A_264] : memref<5x128x128xf32, #tpu.memory_space<vmem>> -> memref<1x128x128xf32, #tpu.memory_space<vmem>>
      %get3A_266 = tpu.memref_squeeze %get3A_265 : memref<1x128x128xf32, #tpu.memory_space<vmem>> -> memref<128x128xf32, #tpu.memory_space<vmem>>
      %get3A_267 = arith.index_cast %scan3A_235 : i32 to index
      %get3A_268 = arith.constant 48 : index
      %get3A_269 = tpu.vector_load %get3A_266[%get3A_267, %get3A_268] {strides = array<i32>} : memref<128x128xf32, #tpu.memory_space<vmem>>, vector<1x16xf32>,
      %get3A_270 = vector.shape_cast %get3A_269 : vector<1x16xf32> to vector<16xf32>
      %add3A_271 = arith.addf %add3A_197, %get3A_270 : vector<16xf32>
      %get3A_272 = arith.constant 0 : i32
      %get3A_273 = arith.constant 0 : i32
      %get3A_274 = tpu.memref_slice %arg6[%scan3A_154, %get3A_272, %get3A_273] : memref<5x128x128xf32, #tpu.memory_space<vmem>> -> memref<1x128x128xf32, #tpu.memory_space<vmem>>
      %get3A_275 = tpu.memref_squeeze %get3A_274 : memref<1x128x128xf32, #tpu.memory_space<vmem>> -> memref<128x128xf32, #tpu.memory_space<vmem>>
      %get3A_276 = arith.index_cast %scan3A_235 : i32 to index
      %get3A_277 = arith.constant 64 : index
      %get3A_278 = tpu.vector_load %get3A_275[%get3A_276, %get3A_277] {strides = array<i32>} : memref<128x128xf32, #tpu.memory_space<vmem>>, vector<1x16xf32>,
      %get3A_279 = vector.shape_cast %get3A_278 : vector<1x16xf32> to vector<16xf32>
      %add3A_280 = arith.addf %add3A_206, %get3A_279 : vector<16xf32>
      %get3A_281 = arith.constant 0 : i32
      %get3A_282 = arith.constant 0 : i32
      %get3A_283 = tpu.memref_slice %arg6[%scan3A_154, %get3A_281, %get3A_282] : memref<5x128x128xf32, #tpu.memory_space<vmem>> -> memref<1x128x128xf32, #tpu.memory_space<vmem>>
      %get3A_284 = tpu.memref_squeeze %get3A_283 : memref<1x128x128xf32, #tpu.memory_space<vmem>> -> memref<128x128xf32, #tpu.memory_space<vmem>>
      %get3A_285 = arith.index_cast %scan3A_235 : i32 to index
      %get3A_286 = arith.constant 80 : index
      %get3A_287 = tpu.vector_load %get3A_284[%get3A_285, %get3A_286] {strides = array<i32>} : memref<128x128xf32, #tpu.memory_space<vmem>>, vector<1x16xf32>,
      %get3A_288 = vector.shape_cast %get3A_287 : vector<1x16xf32> to vector<16xf32>
      %add3A_289 = arith.addf %add3A_215, %get3A_288 : vector<16xf32>
      %get3A_290 = arith.constant 0 : i32
      %get3A_291 = arith.constant 0 : i32
      %get3A_292 = tpu.memref_slice %arg6[%scan3A_154, %get3A_290, %get3A_291] : memref<5x128x128xf32, #tpu.memory_space<vmem>> -> memref<1x128x128xf32, #tpu.memory_space<vmem>>
      %get3A_293 = tpu.memref_squeeze %get3A_292 : memref<1x128x128xf32, #tpu.memory_space<vmem>> -> memref<128x128xf32, #tpu.memory_space<vmem>>
      %get3A_294 = arith.index_cast %scan3A_235 : i32 to index
      %get3A_295 = arith.constant 96 : index
      %get3A_296 = tpu.vector_load %get3A_293[%get3A_294, %get3A_295] {strides = array<i32>} : memref<128x128xf32, #tpu.memory_space<vmem>>, vector<1x16xf32>,
      %get3A_297 = vector.shape_cast %get3A_296 : vector<1x16xf32> to vector<16xf32>
      %add3A_298 = arith.addf %add3A_224, %get3A_297 : vector<16xf32>
      %get3A_299 = arith.constant 0 : i32
      %get3A_300 = arith.constant 0 : i32
      %get3A_301 = tpu.memref_slice %arg6[%scan3A_154, %get3A_299, %get3A_300] : memref<5x128x128xf32, #tpu.memory_space<vmem>> -> memref<1x128x128xf32, #tpu.memory_space<vmem>>
      %get3A_302 = tpu.memref_squeeze %get3A_301 : memref<1x128x128xf32, #tpu.memory_space<vmem>> -> memref<128x128xf32, #tpu.memory_space<vmem>>
      %get3A_303 = arith.index_cast %scan3A_235 : i32 to index
      %get3A_304 = arith.constant 112 : index
      %get3A_305 = tpu.vector_load %get3A_302[%get3A_303, %get3A_304] {strides = array<i32>} : memref<128x128xf32, #tpu.memory_space<vmem>>, vector<1x16xf32>,
      %get3A_306 = vector.shape_cast %get3A_305 : vector<1x16xf32> to vector<16xf32>
      %add3A_307 = arith.addf %add3A_233, %get3A_306 : vector<16xf32>
      %scan3A_308 = arith.constant 126 : i32
      %scan3A_309 = arith.addi %scan3A_155, %scan3A_308 : i32
      %get3A_310 = arith.constant 0 : i32
      %get3A_311 = arith.constant 0 : i32
      %get3A_312 = tpu.memref_slice %arg6[%scan3A_154, %get3A_310, %get3A_311] : memref<5x128x128xf32, #tpu.memory_space<vmem>> -> memref<1x128x128xf32, #tpu.memory_space<vmem>>
      %get3A_313 = tpu.memref_squeeze %get3A_312 : memref<1x128x128xf32, #tpu.memory_space<vmem>> -> memref<128x128xf32, #tpu.memory_space<vmem>>
      %get3A_314 = arith.index_cast %scan3A_309 : i32 to index
      %get3A_315 = arith.constant 0 : index
      %get3A_316 = tpu.vector_load %get3A_313[%get3A_314, %get3A_315] {strides = array<i32>} : memref<128x128xf32, #tpu.memory_space<vmem>>, vector<1x16xf32>,
      %get3A_317 = vector.shape_cast %get3A_316 : vector<1x16xf32> to vector<16xf32>
      %add3A_318 = arith.addf %add3A_244, %get3A_317 : vector<16xf32>
      %get3A_319 = arith.constant 0 : i32
      %get3A_320 = arith.constant 0 : i32
      %get3A_321 = tpu.memref_slice %arg6[%scan3A_154, %get3A_319, %get3A_320] : memref<5x128x128xf32, #tpu.memory_space<vmem>> -> memref<1x128x128xf32, #tpu.memory_space<vmem>>
      %get3A_322 = tpu.memref_squeeze %get3A_321 : memref<1x128x128xf32, #tpu.memory_space<vmem>> -> memref<128x128xf32, #tpu.memory_space<vmem>>
      %get3A_323 = arith.index_cast %scan3A_309 : i32 to index
      %get3A_324 = arith.constant 16 : index
      %get3A_325 = tpu.vector_load %get3A_322[%get3A_323, %get3A_324] {strides = array<i32>} : memref<128x128xf32, #tpu.memory_space<vmem>>, vector<1x16xf32>,
      %get3A_326 = vector.shape_cast %get3A_325 : vector<1x16xf32> to vector<16xf32>
      %add3A_327 = arith.addf %add3A_253, %get3A_326 : vector<16xf32>
      %get3A_328 = arith.constant 0 : i32
      %get3A_329 = arith.constant 0 : i32
      %get3A_330 = tpu.memref_slice %arg6[%scan3A_154, %get3A_328, %get3A_329] : memref<5x128x128xf32, #tpu.memory_space<vmem>> -> memref<1x128x128xf32, #tpu.memory_space<vmem>>
      %get3A_331 = tpu.memref_squeeze %get3A_330 : memref<1x128x128xf32, #tpu.memory_space<vmem>> -> memref<128x128xf32, #tpu.memory_space<vmem>>
      %get3A_332 = arith.index_cast %scan3A_309 : i32 to index
      %get3A_333 = arith.constant 32 : index
      %get3A_334 = tpu.vector_load %get3A_331[%get3A_332, %get3A_333] {strides = array<i32>} : memref<128x128xf32, #tpu.memory_space<vmem>>, vector<1x16xf32>,
      %get3A_335 = vector.shape_cast %get3A_334 : vector<1x16xf32> to vector<16xf32>
      %add3A_336 = arith.addf %add3A_262, %get3A_335 : vector<16xf32>
      %get3A_337 = arith.constant 0 : i32
      %get3A_338 = arith.constant 0 : i32
      %get3A_339 = tpu.memref_slice %arg6[%scan3A_154, %get3A_337, %get3A_338] : memref<5x128x128xf32, #tpu.memory_space<vmem>> -> memref<1x128x128xf32, #tpu.memory_space<vmem>>
      %get3A_340 = tpu.memref_squeeze %get3A_339 : memref<1x128x128xf32, #tpu.memory_space<vmem>> -> memref<128x128xf32, #tpu.memory_space<vmem>>
      %get3A_341 = arith.index_cast %scan3A_309 : i32 to index
      %get3A_342 = arith.constant 48 : index
      %get3A_343 = tpu.vector_load %get3A_340[%get3A_341, %get3A_342] {strides = array<i32>} : memref<128x128xf32, #tpu.memory_space<vmem>>, vector<1x16xf32>,
      %get3A_344 = vector.shape_cast %get3A_343 : vector<1x16xf32> to vector<16xf32>
      %add3A_345 = arith.addf %add3A_271, %get3A_344 : vector<16xf32>
      %get3A_346 = arith.constant 0 : i32
      %get3A_347 = arith.constant 0 : i32
      %get3A_348 = tpu.memref_slice %arg6[%scan3A_154, %get3A_346, %get3A_347] : memref<5x128x128xf32, #tpu.memory_space<vmem>> -> memref<1x128x128xf32, #tpu.memory_space<vmem>>
      %get3A_349 = tpu.memref_squeeze %get3A_348 : memref<1x128x128xf32, #tpu.memory_space<vmem>> -> memref<128x128xf32, #tpu.memory_space<vmem>>
      %get3A_350 = arith.index_cast %scan3A_309 : i32 to index
      %get3A_351 = arith.constant 64 : index
      %get3A_352 = tpu.vector_load %get3A_349[%get3A_350, %get3A_351] {strides = array<i32>} : memref<128x128xf32, #tpu.memory_space<vmem>>, vector<1x16xf32>,
      %get3A_353 = vector.shape_cast %get3A_352 : vector<1x16xf32> to vector<16xf32>
      %add3A_354 = arith.addf %add3A_280, %get3A_353 : vector<16xf32>
      %get3A_355 = arith.constant 0 : i32
      %get3A_356 = arith.constant 0 : i32
      %get3A_357 = tpu.memref_slice %arg6[%scan3A_154, %get3A_355, %get3A_356] : memref<5x128x128xf32, #tpu.memory_space<vmem>> -> memref<1x128x128xf32, #tpu.memory_space<vmem>>
      %get3A_358 = tpu.memref_squeeze %get3A_357 : memref<1x128x128xf32, #tpu.memory_space<vmem>> -> memref<128x128xf32, #tpu.memory_space<vmem>>
      %get3A_359 = arith.index_cast %scan3A_309 : i32 to index
      %get3A_360 = arith.constant 80 : index
      %get3A_361 = tpu.vector_load %get3A_358[%get3A_359, %get3A_360] {strides = array<i32>} : memref<128x128xf32, #tpu.memory_space<vmem>>, vector<1x16xf32>,
      %get3A_362 = vector.shape_cast %get3A_361 : vector<1x16xf32> to vector<16xf32>
      %add3A_363 = arith.addf %add3A_289, %get3A_362 : vector<16xf32>
      %get3A_364 = arith.constant 0 : i32
      %get3A_365 = arith.constant 0 : i32
      %get3A_366 = tpu.memref_slice %arg6[%scan3A_154, %get3A_364, %get3A_365] : memref<5x128x128xf32, #tpu.memory_space<vmem>> -> memref<1x128x128xf32, #tpu.memory_space<vmem>>
      %get3A_367 = tpu.memref_squeeze %get3A_366 : memref<1x128x128xf32, #tpu.memory_space<vmem>> -> memref<128x128xf32, #tpu.memory_space<vmem>>
      %get3A_368 = arith.index_cast %scan3A_309 : i32 to index
      %get3A_369 = arith.constant 96 : index
      %get3A_370 = tpu.vector_load %get3A_367[%get3A_368, %get3A_369] {strides = array<i32>} : memref<128x128xf32, #tpu.memory_space<vmem>>, vector<1x16xf32>,
      %get3A_371 = vector.shape_cast %get3A_370 : vector<1x16xf32> to vector<16xf32>
      %add3A_372 = arith.addf %add3A_298, %get3A_371 : vector<16xf32>
      %get3A_373 = arith.constant 0 : i32
      %get3A_374 = arith.constant 0 : i32
      %get3A_375 = tpu.memref_slice %arg6[%scan3A_154, %get3A_373, %get3A_374] : memref<5x128x128xf32, #tpu.memory_space<vmem>> -> memref<1x128x128xf32, #tpu.memory_space<vmem>>
      %get3A_376 = tpu.memref_squeeze %get3A_375 : memref<1x128x128xf32, #tpu.memory_space<vmem>> -> memref<128x128xf32, #tpu.memory_space<vmem>>
      %get3A_377 = arith.index_cast %scan3A_309 : i32 to index
      %get3A_378 = arith.constant 112 : index
      %get3A_379 = tpu.vector_load %get3A_376[%get3A_377, %get3A_378] {strides = array<i32>} : memref<128x128xf32, #tpu.memory_space<vmem>>, vector<1x16xf32>,
      %get3A_380 = vector.shape_cast %get3A_379 : vector<1x16xf32> to vector<16xf32>
      %add3A_381 = arith.addf %add3A_307, %get3A_380 : vector<16xf32>
      %scan3A_382 = arith.constant 127 : i32
      %swap3A = arith.index_cast %add3A_59 : i32 to index
      %swap3A_383 = arith.constant 0 : index
      %swap3A_384 = tpu.vector_load %arg7[%swap3A, %swap3A_383] {strides = array<i32>} : memref<50x128xf32, #tpu.memory_space<vmem>>, vector<1x16xf32>,
      %swap3A_385 = vector.shape_cast %swap3A_384 : vector<1x16xf32> to vector<16xf32>
      %swap3A_386 = vector.shape_cast %add3A_318 : vector<16xf32> to vector<1x16xf32>
      tpu.vector_store %arg7[%swap3A, %swap3A_383], %swap3A_386 {strides = array<i32>} : memref<50x128xf32, #tpu.memory_space<vmem>>, vector<1x16xf32>,
      %swap3A_387 = arith.index_cast %add3A_59 : i32 to index
      %swap3A_388 = arith.constant 16 : index
      %swap3A_389 = tpu.vector_load %arg7[%swap3A_387, %swap3A_388] {strides = array<i32>} : memref<50x128xf32, #tpu.memory_space<vmem>>, vector<1x16xf32>,
      %swap3A_390 = vector.shape_cast %swap3A_389 : vector<1x16xf32> to vector<16xf32>
      %swap3A_391 = vector.shape_cast %add3A_327 : vector<16xf32> to vector<1x16xf32>
      tpu.vector_store %arg7[%swap3A_387, %swap3A_388], %swap3A_391 {strides = array<i32>} : memref<50x128xf32, #tpu.memory_space<vmem>>, vector<1x16xf32>,
      %swap3A_392 = arith.index_cast %add3A_59 : i32 to index
      %swap3A_393 = arith.constant 32 : index
      %swap3A_394 = tpu.vector_load %arg7[%swap3A_392, %swap3A_393] {strides = array<i32>} : memref<50x128xf32, #tpu.memory_space<vmem>>, vector<1x16xf32>,
      %swap3A_395 = vector.shape_cast %swap3A_394 : vector<1x16xf32> to vector<16xf32>
      %swap3A_396 = vector.shape_cast %add3A_336 : vector<16xf32> to vector<1x16xf32>
      tpu.vector_store %arg7[%swap3A_392, %swap3A_393], %swap3A_396 {strides = array<i32>} : memref<50x128xf32, #tpu.memory_space<vmem>>, vector<1x16xf32>,
      %swap3A_397 = arith.index_cast %add3A_59 : i32 to index
      %swap3A_398 = arith.constant 48 : index
      %swap3A_399 = tpu.vector_load %arg7[%swap3A_397, %swap3A_398] {strides = array<i32>} : memref<50x128xf32, #tpu.memory_space<vmem>>, vector<1x16xf32>,
      %swap3A_400 = vector.shape_cast %swap3A_399 : vector<1x16xf32> to vector<16xf32>
      %swap3A_401 = vector.shape_cast %add3A_345 : vector<16xf32> to vector<1x16xf32>
      tpu.vector_store %arg7[%swap3A_397, %swap3A_398], %swap3A_401 {strides = array<i32>} : memref<50x128xf32, #tpu.memory_space<vmem>>, vector<1x16xf32>,
      %swap3A_402 = arith.index_cast %add3A_59 : i32 to index
      %swap3A_403 = arith.constant 64 : index
      %swap3A_404 = tpu.vector_load %arg7[%swap3A_402, %swap3A_403] {strides = array<i32>} : memref<50x128xf32, #tpu.memory_space<vmem>>, vector<1x16xf32>,
      %swap3A_405 = vector.shape_cast %swap3A_404 : vector<1x16xf32> to vector<16xf32>
      %swap3A_406 = vector.shape_cast %add3A_354 : vector<16xf32> to vector<1x16xf32>
      tpu.vector_store %arg7[%swap3A_402, %swap3A_403], %swap3A_406 {strides = array<i32>} : memref<50x128xf32, #tpu.memory_space<vmem>>, vector<1x16xf32>,
      %swap3A_407 = arith.index_cast %add3A_59 : i32 to index
      %swap3A_408 = arith.constant 80 : index
      %swap3A_409 = tpu.vector_load %arg7[%swap3A_407, %swap3A_408] {strides = array<i32>} : memref<50x128xf32, #tpu.memory_space<vmem>>, vector<1x16xf32>,
      %swap3A_410 = vector.shape_cast %swap3A_409 : vector<1x16xf32> to vector<16xf32>
      %swap3A_411 = vector.shape_cast %add3A_363 : vector<16xf32> to vector<1x16xf32>
      tpu.vector_store %arg7[%swap3A_407, %swap3A_408], %swap3A_411 {strides = array<i32>} : memref<50x128xf32, #tpu.memory_space<vmem>>, vector<1x16xf32>,
      %swap3A_412 = arith.index_cast %add3A_59 : i32 to index
      %swap3A_413 = arith.constant 96 : index
      %swap3A_414 = tpu.vector_load %arg7[%swap3A_412, %swap3A_413] {strides = array<i32>} : memref<50x128xf32, #tpu.memory_space<vmem>>, vector<1x16xf32>,
      %swap3A_415 = vector.shape_cast %swap3A_414 : vector<1x16xf32> to vector<16xf32>
      %swap3A_416 = vector.shape_cast %add3A_372 : vector<16xf32> to vector<1x16xf32>
      tpu.vector_store %arg7[%swap3A_412, %swap3A_413], %swap3A_416 {strides = array<i32>} : memref<50x128xf32, #tpu.memory_space<vmem>>, vector<1x16xf32>,
      %swap3A_417 = arith.index_cast %add3A_59 : i32 to index
      %swap3A_418 = arith.constant 112 : index
      %swap3A_419 = tpu.vector_load %arg7[%swap3A_417, %swap3A_418] {strides = array<i32>} : memref<50x128xf32, #tpu.memory_space<vmem>>, vector<1x16xf32>,
      %swap3A_420 = vector.shape_cast %swap3A_419 : vector<1x16xf32> to vector<16xf32>
      %swap3A_421 = vector.shape_cast %add3A_381 : vector<16xf32> to vector<1x16xf32>
      tpu.vector_store %arg7[%swap3A_417, %swap3A_418], %swap3A_421 {strides = array<i32>} : memref<50x128xf32, #tpu.memory_space<vmem>>, vector<1x16xf32>,
      %add3A_422 = arith.constant 1 : i32
      %add3A_423 = arith.addi %mul3A_57, %add3A_422 : i32
      %add3A_424 = arith.constant 5 : i32
      %add3A_425 = arith.addi %add3A_423, %add3A_424 : i32
      %sub3A_426 = arith.constant 1 : i32
      %sub3A_427 = arith.subi %add3A_425, %sub3A_426 : i32
      %lt3A_428 = arith.constant 50 : i32
      %lt3A_429 = arith.cmpi slt, %sub3A_427, %lt3A_428 : i32
      %convert_element_type3A_430 = arith.extui %lt3A_429 : i1 to i32
      %cond3A_431 = arith.constant 0 : i32
      %cond3A_432 = arith.cmpi ne, %convert_element_type3A_430, %cond3A_431 : i32
      scf.if %cond3A_432 {
        %add3A_1907 = arith.constant 5 : i32
        %add3A_1908 = arith.addi %add3A_423, %add3A_1907 : i32
        %sub3A_1909 = arith.constant 1 : i32
        %sub3A_1910 = arith.subi %add3A_1908, %sub3A_1909 : i32
        %dma_start3A_1911 = arith.constant 0 : i32
        %dma_start3A_1912 = arith.constant 0 : i32
        %dma_start3A_1913 = arith.constant 0 : i32
        %dma_start3A_1914 = tpu.memref_slice %arg6[%dma_start3A_1911, %dma_start3A_1912, %dma_start3A_1913] : memref<5x128x128xf32, #tpu.memory_space<vmem>> -> memref<1x128x128xf32, #tpu.memory_space<vmem>>
        %dma_start3A_1915 = tpu.memref_squeeze %dma_start3A_1914 : memref<1x128x128xf32, #tpu.memory_space<vmem>> -> memref<128x128xf32, #tpu.memory_space<vmem>>
        %dma_start3A_1916 = arith.constant 0 : i32
        %dma_start3A_1917 = tpu.memref_slice %arg5[%sub3A_1910, %dma_start3A_1916] : memref<50x128xi32, #tpu.memory_space<vmem>> -> memref<1x128xi32, #tpu.memory_space<vmem>>
        %dma_start3A_1918 = tpu.memref_squeeze %dma_start3A_1917 : memref<1x128xi32, #tpu.memory_space<vmem>> -> memref<128xi32, #tpu.memory_space<vmem>>
        %dma_start3A_1919 = arith.constant 0 : i32
        %dma_start3A_1920 = arith.constant 0 : i32
        %dma_start3A_1921 = tpu.memref_slice %arg3[%dma_start3A_1919, %dma_start3A_1920] : memref<100000x128xf32, #tpu.memory_space<hbm>> -> memref<100000x128xf32, #tpu.memory_space<hbm>>
        tpu.enqueue_indirect_dma source(%dma_start3A_1921 : memref<100000x128xf32, #tpu.memory_space<hbm>>) target(%dma_start3A_1915 : memref<128x128xf32, #tpu.memory_space<vmem>>) offsets(%dma_start3A_1918 : memref<128xi32, #tpu.memory_space<vmem>>) semaphore(%arg8 : memref<!tpu.dma_semaphore, #tpu.memory_space<semaphore_mem>>)
      } else {
      }
      %dma_wait3A_433 = arith.constant 1 : i32
      %dma_wait3A_434 = arith.constant 0 : i32
      %dma_wait3A_435 = arith.constant 0 : i32
      %dma_wait3A_436 = tpu.memref_slice %arg6[%dma_wait3A_433, %dma_wait3A_434, %dma_wait3A_435] : memref<5x128x128xf32, #tpu.memory_space<vmem>> -> memref<1x128x128xf32, #tpu.memory_space<vmem>>
      %dma_wait3A_437 = tpu.memref_squeeze %dma_wait3A_436 : memref<1x128x128xf32, #tpu.memory_space<vmem>> -> memref<128x128xf32, #tpu.memory_space<vmem>>
      %dma_wait3A_438 = arith.constant 0 : i32
      %dma_wait3A_439 = tpu.memref_slice %arg5[%add3A_423, %dma_wait3A_438] : memref<50x128xi32, #tpu.memory_space<vmem>> -> memref<1x128xi32, #tpu.memory_space<vmem>>
      %dma_wait3A_440 = tpu.memref_squeeze %dma_wait3A_439 : memref<1x128xi32, #tpu.memory_space<vmem>> -> memref<128xi32, #tpu.memory_space<vmem>>
      %dma_wait3A_441 = arith.constant 0 : i32
      %dma_wait3A_442 = arith.constant 0 : i32
      %dma_wait3A_443 = tpu.memref_slice %arg3[%dma_wait3A_441, %dma_wait3A_442] : memref<100000x128xf32, #tpu.memory_space<hbm>> -> memref<100000x128xf32, #tpu.memory_space<hbm>>
      tpu.wait_indirect_dma semaphore(%arg9 : memref<!tpu.dma_semaphore, #tpu.memory_space<semaphore_mem>>) src(%dma_wait3A_443 : memref<100000x128xf32, #tpu.memory_space<hbm>>) dst(%dma_wait3A_437 : memref<128x128xf32, #tpu.memory_space<vmem>>)
      %get3A_444 = arith.constant 1 : i32
      %get3A_445 = arith.constant 0 : i32
      %get3A_446 = arith.constant 0 : i32
      %get3A_447 = arith.constant 0 : i32
      %get3A_448 = tpu.memref_slice %arg6[%get3A_444, %get3A_446, %get3A_447] : memref<5x128x128xf32, #tpu.memory_space<vmem>> -> memref<1x128x128xf32, #tpu.memory_space<vmem>>
      %get3A_449 = tpu.memref_squeeze %get3A_448 : memref<1x128x128xf32, #tpu.memory_space<vmem>> -> memref<128x128xf32, #tpu.memory_space<vmem>>
      %get3A_450 = arith.index_cast %get3A_445 : i32 to index
      %get3A_451 = arith.constant 0 : index
      %get3A_452 = tpu.vector_load %get3A_449[%get3A_450, %get3A_451] {strides = array<i32>} : memref<128x128xf32, #tpu.memory_space<vmem>>, vector<1x16xf32>,
      %get3A_453 = vector.shape_cast %get3A_452 : vector<1x16xf32> to vector<16xf32>
      %get3A_454 = arith.constant 1 : i32
      %get3A_455 = arith.constant 0 : i32
      %get3A_456 = arith.constant 0 : i32
      %get3A_457 = arith.constant 0 : i32
      %get3A_458 = tpu.memref_slice %arg6[%get3A_454, %get3A_456, %get3A_457] : memref<5x128x128xf32, #tpu.memory_space<vmem>> -> memref<1x128x128xf32, #tpu.memory_space<vmem>>
      %get3A_459 = tpu.memref_squeeze %get3A_458 : memref<1x128x128xf32, #tpu.memory_space<vmem>> -> memref<128x128xf32, #tpu.memory_space<vmem>>
      %get3A_460 = arith.index_cast %get3A_455 : i32 to index
      %get3A_461 = arith.constant 16 : index
      %get3A_462 = tpu.vector_load %get3A_459[%get3A_460, %get3A_461] {strides = array<i32>} : memref<128x128xf32, #tpu.memory_space<vmem>>, vector<1x16xf32>,
      %get3A_463 = vector.shape_cast %get3A_462 : vector<1x16xf32> to vector<16xf32>
      %get3A_464 = arith.constant 1 : i32
      %get3A_465 = arith.constant 0 : i32
      %get3A_466 = arith.constant 0 : i32
      %get3A_467 = arith.constant 0 : i32
      %get3A_468 = tpu.memref_slice %arg6[%get3A_464, %get3A_466, %get3A_467] : memref<5x128x128xf32, #tpu.memory_space<vmem>> -> memref<1x128x128xf32, #tpu.memory_space<vmem>>
      %get3A_469 = tpu.memref_squeeze %get3A_468 : memref<1x128x128xf32, #tpu.memory_space<vmem>> -> memref<128x128xf32, #tpu.memory_space<vmem>>
      %get3A_470 = arith.index_cast %get3A_465 : i32 to index
      %get3A_471 = arith.constant 32 : index
      %get3A_472 = tpu.vector_load %get3A_469[%get3A_470, %get3A_471] {strides = array<i32>} : memref<128x128xf32, #tpu.memory_space<vmem>>, vector<1x16xf32>,
      %get3A_473 = vector.shape_cast %get3A_472 : vector<1x16xf32> to vector<16xf32>
      %get3A_474 = arith.constant 1 : i32
      %get3A_475 = arith.constant 0 : i32
      %get3A_476 = arith.constant 0 : i32
      %get3A_477 = arith.constant 0 : i32
      %get3A_478 = tpu.memref_slice %arg6[%get3A_474, %get3A_476, %get3A_477] : memref<5x128x128xf32, #tpu.memory_space<vmem>> -> memref<1x128x128xf32, #tpu.memory_space<vmem>>
      %get3A_479 = tpu.memref_squeeze %get3A_478 : memref<1x128x128xf32, #tpu.memory_space<vmem>> -> memref<128x128xf32, #tpu.memory_space<vmem>>
      %get3A_480 = arith.index_cast %get3A_475 : i32 to index
      %get3A_481 = arith.constant 48 : index
      %get3A_482 = tpu.vector_load %get3A_479[%get3A_480, %get3A_481] {strides = array<i32>} : memref<128x128xf32, #tpu.memory_space<vmem>>, vector<1x16xf32>,
      %get3A_483 = vector.shape_cast %get3A_482 : vector<1x16xf32> to vector<16xf32>
      %get3A_484 = arith.constant 1 : i32
      %get3A_485 = arith.constant 0 : i32
      %get3A_486 = arith.constant 0 : i32
      %get3A_487 = arith.constant 0 : i32
      %get3A_488 = tpu.memref_slice %arg6[%get3A_484, %get3A_486, %get3A_487] : memref<5x128x128xf32, #tpu.memory_space<vmem>> -> memref<1x128x128xf32, #tpu.memory_space<vmem>>
      %get3A_489 = tpu.memref_squeeze %get3A_488 : memref<1x128x128xf32, #tpu.memory_space<vmem>> -> memref<128x128xf32, #tpu.memory_space<vmem>>
      %get3A_490 = arith.index_cast %get3A_485 : i32 to index
      %get3A_491 = arith.constant 64 : index
      %get3A_492 = tpu.vector_load %get3A_489[%get3A_490, %get3A_491] {strides = array<i32>} : memref<128x128xf32, #tpu.memory_space<vmem>>, vector<1x16xf32>,
      %get3A_493 = vector.shape_cast %get3A_492 : vector<1x16xf32> to vector<16xf32>
      %get3A_494 = arith.constant 1 : i32
      %get3A_495 = arith.constant 0 : i32
      %get3A_496 = arith.constant 0 : i32
      %get3A_497 = arith.constant 0 : i32
      %get3A_498 = tpu.memref_slice %arg6[%get3A_494, %get3A_496, %get3A_497] : memref<5x128x128xf32, #tpu.memory_space<vmem>> -> memref<1x128x128xf32, #tpu.memory_space<vmem>>
      %get3A_499 = tpu.memref_squeeze %get3A_498 : memref<1x128x128xf32, #tpu.memory_space<vmem>> -> memref<128x128xf32, #tpu.memory_space<vmem>>
      %get3A_500 = arith.index_cast %get3A_495 : i32 to index
      %get3A_501 = arith.constant 80 : index
      %get3A_502 = tpu.vector_load %get3A_499[%get3A_500, %get3A_501] {strides = array<i32>} : memref<128x128xf32, #tpu.memory_space<vmem>>, vector<1x16xf32>,
      %get3A_503 = vector.shape_cast %get3A_502 : vector<1x16xf32> to vector<16xf32>
      %get3A_504 = arith.constant 1 : i32
      %get3A_505 = arith.constant 0 : i32
      %get3A_506 = arith.constant 0 : i32
      %get3A_507 = arith.constant 0 : i32
      %get3A_508 = tpu.memref_slice %arg6[%get3A_504, %get3A_506, %get3A_507] : memref<5x128x128xf32, #tpu.memory_space<vmem>> -> memref<1x128x128xf32, #tpu.memory_space<vmem>>
      %get3A_509 = tpu.memref_squeeze %get3A_508 : memref<1x128x128xf32, #tpu.memory_space<vmem>> -> memref<128x128xf32, #tpu.memory_space<vmem>>
      %get3A_510 = arith.index_cast %get3A_505 : i32 to index
      %get3A_511 = arith.constant 96 : index
      %get3A_512 = tpu.vector_load %get3A_509[%get3A_510, %get3A_511] {strides = array<i32>} : memref<128x128xf32, #tpu.memory_space<vmem>>, vector<1x16xf32>,
      %get3A_513 = vector.shape_cast %get3A_512 : vector<1x16xf32> to vector<16xf32>
      %get3A_514 = arith.constant 1 : i32
      %get3A_515 = arith.constant 0 : i32
      %get3A_516 = arith.constant 0 : i32
      %get3A_517 = arith.constant 0 : i32
      %get3A_518 = tpu.memref_slice %arg6[%get3A_514, %get3A_516, %get3A_517] : memref<5x128x128xf32, #tpu.memory_space<vmem>> -> memref<1x128x128xf32, #tpu.memory_space<vmem>>
      %get3A_519 = tpu.memref_squeeze %get3A_518 : memref<1x128x128xf32, #tpu.memory_space<vmem>> -> memref<128x128xf32, #tpu.memory_space<vmem>>
      %get3A_520 = arith.index_cast %get3A_515 : i32 to index
      %get3A_521 = arith.constant 112 : index
      %get3A_522 = tpu.vector_load %get3A_519[%get3A_520, %get3A_521] {strides = array<i32>} : memref<128x128xf32, #tpu.memory_space<vmem>>, vector<1x16xf32>,
      %get3A_523 = vector.shape_cast %get3A_522 : vector<1x16xf32> to vector<16xf32>
      %scan3A_524 = arith.constant 1 : i32
      %scan3A_525 = arith.constant 1 : i32
      %scan3A_526 = arith.constant 124 : i32
      %scan3A_527 = arith.addi %scan3A_525, %scan3A_526 : i32
      %scan3A_528 = arith.constant 4 : i32
      %scan3A_529:8 = scf.for %scan3A_1907 = %scan3A_525 to %scan3A_527 step %scan3A_528 iter_args(%scan3A_1908 = %get3A_453, %scan3A_1909 = %get3A_463, %scan3A_1910 = %get3A_473, %scan3A_1911 = %get3A_483, %scan3A_1912 = %get3A_493, %scan3A_1913 = %get3A_503, %scan3A_1914 = %get3A_513, %scan3A_1915 = %get3A_523) -> (vector<16xf32>, vector<16xf32>, vector<16xf32>, vector<16xf32>, vector<16xf32>, vector<16xf32>, vector<16xf32>, vector<16xf32>)  : i32 {
        %get3A_1916 = arith.constant 0 : i32
        %get3A_1917 = arith.constant 0 : i32
        %get3A_1918 = tpu.memref_slice %arg6[%scan3A_524, %get3A_1916, %get3A_1917] : memref<5x128x128xf32, #tpu.memory_space<vmem>> -> memref<1x128x128xf32, #tpu.memory_space<vmem>>
        %get3A_1919 = tpu.memref_squeeze %get3A_1918 : memref<1x128x128xf32, #tpu.memory_space<vmem>> -> memref<128x128xf32, #tpu.memory_space<vmem>>
        %get3A_1920 = arith.index_cast %scan3A_1907 : i32 to index
        %get3A_1921 = arith.constant 0 : index
        %get3A_1922 = tpu.vector_load %get3A_1919[%get3A_1920, %get3A_1921] {strides = array<i32>} : memref<128x128xf32, #tpu.memory_space<vmem>>, vector<1x16xf32>,
        %get3A_1923 = vector.shape_cast %get3A_1922 : vector<1x16xf32> to vector<16xf32>
        %add3A_1924 = arith.addf %scan3A_1908, %get3A_1923 : vector<16xf32>
        %get3A_1925 = arith.constant 0 : i32
        %get3A_1926 = arith.constant 0 : i32
        %get3A_1927 = tpu.memref_slice %arg6[%scan3A_524, %get3A_1925, %get3A_1926] : memref<5x128x128xf32, #tpu.memory_space<vmem>> -> memref<1x128x128xf32, #tpu.memory_space<vmem>>
        %get3A_1928 = tpu.memref_squeeze %get3A_1927 : memref<1x128x128xf32, #tpu.memory_space<vmem>> -> memref<128x128xf32, #tpu.memory_space<vmem>>
        %get3A_1929 = arith.index_cast %scan3A_1907 : i32 to index
        %get3A_1930 = arith.constant 16 : index
        %get3A_1931 = tpu.vector_load %get3A_1928[%get3A_1929, %get3A_1930] {strides = array<i32>} : memref<128x128xf32, #tpu.memory_space<vmem>>, vector<1x16xf32>,
        %get3A_1932 = vector.shape_cast %get3A_1931 : vector<1x16xf32> to vector<16xf32>
        %add3A_1933 = arith.addf %scan3A_1909, %get3A_1932 : vector<16xf32>
        %get3A_1934 = arith.constant 0 : i32
        %get3A_1935 = arith.constant 0 : i32
        %get3A_1936 = tpu.memref_slice %arg6[%scan3A_524, %get3A_1934, %get3A_1935] : memref<5x128x128xf32, #tpu.memory_space<vmem>> -> memref<1x128x128xf32, #tpu.memory_space<vmem>>
        %get3A_1937 = tpu.memref_squeeze %get3A_1936 : memref<1x128x128xf32, #tpu.memory_space<vmem>> -> memref<128x128xf32, #tpu.memory_space<vmem>>
        %get3A_1938 = arith.index_cast %scan3A_1907 : i32 to index
        %get3A_1939 = arith.constant 32 : index
        %get3A_1940 = tpu.vector_load %get3A_1937[%get3A_1938, %get3A_1939] {strides = array<i32>} : memref<128x128xf32, #tpu.memory_space<vmem>>, vector<1x16xf32>,
        %get3A_1941 = vector.shape_cast %get3A_1940 : vector<1x16xf32> to vector<16xf32>
        %add3A_1942 = arith.addf %scan3A_1910, %get3A_1941 : vector<16xf32>
        %get3A_1943 = arith.constant 0 : i32
        %get3A_1944 = arith.constant 0 : i32
        %get3A_1945 = tpu.memref_slice %arg6[%scan3A_524, %get3A_1943, %get3A_1944] : memref<5x128x128xf32, #tpu.memory_space<vmem>> -> memref<1x128x128xf32, #tpu.memory_space<vmem>>
        %get3A_1946 = tpu.memref_squeeze %get3A_1945 : memref<1x128x128xf32, #tpu.memory_space<vmem>> -> memref<128x128xf32, #tpu.memory_space<vmem>>
        %get3A_1947 = arith.index_cast %scan3A_1907 : i32 to index
        %get3A_1948 = arith.constant 48 : index
        %get3A_1949 = tpu.vector_load %get3A_1946[%get3A_1947, %get3A_1948] {strides = array<i32>} : memref<128x128xf32, #tpu.memory_space<vmem>>, vector<1x16xf32>,
        %get3A_1950 = vector.shape_cast %get3A_1949 : vector<1x16xf32> to vector<16xf32>
        %add3A_1951 = arith.addf %scan3A_1911, %get3A_1950 : vector<16xf32>
        %get3A_1952 = arith.constant 0 : i32
        %get3A_1953 = arith.constant 0 : i32
        %get3A_1954 = tpu.memref_slice %arg6[%scan3A_524, %get3A_1952, %get3A_1953] : memref<5x128x128xf32, #tpu.memory_space<vmem>> -> memref<1x128x128xf32, #tpu.memory_space<vmem>>
        %get3A_1955 = tpu.memref_squeeze %get3A_1954 : memref<1x128x128xf32, #tpu.memory_space<vmem>> -> memref<128x128xf32, #tpu.memory_space<vmem>>
        %get3A_1956 = arith.index_cast %scan3A_1907 : i32 to index
        %get3A_1957 = arith.constant 64 : index
        %get3A_1958 = tpu.vector_load %get3A_1955[%get3A_1956, %get3A_1957] {strides = array<i32>} : memref<128x128xf32, #tpu.memory_space<vmem>>, vector<1x16xf32>,
        %get3A_1959 = vector.shape_cast %get3A_1958 : vector<1x16xf32> to vector<16xf32>
        %add3A_1960 = arith.addf %scan3A_1912, %get3A_1959 : vector<16xf32>
        %get3A_1961 = arith.constant 0 : i32
        %get3A_1962 = arith.constant 0 : i32
        %get3A_1963 = tpu.memref_slice %arg6[%scan3A_524, %get3A_1961, %get3A_1962] : memref<5x128x128xf32, #tpu.memory_space<vmem>> -> memref<1x128x128xf32, #tpu.memory_space<vmem>>
        %get3A_1964 = tpu.memref_squeeze %get3A_1963 : memref<1x128x128xf32, #tpu.memory_space<vmem>> -> memref<128x128xf32, #tpu.memory_space<vmem>>
        %get3A_1965 = arith.index_cast %scan3A_1907 : i32 to index
        %get3A_1966 = arith.constant 80 : index
        %get3A_1967 = tpu.vector_load %get3A_1964[%get3A_1965, %get3A_1966] {strides = array<i32>} : memref<128x128xf32, #tpu.memory_space<vmem>>, vector<1x16xf32>,
        %get3A_1968 = vector.shape_cast %get3A_1967 : vector<1x16xf32> to vector<16xf32>
        %add3A_1969 = arith.addf %scan3A_1913, %get3A_1968 : vector<16xf32>
        %get3A_1970 = arith.constant 0 : i32
        %get3A_1971 = arith.constant 0 : i32
        %get3A_1972 = tpu.memref_slice %arg6[%scan3A_524, %get3A_1970, %get3A_1971] : memref<5x128x128xf32, #tpu.memory_space<vmem>> -> memref<1x128x128xf32, #tpu.memory_space<vmem>>
        %get3A_1973 = tpu.memref_squeeze %get3A_1972 : memref<1x128x128xf32, #tpu.memory_space<vmem>> -> memref<128x128xf32, #tpu.memory_space<vmem>>
        %get3A_1974 = arith.index_cast %scan3A_1907 : i32 to index
        %get3A_1975 = arith.constant 96 : index
        %get3A_1976 = tpu.vector_load %get3A_1973[%get3A_1974, %get3A_1975] {strides = array<i32>} : memref<128x128xf32, #tpu.memory_space<vmem>>, vector<1x16xf32>,
        %get3A_1977 = vector.shape_cast %get3A_1976 : vector<1x16xf32> to vector<16xf32>
        %add3A_1978 = arith.addf %scan3A_1914, %get3A_1977 : vector<16xf32>
        %get3A_1979 = arith.constant 0 : i32
        %get3A_1980 = arith.constant 0 : i32
        %get3A_1981 = tpu.memref_slice %arg6[%scan3A_524, %get3A_1979, %get3A_1980] : memref<5x128x128xf32, #tpu.memory_space<vmem>> -> memref<1x128x128xf32, #tpu.memory_space<vmem>>
        %get3A_1982 = tpu.memref_squeeze %get3A_1981 : memref<1x128x128xf32, #tpu.memory_space<vmem>> -> memref<128x128xf32, #tpu.memory_space<vmem>>
        %get3A_1983 = arith.index_cast %scan3A_1907 : i32 to index
        %get3A_1984 = arith.constant 112 : index
        %get3A_1985 = tpu.vector_load %get3A_1982[%get3A_1983, %get3A_1984] {strides = array<i32>} : memref<128x128xf32, #tpu.memory_space<vmem>>, vector<1x16xf32>,
        %get3A_1986 = vector.shape_cast %get3A_1985 : vector<1x16xf32> to vector<16xf32>
        %add3A_1987 = arith.addf %scan3A_1915, %get3A_1986 : vector<16xf32>
        %scan3A_1988 = arith.constant 1 : i32
        %scan3A_1989 = arith.addi %scan3A_1907, %scan3A_1988 : i32
        %get3A_1990 = arith.constant 0 : i32
        %get3A_1991 = arith.constant 0 : i32
        %get3A_1992 = tpu.memref_slice %arg6[%scan3A_524, %get3A_1990, %get3A_1991] : memref<5x128x128xf32, #tpu.memory_space<vmem>> -> memref<1x128x128xf32, #tpu.memory_space<vmem>>
        %get3A_1993 = tpu.memref_squeeze %get3A_1992 : memref<1x128x128xf32, #tpu.memory_space<vmem>> -> memref<128x128xf32, #tpu.memory_space<vmem>>
        %get3A_1994 = arith.index_cast %scan3A_1989 : i32 to index
        %get3A_1995 = arith.constant 0 : index
        %get3A_1996 = tpu.vector_load %get3A_1993[%get3A_1994, %get3A_1995] {strides = array<i32>} : memref<128x128xf32, #tpu.memory_space<vmem>>, vector<1x16xf32>,
        %get3A_1997 = vector.shape_cast %get3A_1996 : vector<1x16xf32> to vector<16xf32>
        %add3A_1998 = arith.addf %add3A_1924, %get3A_1997 : vector<16xf32>
        %get3A_1999 = arith.constant 0 : i32
        %get3A_2000 = arith.constant 0 : i32
        %get3A_2001 = tpu.memref_slice %arg6[%scan3A_524, %get3A_1999, %get3A_2000] : memref<5x128x128xf32, #tpu.memory_space<vmem>> -> memref<1x128x128xf32, #tpu.memory_space<vmem>>
        %get3A_2002 = tpu.memref_squeeze %get3A_2001 : memref<1x128x128xf32, #tpu.memory_space<vmem>> -> memref<128x128xf32, #tpu.memory_space<vmem>>
        %get3A_2003 = arith.index_cast %scan3A_1989 : i32 to index
        %get3A_2004 = arith.constant 16 : index
        %get3A_2005 = tpu.vector_load %get3A_2002[%get3A_2003, %get3A_2004] {strides = array<i32>} : memref<128x128xf32, #tpu.memory_space<vmem>>, vector<1x16xf32>,
        %get3A_2006 = vector.shape_cast %get3A_2005 : vector<1x16xf32> to vector<16xf32>
        %add3A_2007 = arith.addf %add3A_1933, %get3A_2006 : vector<16xf32>
        %get3A_2008 = arith.constant 0 : i32
        %get3A_2009 = arith.constant 0 : i32
        %get3A_2010 = tpu.memref_slice %arg6[%scan3A_524, %get3A_2008, %get3A_2009] : memref<5x128x128xf32, #tpu.memory_space<vmem>> -> memref<1x128x128xf32, #tpu.memory_space<vmem>>
        %get3A_2011 = tpu.memref_squeeze %get3A_2010 : memref<1x128x128xf32, #tpu.memory_space<vmem>> -> memref<128x128xf32, #tpu.memory_space<vmem>>
        %get3A_2012 = arith.index_cast %scan3A_1989 : i32 to index
        %get3A_2013 = arith.constant 32 : index
        %get3A_2014 = tpu.vector_load %get3A_2011[%get3A_2012, %get3A_2013] {strides = array<i32>} : memref<128x128xf32, #tpu.memory_space<vmem>>, vector<1x16xf32>,
        %get3A_2015 = vector.shape_cast %get3A_2014 : vector<1x16xf32> to vector<16xf32>
        %add3A_2016 = arith.addf %add3A_1942, %get3A_2015 : vector<16xf32>
        %get3A_2017 = arith.constant 0 : i32
        %get3A_2018 = arith.constant 0 : i32
        %get3A_2019 = tpu.memref_slice %arg6[%scan3A_524, %get3A_2017, %get3A_2018] : memref<5x128x128xf32, #tpu.memory_space<vmem>> -> memref<1x128x128xf32, #tpu.memory_space<vmem>>
        %get3A_2020 = tpu.memref_squeeze %get3A_2019 : memref<1x128x128xf32, #tpu.memory_space<vmem>> -> memref<128x128xf32, #tpu.memory_space<vmem>>
        %get3A_2021 = arith.index_cast %scan3A_1989 : i32 to index
        %get3A_2022 = arith.constant 48 : index
        %get3A_2023 = tpu.vector_load %get3A_2020[%get3A_2021, %get3A_2022] {strides = array<i32>} : memref<128x128xf32, #tpu.memory_space<vmem>>, vector<1x16xf32>,
        %get3A_2024 = vector.shape_cast %get3A_2023 : vector<1x16xf32> to vector<16xf32>
        %add3A_2025 = arith.addf %add3A_1951, %get3A_2024 : vector<16xf32>
        %get3A_2026 = arith.constant 0 : i32
        %get3A_2027 = arith.constant 0 : i32
        %get3A_2028 = tpu.memref_slice %arg6[%scan3A_524, %get3A_2026, %get3A_2027] : memref<5x128x128xf32, #tpu.memory_space<vmem>> -> memref<1x128x128xf32, #tpu.memory_space<vmem>>
        %get3A_2029 = tpu.memref_squeeze %get3A_2028 : memref<1x128x128xf32, #tpu.memory_space<vmem>> -> memref<128x128xf32, #tpu.memory_space<vmem>>
        %get3A_2030 = arith.index_cast %scan3A_1989 : i32 to index
        %get3A_2031 = arith.constant 64 : index
        %get3A_2032 = tpu.vector_load %get3A_2029[%get3A_2030, %get3A_2031] {strides = array<i32>} : memref<128x128xf32, #tpu.memory_space<vmem>>, vector<1x16xf32>,
        %get3A_2033 = vector.shape_cast %get3A_2032 : vector<1x16xf32> to vector<16xf32>
        %add3A_2034 = arith.addf %add3A_1960, %get3A_2033 : vector<16xf32>
        %get3A_2035 = arith.constant 0 : i32
        %get3A_2036 = arith.constant 0 : i32
        %get3A_2037 = tpu.memref_slice %arg6[%scan3A_524, %get3A_2035, %get3A_2036] : memref<5x128x128xf32, #tpu.memory_space<vmem>> -> memref<1x128x128xf32, #tpu.memory_space<vmem>>
        %get3A_2038 = tpu.memref_squeeze %get3A_2037 : memref<1x128x128xf32, #tpu.memory_space<vmem>> -> memref<128x128xf32, #tpu.memory_space<vmem>>
        %get3A_2039 = arith.index_cast %scan3A_1989 : i32 to index
        %get3A_2040 = arith.constant 80 : index
        %get3A_2041 = tpu.vector_load %get3A_2038[%get3A_2039, %get3A_2040] {strides = array<i32>} : memref<128x128xf32, #tpu.memory_space<vmem>>, vector<1x16xf32>,
        %get3A_2042 = vector.shape_cast %get3A_2041 : vector<1x16xf32> to vector<16xf32>
        %add3A_2043 = arith.addf %add3A_1969, %get3A_2042 : vector<16xf32>
        %get3A_2044 = arith.constant 0 : i32
        %get3A_2045 = arith.constant 0 : i32
        %get3A_2046 = tpu.memref_slice %arg6[%scan3A_524, %get3A_2044, %get3A_2045] : memref<5x128x128xf32, #tpu.memory_space<vmem>> -> memref<1x128x128xf32, #tpu.memory_space<vmem>>
        %get3A_2047 = tpu.memref_squeeze %get3A_2046 : memref<1x128x128xf32, #tpu.memory_space<vmem>> -> memref<128x128xf32, #tpu.memory_space<vmem>>
        %get3A_2048 = arith.index_cast %scan3A_1989 : i32 to index
        %get3A_2049 = arith.constant 96 : index
        %get3A_2050 = tpu.vector_load %get3A_2047[%get3A_2048, %get3A_2049] {strides = array<i32>} : memref<128x128xf32, #tpu.memory_space<vmem>>, vector<1x16xf32>,
        %get3A_2051 = vector.shape_cast %get3A_2050 : vector<1x16xf32> to vector<16xf32>
        %add3A_2052 = arith.addf %add3A_1978, %get3A_2051 : vector<16xf32>
        %get3A_2053 = arith.constant 0 : i32
        %get3A_2054 = arith.constant 0 : i32
        %get3A_2055 = tpu.memref_slice %arg6[%scan3A_524, %get3A_2053, %get3A_2054] : memref<5x128x128xf32, #tpu.memory_space<vmem>> -> memref<1x128x128xf32, #tpu.memory_space<vmem>>
        %get3A_2056 = tpu.memref_squeeze %get3A_2055 : memref<1x128x128xf32, #tpu.memory_space<vmem>> -> memref<128x128xf32, #tpu.memory_space<vmem>>
        %get3A_2057 = arith.index_cast %scan3A_1989 : i32 to index
        %get3A_2058 = arith.constant 112 : index
        %get3A_2059 = tpu.vector_load %get3A_2056[%get3A_2057, %get3A_2058] {strides = array<i32>} : memref<128x128xf32, #tpu.memory_space<vmem>>, vector<1x16xf32>,
        %get3A_2060 = vector.shape_cast %get3A_2059 : vector<1x16xf32> to vector<16xf32>
        %add3A_2061 = arith.addf %add3A_1987, %get3A_2060 : vector<16xf32>
        %scan3A_2062 = arith.constant 2 : i32
        %scan3A_2063 = arith.addi %scan3A_1907, %scan3A_2062 : i32
        %get3A_2064 = arith.constant 0 : i32
        %get3A_2065 = arith.constant 0 : i32
        %get3A_2066 = tpu.memref_slice %arg6[%scan3A_524, %get3A_2064, %get3A_2065] : memref<5x128x128xf32, #tpu.memory_space<vmem>> -> memref<1x128x128xf32, #tpu.memory_space<vmem>>
        %get3A_2067 = tpu.memref_squeeze %get3A_2066 : memref<1x128x128xf32, #tpu.memory_space<vmem>> -> memref<128x128xf32, #tpu.memory_space<vmem>>
        %get3A_2068 = arith.index_cast %scan3A_2063 : i32 to index
        %get3A_2069 = arith.constant 0 : index
        %get3A_2070 = tpu.vector_load %get3A_2067[%get3A_2068, %get3A_2069] {strides = array<i32>} : memref<128x128xf32, #tpu.memory_space<vmem>>, vector<1x16xf32>,
        %get3A_2071 = vector.shape_cast %get3A_2070 : vector<1x16xf32> to vector<16xf32>
        %add3A_2072 = arith.addf %add3A_1998, %get3A_2071 : vector<16xf32>
        %get3A_2073 = arith.constant 0 : i32
        %get3A_2074 = arith.constant 0 : i32
        %get3A_2075 = tpu.memref_slice %arg6[%scan3A_524, %get3A_2073, %get3A_2074] : memref<5x128x128xf32, #tpu.memory_space<vmem>> -> memref<1x128x128xf32, #tpu.memory_space<vmem>>
        %get3A_2076 = tpu.memref_squeeze %get3A_2075 : memref<1x128x128xf32, #tpu.memory_space<vmem>> -> memref<128x128xf32, #tpu.memory_space<vmem>>
        %get3A_2077 = arith.index_cast %scan3A_2063 : i32 to index
        %get3A_2078 = arith.constant 16 : index
        %get3A_2079 = tpu.vector_load %get3A_2076[%get3A_2077, %get3A_2078] {strides = array<i32>} : memref<128x128xf32, #tpu.memory_space<vmem>>, vector<1x16xf32>,
        %get3A_2080 = vector.shape_cast %get3A_2079 : vector<1x16xf32> to vector<16xf32>
        %add3A_2081 = arith.addf %add3A_2007, %get3A_2080 : vector<16xf32>
        %get3A_2082 = arith.constant 0 : i32
        %get3A_2083 = arith.constant 0 : i32
        %get3A_2084 = tpu.memref_slice %arg6[%scan3A_524, %get3A_2082, %get3A_2083] : memref<5x128x128xf32, #tpu.memory_space<vmem>> -> memref<1x128x128xf32, #tpu.memory_space<vmem>>
        %get3A_2085 = tpu.memref_squeeze %get3A_2084 : memref<1x128x128xf32, #tpu.memory_space<vmem>> -> memref<128x128xf32, #tpu.memory_space<vmem>>
        %get3A_2086 = arith.index_cast %scan3A_2063 : i32 to index
        %get3A_2087 = arith.constant 32 : index
        %get3A_2088 = tpu.vector_load %get3A_2085[%get3A_2086, %get3A_2087] {strides = array<i32>} : memref<128x128xf32, #tpu.memory_space<vmem>>, vector<1x16xf32>,
        %get3A_2089 = vector.shape_cast %get3A_2088 : vector<1x16xf32> to vector<16xf32>
        %add3A_2090 = arith.addf %add3A_2016, %get3A_2089 : vector<16xf32>
        %get3A_2091 = arith.constant 0 : i32
        %get3A_2092 = arith.constant 0 : i32
        %get3A_2093 = tpu.memref_slice %arg6[%scan3A_524, %get3A_2091, %get3A_2092] : memref<5x128x128xf32, #tpu.memory_space<vmem>> -> memref<1x128x128xf32, #tpu.memory_space<vmem>>
        %get3A_2094 = tpu.memref_squeeze %get3A_2093 : memref<1x128x128xf32, #tpu.memory_space<vmem>> -> memref<128x128xf32, #tpu.memory_space<vmem>>
        %get3A_2095 = arith.index_cast %scan3A_2063 : i32 to index
        %get3A_2096 = arith.constant 48 : index
        %get3A_2097 = tpu.vector_load %get3A_2094[%get3A_2095, %get3A_2096] {strides = array<i32>} : memref<128x128xf32, #tpu.memory_space<vmem>>, vector<1x16xf32>,
        %get3A_2098 = vector.shape_cast %get3A_2097 : vector<1x16xf32> to vector<16xf32>
        %add3A_2099 = arith.addf %add3A_2025, %get3A_2098 : vector<16xf32>
        %get3A_2100 = arith.constant 0 : i32
        %get3A_2101 = arith.constant 0 : i32
        %get3A_2102 = tpu.memref_slice %arg6[%scan3A_524, %get3A_2100, %get3A_2101] : memref<5x128x128xf32, #tpu.memory_space<vmem>> -> memref<1x128x128xf32, #tpu.memory_space<vmem>>
        %get3A_2103 = tpu.memref_squeeze %get3A_2102 : memref<1x128x128xf32, #tpu.memory_space<vmem>> -> memref<128x128xf32, #tpu.memory_space<vmem>>
        %get3A_2104 = arith.index_cast %scan3A_2063 : i32 to index
        %get3A_2105 = arith.constant 64 : index
        %get3A_2106 = tpu.vector_load %get3A_2103[%get3A_2104, %get3A_2105] {strides = array<i32>} : memref<128x128xf32, #tpu.memory_space<vmem>>, vector<1x16xf32>,
        %get3A_2107 = vector.shape_cast %get3A_2106 : vector<1x16xf32> to vector<16xf32>
        %add3A_2108 = arith.addf %add3A_2034, %get3A_2107 : vector<16xf32>
        %get3A_2109 = arith.constant 0 : i32
        %get3A_2110 = arith.constant 0 : i32
        %get3A_2111 = tpu.memref_slice %arg6[%scan3A_524, %get3A_2109, %get3A_2110] : memref<5x128x128xf32, #tpu.memory_space<vmem>> -> memref<1x128x128xf32, #tpu.memory_space<vmem>>
        %get3A_2112 = tpu.memref_squeeze %get3A_2111 : memref<1x128x128xf32, #tpu.memory_space<vmem>> -> memref<128x128xf32, #tpu.memory_space<vmem>>
        %get3A_2113 = arith.index_cast %scan3A_2063 : i32 to index
        %get3A_2114 = arith.constant 80 : index
        %get3A_2115 = tpu.vector_load %get3A_2112[%get3A_2113, %get3A_2114] {strides = array<i32>} : memref<128x128xf32, #tpu.memory_space<vmem>>, vector<1x16xf32>,
        %get3A_2116 = vector.shape_cast %get3A_2115 : vector<1x16xf32> to vector<16xf32>
        %add3A_2117 = arith.addf %add3A_2043, %get3A_2116 : vector<16xf32>
        %get3A_2118 = arith.constant 0 : i32
        %get3A_2119 = arith.constant 0 : i32
        %get3A_2120 = tpu.memref_slice %arg6[%scan3A_524, %get3A_2118, %get3A_2119] : memref<5x128x128xf32, #tpu.memory_space<vmem>> -> memref<1x128x128xf32, #tpu.memory_space<vmem>>
        %get3A_2121 = tpu.memref_squeeze %get3A_2120 : memref<1x128x128xf32, #tpu.memory_space<vmem>> -> memref<128x128xf32, #tpu.memory_space<vmem>>
        %get3A_2122 = arith.index_cast %scan3A_2063 : i32 to index
        %get3A_2123 = arith.constant 96 : index
        %get3A_2124 = tpu.vector_load %get3A_2121[%get3A_2122, %get3A_2123] {strides = array<i32>} : memref<128x128xf32, #tpu.memory_space<vmem>>, vector<1x16xf32>,
        %get3A_2125 = vector.shape_cast %get3A_2124 : vector<1x16xf32> to vector<16xf32>
        %add3A_2126 = arith.addf %add3A_2052, %get3A_2125 : vector<16xf32>
        %get3A_2127 = arith.constant 0 : i32
        %get3A_2128 = arith.constant 0 : i32
        %get3A_2129 = tpu.memref_slice %arg6[%scan3A_524, %get3A_2127, %get3A_2128] : memref<5x128x128xf32, #tpu.memory_space<vmem>> -> memref<1x128x128xf32, #tpu.memory_space<vmem>>
        %get3A_2130 = tpu.memref_squeeze %get3A_2129 : memref<1x128x128xf32, #tpu.memory_space<vmem>> -> memref<128x128xf32, #tpu.memory_space<vmem>>
        %get3A_2131 = arith.index_cast %scan3A_2063 : i32 to index
        %get3A_2132 = arith.constant 112 : index
        %get3A_2133 = tpu.vector_load %get3A_2130[%get3A_2131, %get3A_2132] {strides = array<i32>} : memref<128x128xf32, #tpu.memory_space<vmem>>, vector<1x16xf32>,
        %get3A_2134 = vector.shape_cast %get3A_2133 : vector<1x16xf32> to vector<16xf32>
        %add3A_2135 = arith.addf %add3A_2061, %get3A_2134 : vector<16xf32>
        %scan3A_2136 = arith.constant 3 : i32
        %scan3A_2137 = arith.addi %scan3A_1907, %scan3A_2136 : i32
        %get3A_2138 = arith.constant 0 : i32
        %get3A_2139 = arith.constant 0 : i32
        %get3A_2140 = tpu.memref_slice %arg6[%scan3A_524, %get3A_2138, %get3A_2139] : memref<5x128x128xf32, #tpu.memory_space<vmem>> -> memref<1x128x128xf32, #tpu.memory_space<vmem>>
        %get3A_2141 = tpu.memref_squeeze %get3A_2140 : memref<1x128x128xf32, #tpu.memory_space<vmem>> -> memref<128x128xf32, #tpu.memory_space<vmem>>
        %get3A_2142 = arith.index_cast %scan3A_2137 : i32 to index
        %get3A_2143 = arith.constant 0 : index
        %get3A_2144 = tpu.vector_load %get3A_2141[%get3A_2142, %get3A_2143] {strides = array<i32>} : memref<128x128xf32, #tpu.memory_space<vmem>>, vector<1x16xf32>,
        %get3A_2145 = vector.shape_cast %get3A_2144 : vector<1x16xf32> to vector<16xf32>
        %add3A_2146 = arith.addf %add3A_2072, %get3A_2145 : vector<16xf32>
        %get3A_2147 = arith.constant 0 : i32
        %get3A_2148 = arith.constant 0 : i32
        %get3A_2149 = tpu.memref_slice %arg6[%scan3A_524, %get3A_2147, %get3A_2148] : memref<5x128x128xf32, #tpu.memory_space<vmem>> -> memref<1x128x128xf32, #tpu.memory_space<vmem>>
        %get3A_2150 = tpu.memref_squeeze %get3A_2149 : memref<1x128x128xf32, #tpu.memory_space<vmem>> -> memref<128x128xf32, #tpu.memory_space<vmem>>
        %get3A_2151 = arith.index_cast %scan3A_2137 : i32 to index
        %get3A_2152 = arith.constant 16 : index
        %get3A_2153 = tpu.vector_load %get3A_2150[%get3A_2151, %get3A_2152] {strides = array<i32>} : memref<128x128xf32, #tpu.memory_space<vmem>>, vector<1x16xf32>,
        %get3A_2154 = vector.shape_cast %get3A_2153 : vector<1x16xf32> to vector<16xf32>
        %add3A_2155 = arith.addf %add3A_2081, %get3A_2154 : vector<16xf32>
        %get3A_2156 = arith.constant 0 : i32
        %get3A_2157 = arith.constant 0 : i32
        %get3A_2158 = tpu.memref_slice %arg6[%scan3A_524, %get3A_2156, %get3A_2157] : memref<5x128x128xf32, #tpu.memory_space<vmem>> -> memref<1x128x128xf32, #tpu.memory_space<vmem>>
        %get3A_2159 = tpu.memref_squeeze %get3A_2158 : memref<1x128x128xf32, #tpu.memory_space<vmem>> -> memref<128x128xf32, #tpu.memory_space<vmem>>
        %get3A_2160 = arith.index_cast %scan3A_2137 : i32 to index
        %get3A_2161 = arith.constant 32 : index
        %get3A_2162 = tpu.vector_load %get3A_2159[%get3A_2160, %get3A_2161] {strides = array<i32>} : memref<128x128xf32, #tpu.memory_space<vmem>>, vector<1x16xf32>,
        %get3A_2163 = vector.shape_cast %get3A_2162 : vector<1x16xf32> to vector<16xf32>
        %add3A_2164 = arith.addf %add3A_2090, %get3A_2163 : vector<16xf32>
        %get3A_2165 = arith.constant 0 : i32
        %get3A_2166 = arith.constant 0 : i32
        %get3A_2167 = tpu.memref_slice %arg6[%scan3A_524, %get3A_2165, %get3A_2166] : memref<5x128x128xf32, #tpu.memory_space<vmem>> -> memref<1x128x128xf32, #tpu.memory_space<vmem>>
        %get3A_2168 = tpu.memref_squeeze %get3A_2167 : memref<1x128x128xf32, #tpu.memory_space<vmem>> -> memref<128x128xf32, #tpu.memory_space<vmem>>
        %get3A_2169 = arith.index_cast %scan3A_2137 : i32 to index
        %get3A_2170 = arith.constant 48 : index
        %get3A_2171 = tpu.vector_load %get3A_2168[%get3A_2169, %get3A_2170] {strides = array<i32>} : memref<128x128xf32, #tpu.memory_space<vmem>>, vector<1x16xf32>,
        %get3A_2172 = vector.shape_cast %get3A_2171 : vector<1x16xf32> to vector<16xf32>
        %add3A_2173 = arith.addf %add3A_2099, %get3A_2172 : vector<16xf32>
        %get3A_2174 = arith.constant 0 : i32
        %get3A_2175 = arith.constant 0 : i32
        %get3A_2176 = tpu.memref_slice %arg6[%scan3A_524, %get3A_2174, %get3A_2175] : memref<5x128x128xf32, #tpu.memory_space<vmem>> -> memref<1x128x128xf32, #tpu.memory_space<vmem>>
        %get3A_2177 = tpu.memref_squeeze %get3A_2176 : memref<1x128x128xf32, #tpu.memory_space<vmem>> -> memref<128x128xf32, #tpu.memory_space<vmem>>
        %get3A_2178 = arith.index_cast %scan3A_2137 : i32 to index
        %get3A_2179 = arith.constant 64 : index
        %get3A_2180 = tpu.vector_load %get3A_2177[%get3A_2178, %get3A_2179] {strides = array<i32>} : memref<128x128xf32, #tpu.memory_space<vmem>>, vector<1x16xf32>,
        %get3A_2181 = vector.shape_cast %get3A_2180 : vector<1x16xf32> to vector<16xf32>
        %add3A_2182 = arith.addf %add3A_2108, %get3A_2181 : vector<16xf32>
        %get3A_2183 = arith.constant 0 : i32
        %get3A_2184 = arith.constant 0 : i32
        %get3A_2185 = tpu.memref_slice %arg6[%scan3A_524, %get3A_2183, %get3A_2184] : memref<5x128x128xf32, #tpu.memory_space<vmem>> -> memref<1x128x128xf32, #tpu.memory_space<vmem>>
        %get3A_2186 = tpu.memref_squeeze %get3A_2185 : memref<1x128x128xf32, #tpu.memory_space<vmem>> -> memref<128x128xf32, #tpu.memory_space<vmem>>
        %get3A_2187 = arith.index_cast %scan3A_2137 : i32 to index
        %get3A_2188 = arith.constant 80 : index
        %get3A_2189 = tpu.vector_load %get3A_2186[%get3A_2187, %get3A_2188] {strides = array<i32>} : memref<128x128xf32, #tpu.memory_space<vmem>>, vector<1x16xf32>,
        %get3A_2190 = vector.shape_cast %get3A_2189 : vector<1x16xf32> to vector<16xf32>
        %add3A_2191 = arith.addf %add3A_2117, %get3A_2190 : vector<16xf32>
        %get3A_2192 = arith.constant 0 : i32
        %get3A_2193 = arith.constant 0 : i32
        %get3A_2194 = tpu.memref_slice %arg6[%scan3A_524, %get3A_2192, %get3A_2193] : memref<5x128x128xf32, #tpu.memory_space<vmem>> -> memref<1x128x128xf32, #tpu.memory_space<vmem>>
        %get3A_2195 = tpu.memref_squeeze %get3A_2194 : memref<1x128x128xf32, #tpu.memory_space<vmem>> -> memref<128x128xf32, #tpu.memory_space<vmem>>
        %get3A_2196 = arith.index_cast %scan3A_2137 : i32 to index
        %get3A_2197 = arith.constant 96 : index
        %get3A_2198 = tpu.vector_load %get3A_2195[%get3A_2196, %get3A_2197] {strides = array<i32>} : memref<128x128xf32, #tpu.memory_space<vmem>>, vector<1x16xf32>,
        %get3A_2199 = vector.shape_cast %get3A_2198 : vector<1x16xf32> to vector<16xf32>
        %add3A_2200 = arith.addf %add3A_2126, %get3A_2199 : vector<16xf32>
        %get3A_2201 = arith.constant 0 : i32
        %get3A_2202 = arith.constant 0 : i32
        %get3A_2203 = tpu.memref_slice %arg6[%scan3A_524, %get3A_2201, %get3A_2202] : memref<5x128x128xf32, #tpu.memory_space<vmem>> -> memref<1x128x128xf32, #tpu.memory_space<vmem>>
        %get3A_2204 = tpu.memref_squeeze %get3A_2203 : memref<1x128x128xf32, #tpu.memory_space<vmem>> -> memref<128x128xf32, #tpu.memory_space<vmem>>
        %get3A_2205 = arith.index_cast %scan3A_2137 : i32 to index
        %get3A_2206 = arith.constant 112 : index
        %get3A_2207 = tpu.vector_load %get3A_2204[%get3A_2205, %get3A_2206] {strides = array<i32>} : memref<128x128xf32, #tpu.memory_space<vmem>>, vector<1x16xf32>,
        %get3A_2208 = vector.shape_cast %get3A_2207 : vector<1x16xf32> to vector<16xf32>
        %add3A_2209 = arith.addf %add3A_2135, %get3A_2208 : vector<16xf32>
        scf.yield %add3A_2146, %add3A_2155, %add3A_2164, %add3A_2173, %add3A_2182, %add3A_2191, %add3A_2200, %add3A_2209 : vector<16xf32>, vector<16xf32>, vector<16xf32>, vector<16xf32>, vector<16xf32>, vector<16xf32>, vector<16xf32>, vector<16xf32>
      }
      %scan3A_530 = arith.constant 124 : i32
      %scan3A_531 = arith.addi %scan3A_525, %scan3A_530 : i32
      %get3A_532 = arith.constant 0 : i32
      %get3A_533 = arith.constant 0 : i32
      %get3A_534 = tpu.memref_slice %arg6[%scan3A_524, %get3A_532, %get3A_533] : memref<5x128x128xf32, #tpu.memory_space<vmem>> -> memref<1x128x128xf32, #tpu.memory_space<vmem>>
      %get3A_535 = tpu.memref_squeeze %get3A_534 : memref<1x128x128xf32, #tpu.memory_space<vmem>> -> memref<128x128xf32, #tpu.memory_space<vmem>>
      %get3A_536 = arith.index_cast %scan3A_531 : i32 to index
      %get3A_537 = arith.constant 0 : index
      %get3A_538 = tpu.vector_load %get3A_535[%get3A_536, %get3A_537] {strides = array<i32>} : memref<128x128xf32, #tpu.memory_space<vmem>>, vector<1x16xf32>,
      %get3A_539 = vector.shape_cast %get3A_538 : vector<1x16xf32> to vector<16xf32>
      %add3A_540 = arith.addf %scan3A_529#0, %get3A_539 : vector<16xf32>
      %get3A_541 = arith.constant 0 : i32
      %get3A_542 = arith.constant 0 : i32
      %get3A_543 = tpu.memref_slice %arg6[%scan3A_524, %get3A_541, %get3A_542] : memref<5x128x128xf32, #tpu.memory_space<vmem>> -> memref<1x128x128xf32, #tpu.memory_space<vmem>>
      %get3A_544 = tpu.memref_squeeze %get3A_543 : memref<1x128x128xf32, #tpu.memory_space<vmem>> -> memref<128x128xf32, #tpu.memory_space<vmem>>
      %get3A_545 = arith.index_cast %scan3A_531 : i32 to index
      %get3A_546 = arith.constant 16 : index
      %get3A_547 = tpu.vector_load %get3A_544[%get3A_545, %get3A_546] {strides = array<i32>} : memref<128x128xf32, #tpu.memory_space<vmem>>, vector<1x16xf32>,
      %get3A_548 = vector.shape_cast %get3A_547 : vector<1x16xf32> to vector<16xf32>
      %add3A_549 = arith.addf %scan3A_529#1, %get3A_548 : vector<16xf32>
      %get3A_550 = arith.constant 0 : i32
      %get3A_551 = arith.constant 0 : i32
      %get3A_552 = tpu.memref_slice %arg6[%scan3A_524, %get3A_550, %get3A_551] : memref<5x128x128xf32, #tpu.memory_space<vmem>> -> memref<1x128x128xf32, #tpu.memory_space<vmem>>
      %get3A_553 = tpu.memref_squeeze %get3A_552 : memref<1x128x128xf32, #tpu.memory_space<vmem>> -> memref<128x128xf32, #tpu.memory_space<vmem>>
      %get3A_554 = arith.index_cast %scan3A_531 : i32 to index
      %get3A_555 = arith.constant 32 : index
      %get3A_556 = tpu.vector_load %get3A_553[%get3A_554, %get3A_555] {strides = array<i32>} : memref<128x128xf32, #tpu.memory_space<vmem>>, vector<1x16xf32>,
      %get3A_557 = vector.shape_cast %get3A_556 : vector<1x16xf32> to vector<16xf32>
      %add3A_558 = arith.addf %scan3A_529#2, %get3A_557 : vector<16xf32>
      %get3A_559 = arith.constant 0 : i32
      %get3A_560 = arith.constant 0 : i32
      %get3A_561 = tpu.memref_slice %arg6[%scan3A_524, %get3A_559, %get3A_560] : memref<5x128x128xf32, #tpu.memory_space<vmem>> -> memref<1x128x128xf32, #tpu.memory_space<vmem>>
      %get3A_562 = tpu.memref_squeeze %get3A_561 : memref<1x128x128xf32, #tpu.memory_space<vmem>> -> memref<128x128xf32, #tpu.memory_space<vmem>>
      %get3A_563 = arith.index_cast %scan3A_531 : i32 to index
      %get3A_564 = arith.constant 48 : index
      %get3A_565 = tpu.vector_load %get3A_562[%get3A_563, %get3A_564] {strides = array<i32>} : memref<128x128xf32, #tpu.memory_space<vmem>>, vector<1x16xf32>,
      %get3A_566 = vector.shape_cast %get3A_565 : vector<1x16xf32> to vector<16xf32>
      %add3A_567 = arith.addf %scan3A_529#3, %get3A_566 : vector<16xf32>
      %get3A_568 = arith.constant 0 : i32
      %get3A_569 = arith.constant 0 : i32
      %get3A_570 = tpu.memref_slice %arg6[%scan3A_524, %get3A_568, %get3A_569] : memref<5x128x128xf32, #tpu.memory_space<vmem>> -> memref<1x128x128xf32, #tpu.memory_space<vmem>>
      %get3A_571 = tpu.memref_squeeze %get3A_570 : memref<1x128x128xf32, #tpu.memory_space<vmem>> -> memref<128x128xf32, #tpu.memory_space<vmem>>
      %get3A_572 = arith.index_cast %scan3A_531 : i32 to index
      %get3A_573 = arith.constant 64 : index
      %get3A_574 = tpu.vector_load %get3A_571[%get3A_572, %get3A_573] {strides = array<i32>} : memref<128x128xf32, #tpu.memory_space<vmem>>, vector<1x16xf32>,
      %get3A_575 = vector.shape_cast %get3A_574 : vector<1x16xf32> to vector<16xf32>
      %add3A_576 = arith.addf %scan3A_529#4, %get3A_575 : vector<16xf32>
      %get3A_577 = arith.constant 0 : i32
      %get3A_578 = arith.constant 0 : i32
      %get3A_579 = tpu.memref_slice %arg6[%scan3A_524, %get3A_577, %get3A_578] : memref<5x128x128xf32, #tpu.memory_space<vmem>> -> memref<1x128x128xf32, #tpu.memory_space<vmem>>
      %get3A_580 = tpu.memref_squeeze %get3A_579 : memref<1x128x128xf32, #tpu.memory_space<vmem>> -> memref<128x128xf32, #tpu.memory_space<vmem>>
      %get3A_581 = arith.index_cast %scan3A_531 : i32 to index
      %get3A_582 = arith.constant 80 : index
      %get3A_583 = tpu.vector_load %get3A_580[%get3A_581, %get3A_582] {strides = array<i32>} : memref<128x128xf32, #tpu.memory_space<vmem>>, vector<1x16xf32>,
      %get3A_584 = vector.shape_cast %get3A_583 : vector<1x16xf32> to vector<16xf32>
      %add3A_585 = arith.addf %scan3A_529#5, %get3A_584 : vector<16xf32>
      %get3A_586 = arith.constant 0 : i32
      %get3A_587 = arith.constant 0 : i32
      %get3A_588 = tpu.memref_slice %arg6[%scan3A_524, %get3A_586, %get3A_587] : memref<5x128x128xf32, #tpu.memory_space<vmem>> -> memref<1x128x128xf32, #tpu.memory_space<vmem>>
      %get3A_589 = tpu.memref_squeeze %get3A_588 : memref<1x128x128xf32, #tpu.memory_space<vmem>> -> memref<128x128xf32, #tpu.memory_space<vmem>>
      %get3A_590 = arith.index_cast %scan3A_531 : i32 to index
      %get3A_591 = arith.constant 96 : index
      %get3A_592 = tpu.vector_load %get3A_589[%get3A_590, %get3A_591] {strides = array<i32>} : memref<128x128xf32, #tpu.memory_space<vmem>>, vector<1x16xf32>,
      %get3A_593 = vector.shape_cast %get3A_592 : vector<1x16xf32> to vector<16xf32>
      %add3A_594 = arith.addf %scan3A_529#6, %get3A_593 : vector<16xf32>
      %get3A_595 = arith.constant 0 : i32
      %get3A_596 = arith.constant 0 : i32
      %get3A_597 = tpu.memref_slice %arg6[%scan3A_524, %get3A_595, %get3A_596] : memref<5x128x128xf32, #tpu.memory_space<vmem>> -> memref<1x128x128xf32, #tpu.memory_space<vmem>>
      %get3A_598 = tpu.memref_squeeze %get3A_597 : memref<1x128x128xf32, #tpu.memory_space<vmem>> -> memref<128x128xf32, #tpu.memory_space<vmem>>
      %get3A_599 = arith.index_cast %scan3A_531 : i32 to index
      %get3A_600 = arith.constant 112 : index
      %get3A_601 = tpu.vector_load %get3A_598[%get3A_599, %get3A_600] {strides = array<i32>} : memref<128x128xf32, #tpu.memory_space<vmem>>, vector<1x16xf32>,
      %get3A_602 = vector.shape_cast %get3A_601 : vector<1x16xf32> to vector<16xf32>
      %add3A_603 = arith.addf %scan3A_529#7, %get3A_602 : vector<16xf32>
      %scan3A_604 = arith.constant 125 : i32
      %scan3A_605 = arith.addi %scan3A_525, %scan3A_604 : i32
      %get3A_606 = arith.constant 0 : i32
      %get3A_607 = arith.constant 0 : i32
      %get3A_608 = tpu.memref_slice %arg6[%scan3A_524, %get3A_606, %get3A_607] : memref<5x128x128xf32, #tpu.memory_space<vmem>> -> memref<1x128x128xf32, #tpu.memory_space<vmem>>
      %get3A_609 = tpu.memref_squeeze %get3A_608 : memref<1x128x128xf32, #tpu.memory_space<vmem>> -> memref<128x128xf32, #tpu.memory_space<vmem>>
      %get3A_610 = arith.index_cast %scan3A_605 : i32 to index
      %get3A_611 = arith.constant 0 : index
      %get3A_612 = tpu.vector_load %get3A_609[%get3A_610, %get3A_611] {strides = array<i32>} : memref<128x128xf32, #tpu.memory_space<vmem>>, vector<1x16xf32>,
      %get3A_613 = vector.shape_cast %get3A_612 : vector<1x16xf32> to vector<16xf32>
      %add3A_614 = arith.addf %add3A_540, %get3A_613 : vector<16xf32>
      %get3A_615 = arith.constant 0 : i32
      %get3A_616 = arith.constant 0 : i32
      %get3A_617 = tpu.memref_slice %arg6[%scan3A_524, %get3A_615, %get3A_616] : memref<5x128x128xf32, #tpu.memory_space<vmem>> -> memref<1x128x128xf32, #tpu.memory_space<vmem>>
      %get3A_618 = tpu.memref_squeeze %get3A_617 : memref<1x128x128xf32, #tpu.memory_space<vmem>> -> memref<128x128xf32, #tpu.memory_space<vmem>>
      %get3A_619 = arith.index_cast %scan3A_605 : i32 to index
      %get3A_620 = arith.constant 16 : index
      %get3A_621 = tpu.vector_load %get3A_618[%get3A_619, %get3A_620] {strides = array<i32>} : memref<128x128xf32, #tpu.memory_space<vmem>>, vector<1x16xf32>,
      %get3A_622 = vector.shape_cast %get3A_621 : vector<1x16xf32> to vector<16xf32>
      %add3A_623 = arith.addf %add3A_549, %get3A_622 : vector<16xf32>
      %get3A_624 = arith.constant 0 : i32
      %get3A_625 = arith.constant 0 : i32
      %get3A_626 = tpu.memref_slice %arg6[%scan3A_524, %get3A_624, %get3A_625] : memref<5x128x128xf32, #tpu.memory_space<vmem>> -> memref<1x128x128xf32, #tpu.memory_space<vmem>>
      %get3A_627 = tpu.memref_squeeze %get3A_626 : memref<1x128x128xf32, #tpu.memory_space<vmem>> -> memref<128x128xf32, #tpu.memory_space<vmem>>
      %get3A_628 = arith.index_cast %scan3A_605 : i32 to index
      %get3A_629 = arith.constant 32 : index
      %get3A_630 = tpu.vector_load %get3A_627[%get3A_628, %get3A_629] {strides = array<i32>} : memref<128x128xf32, #tpu.memory_space<vmem>>, vector<1x16xf32>,
      %get3A_631 = vector.shape_cast %get3A_630 : vector<1x16xf32> to vector<16xf32>
      %add3A_632 = arith.addf %add3A_558, %get3A_631 : vector<16xf32>
      %get3A_633 = arith.constant 0 : i32
      %get3A_634 = arith.constant 0 : i32
      %get3A_635 = tpu.memref_slice %arg6[%scan3A_524, %get3A_633, %get3A_634] : memref<5x128x128xf32, #tpu.memory_space<vmem>> -> memref<1x128x128xf32, #tpu.memory_space<vmem>>
      %get3A_636 = tpu.memref_squeeze %get3A_635 : memref<1x128x128xf32, #tpu.memory_space<vmem>> -> memref<128x128xf32, #tpu.memory_space<vmem>>
      %get3A_637 = arith.index_cast %scan3A_605 : i32 to index
      %get3A_638 = arith.constant 48 : index
      %get3A_639 = tpu.vector_load %get3A_636[%get3A_637, %get3A_638] {strides = array<i32>} : memref<128x128xf32, #tpu.memory_space<vmem>>, vector<1x16xf32>,
      %get3A_640 = vector.shape_cast %get3A_639 : vector<1x16xf32> to vector<16xf32>
      %add3A_641 = arith.addf %add3A_567, %get3A_640 : vector<16xf32>
      %get3A_642 = arith.constant 0 : i32
      %get3A_643 = arith.constant 0 : i32
      %get3A_644 = tpu.memref_slice %arg6[%scan3A_524, %get3A_642, %get3A_643] : memref<5x128x128xf32, #tpu.memory_space<vmem>> -> memref<1x128x128xf32, #tpu.memory_space<vmem>>
      %get3A_645 = tpu.memref_squeeze %get3A_644 : memref<1x128x128xf32, #tpu.memory_space<vmem>> -> memref<128x128xf32, #tpu.memory_space<vmem>>
      %get3A_646 = arith.index_cast %scan3A_605 : i32 to index
      %get3A_647 = arith.constant 64 : index
      %get3A_648 = tpu.vector_load %get3A_645[%get3A_646, %get3A_647] {strides = array<i32>} : memref<128x128xf32, #tpu.memory_space<vmem>>, vector<1x16xf32>,
      %get3A_649 = vector.shape_cast %get3A_648 : vector<1x16xf32> to vector<16xf32>
      %add3A_650 = arith.addf %add3A_576, %get3A_649 : vector<16xf32>
      %get3A_651 = arith.constant 0 : i32
      %get3A_652 = arith.constant 0 : i32
      %get3A_653 = tpu.memref_slice %arg6[%scan3A_524, %get3A_651, %get3A_652] : memref<5x128x128xf32, #tpu.memory_space<vmem>> -> memref<1x128x128xf32, #tpu.memory_space<vmem>>
      %get3A_654 = tpu.memref_squeeze %get3A_653 : memref<1x128x128xf32, #tpu.memory_space<vmem>> -> memref<128x128xf32, #tpu.memory_space<vmem>>
      %get3A_655 = arith.index_cast %scan3A_605 : i32 to index
      %get3A_656 = arith.constant 80 : index
      %get3A_657 = tpu.vector_load %get3A_654[%get3A_655, %get3A_656] {strides = array<i32>} : memref<128x128xf32, #tpu.memory_space<vmem>>, vector<1x16xf32>,
      %get3A_658 = vector.shape_cast %get3A_657 : vector<1x16xf32> to vector<16xf32>
      %add3A_659 = arith.addf %add3A_585, %get3A_658 : vector<16xf32>
      %get3A_660 = arith.constant 0 : i32
      %get3A_661 = arith.constant 0 : i32
      %get3A_662 = tpu.memref_slice %arg6[%scan3A_524, %get3A_660, %get3A_661] : memref<5x128x128xf32, #tpu.memory_space<vmem>> -> memref<1x128x128xf32, #tpu.memory_space<vmem>>
      %get3A_663 = tpu.memref_squeeze %get3A_662 : memref<1x128x128xf32, #tpu.memory_space<vmem>> -> memref<128x128xf32, #tpu.memory_space<vmem>>
      %get3A_664 = arith.index_cast %scan3A_605 : i32 to index
      %get3A_665 = arith.constant 96 : index
      %get3A_666 = tpu.vector_load %get3A_663[%get3A_664, %get3A_665] {strides = array<i32>} : memref<128x128xf32, #tpu.memory_space<vmem>>, vector<1x16xf32>,
      %get3A_667 = vector.shape_cast %get3A_666 : vector<1x16xf32> to vector<16xf32>
      %add3A_668 = arith.addf %add3A_594, %get3A_667 : vector<16xf32>
      %get3A_669 = arith.constant 0 : i32
      %get3A_670 = arith.constant 0 : i32
      %get3A_671 = tpu.memref_slice %arg6[%scan3A_524, %get3A_669, %get3A_670] : memref<5x128x128xf32, #tpu.memory_space<vmem>> -> memref<1x128x128xf32, #tpu.memory_space<vmem>>
      %get3A_672 = tpu.memref_squeeze %get3A_671 : memref<1x128x128xf32, #tpu.memory_space<vmem>> -> memref<128x128xf32, #tpu.memory_space<vmem>>
      %get3A_673 = arith.index_cast %scan3A_605 : i32 to index
      %get3A_674 = arith.constant 112 : index
      %get3A_675 = tpu.vector_load %get3A_672[%get3A_673, %get3A_674] {strides = array<i32>} : memref<128x128xf32, #tpu.memory_space<vmem>>, vector<1x16xf32>,
      %get3A_676 = vector.shape_cast %get3A_675 : vector<1x16xf32> to vector<16xf32>
      %add3A_677 = arith.addf %add3A_603, %get3A_676 : vector<16xf32>
      %scan3A_678 = arith.constant 126 : i32
      %scan3A_679 = arith.addi %scan3A_525, %scan3A_678 : i32
      %get3A_680 = arith.constant 0 : i32
      %get3A_681 = arith.constant 0 : i32
      %get3A_682 = tpu.memref_slice %arg6[%scan3A_524, %get3A_680, %get3A_681] : memref<5x128x128xf32, #tpu.memory_space<vmem>> -> memref<1x128x128xf32, #tpu.memory_space<vmem>>
      %get3A_683 = tpu.memref_squeeze %get3A_682 : memref<1x128x128xf32, #tpu.memory_space<vmem>> -> memref<128x128xf32, #tpu.memory_space<vmem>>
      %get3A_684 = arith.index_cast %scan3A_679 : i32 to index
      %get3A_685 = arith.constant 0 : index
      %get3A_686 = tpu.vector_load %get3A_683[%get3A_684, %get3A_685] {strides = array<i32>} : memref<128x128xf32, #tpu.memory_space<vmem>>, vector<1x16xf32>,
      %get3A_687 = vector.shape_cast %get3A_686 : vector<1x16xf32> to vector<16xf32>
      %add3A_688 = arith.addf %add3A_614, %get3A_687 : vector<16xf32>
      %get3A_689 = arith.constant 0 : i32
      %get3A_690 = arith.constant 0 : i32
      %get3A_691 = tpu.memref_slice %arg6[%scan3A_524, %get3A_689, %get3A_690] : memref<5x128x128xf32, #tpu.memory_space<vmem>> -> memref<1x128x128xf32, #tpu.memory_space<vmem>>
      %get3A_692 = tpu.memref_squeeze %get3A_691 : memref<1x128x128xf32, #tpu.memory_space<vmem>> -> memref<128x128xf32, #tpu.memory_space<vmem>>
      %get3A_693 = arith.index_cast %scan3A_679 : i32 to index
      %get3A_694 = arith.constant 16 : index
      %get3A_695 = tpu.vector_load %get3A_692[%get3A_693, %get3A_694] {strides = array<i32>} : memref<128x128xf32, #tpu.memory_space<vmem>>, vector<1x16xf32>,
      %get3A_696 = vector.shape_cast %get3A_695 : vector<1x16xf32> to vector<16xf32>
      %add3A_697 = arith.addf %add3A_623, %get3A_696 : vector<16xf32>
      %get3A_698 = arith.constant 0 : i32
      %get3A_699 = arith.constant 0 : i32
      %get3A_700 = tpu.memref_slice %arg6[%scan3A_524, %get3A_698, %get3A_699] : memref<5x128x128xf32, #tpu.memory_space<vmem>> -> memref<1x128x128xf32, #tpu.memory_space<vmem>>
      %get3A_701 = tpu.memref_squeeze %get3A_700 : memref<1x128x128xf32, #tpu.memory_space<vmem>> -> memref<128x128xf32, #tpu.memory_space<vmem>>
      %get3A_702 = arith.index_cast %scan3A_679 : i32 to index
      %get3A_703 = arith.constant 32 : index
      %get3A_704 = tpu.vector_load %get3A_701[%get3A_702, %get3A_703] {strides = array<i32>} : memref<128x128xf32, #tpu.memory_space<vmem>>, vector<1x16xf32>,
      %get3A_705 = vector.shape_cast %get3A_704 : vector<1x16xf32> to vector<16xf32>
      %add3A_706 = arith.addf %add3A_632, %get3A_705 : vector<16xf32>
      %get3A_707 = arith.constant 0 : i32
      %get3A_708 = arith.constant 0 : i32
      %get3A_709 = tpu.memref_slice %arg6[%scan3A_524, %get3A_707, %get3A_708] : memref<5x128x128xf32, #tpu.memory_space<vmem>> -> memref<1x128x128xf32, #tpu.memory_space<vmem>>
      %get3A_710 = tpu.memref_squeeze %get3A_709 : memref<1x128x128xf32, #tpu.memory_space<vmem>> -> memref<128x128xf32, #tpu.memory_space<vmem>>
      %get3A_711 = arith.index_cast %scan3A_679 : i32 to index
      %get3A_712 = arith.constant 48 : index
      %get3A_713 = tpu.vector_load %get3A_710[%get3A_711, %get3A_712] {strides = array<i32>} : memref<128x128xf32, #tpu.memory_space<vmem>>, vector<1x16xf32>,
      %get3A_714 = vector.shape_cast %get3A_713 : vector<1x16xf32> to vector<16xf32>
      %add3A_715 = arith.addf %add3A_641, %get3A_714 : vector<16xf32>
      %get3A_716 = arith.constant 0 : i32
      %get3A_717 = arith.constant 0 : i32
      %get3A_718 = tpu.memref_slice %arg6[%scan3A_524, %get3A_716, %get3A_717] : memref<5x128x128xf32, #tpu.memory_space<vmem>> -> memref<1x128x128xf32, #tpu.memory_space<vmem>>
      %get3A_719 = tpu.memref_squeeze %get3A_718 : memref<1x128x128xf32, #tpu.memory_space<vmem>> -> memref<128x128xf32, #tpu.memory_space<vmem>>
      %get3A_720 = arith.index_cast %scan3A_679 : i32 to index
      %get3A_721 = arith.constant 64 : index
      %get3A_722 = tpu.vector_load %get3A_719[%get3A_720, %get3A_721] {strides = array<i32>} : memref<128x128xf32, #tpu.memory_space<vmem>>, vector<1x16xf32>,
      %get3A_723 = vector.shape_cast %get3A_722 : vector<1x16xf32> to vector<16xf32>
      %add3A_724 = arith.addf %add3A_650, %get3A_723 : vector<16xf32>
      %get3A_725 = arith.constant 0 : i32
      %get3A_726 = arith.constant 0 : i32
      %get3A_727 = tpu.memref_slice %arg6[%scan3A_524, %get3A_725, %get3A_726] : memref<5x128x128xf32, #tpu.memory_space<vmem>> -> memref<1x128x128xf32, #tpu.memory_space<vmem>>
      %get3A_728 = tpu.memref_squeeze %get3A_727 : memref<1x128x128xf32, #tpu.memory_space<vmem>> -> memref<128x128xf32, #tpu.memory_space<vmem>>
      %get3A_729 = arith.index_cast %scan3A_679 : i32 to index
      %get3A_730 = arith.constant 80 : index
      %get3A_731 = tpu.vector_load %get3A_728[%get3A_729, %get3A_730] {strides = array<i32>} : memref<128x128xf32, #tpu.memory_space<vmem>>, vector<1x16xf32>,
      %get3A_732 = vector.shape_cast %get3A_731 : vector<1x16xf32> to vector<16xf32>
      %add3A_733 = arith.addf %add3A_659, %get3A_732 : vector<16xf32>
      %get3A_734 = arith.constant 0 : i32
      %get3A_735 = arith.constant 0 : i32
      %get3A_736 = tpu.memref_slice %arg6[%scan3A_524, %get3A_734, %get3A_735] : memref<5x128x128xf32, #tpu.memory_space<vmem>> -> memref<1x128x128xf32, #tpu.memory_space<vmem>>
      %get3A_737 = tpu.memref_squeeze %get3A_736 : memref<1x128x128xf32, #tpu.memory_space<vmem>> -> memref<128x128xf32, #tpu.memory_space<vmem>>
      %get3A_738 = arith.index_cast %scan3A_679 : i32 to index
      %get3A_739 = arith.constant 96 : index
      %get3A_740 = tpu.vector_load %get3A_737[%get3A_738, %get3A_739] {strides = array<i32>} : memref<128x128xf32, #tpu.memory_space<vmem>>, vector<1x16xf32>,
      %get3A_741 = vector.shape_cast %get3A_740 : vector<1x16xf32> to vector<16xf32>
      %add3A_742 = arith.addf %add3A_668, %get3A_741 : vector<16xf32>
      %get3A_743 = arith.constant 0 : i32
      %get3A_744 = arith.constant 0 : i32
      %get3A_745 = tpu.memref_slice %arg6[%scan3A_524, %get3A_743, %get3A_744] : memref<5x128x128xf32, #tpu.memory_space<vmem>> -> memref<1x128x128xf32, #tpu.memory_space<vmem>>
      %get3A_746 = tpu.memref_squeeze %get3A_745 : memref<1x128x128xf32, #tpu.memory_space<vmem>> -> memref<128x128xf32, #tpu.memory_space<vmem>>
      %get3A_747 = arith.index_cast %scan3A_679 : i32 to index
      %get3A_748 = arith.constant 112 : index
      %get3A_749 = tpu.vector_load %get3A_746[%get3A_747, %get3A_748] {strides = array<i32>} : memref<128x128xf32, #tpu.memory_space<vmem>>, vector<1x16xf32>,
      %get3A_750 = vector.shape_cast %get3A_749 : vector<1x16xf32> to vector<16xf32>
      %add3A_751 = arith.addf %add3A_677, %get3A_750 : vector<16xf32>
      %scan3A_752 = arith.constant 127 : i32
      %swap3A_753 = arith.index_cast %add3A_423 : i32 to index
      %swap3A_754 = arith.constant 0 : index
      %swap3A_755 = tpu.vector_load %arg7[%swap3A_753, %swap3A_754] {strides = array<i32>} : memref<50x128xf32, #tpu.memory_space<vmem>>, vector<1x16xf32>,
      %swap3A_756 = vector.shape_cast %swap3A_755 : vector<1x16xf32> to vector<16xf32>
      %swap3A_757 = vector.shape_cast %add3A_688 : vector<16xf32> to vector<1x16xf32>
      tpu.vector_store %arg7[%swap3A_753, %swap3A_754], %swap3A_757 {strides = array<i32>} : memref<50x128xf32, #tpu.memory_space<vmem>>, vector<1x16xf32>,
      %swap3A_758 = arith.index_cast %add3A_423 : i32 to index
      %swap3A_759 = arith.constant 16 : index
      %swap3A_760 = tpu.vector_load %arg7[%swap3A_758, %swap3A_759] {strides = array<i32>} : memref<50x128xf32, #tpu.memory_space<vmem>>, vector<1x16xf32>,
      %swap3A_761 = vector.shape_cast %swap3A_760 : vector<1x16xf32> to vector<16xf32>
      %swap3A_762 = vector.shape_cast %add3A_697 : vector<16xf32> to vector<1x16xf32>
      tpu.vector_store %arg7[%swap3A_758, %swap3A_759], %swap3A_762 {strides = array<i32>} : memref<50x128xf32, #tpu.memory_space<vmem>>, vector<1x16xf32>,
      %swap3A_763 = arith.index_cast %add3A_423 : i32 to index
      %swap3A_764 = arith.constant 32 : index
      %swap3A_765 = tpu.vector_load %arg7[%swap3A_763, %swap3A_764] {strides = array<i32>} : memref<50x128xf32, #tpu.memory_space<vmem>>, vector<1x16xf32>,
      %swap3A_766 = vector.shape_cast %swap3A_765 : vector<1x16xf32> to vector<16xf32>
      %swap3A_767 = vector.shape_cast %add3A_706 : vector<16xf32> to vector<1x16xf32>
      tpu.vector_store %arg7[%swap3A_763, %swap3A_764], %swap3A_767 {strides = array<i32>} : memref<50x128xf32, #tpu.memory_space<vmem>>, vector<1x16xf32>,
      %swap3A_768 = arith.index_cast %add3A_423 : i32 to index
      %swap3A_769 = arith.constant 48 : index
      %swap3A_770 = tpu.vector_load %arg7[%swap3A_768, %swap3A_769] {strides = array<i32>} : memref<50x128xf32, #tpu.memory_space<vmem>>, vector<1x16xf32>,
      %swap3A_771 = vector.shape_cast %swap3A_770 : vector<1x16xf32> to vector<16xf32>
      %swap3A_772 = vector.shape_cast %add3A_715 : vector<16xf32> to vector<1x16xf32>
      tpu.vector_store %arg7[%swap3A_768, %swap3A_769], %swap3A_772 {strides = array<i32>} : memref<50x128xf32, #tpu.memory_space<vmem>>, vector<1x16xf32>,
      %swap3A_773 = arith.index_cast %add3A_423 : i32 to index
      %swap3A_774 = arith.constant 64 : index
      %swap3A_775 = tpu.vector_load %arg7[%swap3A_773, %swap3A_774] {strides = array<i32>} : memref<50x128xf32, #tpu.memory_space<vmem>>, vector<1x16xf32>,
      %swap3A_776 = vector.shape_cast %swap3A_775 : vector<1x16xf32> to vector<16xf32>
      %swap3A_777 = vector.shape_cast %add3A_724 : vector<16xf32> to vector<1x16xf32>
      tpu.vector_store %arg7[%swap3A_773, %swap3A_774], %swap3A_777 {strides = array<i32>} : memref<50x128xf32, #tpu.memory_space<vmem>>, vector<1x16xf32>,
      %swap3A_778 = arith.index_cast %add3A_423 : i32 to index
      %swap3A_779 = arith.constant 80 : index
      %swap3A_780 = tpu.vector_load %arg7[%swap3A_778, %swap3A_779] {strides = array<i32>} : memref<50x128xf32, #tpu.memory_space<vmem>>, vector<1x16xf32>,
      %swap3A_781 = vector.shape_cast %swap3A_780 : vector<1x16xf32> to vector<16xf32>
      %swap3A_782 = vector.shape_cast %add3A_733 : vector<16xf32> to vector<1x16xf32>
      tpu.vector_store %arg7[%swap3A_778, %swap3A_779], %swap3A_782 {strides = array<i32>} : memref<50x128xf32, #tpu.memory_space<vmem>>, vector<1x16xf32>,
      %swap3A_783 = arith.index_cast %add3A_423 : i32 to index
      %swap3A_784 = arith.constant 96 : index
      %swap3A_785 = tpu.vector_load %arg7[%swap3A_783, %swap3A_784] {strides = array<i32>} : memref<50x128xf32, #tpu.memory_space<vmem>>, vector<1x16xf32>,
      %swap3A_786 = vector.shape_cast %swap3A_785 : vector<1x16xf32> to vector<16xf32>
      %swap3A_787 = vector.shape_cast %add3A_742 : vector<16xf32> to vector<1x16xf32>
      tpu.vector_store %arg7[%swap3A_783, %swap3A_784], %swap3A_787 {strides = array<i32>} : memref<50x128xf32, #tpu.memory_space<vmem>>, vector<1x16xf32>,
      %swap3A_788 = arith.index_cast %add3A_423 : i32 to index
      %swap3A_789 = arith.constant 112 : index
      %swap3A_790 = tpu.vector_load %arg7[%swap3A_788, %swap3A_789] {strides = array<i32>} : memref<50x128xf32, #tpu.memory_space<vmem>>, vector<1x16xf32>,
      %swap3A_791 = vector.shape_cast %swap3A_790 : vector<1x16xf32> to vector<16xf32>
      %swap3A_792 = vector.shape_cast %add3A_751 : vector<16xf32> to vector<1x16xf32>
      tpu.vector_store %arg7[%swap3A_788, %swap3A_789], %swap3A_792 {strides = array<i32>} : memref<50x128xf32, #tpu.memory_space<vmem>>, vector<1x16xf32>,
      %add3A_793 = arith.constant 2 : i32
      %add3A_794 = arith.addi %mul3A_57, %add3A_793 : i32
      %add3A_795 = arith.constant 5 : i32
      %add3A_796 = arith.addi %add3A_794, %add3A_795 : i32
      %sub3A_797 = arith.constant 1 : i32
      %sub3A_798 = arith.subi %add3A_796, %sub3A_797 : i32
      %lt3A_799 = arith.constant 50 : i32
      %lt3A_800 = arith.cmpi slt, %sub3A_798, %lt3A_799 : i32
      %convert_element_type3A_801 = arith.extui %lt3A_800 : i1 to i32
      %cond3A_802 = arith.constant 0 : i32
      %cond3A_803 = arith.cmpi ne, %convert_element_type3A_801, %cond3A_802 : i32
      scf.if %cond3A_803 {
        %add3A_1907 = arith.constant 5 : i32
        %add3A_1908 = arith.addi %add3A_794, %add3A_1907 : i32
        %sub3A_1909 = arith.constant 1 : i32
        %sub3A_1910 = arith.subi %add3A_1908, %sub3A_1909 : i32
        %dma_start3A_1911 = arith.constant 1 : i32
        %dma_start3A_1912 = arith.constant 0 : i32
        %dma_start3A_1913 = arith.constant 0 : i32
        %dma_start3A_1914 = tpu.memref_slice %arg6[%dma_start3A_1911, %dma_start3A_1912, %dma_start3A_1913] : memref<5x128x128xf32, #tpu.memory_space<vmem>> -> memref<1x128x128xf32, #tpu.memory_space<vmem>>
        %dma_start3A_1915 = tpu.memref_squeeze %dma_start3A_1914 : memref<1x128x128xf32, #tpu.memory_space<vmem>> -> memref<128x128xf32, #tpu.memory_space<vmem>>
        %dma_start3A_1916 = arith.constant 0 : i32
        %dma_start3A_1917 = tpu.memref_slice %arg5[%sub3A_1910, %dma_start3A_1916] : memref<50x128xi32, #tpu.memory_space<vmem>> -> memref<1x128xi32, #tpu.memory_space<vmem>>
        %dma_start3A_1918 = tpu.memref_squeeze %dma_start3A_1917 : memref<1x128xi32, #tpu.memory_space<vmem>> -> memref<128xi32, #tpu.memory_space<vmem>>
        %dma_start3A_1919 = arith.constant 0 : i32
        %dma_start3A_1920 = arith.constant 0 : i32
        %dma_start3A_1921 = tpu.memref_slice %arg3[%dma_start3A_1919, %dma_start3A_1920] : memref<100000x128xf32, #tpu.memory_space<hbm>> -> memref<100000x128xf32, #tpu.memory_space<hbm>>
        tpu.enqueue_indirect_dma source(%dma_start3A_1921 : memref<100000x128xf32, #tpu.memory_space<hbm>>) target(%dma_start3A_1915 : memref<128x128xf32, #tpu.memory_space<vmem>>) offsets(%dma_start3A_1918 : memref<128xi32, #tpu.memory_space<vmem>>) semaphore(%arg9 : memref<!tpu.dma_semaphore, #tpu.memory_space<semaphore_mem>>)
      } else {
      }
      %dma_wait3A_804 = arith.constant 2 : i32
      %dma_wait3A_805 = arith.constant 0 : i32
      %dma_wait3A_806 = arith.constant 0 : i32
      %dma_wait3A_807 = tpu.memref_slice %arg6[%dma_wait3A_804, %dma_wait3A_805, %dma_wait3A_806] : memref<5x128x128xf32, #tpu.memory_space<vmem>> -> memref<1x128x128xf32, #tpu.memory_space<vmem>>
      %dma_wait3A_808 = tpu.memref_squeeze %dma_wait3A_807 : memref<1x128x128xf32, #tpu.memory_space<vmem>> -> memref<128x128xf32, #tpu.memory_space<vmem>>
      %dma_wait3A_809 = arith.constant 0 : i32
      %dma_wait3A_810 = tpu.memref_slice %arg5[%add3A_794, %dma_wait3A_809] : memref<50x128xi32, #tpu.memory_space<vmem>> -> memref<1x128xi32, #tpu.memory_space<vmem>>
      %dma_wait3A_811 = tpu.memref_squeeze %dma_wait3A_810 : memref<1x128xi32, #tpu.memory_space<vmem>> -> memref<128xi32, #tpu.memory_space<vmem>>
      %dma_wait3A_812 = arith.constant 0 : i32
      %dma_wait3A_813 = arith.constant 0 : i32
      %dma_wait3A_814 = tpu.memref_slice %arg3[%dma_wait3A_812, %dma_wait3A_813] : memref<100000x128xf32, #tpu.memory_space<hbm>> -> memref<100000x128xf32, #tpu.memory_space<hbm>>
      tpu.wait_indirect_dma semaphore(%arg10 : memref<!tpu.dma_semaphore, #tpu.memory_space<semaphore_mem>>) src(%dma_wait3A_814 : memref<100000x128xf32, #tpu.memory_space<hbm>>) dst(%dma_wait3A_808 : memref<128x128xf32, #tpu.memory_space<vmem>>)
      %get3A_815 = arith.constant 2 : i32
      %get3A_816 = arith.constant 0 : i32
      %get3A_817 = arith.constant 0 : i32
      %get3A_818 = arith.constant 0 : i32
      %get3A_819 = tpu.memref_slice %arg6[%get3A_815, %get3A_817, %get3A_818] : memref<5x128x128xf32, #tpu.memory_space<vmem>> -> memref<1x128x128xf32, #tpu.memory_space<vmem>>
      %get3A_820 = tpu.memref_squeeze %get3A_819 : memref<1x128x128xf32, #tpu.memory_space<vmem>> -> memref<128x128xf32, #tpu.memory_space<vmem>>
      %get3A_821 = arith.index_cast %get3A_816 : i32 to index
      %get3A_822 = arith.constant 0 : index
      %get3A_823 = tpu.vector_load %get3A_820[%get3A_821, %get3A_822] {strides = array<i32>} : memref<128x128xf32, #tpu.memory_space<vmem>>, vector<1x16xf32>,
      %get3A_824 = vector.shape_cast %get3A_823 : vector<1x16xf32> to vector<16xf32>
      %get3A_825 = arith.constant 2 : i32
      %get3A_826 = arith.constant 0 : i32
      %get3A_827 = arith.constant 0 : i32
      %get3A_828 = arith.constant 0 : i32
      %get3A_829 = tpu.memref_slice %arg6[%get3A_825, %get3A_827, %get3A_828] : memref<5x128x128xf32, #tpu.memory_space<vmem>> -> memref<1x128x128xf32, #tpu.memory_space<vmem>>
      %get3A_830 = tpu.memref_squeeze %get3A_829 : memref<1x128x128xf32, #tpu.memory_space<vmem>> -> memref<128x128xf32, #tpu.memory_space<vmem>>
      %get3A_831 = arith.index_cast %get3A_826 : i32 to index
      %get3A_832 = arith.constant 16 : index
      %get3A_833 = tpu.vector_load %get3A_830[%get3A_831, %get3A_832] {strides = array<i32>} : memref<128x128xf32, #tpu.memory_space<vmem>>, vector<1x16xf32>,
      %get3A_834 = vector.shape_cast %get3A_833 : vector<1x16xf32> to vector<16xf32>
      %get3A_835 = arith.constant 2 : i32
      %get3A_836 = arith.constant 0 : i32
      %get3A_837 = arith.constant 0 : i32
      %get3A_838 = arith.constant 0 : i32
      %get3A_839 = tpu.memref_slice %arg6[%get3A_835, %get3A_837, %get3A_838] : memref<5x128x128xf32, #tpu.memory_space<vmem>> -> memref<1x128x128xf32, #tpu.memory_space<vmem>>
      %get3A_840 = tpu.memref_squeeze %get3A_839 : memref<1x128x128xf32, #tpu.memory_space<vmem>> -> memref<128x128xf32, #tpu.memory_space<vmem>>
      %get3A_841 = arith.index_cast %get3A_836 : i32 to index
      %get3A_842 = arith.constant 32 : index
      %get3A_843 = tpu.vector_load %get3A_840[%get3A_841, %get3A_842] {strides = array<i32>} : memref<128x128xf32, #tpu.memory_space<vmem>>, vector<1x16xf32>,
      %get3A_844 = vector.shape_cast %get3A_843 : vector<1x16xf32> to vector<16xf32>
      %get3A_845 = arith.constant 2 : i32
      %get3A_846 = arith.constant 0 : i32
      %get3A_847 = arith.constant 0 : i32
      %get3A_848 = arith.constant 0 : i32
      %get3A_849 = tpu.memref_slice %arg6[%get3A_845, %get3A_847, %get3A_848] : memref<5x128x128xf32, #tpu.memory_space<vmem>> -> memref<1x128x128xf32, #tpu.memory_space<vmem>>
      %get3A_850 = tpu.memref_squeeze %get3A_849 : memref<1x128x128xf32, #tpu.memory_space<vmem>> -> memref<128x128xf32, #tpu.memory_space<vmem>>
      %get3A_851 = arith.index_cast %get3A_846 : i32 to index
      %get3A_852 = arith.constant 48 : index
      %get3A_853 = tpu.vector_load %get3A_850[%get3A_851, %get3A_852] {strides = array<i32>} : memref<128x128xf32, #tpu.memory_space<vmem>>, vector<1x16xf32>,
      %get3A_854 = vector.shape_cast %get3A_853 : vector<1x16xf32> to vector<16xf32>
      %get3A_855 = arith.constant 2 : i32
      %get3A_856 = arith.constant 0 : i32
      %get3A_857 = arith.constant 0 : i32
      %get3A_858 = arith.constant 0 : i32
      %get3A_859 = tpu.memref_slice %arg6[%get3A_855, %get3A_857, %get3A_858] : memref<5x128x128xf32, #tpu.memory_space<vmem>> -> memref<1x128x128xf32, #tpu.memory_space<vmem>>
      %get3A_860 = tpu.memref_squeeze %get3A_859 : memref<1x128x128xf32, #tpu.memory_space<vmem>> -> memref<128x128xf32, #tpu.memory_space<vmem>>
      %get3A_861 = arith.index_cast %get3A_856 : i32 to index
      %get3A_862 = arith.constant 64 : index
      %get3A_863 = tpu.vector_load %get3A_860[%get3A_861, %get3A_862] {strides = array<i32>} : memref<128x128xf32, #tpu.memory_space<vmem>>, vector<1x16xf32>,
      %get3A_864 = vector.shape_cast %get3A_863 : vector<1x16xf32> to vector<16xf32>
      %get3A_865 = arith.constant 2 : i32
      %get3A_866 = arith.constant 0 : i32
      %get3A_867 = arith.constant 0 : i32
      %get3A_868 = arith.constant 0 : i32
      %get3A_869 = tpu.memref_slice %arg6[%get3A_865, %get3A_867, %get3A_868] : memref<5x128x128xf32, #tpu.memory_space<vmem>> -> memref<1x128x128xf32, #tpu.memory_space<vmem>>
      %get3A_870 = tpu.memref_squeeze %get3A_869 : memref<1x128x128xf32, #tpu.memory_space<vmem>> -> memref<128x128xf32, #tpu.memory_space<vmem>>
      %get3A_871 = arith.index_cast %get3A_866 : i32 to index
      %get3A_872 = arith.constant 80 : index
      %get3A_873 = tpu.vector_load %get3A_870[%get3A_871, %get3A_872] {strides = array<i32>} : memref<128x128xf32, #tpu.memory_space<vmem>>, vector<1x16xf32>,
      %get3A_874 = vector.shape_cast %get3A_873 : vector<1x16xf32> to vector<16xf32>
      %get3A_875 = arith.constant 2 : i32
      %get3A_876 = arith.constant 0 : i32
      %get3A_877 = arith.constant 0 : i32
      %get3A_878 = arith.constant 0 : i32
      %get3A_879 = tpu.memref_slice %arg6[%get3A_875, %get3A_877, %get3A_878] : memref<5x128x128xf32, #tpu.memory_space<vmem>> -> memref<1x128x128xf32, #tpu.memory_space<vmem>>
      %get3A_880 = tpu.memref_squeeze %get3A_879 : memref<1x128x128xf32, #tpu.memory_space<vmem>> -> memref<128x128xf32, #tpu.memory_space<vmem>>
      %get3A_881 = arith.index_cast %get3A_876 : i32 to index
      %get3A_882 = arith.constant 96 : index
      %get3A_883 = tpu.vector_load %get3A_880[%get3A_881, %get3A_882] {strides = array<i32>} : memref<128x128xf32, #tpu.memory_space<vmem>>, vector<1x16xf32>,
      %get3A_884 = vector.shape_cast %get3A_883 : vector<1x16xf32> to vector<16xf32>
      %get3A_885 = arith.constant 2 : i32
      %get3A_886 = arith.constant 0 : i32
      %get3A_887 = arith.constant 0 : i32
      %get3A_888 = arith.constant 0 : i32
      %get3A_889 = tpu.memref_slice %arg6[%get3A_885, %get3A_887, %get3A_888] : memref<5x128x128xf32, #tpu.memory_space<vmem>> -> memref<1x128x128xf32, #tpu.memory_space<vmem>>
      %get3A_890 = tpu.memref_squeeze %get3A_889 : memref<1x128x128xf32, #tpu.memory_space<vmem>> -> memref<128x128xf32, #tpu.memory_space<vmem>>
      %get3A_891 = arith.index_cast %get3A_886 : i32 to index
      %get3A_892 = arith.constant 112 : index
      %get3A_893 = tpu.vector_load %get3A_890[%get3A_891, %get3A_892] {strides = array<i32>} : memref<128x128xf32, #tpu.memory_space<vmem>>, vector<1x16xf32>,
      %get3A_894 = vector.shape_cast %get3A_893 : vector<1x16xf32> to vector<16xf32>
      %scan3A_895 = arith.constant 2 : i32
      %scan3A_896 = arith.constant 1 : i32
      %scan3A_897 = arith.constant 124 : i32
      %scan3A_898 = arith.addi %scan3A_896, %scan3A_897 : i32
      %scan3A_899 = arith.constant 4 : i32
      %scan3A_900:8 = scf.for %scan3A_1907 = %scan3A_896 to %scan3A_898 step %scan3A_899 iter_args(%scan3A_1908 = %get3A_824, %scan3A_1909 = %get3A_834, %scan3A_1910 = %get3A_844, %scan3A_1911 = %get3A_854, %scan3A_1912 = %get3A_864, %scan3A_1913 = %get3A_874, %scan3A_1914 = %get3A_884, %scan3A_1915 = %get3A_894) -> (vector<16xf32>, vector<16xf32>, vector<16xf32>, vector<16xf32>, vector<16xf32>, vector<16xf32>, vector<16xf32>, vector<16xf32>)  : i32 {
        %get3A_1916 = arith.constant 0 : i32
        %get3A_1917 = arith.constant 0 : i32
        %get3A_1918 = tpu.memref_slice %arg6[%scan3A_895, %get3A_1916, %get3A_1917] : memref<5x128x128xf32, #tpu.memory_space<vmem>> -> memref<1x128x128xf32, #tpu.memory_space<vmem>>
        %get3A_1919 = tpu.memref_squeeze %get3A_1918 : memref<1x128x128xf32, #tpu.memory_space<vmem>> -> memref<128x128xf32, #tpu.memory_space<vmem>>
        %get3A_1920 = arith.index_cast %scan3A_1907 : i32 to index
        %get3A_1921 = arith.constant 0 : index
        %get3A_1922 = tpu.vector_load %get3A_1919[%get3A_1920, %get3A_1921] {strides = array<i32>} : memref<128x128xf32, #tpu.memory_space<vmem>>, vector<1x16xf32>,
        %get3A_1923 = vector.shape_cast %get3A_1922 : vector<1x16xf32> to vector<16xf32>
        %add3A_1924 = arith.addf %scan3A_1908, %get3A_1923 : vector<16xf32>
        %get3A_1925 = arith.constant 0 : i32
        %get3A_1926 = arith.constant 0 : i32
        %get3A_1927 = tpu.memref_slice %arg6[%scan3A_895, %get3A_1925, %get3A_1926] : memref<5x128x128xf32, #tpu.memory_space<vmem>> -> memref<1x128x128xf32, #tpu.memory_space<vmem>>
        %get3A_1928 = tpu.memref_squeeze %get3A_1927 : memref<1x128x128xf32, #tpu.memory_space<vmem>> -> memref<128x128xf32, #tpu.memory_space<vmem>>
        %get3A_1929 = arith.index_cast %scan3A_1907 : i32 to index
        %get3A_1930 = arith.constant 16 : index
        %get3A_1931 = tpu.vector_load %get3A_1928[%get3A_1929, %get3A_1930] {strides = array<i32>} : memref<128x128xf32, #tpu.memory_space<vmem>>, vector<1x16xf32>,
        %get3A_1932 = vector.shape_cast %get3A_1931 : vector<1x16xf32> to vector<16xf32>
        %add3A_1933 = arith.addf %scan3A_1909, %get3A_1932 : vector<16xf32>
        %get3A_1934 = arith.constant 0 : i32
        %get3A_1935 = arith.constant 0 : i32
        %get3A_1936 = tpu.memref_slice %arg6[%scan3A_895, %get3A_1934, %get3A_1935] : memref<5x128x128xf32, #tpu.memory_space<vmem>> -> memref<1x128x128xf32, #tpu.memory_space<vmem>>
        %get3A_1937 = tpu.memref_squeeze %get3A_1936 : memref<1x128x128xf32, #tpu.memory_space<vmem>> -> memref<128x128xf32, #tpu.memory_space<vmem>>
        %get3A_1938 = arith.index_cast %scan3A_1907 : i32 to index
        %get3A_1939 = arith.constant 32 : index
        %get3A_1940 = tpu.vector_load %get3A_1937[%get3A_1938, %get3A_1939] {strides = array<i32>} : memref<128x128xf32, #tpu.memory_space<vmem>>, vector<1x16xf32>,
        %get3A_1941 = vector.shape_cast %get3A_1940 : vector<1x16xf32> to vector<16xf32>
        %add3A_1942 = arith.addf %scan3A_1910, %get3A_1941 : vector<16xf32>
        %get3A_1943 = arith.constant 0 : i32
        %get3A_1944 = arith.constant 0 : i32
        %get3A_1945 = tpu.memref_slice %arg6[%scan3A_895, %get3A_1943, %get3A_1944] : memref<5x128x128xf32, #tpu.memory_space<vmem>> -> memref<1x128x128xf32, #tpu.memory_space<vmem>>
        %get3A_1946 = tpu.memref_squeeze %get3A_1945 : memref<1x128x128xf32, #tpu.memory_space<vmem>> -> memref<128x128xf32, #tpu.memory_space<vmem>>
        %get3A_1947 = arith.index_cast %scan3A_1907 : i32 to index
        %get3A_1948 = arith.constant 48 : index
        %get3A_1949 = tpu.vector_load %get3A_1946[%get3A_1947, %get3A_1948] {strides = array<i32>} : memref<128x128xf32, #tpu.memory_space<vmem>>, vector<1x16xf32>,
        %get3A_1950 = vector.shape_cast %get3A_1949 : vector<1x16xf32> to vector<16xf32>
        %add3A_1951 = arith.addf %scan3A_1911, %get3A_1950 : vector<16xf32>
        %get3A_1952 = arith.constant 0 : i32
        %get3A_1953 = arith.constant 0 : i32
        %get3A_1954 = tpu.memref_slice %arg6[%scan3A_895, %get3A_1952, %get3A_1953] : memref<5x128x128xf32, #tpu.memory_space<vmem>> -> memref<1x128x128xf32, #tpu.memory_space<vmem>>
        %get3A_1955 = tpu.memref_squeeze %get3A_1954 : memref<1x128x128xf32, #tpu.memory_space<vmem>> -> memref<128x128xf32, #tpu.memory_space<vmem>>
        %get3A_1956 = arith.index_cast %scan3A_1907 : i32 to index
        %get3A_1957 = arith.constant 64 : index
        %get3A_1958 = tpu.vector_load %get3A_1955[%get3A_1956, %get3A_1957] {strides = array<i32>} : memref<128x128xf32, #tpu.memory_space<vmem>>, vector<1x16xf32>,
        %get3A_1959 = vector.shape_cast %get3A_1958 : vector<1x16xf32> to vector<16xf32>
        %add3A_1960 = arith.addf %scan3A_1912, %get3A_1959 : vector<16xf32>
        %get3A_1961 = arith.constant 0 : i32
        %get3A_1962 = arith.constant 0 : i32
        %get3A_1963 = tpu.memref_slice %arg6[%scan3A_895, %get3A_1961, %get3A_1962] : memref<5x128x128xf32, #tpu.memory_space<vmem>> -> memref<1x128x128xf32, #tpu.memory_space<vmem>>
        %get3A_1964 = tpu.memref_squeeze %get3A_1963 : memref<1x128x128xf32, #tpu.memory_space<vmem>> -> memref<128x128xf32, #tpu.memory_space<vmem>>
        %get3A_1965 = arith.index_cast %scan3A_1907 : i32 to index
        %get3A_1966 = arith.constant 80 : index
        %get3A_1967 = tpu.vector_load %get3A_1964[%get3A_1965, %get3A_1966] {strides = array<i32>} : memref<128x128xf32, #tpu.memory_space<vmem>>, vector<1x16xf32>,
        %get3A_1968 = vector.shape_cast %get3A_1967 : vector<1x16xf32> to vector<16xf32>
        %add3A_1969 = arith.addf %scan3A_1913, %get3A_1968 : vector<16xf32>
        %get3A_1970 = arith.constant 0 : i32
        %get3A_1971 = arith.constant 0 : i32
        %get3A_1972 = tpu.memref_slice %arg6[%scan3A_895, %get3A_1970, %get3A_1971] : memref<5x128x128xf32, #tpu.memory_space<vmem>> -> memref<1x128x128xf32, #tpu.memory_space<vmem>>
        %get3A_1973 = tpu.memref_squeeze %get3A_1972 : memref<1x128x128xf32, #tpu.memory_space<vmem>> -> memref<128x128xf32, #tpu.memory_space<vmem>>
        %get3A_1974 = arith.index_cast %scan3A_1907 : i32 to index
        %get3A_1975 = arith.constant 96 : index
        %get3A_1976 = tpu.vector_load %get3A_1973[%get3A_1974, %get3A_1975] {strides = array<i32>} : memref<128x128xf32, #tpu.memory_space<vmem>>, vector<1x16xf32>,
        %get3A_1977 = vector.shape_cast %get3A_1976 : vector<1x16xf32> to vector<16xf32>
        %add3A_1978 = arith.addf %scan3A_1914, %get3A_1977 : vector<16xf32>
        %get3A_1979 = arith.constant 0 : i32
        %get3A_1980 = arith.constant 0 : i32
        %get3A_1981 = tpu.memref_slice %arg6[%scan3A_895, %get3A_1979, %get3A_1980] : memref<5x128x128xf32, #tpu.memory_space<vmem>> -> memref<1x128x128xf32, #tpu.memory_space<vmem>>
        %get3A_1982 = tpu.memref_squeeze %get3A_1981 : memref<1x128x128xf32, #tpu.memory_space<vmem>> -> memref<128x128xf32, #tpu.memory_space<vmem>>
        %get3A_1983 = arith.index_cast %scan3A_1907 : i32 to index
        %get3A_1984 = arith.constant 112 : index
        %get3A_1985 = tpu.vector_load %get3A_1982[%get3A_1983, %get3A_1984] {strides = array<i32>} : memref<128x128xf32, #tpu.memory_space<vmem>>, vector<1x16xf32>,
        %get3A_1986 = vector.shape_cast %get3A_1985 : vector<1x16xf32> to vector<16xf32>
        %add3A_1987 = arith.addf %scan3A_1915, %get3A_1986 : vector<16xf32>
        %scan3A_1988 = arith.constant 1 : i32
        %scan3A_1989 = arith.addi %scan3A_1907, %scan3A_1988 : i32
        %get3A_1990 = arith.constant 0 : i32
        %get3A_1991 = arith.constant 0 : i32
        %get3A_1992 = tpu.memref_slice %arg6[%scan3A_895, %get3A_1990, %get3A_1991] : memref<5x128x128xf32, #tpu.memory_space<vmem>> -> memref<1x128x128xf32, #tpu.memory_space<vmem>>
        %get3A_1993 = tpu.memref_squeeze %get3A_1992 : memref<1x128x128xf32, #tpu.memory_space<vmem>> -> memref<128x128xf32, #tpu.memory_space<vmem>>
        %get3A_1994 = arith.index_cast %scan3A_1989 : i32 to index
        %get3A_1995 = arith.constant 0 : index
        %get3A_1996 = tpu.vector_load %get3A_1993[%get3A_1994, %get3A_1995] {strides = array<i32>} : memref<128x128xf32, #tpu.memory_space<vmem>>, vector<1x16xf32>,
        %get3A_1997 = vector.shape_cast %get3A_1996 : vector<1x16xf32> to vector<16xf32>
        %add3A_1998 = arith.addf %add3A_1924, %get3A_1997 : vector<16xf32>
        %get3A_1999 = arith.constant 0 : i32
        %get3A_2000 = arith.constant 0 : i32
        %get3A_2001 = tpu.memref_slice %arg6[%scan3A_895, %get3A_1999, %get3A_2000] : memref<5x128x128xf32, #tpu.memory_space<vmem>> -> memref<1x128x128xf32, #tpu.memory_space<vmem>>
        %get3A_2002 = tpu.memref_squeeze %get3A_2001 : memref<1x128x128xf32, #tpu.memory_space<vmem>> -> memref<128x128xf32, #tpu.memory_space<vmem>>
        %get3A_2003 = arith.index_cast %scan3A_1989 : i32 to index
        %get3A_2004 = arith.constant 16 : index
        %get3A_2005 = tpu.vector_load %get3A_2002[%get3A_2003, %get3A_2004] {strides = array<i32>} : memref<128x128xf32, #tpu.memory_space<vmem>>, vector<1x16xf32>,
        %get3A_2006 = vector.shape_cast %get3A_2005 : vector<1x16xf32> to vector<16xf32>
        %add3A_2007 = arith.addf %add3A_1933, %get3A_2006 : vector<16xf32>
        %get3A_2008 = arith.constant 0 : i32
        %get3A_2009 = arith.constant 0 : i32
        %get3A_2010 = tpu.memref_slice %arg6[%scan3A_895, %get3A_2008, %get3A_2009] : memref<5x128x128xf32, #tpu.memory_space<vmem>> -> memref<1x128x128xf32, #tpu.memory_space<vmem>>
        %get3A_2011 = tpu.memref_squeeze %get3A_2010 : memref<1x128x128xf32, #tpu.memory_space<vmem>> -> memref<128x128xf32, #tpu.memory_space<vmem>>
        %get3A_2012 = arith.index_cast %scan3A_1989 : i32 to index
        %get3A_2013 = arith.constant 32 : index
        %get3A_2014 = tpu.vector_load %get3A_2011[%get3A_2012, %get3A_2013] {strides = array<i32>} : memref<128x128xf32, #tpu.memory_space<vmem>>, vector<1x16xf32>,
        %get3A_2015 = vector.shape_cast %get3A_2014 : vector<1x16xf32> to vector<16xf32>
        %add3A_2016 = arith.addf %add3A_1942, %get3A_2015 : vector<16xf32>
        %get3A_2017 = arith.constant 0 : i32
        %get3A_2018 = arith.constant 0 : i32
        %get3A_2019 = tpu.memref_slice %arg6[%scan3A_895, %get3A_2017, %get3A_2018] : memref<5x128x128xf32, #tpu.memory_space<vmem>> -> memref<1x128x128xf32, #tpu.memory_space<vmem>>
        %get3A_2020 = tpu.memref_squeeze %get3A_2019 : memref<1x128x128xf32, #tpu.memory_space<vmem>> -> memref<128x128xf32, #tpu.memory_space<vmem>>
        %get3A_2021 = arith.index_cast %scan3A_1989 : i32 to index
        %get3A_2022 = arith.constant 48 : index
        %get3A_2023 = tpu.vector_load %get3A_2020[%get3A_2021, %get3A_2022] {strides = array<i32>} : memref<128x128xf32, #tpu.memory_space<vmem>>, vector<1x16xf32>,
        %get3A_2024 = vector.shape_cast %get3A_2023 : vector<1x16xf32> to vector<16xf32>
        %add3A_2025 = arith.addf %add3A_1951, %get3A_2024 : vector<16xf32>
        %get3A_2026 = arith.constant 0 : i32
        %get3A_2027 = arith.constant 0 : i32
        %get3A_2028 = tpu.memref_slice %arg6[%scan3A_895, %get3A_2026, %get3A_2027] : memref<5x128x128xf32, #tpu.memory_space<vmem>> -> memref<1x128x128xf32, #tpu.memory_space<vmem>>
        %get3A_2029 = tpu.memref_squeeze %get3A_2028 : memref<1x128x128xf32, #tpu.memory_space<vmem>> -> memref<128x128xf32, #tpu.memory_space<vmem>>
        %get3A_2030 = arith.index_cast %scan3A_1989 : i32 to index
        %get3A_2031 = arith.constant 64 : index
        %get3A_2032 = tpu.vector_load %get3A_2029[%get3A_2030, %get3A_2031] {strides = array<i32>} : memref<128x128xf32, #tpu.memory_space<vmem>>, vector<1x16xf32>,
        %get3A_2033 = vector.shape_cast %get3A_2032 : vector<1x16xf32> to vector<16xf32>
        %add3A_2034 = arith.addf %add3A_1960, %get3A_2033 : vector<16xf32>
        %get3A_2035 = arith.constant 0 : i32
        %get3A_2036 = arith.constant 0 : i32
        %get3A_2037 = tpu.memref_slice %arg6[%scan3A_895, %get3A_2035, %get3A_2036] : memref<5x128x128xf32, #tpu.memory_space<vmem>> -> memref<1x128x128xf32, #tpu.memory_space<vmem>>
        %get3A_2038 = tpu.memref_squeeze %get3A_2037 : memref<1x128x128xf32, #tpu.memory_space<vmem>> -> memref<128x128xf32, #tpu.memory_space<vmem>>
        %get3A_2039 = arith.index_cast %scan3A_1989 : i32 to index
        %get3A_2040 = arith.constant 80 : index
        %get3A_2041 = tpu.vector_load %get3A_2038[%get3A_2039, %get3A_2040] {strides = array<i32>} : memref<128x128xf32, #tpu.memory_space<vmem>>, vector<1x16xf32>,
        %get3A_2042 = vector.shape_cast %get3A_2041 : vector<1x16xf32> to vector<16xf32>
        %add3A_2043 = arith.addf %add3A_1969, %get3A_2042 : vector<16xf32>
        %get3A_2044 = arith.constant 0 : i32
        %get3A_2045 = arith.constant 0 : i32
        %get3A_2046 = tpu.memref_slice %arg6[%scan3A_895, %get3A_2044, %get3A_2045] : memref<5x128x128xf32, #tpu.memory_space<vmem>> -> memref<1x128x128xf32, #tpu.memory_space<vmem>>
        %get3A_2047 = tpu.memref_squeeze %get3A_2046 : memref<1x128x128xf32, #tpu.memory_space<vmem>> -> memref<128x128xf32, #tpu.memory_space<vmem>>
        %get3A_2048 = arith.index_cast %scan3A_1989 : i32 to index
        %get3A_2049 = arith.constant 96 : index
        %get3A_2050 = tpu.vector_load %get3A_2047[%get3A_2048, %get3A_2049] {strides = array<i32>} : memref<128x128xf32, #tpu.memory_space<vmem>>, vector<1x16xf32>,
        %get3A_2051 = vector.shape_cast %get3A_2050 : vector<1x16xf32> to vector<16xf32>
        %add3A_2052 = arith.addf %add3A_1978, %get3A_2051 : vector<16xf32>
        %get3A_2053 = arith.constant 0 : i32
        %get3A_2054 = arith.constant 0 : i32
        %get3A_2055 = tpu.memref_slice %arg6[%scan3A_895, %get3A_2053, %get3A_2054] : memref<5x128x128xf32, #tpu.memory_space<vmem>> -> memref<1x128x128xf32, #tpu.memory_space<vmem>>
        %get3A_2056 = tpu.memref_squeeze %get3A_2055 : memref<1x128x128xf32, #tpu.memory_space<vmem>> -> memref<128x128xf32, #tpu.memory_space<vmem>>
        %get3A_2057 = arith.index_cast %scan3A_1989 : i32 to index
        %get3A_2058 = arith.constant 112 : index
        %get3A_2059 = tpu.vector_load %get3A_2056[%get3A_2057, %get3A_2058] {strides = array<i32>} : memref<128x128xf32, #tpu.memory_space<vmem>>, vector<1x16xf32>,
        %get3A_2060 = vector.shape_cast %get3A_2059 : vector<1x16xf32> to vector<16xf32>
        %add3A_2061 = arith.addf %add3A_1987, %get3A_2060 : vector<16xf32>
        %scan3A_2062 = arith.constant 2 : i32
        %scan3A_2063 = arith.addi %scan3A_1907, %scan3A_2062 : i32
        %get3A_2064 = arith.constant 0 : i32
        %get3A_2065 = arith.constant 0 : i32
        %get3A_2066 = tpu.memref_slice %arg6[%scan3A_895, %get3A_2064, %get3A_2065] : memref<5x128x128xf32, #tpu.memory_space<vmem>> -> memref<1x128x128xf32, #tpu.memory_space<vmem>>
        %get3A_2067 = tpu.memref_squeeze %get3A_2066 : memref<1x128x128xf32, #tpu.memory_space<vmem>> -> memref<128x128xf32, #tpu.memory_space<vmem>>
        %get3A_2068 = arith.index_cast %scan3A_2063 : i32 to index
        %get3A_2069 = arith.constant 0 : index
        %get3A_2070 = tpu.vector_load %get3A_2067[%get3A_2068, %get3A_2069] {strides = array<i32>} : memref<128x128xf32, #tpu.memory_space<vmem>>, vector<1x16xf32>,
        %get3A_2071 = vector.shape_cast %get3A_2070 : vector<1x16xf32> to vector<16xf32>
        %add3A_2072 = arith.addf %add3A_1998, %get3A_2071 : vector<16xf32>
        %get3A_2073 = arith.constant 0 : i32
        %get3A_2074 = arith.constant 0 : i32
        %get3A_2075 = tpu.memref_slice %arg6[%scan3A_895, %get3A_2073, %get3A_2074] : memref<5x128x128xf32, #tpu.memory_space<vmem>> -> memref<1x128x128xf32, #tpu.memory_space<vmem>>
        %get3A_2076 = tpu.memref_squeeze %get3A_2075 : memref<1x128x128xf32, #tpu.memory_space<vmem>> -> memref<128x128xf32, #tpu.memory_space<vmem>>
        %get3A_2077 = arith.index_cast %scan3A_2063 : i32 to index
        %get3A_2078 = arith.constant 16 : index
        %get3A_2079 = tpu.vector_load %get3A_2076[%get3A_2077, %get3A_2078] {strides = array<i32>} : memref<128x128xf32, #tpu.memory_space<vmem>>, vector<1x16xf32>,
        %get3A_2080 = vector.shape_cast %get3A_2079 : vector<1x16xf32> to vector<16xf32>
        %add3A_2081 = arith.addf %add3A_2007, %get3A_2080 : vector<16xf32>
        %get3A_2082 = arith.constant 0 : i32
        %get3A_2083 = arith.constant 0 : i32
        %get3A_2084 = tpu.memref_slice %arg6[%scan3A_895, %get3A_2082, %get3A_2083] : memref<5x128x128xf32, #tpu.memory_space<vmem>> -> memref<1x128x128xf32, #tpu.memory_space<vmem>>
        %get3A_2085 = tpu.memref_squeeze %get3A_2084 : memref<1x128x128xf32, #tpu.memory_space<vmem>> -> memref<128x128xf32, #tpu.memory_space<vmem>>
        %get3A_2086 = arith.index_cast %scan3A_2063 : i32 to index
        %get3A_2087 = arith.constant 32 : index
        %get3A_2088 = tpu.vector_load %get3A_2085[%get3A_2086, %get3A_2087] {strides = array<i32>} : memref<128x128xf32, #tpu.memory_space<vmem>>, vector<1x16xf32>,
        %get3A_2089 = vector.shape_cast %get3A_2088 : vector<1x16xf32> to vector<16xf32>
        %add3A_2090 = arith.addf %add3A_2016, %get3A_2089 : vector<16xf32>
        %get3A_2091 = arith.constant 0 : i32
        %get3A_2092 = arith.constant 0 : i32
        %get3A_2093 = tpu.memref_slice %arg6[%scan3A_895, %get3A_2091, %get3A_2092] : memref<5x128x128xf32, #tpu.memory_space<vmem>> -> memref<1x128x128xf32, #tpu.memory_space<vmem>>
        %get3A_2094 = tpu.memref_squeeze %get3A_2093 : memref<1x128x128xf32, #tpu.memory_space<vmem>> -> memref<128x128xf32, #tpu.memory_space<vmem>>
        %get3A_2095 = arith.index_cast %scan3A_2063 : i32 to index
        %get3A_2096 = arith.constant 48 : index
        %get3A_2097 = tpu.vector_load %get3A_2094[%get3A_2095, %get3A_2096] {strides = array<i32>} : memref<128x128xf32, #tpu.memory_space<vmem>>, vector<1x16xf32>,
        %get3A_2098 = vector.shape_cast %get3A_2097 : vector<1x16xf32> to vector<16xf32>
        %add3A_2099 = arith.addf %add3A_2025, %get3A_2098 : vector<16xf32>
        %get3A_2100 = arith.constant 0 : i32
        %get3A_2101 = arith.constant 0 : i32
        %get3A_2102 = tpu.memref_slice %arg6[%scan3A_895, %get3A_2100, %get3A_2101] : memref<5x128x128xf32, #tpu.memory_space<vmem>> -> memref<1x128x128xf32, #tpu.memory_space<vmem>>
        %get3A_2103 = tpu.memref_squeeze %get3A_2102 : memref<1x128x128xf32, #tpu.memory_space<vmem>> -> memref<128x128xf32, #tpu.memory_space<vmem>>
        %get3A_2104 = arith.index_cast %scan3A_2063 : i32 to index
        %get3A_2105 = arith.constant 64 : index
        %get3A_2106 = tpu.vector_load %get3A_2103[%get3A_2104, %get3A_2105] {strides = array<i32>} : memref<128x128xf32, #tpu.memory_space<vmem>>, vector<1x16xf32>,
        %get3A_2107 = vector.shape_cast %get3A_2106 : vector<1x16xf32> to vector<16xf32>
        %add3A_2108 = arith.addf %add3A_2034, %get3A_2107 : vector<16xf32>
        %get3A_2109 = arith.constant 0 : i32
        %get3A_2110 = arith.constant 0 : i32
        %get3A_2111 = tpu.memref_slice %arg6[%scan3A_895, %get3A_2109, %get3A_2110] : memref<5x128x128xf32, #tpu.memory_space<vmem>> -> memref<1x128x128xf32, #tpu.memory_space<vmem>>
        %get3A_2112 = tpu.memref_squeeze %get3A_2111 : memref<1x128x128xf32, #tpu.memory_space<vmem>> -> memref<128x128xf32, #tpu.memory_space<vmem>>
        %get3A_2113 = arith.index_cast %scan3A_2063 : i32 to index
        %get3A_2114 = arith.constant 80 : index
        %get3A_2115 = tpu.vector_load %get3A_2112[%get3A_2113, %get3A_2114] {strides = array<i32>} : memref<128x128xf32, #tpu.memory_space<vmem>>, vector<1x16xf32>,
        %get3A_2116 = vector.shape_cast %get3A_2115 : vector<1x16xf32> to vector<16xf32>
        %add3A_2117 = arith.addf %add3A_2043, %get3A_2116 : vector<16xf32>
        %get3A_2118 = arith.constant 0 : i32
        %get3A_2119 = arith.constant 0 : i32
        %get3A_2120 = tpu.memref_slice %arg6[%scan3A_895, %get3A_2118, %get3A_2119] : memref<5x128x128xf32, #tpu.memory_space<vmem>> -> memref<1x128x128xf32, #tpu.memory_space<vmem>>
        %get3A_2121 = tpu.memref_squeeze %get3A_2120 : memref<1x128x128xf32, #tpu.memory_space<vmem>> -> memref<128x128xf32, #tpu.memory_space<vmem>>
        %get3A_2122 = arith.index_cast %scan3A_2063 : i32 to index
        %get3A_2123 = arith.constant 96 : index
        %get3A_2124 = tpu.vector_load %get3A_2121[%get3A_2122, %get3A_2123] {strides = array<i32>} : memref<128x128xf32, #tpu.memory_space<vmem>>, vector<1x16xf32>,
        %get3A_2125 = vector.shape_cast %get3A_2124 : vector<1x16xf32> to vector<16xf32>
        %add3A_2126 = arith.addf %add3A_2052, %get3A_2125 : vector<16xf32>
        %get3A_2127 = arith.constant 0 : i32
        %get3A_2128 = arith.constant 0 : i32
        %get3A_2129 = tpu.memref_slice %arg6[%scan3A_895, %get3A_2127, %get3A_2128] : memref<5x128x128xf32, #tpu.memory_space<vmem>> -> memref<1x128x128xf32, #tpu.memory_space<vmem>>
        %get3A_2130 = tpu.memref_squeeze %get3A_2129 : memref<1x128x128xf32, #tpu.memory_space<vmem>> -> memref<128x128xf32, #tpu.memory_space<vmem>>
        %get3A_2131 = arith.index_cast %scan3A_2063 : i32 to index
        %get3A_2132 = arith.constant 112 : index
        %get3A_2133 = tpu.vector_load %get3A_2130[%get3A_2131, %get3A_2132] {strides = array<i32>} : memref<128x128xf32, #tpu.memory_space<vmem>>, vector<1x16xf32>,
        %get3A_2134 = vector.shape_cast %get3A_2133 : vector<1x16xf32> to vector<16xf32>
        %add3A_2135 = arith.addf %add3A_2061, %get3A_2134 : vector<16xf32>
        %scan3A_2136 = arith.constant 3 : i32
        %scan3A_2137 = arith.addi %scan3A_1907, %scan3A_2136 : i32
        %get3A_2138 = arith.constant 0 : i32
        %get3A_2139 = arith.constant 0 : i32
        %get3A_2140 = tpu.memref_slice %arg6[%scan3A_895, %get3A_2138, %get3A_2139] : memref<5x128x128xf32, #tpu.memory_space<vmem>> -> memref<1x128x128xf32, #tpu.memory_space<vmem>>
        %get3A_2141 = tpu.memref_squeeze %get3A_2140 : memref<1x128x128xf32, #tpu.memory_space<vmem>> -> memref<128x128xf32, #tpu.memory_space<vmem>>
        %get3A_2142 = arith.index_cast %scan3A_2137 : i32 to index
        %get3A_2143 = arith.constant 0 : index
        %get3A_2144 = tpu.vector_load %get3A_2141[%get3A_2142, %get3A_2143] {strides = array<i32>} : memref<128x128xf32, #tpu.memory_space<vmem>>, vector<1x16xf32>,
        %get3A_2145 = vector.shape_cast %get3A_2144 : vector<1x16xf32> to vector<16xf32>
        %add3A_2146 = arith.addf %add3A_2072, %get3A_2145 : vector<16xf32>
        %get3A_2147 = arith.constant 0 : i32
        %get3A_2148 = arith.constant 0 : i32
        %get3A_2149 = tpu.memref_slice %arg6[%scan3A_895, %get3A_2147, %get3A_2148] : memref<5x128x128xf32, #tpu.memory_space<vmem>> -> memref<1x128x128xf32, #tpu.memory_space<vmem>>
        %get3A_2150 = tpu.memref_squeeze %get3A_2149 : memref<1x128x128xf32, #tpu.memory_space<vmem>> -> memref<128x128xf32, #tpu.memory_space<vmem>>
        %get3A_2151 = arith.index_cast %scan3A_2137 : i32 to index
        %get3A_2152 = arith.constant 16 : index
        %get3A_2153 = tpu.vector_load %get3A_2150[%get3A_2151, %get3A_2152] {strides = array<i32>} : memref<128x128xf32, #tpu.memory_space<vmem>>, vector<1x16xf32>,
        %get3A_2154 = vector.shape_cast %get3A_2153 : vector<1x16xf32> to vector<16xf32>
        %add3A_2155 = arith.addf %add3A_2081, %get3A_2154 : vector<16xf32>
        %get3A_2156 = arith.constant 0 : i32
        %get3A_2157 = arith.constant 0 : i32
        %get3A_2158 = tpu.memref_slice %arg6[%scan3A_895, %get3A_2156, %get3A_2157] : memref<5x128x128xf32, #tpu.memory_space<vmem>> -> memref<1x128x128xf32, #tpu.memory_space<vmem>>
        %get3A_2159 = tpu.memref_squeeze %get3A_2158 : memref<1x128x128xf32, #tpu.memory_space<vmem>> -> memref<128x128xf32, #tpu.memory_space<vmem>>
        %get3A_2160 = arith.index_cast %scan3A_2137 : i32 to index
        %get3A_2161 = arith.constant 32 : index
        %get3A_2162 = tpu.vector_load %get3A_2159[%get3A_2160, %get3A_2161] {strides = array<i32>} : memref<128x128xf32, #tpu.memory_space<vmem>>, vector<1x16xf32>,
        %get3A_2163 = vector.shape_cast %get3A_2162 : vector<1x16xf32> to vector<16xf32>
        %add3A_2164 = arith.addf %add3A_2090, %get3A_2163 : vector<16xf32>
        %get3A_2165 = arith.constant 0 : i32
        %get3A_2166 = arith.constant 0 : i32
        %get3A_2167 = tpu.memref_slice %arg6[%scan3A_895, %get3A_2165, %get3A_2166] : memref<5x128x128xf32, #tpu.memory_space<vmem>> -> memref<1x128x128xf32, #tpu.memory_space<vmem>>
        %get3A_2168 = tpu.memref_squeeze %get3A_2167 : memref<1x128x128xf32, #tpu.memory_space<vmem>> -> memref<128x128xf32, #tpu.memory_space<vmem>>
        %get3A_2169 = arith.index_cast %scan3A_2137 : i32 to index
        %get3A_2170 = arith.constant 48 : index
        %get3A_2171 = tpu.vector_load %get3A_2168[%get3A_2169, %get3A_2170] {strides = array<i32>} : memref<128x128xf32, #tpu.memory_space<vmem>>, vector<1x16xf32>,
        %get3A_2172 = vector.shape_cast %get3A_2171 : vector<1x16xf32> to vector<16xf32>
        %add3A_2173 = arith.addf %add3A_2099, %get3A_2172 : vector<16xf32>
        %get3A_2174 = arith.constant 0 : i32
        %get3A_2175 = arith.constant 0 : i32
        %get3A_2176 = tpu.memref_slice %arg6[%scan3A_895, %get3A_2174, %get3A_2175] : memref<5x128x128xf32, #tpu.memory_space<vmem>> -> memref<1x128x128xf32, #tpu.memory_space<vmem>>
        %get3A_2177 = tpu.memref_squeeze %get3A_2176 : memref<1x128x128xf32, #tpu.memory_space<vmem>> -> memref<128x128xf32, #tpu.memory_space<vmem>>
        %get3A_2178 = arith.index_cast %scan3A_2137 : i32 to index
        %get3A_2179 = arith.constant 64 : index
        %get3A_2180 = tpu.vector_load %get3A_2177[%get3A_2178, %get3A_2179] {strides = array<i32>} : memref<128x128xf32, #tpu.memory_space<vmem>>, vector<1x16xf32>,
        %get3A_2181 = vector.shape_cast %get3A_2180 : vector<1x16xf32> to vector<16xf32>
        %add3A_2182 = arith.addf %add3A_2108, %get3A_2181 : vector<16xf32>
        %get3A_2183 = arith.constant 0 : i32
        %get3A_2184 = arith.constant 0 : i32
        %get3A_2185 = tpu.memref_slice %arg6[%scan3A_895, %get3A_2183, %get3A_2184] : memref<5x128x128xf32, #tpu.memory_space<vmem>> -> memref<1x128x128xf32, #tpu.memory_space<vmem>>
        %get3A_2186 = tpu.memref_squeeze %get3A_2185 : memref<1x128x128xf32, #tpu.memory_space<vmem>> -> memref<128x128xf32, #tpu.memory_space<vmem>>
        %get3A_2187 = arith.index_cast %scan3A_2137 : i32 to index
        %get3A_2188 = arith.constant 80 : index
        %get3A_2189 = tpu.vector_load %get3A_2186[%get3A_2187, %get3A_2188] {strides = array<i32>} : memref<128x128xf32, #tpu.memory_space<vmem>>, vector<1x16xf32>,
        %get3A_2190 = vector.shape_cast %get3A_2189 : vector<1x16xf32> to vector<16xf32>
        %add3A_2191 = arith.addf %add3A_2117, %get3A_2190 : vector<16xf32>
        %get3A_2192 = arith.constant 0 : i32
        %get3A_2193 = arith.constant 0 : i32
        %get3A_2194 = tpu.memref_slice %arg6[%scan3A_895, %get3A_2192, %get3A_2193] : memref<5x128x128xf32, #tpu.memory_space<vmem>> -> memref<1x128x128xf32, #tpu.memory_space<vmem>>
        %get3A_2195 = tpu.memref_squeeze %get3A_2194 : memref<1x128x128xf32, #tpu.memory_space<vmem>> -> memref<128x128xf32, #tpu.memory_space<vmem>>
        %get3A_2196 = arith.index_cast %scan3A_2137 : i32 to index
        %get3A_2197 = arith.constant 96 : index
        %get3A_2198 = tpu.vector_load %get3A_2195[%get3A_2196, %get3A_2197] {strides = array<i32>} : memref<128x128xf32, #tpu.memory_space<vmem>>, vector<1x16xf32>,
        %get3A_2199 = vector.shape_cast %get3A_2198 : vector<1x16xf32> to vector<16xf32>
        %add3A_2200 = arith.addf %add3A_2126, %get3A_2199 : vector<16xf32>
        %get3A_2201 = arith.constant 0 : i32
        %get3A_2202 = arith.constant 0 : i32
        %get3A_2203 = tpu.memref_slice %arg6[%scan3A_895, %get3A_2201, %get3A_2202] : memref<5x128x128xf32, #tpu.memory_space<vmem>> -> memref<1x128x128xf32, #tpu.memory_space<vmem>>
        %get3A_2204 = tpu.memref_squeeze %get3A_2203 : memref<1x128x128xf32, #tpu.memory_space<vmem>> -> memref<128x128xf32, #tpu.memory_space<vmem>>
        %get3A_2205 = arith.index_cast %scan3A_2137 : i32 to index
        %get3A_2206 = arith.constant 112 : index
        %get3A_2207 = tpu.vector_load %get3A_2204[%get3A_2205, %get3A_2206] {strides = array<i32>} : memref<128x128xf32, #tpu.memory_space<vmem>>, vector<1x16xf32>,
        %get3A_2208 = vector.shape_cast %get3A_2207 : vector<1x16xf32> to vector<16xf32>
        %add3A_2209 = arith.addf %add3A_2135, %get3A_2208 : vector<16xf32>
        scf.yield %add3A_2146, %add3A_2155, %add3A_2164, %add3A_2173, %add3A_2182, %add3A_2191, %add3A_2200, %add3A_2209 : vector<16xf32>, vector<16xf32>, vector<16xf32>, vector<16xf32>, vector<16xf32>, vector<16xf32>, vector<16xf32>, vector<16xf32>
      }
      %scan3A_901 = arith.constant 124 : i32
      %scan3A_902 = arith.addi %scan3A_896, %scan3A_901 : i32
      %get3A_903 = arith.constant 0 : i32
      %get3A_904 = arith.constant 0 : i32
      %get3A_905 = tpu.memref_slice %arg6[%scan3A_895, %get3A_903, %get3A_904] : memref<5x128x128xf32, #tpu.memory_space<vmem>> -> memref<1x128x128xf32, #tpu.memory_space<vmem>>
      %get3A_906 = tpu.memref_squeeze %get3A_905 : memref<1x128x128xf32, #tpu.memory_space<vmem>> -> memref<128x128xf32, #tpu.memory_space<vmem>>
      %get3A_907 = arith.index_cast %scan3A_902 : i32 to index
      %get3A_908 = arith.constant 0 : index
      %get3A_909 = tpu.vector_load %get3A_906[%get3A_907, %get3A_908] {strides = array<i32>} : memref<128x128xf32, #tpu.memory_space<vmem>>, vector<1x16xf32>,
      %get3A_910 = vector.shape_cast %get3A_909 : vector<1x16xf32> to vector<16xf32>
      %add3A_911 = arith.addf %scan3A_900#0, %get3A_910 : vector<16xf32>
      %get3A_912 = arith.constant 0 : i32
      %get3A_913 = arith.constant 0 : i32
      %get3A_914 = tpu.memref_slice %arg6[%scan3A_895, %get3A_912, %get3A_913] : memref<5x128x128xf32, #tpu.memory_space<vmem>> -> memref<1x128x128xf32, #tpu.memory_space<vmem>>
      %get3A_915 = tpu.memref_squeeze %get3A_914 : memref<1x128x128xf32, #tpu.memory_space<vmem>> -> memref<128x128xf32, #tpu.memory_space<vmem>>
      %get3A_916 = arith.index_cast %scan3A_902 : i32 to index
      %get3A_917 = arith.constant 16 : index
      %get3A_918 = tpu.vector_load %get3A_915[%get3A_916, %get3A_917] {strides = array<i32>} : memref<128x128xf32, #tpu.memory_space<vmem>>, vector<1x16xf32>,
      %get3A_919 = vector.shape_cast %get3A_918 : vector<1x16xf32> to vector<16xf32>
      %add3A_920 = arith.addf %scan3A_900#1, %get3A_919 : vector<16xf32>
      %get3A_921 = arith.constant 0 : i32
      %get3A_922 = arith.constant 0 : i32
      %get3A_923 = tpu.memref_slice %arg6[%scan3A_895, %get3A_921, %get3A_922] : memref<5x128x128xf32, #tpu.memory_space<vmem>> -> memref<1x128x128xf32, #tpu.memory_space<vmem>>
      %get3A_924 = tpu.memref_squeeze %get3A_923 : memref<1x128x128xf32, #tpu.memory_space<vmem>> -> memref<128x128xf32, #tpu.memory_space<vmem>>
      %get3A_925 = arith.index_cast %scan3A_902 : i32 to index
      %get3A_926 = arith.constant 32 : index
      %get3A_927 = tpu.vector_load %get3A_924[%get3A_925, %get3A_926] {strides = array<i32>} : memref<128x128xf32, #tpu.memory_space<vmem>>, vector<1x16xf32>,
      %get3A_928 = vector.shape_cast %get3A_927 : vector<1x16xf32> to vector<16xf32>
      %add3A_929 = arith.addf %scan3A_900#2, %get3A_928 : vector<16xf32>
      %get3A_930 = arith.constant 0 : i32
      %get3A_931 = arith.constant 0 : i32
      %get3A_932 = tpu.memref_slice %arg6[%scan3A_895, %get3A_930, %get3A_931] : memref<5x128x128xf32, #tpu.memory_space<vmem>> -> memref<1x128x128xf32, #tpu.memory_space<vmem>>
      %get3A_933 = tpu.memref_squeeze %get3A_932 : memref<1x128x128xf32, #tpu.memory_space<vmem>> -> memref<128x128xf32, #tpu.memory_space<vmem>>
      %get3A_934 = arith.index_cast %scan3A_902 : i32 to index
      %get3A_935 = arith.constant 48 : index
      %get3A_936 = tpu.vector_load %get3A_933[%get3A_934, %get3A_935] {strides = array<i32>} : memref<128x128xf32, #tpu.memory_space<vmem>>, vector<1x16xf32>,
      %get3A_937 = vector.shape_cast %get3A_936 : vector<1x16xf32> to vector<16xf32>
      %add3A_938 = arith.addf %scan3A_900#3, %get3A_937 : vector<16xf32>
      %get3A_939 = arith.constant 0 : i32
      %get3A_940 = arith.constant 0 : i32
      %get3A_941 = tpu.memref_slice %arg6[%scan3A_895, %get3A_939, %get3A_940] : memref<5x128x128xf32, #tpu.memory_space<vmem>> -> memref<1x128x128xf32, #tpu.memory_space<vmem>>
      %get3A_942 = tpu.memref_squeeze %get3A_941 : memref<1x128x128xf32, #tpu.memory_space<vmem>> -> memref<128x128xf32, #tpu.memory_space<vmem>>
      %get3A_943 = arith.index_cast %scan3A_902 : i32 to index
      %get3A_944 = arith.constant 64 : index
      %get3A_945 = tpu.vector_load %get3A_942[%get3A_943, %get3A_944] {strides = array<i32>} : memref<128x128xf32, #tpu.memory_space<vmem>>, vector<1x16xf32>,
      %get3A_946 = vector.shape_cast %get3A_945 : vector<1x16xf32> to vector<16xf32>
      %add3A_947 = arith.addf %scan3A_900#4, %get3A_946 : vector<16xf32>
      %get3A_948 = arith.constant 0 : i32
      %get3A_949 = arith.constant 0 : i32
      %get3A_950 = tpu.memref_slice %arg6[%scan3A_895, %get3A_948, %get3A_949] : memref<5x128x128xf32, #tpu.memory_space<vmem>> -> memref<1x128x128xf32, #tpu.memory_space<vmem>>
      %get3A_951 = tpu.memref_squeeze %get3A_950 : memref<1x128x128xf32, #tpu.memory_space<vmem>> -> memref<128x128xf32, #tpu.memory_space<vmem>>
      %get3A_952 = arith.index_cast %scan3A_902 : i32 to index
      %get3A_953 = arith.constant 80 : index
      %get3A_954 = tpu.vector_load %get3A_951[%get3A_952, %get3A_953] {strides = array<i32>} : memref<128x128xf32, #tpu.memory_space<vmem>>, vector<1x16xf32>,
      %get3A_955 = vector.shape_cast %get3A_954 : vector<1x16xf32> to vector<16xf32>
      %add3A_956 = arith.addf %scan3A_900#5, %get3A_955 : vector<16xf32>
      %get3A_957 = arith.constant 0 : i32
      %get3A_958 = arith.constant 0 : i32
      %get3A_959 = tpu.memref_slice %arg6[%scan3A_895, %get3A_957, %get3A_958] : memref<5x128x128xf32, #tpu.memory_space<vmem>> -> memref<1x128x128xf32, #tpu.memory_space<vmem>>
      %get3A_960 = tpu.memref_squeeze %get3A_959 : memref<1x128x128xf32, #tpu.memory_space<vmem>> -> memref<128x128xf32, #tpu.memory_space<vmem>>
      %get3A_961 = arith.index_cast %scan3A_902 : i32 to index
      %get3A_962 = arith.constant 96 : index
      %get3A_963 = tpu.vector_load %get3A_960[%get3A_961, %get3A_962] {strides = array<i32>} : memref<128x128xf32, #tpu.memory_space<vmem>>, vector<1x16xf32>,
      %get3A_964 = vector.shape_cast %get3A_963 : vector<1x16xf32> to vector<16xf32>
      %add3A_965 = arith.addf %scan3A_900#6, %get3A_964 : vector<16xf32>
      %get3A_966 = arith.constant 0 : i32
      %get3A_967 = arith.constant 0 : i32
      %get3A_968 = tpu.memref_slice %arg6[%scan3A_895, %get3A_966, %get3A_967] : memref<5x128x128xf32, #tpu.memory_space<vmem>> -> memref<1x128x128xf32, #tpu.memory_space<vmem>>
      %get3A_969 = tpu.memref_squeeze %get3A_968 : memref<1x128x128xf32, #tpu.memory_space<vmem>> -> memref<128x128xf32, #tpu.memory_space<vmem>>
      %get3A_970 = arith.index_cast %scan3A_902 : i32 to index
      %get3A_971 = arith.constant 112 : index
      %get3A_972 = tpu.vector_load %get3A_969[%get3A_970, %get3A_971] {strides = array<i32>} : memref<128x128xf32, #tpu.memory_space<vmem>>, vector<1x16xf32>,
      %get3A_973 = vector.shape_cast %get3A_972 : vector<1x16xf32> to vector<16xf32>
      %add3A_974 = arith.addf %scan3A_900#7, %get3A_973 : vector<16xf32>
      %scan3A_975 = arith.constant 125 : i32
      %scan3A_976 = arith.addi %scan3A_896, %scan3A_975 : i32
      %get3A_977 = arith.constant 0 : i32
      %get3A_978 = arith.constant 0 : i32
      %get3A_979 = tpu.memref_slice %arg6[%scan3A_895, %get3A_977, %get3A_978] : memref<5x128x128xf32, #tpu.memory_space<vmem>> -> memref<1x128x128xf32, #tpu.memory_space<vmem>>
      %get3A_980 = tpu.memref_squeeze %get3A_979 : memref<1x128x128xf32, #tpu.memory_space<vmem>> -> memref<128x128xf32, #tpu.memory_space<vmem>>
      %get3A_981 = arith.index_cast %scan3A_976 : i32 to index
      %get3A_982 = arith.constant 0 : index
      %get3A_983 = tpu.vector_load %get3A_980[%get3A_981, %get3A_982] {strides = array<i32>} : memref<128x128xf32, #tpu.memory_space<vmem>>, vector<1x16xf32>,
      %get3A_984 = vector.shape_cast %get3A_983 : vector<1x16xf32> to vector<16xf32>
      %add3A_985 = arith.addf %add3A_911, %get3A_984 : vector<16xf32>
      %get3A_986 = arith.constant 0 : i32
      %get3A_987 = arith.constant 0 : i32
      %get3A_988 = tpu.memref_slice %arg6[%scan3A_895, %get3A_986, %get3A_987] : memref<5x128x128xf32, #tpu.memory_space<vmem>> -> memref<1x128x128xf32, #tpu.memory_space<vmem>>
      %get3A_989 = tpu.memref_squeeze %get3A_988 : memref<1x128x128xf32, #tpu.memory_space<vmem>> -> memref<128x128xf32, #tpu.memory_space<vmem>>
      %get3A_990 = arith.index_cast %scan3A_976 : i32 to index
      %get3A_991 = arith.constant 16 : index
      %get3A_992 = tpu.vector_load %get3A_989[%get3A_990, %get3A_991] {strides = array<i32>} : memref<128x128xf32, #tpu.memory_space<vmem>>, vector<1x16xf32>,
      %get3A_993 = vector.shape_cast %get3A_992 : vector<1x16xf32> to vector<16xf32>
      %add3A_994 = arith.addf %add3A_920, %get3A_993 : vector<16xf32>
      %get3A_995 = arith.constant 0 : i32
      %get3A_996 = arith.constant 0 : i32
      %get3A_997 = tpu.memref_slice %arg6[%scan3A_895, %get3A_995, %get3A_996] : memref<5x128x128xf32, #tpu.memory_space<vmem>> -> memref<1x128x128xf32, #tpu.memory_space<vmem>>
      %get3A_998 = tpu.memref_squeeze %get3A_997 : memref<1x128x128xf32, #tpu.memory_space<vmem>> -> memref<128x128xf32, #tpu.memory_space<vmem>>
      %get3A_999 = arith.index_cast %scan3A_976 : i32 to index
      %get3A_1000 = arith.constant 32 : index
      %get3A_1001 = tpu.vector_load %get3A_998[%get3A_999, %get3A_1000] {strides = array<i32>} : memref<128x128xf32, #tpu.memory_space<vmem>>, vector<1x16xf32>,
      %get3A_1002 = vector.shape_cast %get3A_1001 : vector<1x16xf32> to vector<16xf32>
      %add3A_1003 = arith.addf %add3A_929, %get3A_1002 : vector<16xf32>
      %get3A_1004 = arith.constant 0 : i32
      %get3A_1005 = arith.constant 0 : i32
      %get3A_1006 = tpu.memref_slice %arg6[%scan3A_895, %get3A_1004, %get3A_1005] : memref<5x128x128xf32, #tpu.memory_space<vmem>> -> memref<1x128x128xf32, #tpu.memory_space<vmem>>
      %get3A_1007 = tpu.memref_squeeze %get3A_1006 : memref<1x128x128xf32, #tpu.memory_space<vmem>> -> memref<128x128xf32, #tpu.memory_space<vmem>>
      %get3A_1008 = arith.index_cast %scan3A_976 : i32 to index
      %get3A_1009 = arith.constant 48 : index
      %get3A_1010 = tpu.vector_load %get3A_1007[%get3A_1008, %get3A_1009] {strides = array<i32>} : memref<128x128xf32, #tpu.memory_space<vmem>>, vector<1x16xf32>,
      %get3A_1011 = vector.shape_cast %get3A_1010 : vector<1x16xf32> to vector<16xf32>
      %add3A_1012 = arith.addf %add3A_938, %get3A_1011 : vector<16xf32>
      %get3A_1013 = arith.constant 0 : i32
      %get3A_1014 = arith.constant 0 : i32
      %get3A_1015 = tpu.memref_slice %arg6[%scan3A_895, %get3A_1013, %get3A_1014] : memref<5x128x128xf32, #tpu.memory_space<vmem>> -> memref<1x128x128xf32, #tpu.memory_space<vmem>>
      %get3A_1016 = tpu.memref_squeeze %get3A_1015 : memref<1x128x128xf32, #tpu.memory_space<vmem>> -> memref<128x128xf32, #tpu.memory_space<vmem>>
      %get3A_1017 = arith.index_cast %scan3A_976 : i32 to index
      %get3A_1018 = arith.constant 64 : index
      %get3A_1019 = tpu.vector_load %get3A_1016[%get3A_1017, %get3A_1018] {strides = array<i32>} : memref<128x128xf32, #tpu.memory_space<vmem>>, vector<1x16xf32>,
      %get3A_1020 = vector.shape_cast %get3A_1019 : vector<1x16xf32> to vector<16xf32>
      %add3A_1021 = arith.addf %add3A_947, %get3A_1020 : vector<16xf32>
      %get3A_1022 = arith.constant 0 : i32
      %get3A_1023 = arith.constant 0 : i32
      %get3A_1024 = tpu.memref_slice %arg6[%scan3A_895, %get3A_1022, %get3A_1023] : memref<5x128x128xf32, #tpu.memory_space<vmem>> -> memref<1x128x128xf32, #tpu.memory_space<vmem>>
      %get3A_1025 = tpu.memref_squeeze %get3A_1024 : memref<1x128x128xf32, #tpu.memory_space<vmem>> -> memref<128x128xf32, #tpu.memory_space<vmem>>
      %get3A_1026 = arith.index_cast %scan3A_976 : i32 to index
      %get3A_1027 = arith.constant 80 : index
      %get3A_1028 = tpu.vector_load %get3A_1025[%get3A_1026, %get3A_1027] {strides = array<i32>} : memref<128x128xf32, #tpu.memory_space<vmem>>, vector<1x16xf32>,
      %get3A_1029 = vector.shape_cast %get3A_1028 : vector<1x16xf32> to vector<16xf32>
      %add3A_1030 = arith.addf %add3A_956, %get3A_1029 : vector<16xf32>
      %get3A_1031 = arith.constant 0 : i32
      %get3A_1032 = arith.constant 0 : i32
      %get3A_1033 = tpu.memref_slice %arg6[%scan3A_895, %get3A_1031, %get3A_1032] : memref<5x128x128xf32, #tpu.memory_space<vmem>> -> memref<1x128x128xf32, #tpu.memory_space<vmem>>
      %get3A_1034 = tpu.memref_squeeze %get3A_1033 : memref<1x128x128xf32, #tpu.memory_space<vmem>> -> memref<128x128xf32, #tpu.memory_space<vmem>>
      %get3A_1035 = arith.index_cast %scan3A_976 : i32 to index
      %get3A_1036 = arith.constant 96 : index
      %get3A_1037 = tpu.vector_load %get3A_1034[%get3A_1035, %get3A_1036] {strides = array<i32>} : memref<128x128xf32, #tpu.memory_space<vmem>>, vector<1x16xf32>,
      %get3A_1038 = vector.shape_cast %get3A_1037 : vector<1x16xf32> to vector<16xf32>
      %add3A_1039 = arith.addf %add3A_965, %get3A_1038 : vector<16xf32>
      %get3A_1040 = arith.constant 0 : i32
      %get3A_1041 = arith.constant 0 : i32
      %get3A_1042 = tpu.memref_slice %arg6[%scan3A_895, %get3A_1040, %get3A_1041] : memref<5x128x128xf32, #tpu.memory_space<vmem>> -> memref<1x128x128xf32, #tpu.memory_space<vmem>>
      %get3A_1043 = tpu.memref_squeeze %get3A_1042 : memref<1x128x128xf32, #tpu.memory_space<vmem>> -> memref<128x128xf32, #tpu.memory_space<vmem>>
      %get3A_1044 = arith.index_cast %scan3A_976 : i32 to index
      %get3A_1045 = arith.constant 112 : index
      %get3A_1046 = tpu.vector_load %get3A_1043[%get3A_1044, %get3A_1045] {strides = array<i32>} : memref<128x128xf32, #tpu.memory_space<vmem>>, vector<1x16xf32>,
      %get3A_1047 = vector.shape_cast %get3A_1046 : vector<1x16xf32> to vector<16xf32>
      %add3A_1048 = arith.addf %add3A_974, %get3A_1047 : vector<16xf32>
      %scan3A_1049 = arith.constant 126 : i32
      %scan3A_1050 = arith.addi %scan3A_896, %scan3A_1049 : i32
      %get3A_1051 = arith.constant 0 : i32
      %get3A_1052 = arith.constant 0 : i32
      %get3A_1053 = tpu.memref_slice %arg6[%scan3A_895, %get3A_1051, %get3A_1052] : memref<5x128x128xf32, #tpu.memory_space<vmem>> -> memref<1x128x128xf32, #tpu.memory_space<vmem>>
      %get3A_1054 = tpu.memref_squeeze %get3A_1053 : memref<1x128x128xf32, #tpu.memory_space<vmem>> -> memref<128x128xf32, #tpu.memory_space<vmem>>
      %get3A_1055 = arith.index_cast %scan3A_1050 : i32 to index
      %get3A_1056 = arith.constant 0 : index
      %get3A_1057 = tpu.vector_load %get3A_1054[%get3A_1055, %get3A_1056] {strides = array<i32>} : memref<128x128xf32, #tpu.memory_space<vmem>>, vector<1x16xf32>,
      %get3A_1058 = vector.shape_cast %get3A_1057 : vector<1x16xf32> to vector<16xf32>
      %add3A_1059 = arith.addf %add3A_985, %get3A_1058 : vector<16xf32>
      %get3A_1060 = arith.constant 0 : i32
      %get3A_1061 = arith.constant 0 : i32
      %get3A_1062 = tpu.memref_slice %arg6[%scan3A_895, %get3A_1060, %get3A_1061] : memref<5x128x128xf32, #tpu.memory_space<vmem>> -> memref<1x128x128xf32, #tpu.memory_space<vmem>>
      %get3A_1063 = tpu.memref_squeeze %get3A_1062 : memref<1x128x128xf32, #tpu.memory_space<vmem>> -> memref<128x128xf32, #tpu.memory_space<vmem>>
      %get3A_1064 = arith.index_cast %scan3A_1050 : i32 to index
      %get3A_1065 = arith.constant 16 : index
      %get3A_1066 = tpu.vector_load %get3A_1063[%get3A_1064, %get3A_1065] {strides = array<i32>} : memref<128x128xf32, #tpu.memory_space<vmem>>, vector<1x16xf32>,
      %get3A_1067 = vector.shape_cast %get3A_1066 : vector<1x16xf32> to vector<16xf32>
      %add3A_1068 = arith.addf %add3A_994, %get3A_1067 : vector<16xf32>
      %get3A_1069 = arith.constant 0 : i32
      %get3A_1070 = arith.constant 0 : i32
      %get3A_1071 = tpu.memref_slice %arg6[%scan3A_895, %get3A_1069, %get3A_1070] : memref<5x128x128xf32, #tpu.memory_space<vmem>> -> memref<1x128x128xf32, #tpu.memory_space<vmem>>
      %get3A_1072 = tpu.memref_squeeze %get3A_1071 : memref<1x128x128xf32, #tpu.memory_space<vmem>> -> memref<128x128xf32, #tpu.memory_space<vmem>>
      %get3A_1073 = arith.index_cast %scan3A_1050 : i32 to index
      %get3A_1074 = arith.constant 32 : index
      %get3A_1075 = tpu.vector_load %get3A_1072[%get3A_1073, %get3A_1074] {strides = array<i32>} : memref<128x128xf32, #tpu.memory_space<vmem>>, vector<1x16xf32>,
      %get3A_1076 = vector.shape_cast %get3A_1075 : vector<1x16xf32> to vector<16xf32>
      %add3A_1077 = arith.addf %add3A_1003, %get3A_1076 : vector<16xf32>
      %get3A_1078 = arith.constant 0 : i32
      %get3A_1079 = arith.constant 0 : i32
      %get3A_1080 = tpu.memref_slice %arg6[%scan3A_895, %get3A_1078, %get3A_1079] : memref<5x128x128xf32, #tpu.memory_space<vmem>> -> memref<1x128x128xf32, #tpu.memory_space<vmem>>
      %get3A_1081 = tpu.memref_squeeze %get3A_1080 : memref<1x128x128xf32, #tpu.memory_space<vmem>> -> memref<128x128xf32, #tpu.memory_space<vmem>>
      %get3A_1082 = arith.index_cast %scan3A_1050 : i32 to index
      %get3A_1083 = arith.constant 48 : index
      %get3A_1084 = tpu.vector_load %get3A_1081[%get3A_1082, %get3A_1083] {strides = array<i32>} : memref<128x128xf32, #tpu.memory_space<vmem>>, vector<1x16xf32>,
      %get3A_1085 = vector.shape_cast %get3A_1084 : vector<1x16xf32> to vector<16xf32>
      %add3A_1086 = arith.addf %add3A_1012, %get3A_1085 : vector<16xf32>
      %get3A_1087 = arith.constant 0 : i32
      %get3A_1088 = arith.constant 0 : i32
      %get3A_1089 = tpu.memref_slice %arg6[%scan3A_895, %get3A_1087, %get3A_1088] : memref<5x128x128xf32, #tpu.memory_space<vmem>> -> memref<1x128x128xf32, #tpu.memory_space<vmem>>
      %get3A_1090 = tpu.memref_squeeze %get3A_1089 : memref<1x128x128xf32, #tpu.memory_space<vmem>> -> memref<128x128xf32, #tpu.memory_space<vmem>>
      %get3A_1091 = arith.index_cast %scan3A_1050 : i32 to index
      %get3A_1092 = arith.constant 64 : index
      %get3A_1093 = tpu.vector_load %get3A_1090[%get3A_1091, %get3A_1092] {strides = array<i32>} : memref<128x128xf32, #tpu.memory_space<vmem>>, vector<1x16xf32>,
      %get3A_1094 = vector.shape_cast %get3A_1093 : vector<1x16xf32> to vector<16xf32>
      %add3A_1095 = arith.addf %add3A_1021, %get3A_1094 : vector<16xf32>
      %get3A_1096 = arith.constant 0 : i32
      %get3A_1097 = arith.constant 0 : i32
      %get3A_1098 = tpu.memref_slice %arg6[%scan3A_895, %get3A_1096, %get3A_1097] : memref<5x128x128xf32, #tpu.memory_space<vmem>> -> memref<1x128x128xf32, #tpu.memory_space<vmem>>
      %get3A_1099 = tpu.memref_squeeze %get3A_1098 : memref<1x128x128xf32, #tpu.memory_space<vmem>> -> memref<128x128xf32, #tpu.memory_space<vmem>>
      %get3A_1100 = arith.index_cast %scan3A_1050 : i32 to index
      %get3A_1101 = arith.constant 80 : index
      %get3A_1102 = tpu.vector_load %get3A_1099[%get3A_1100, %get3A_1101] {strides = array<i32>} : memref<128x128xf32, #tpu.memory_space<vmem>>, vector<1x16xf32>,
      %get3A_1103 = vector.shape_cast %get3A_1102 : vector<1x16xf32> to vector<16xf32>
      %add3A_1104 = arith.addf %add3A_1030, %get3A_1103 : vector<16xf32>
      %get3A_1105 = arith.constant 0 : i32
      %get3A_1106 = arith.constant 0 : i32
      %get3A_1107 = tpu.memref_slice %arg6[%scan3A_895, %get3A_1105, %get3A_1106] : memref<5x128x128xf32, #tpu.memory_space<vmem>> -> memref<1x128x128xf32, #tpu.memory_space<vmem>>
      %get3A_1108 = tpu.memref_squeeze %get3A_1107 : memref<1x128x128xf32, #tpu.memory_space<vmem>> -> memref<128x128xf32, #tpu.memory_space<vmem>>
      %get3A_1109 = arith.index_cast %scan3A_1050 : i32 to index
      %get3A_1110 = arith.constant 96 : index
      %get3A_1111 = tpu.vector_load %get3A_1108[%get3A_1109, %get3A_1110] {strides = array<i32>} : memref<128x128xf32, #tpu.memory_space<vmem>>, vector<1x16xf32>,
      %get3A_1112 = vector.shape_cast %get3A_1111 : vector<1x16xf32> to vector<16xf32>
      %add3A_1113 = arith.addf %add3A_1039, %get3A_1112 : vector<16xf32>
      %get3A_1114 = arith.constant 0 : i32
      %get3A_1115 = arith.constant 0 : i32
      %get3A_1116 = tpu.memref_slice %arg6[%scan3A_895, %get3A_1114, %get3A_1115] : memref<5x128x128xf32, #tpu.memory_space<vmem>> -> memref<1x128x128xf32, #tpu.memory_space<vmem>>
      %get3A_1117 = tpu.memref_squeeze %get3A_1116 : memref<1x128x128xf32, #tpu.memory_space<vmem>> -> memref<128x128xf32, #tpu.memory_space<vmem>>
      %get3A_1118 = arith.index_cast %scan3A_1050 : i32 to index
      %get3A_1119 = arith.constant 112 : index
      %get3A_1120 = tpu.vector_load %get3A_1117[%get3A_1118, %get3A_1119] {strides = array<i32>} : memref<128x128xf32, #tpu.memory_space<vmem>>, vector<1x16xf32>,
      %get3A_1121 = vector.shape_cast %get3A_1120 : vector<1x16xf32> to vector<16xf32>
      %add3A_1122 = arith.addf %add3A_1048, %get3A_1121 : vector<16xf32>
      %scan3A_1123 = arith.constant 127 : i32
      %swap3A_1124 = arith.index_cast %add3A_794 : i32 to index
      %swap3A_1125 = arith.constant 0 : index
      %swap3A_1126 = tpu.vector_load %arg7[%swap3A_1124, %swap3A_1125] {strides = array<i32>} : memref<50x128xf32, #tpu.memory_space<vmem>>, vector<1x16xf32>,
      %swap3A_1127 = vector.shape_cast %swap3A_1126 : vector<1x16xf32> to vector<16xf32>
      %swap3A_1128 = vector.shape_cast %add3A_1059 : vector<16xf32> to vector<1x16xf32>
      tpu.vector_store %arg7[%swap3A_1124, %swap3A_1125], %swap3A_1128 {strides = array<i32>} : memref<50x128xf32, #tpu.memory_space<vmem>>, vector<1x16xf32>,
      %swap3A_1129 = arith.index_cast %add3A_794 : i32 to index
      %swap3A_1130 = arith.constant 16 : index
      %swap3A_1131 = tpu.vector_load %arg7[%swap3A_1129, %swap3A_1130] {strides = array<i32>} : memref<50x128xf32, #tpu.memory_space<vmem>>, vector<1x16xf32>,
      %swap3A_1132 = vector.shape_cast %swap3A_1131 : vector<1x16xf32> to vector<16xf32>
      %swap3A_1133 = vector.shape_cast %add3A_1068 : vector<16xf32> to vector<1x16xf32>
      tpu.vector_store %arg7[%swap3A_1129, %swap3A_1130], %swap3A_1133 {strides = array<i32>} : memref<50x128xf32, #tpu.memory_space<vmem>>, vector<1x16xf32>,
      %swap3A_1134 = arith.index_cast %add3A_794 : i32 to index
      %swap3A_1135 = arith.constant 32 : index
      %swap3A_1136 = tpu.vector_load %arg7[%swap3A_1134, %swap3A_1135] {strides = array<i32>} : memref<50x128xf32, #tpu.memory_space<vmem>>, vector<1x16xf32>,
      %swap3A_1137 = vector.shape_cast %swap3A_1136 : vector<1x16xf32> to vector<16xf32>
      %swap3A_1138 = vector.shape_cast %add3A_1077 : vector<16xf32> to vector<1x16xf32>
      tpu.vector_store %arg7[%swap3A_1134, %swap3A_1135], %swap3A_1138 {strides = array<i32>} : memref<50x128xf32, #tpu.memory_space<vmem>>, vector<1x16xf32>,
      %swap3A_1139 = arith.index_cast %add3A_794 : i32 to index
      %swap3A_1140 = arith.constant 48 : index
      %swap3A_1141 = tpu.vector_load %arg7[%swap3A_1139, %swap3A_1140] {strides = array<i32>} : memref<50x128xf32, #tpu.memory_space<vmem>>, vector<1x16xf32>,
      %swap3A_1142 = vector.shape_cast %swap3A_1141 : vector<1x16xf32> to vector<16xf32>
      %swap3A_1143 = vector.shape_cast %add3A_1086 : vector<16xf32> to vector<1x16xf32>
      tpu.vector_store %arg7[%swap3A_1139, %swap3A_1140], %swap3A_1143 {strides = array<i32>} : memref<50x128xf32, #tpu.memory_space<vmem>>, vector<1x16xf32>,
      %swap3A_1144 = arith.index_cast %add3A_794 : i32 to index
      %swap3A_1145 = arith.constant 64 : index
      %swap3A_1146 = tpu.vector_load %arg7[%swap3A_1144, %swap3A_1145] {strides = array<i32>} : memref<50x128xf32, #tpu.memory_space<vmem>>, vector<1x16xf32>,
      %swap3A_1147 = vector.shape_cast %swap3A_1146 : vector<1x16xf32> to vector<16xf32>
      %swap3A_1148 = vector.shape_cast %add3A_1095 : vector<16xf32> to vector<1x16xf32>
      tpu.vector_store %arg7[%swap3A_1144, %swap3A_1145], %swap3A_1148 {strides = array<i32>} : memref<50x128xf32, #tpu.memory_space<vmem>>, vector<1x16xf32>,
      %swap3A_1149 = arith.index_cast %add3A_794 : i32 to index
      %swap3A_1150 = arith.constant 80 : index
      %swap3A_1151 = tpu.vector_load %arg7[%swap3A_1149, %swap3A_1150] {strides = array<i32>} : memref<50x128xf32, #tpu.memory_space<vmem>>, vector<1x16xf32>,
      %swap3A_1152 = vector.shape_cast %swap3A_1151 : vector<1x16xf32> to vector<16xf32>
      %swap3A_1153 = vector.shape_cast %add3A_1104 : vector<16xf32> to vector<1x16xf32>
      tpu.vector_store %arg7[%swap3A_1149, %swap3A_1150], %swap3A_1153 {strides = array<i32>} : memref<50x128xf32, #tpu.memory_space<vmem>>, vector<1x16xf32>,
      %swap3A_1154 = arith.index_cast %add3A_794 : i32 to index
      %swap3A_1155 = arith.constant 96 : index
      %swap3A_1156 = tpu.vector_load %arg7[%swap3A_1154, %swap3A_1155] {strides = array<i32>} : memref<50x128xf32, #tpu.memory_space<vmem>>, vector<1x16xf32>,
      %swap3A_1157 = vector.shape_cast %swap3A_1156 : vector<1x16xf32> to vector<16xf32>
      %swap3A_1158 = vector.shape_cast %add3A_1113 : vector<16xf32> to vector<1x16xf32>
      tpu.vector_store %arg7[%swap3A_1154, %swap3A_1155], %swap3A_1158 {strides = array<i32>} : memref<50x128xf32, #tpu.memory_space<vmem>>, vector<1x16xf32>,
      %swap3A_1159 = arith.index_cast %add3A_794 : i32 to index
      %swap3A_1160 = arith.constant 112 : index
      %swap3A_1161 = tpu.vector_load %arg7[%swap3A_1159, %swap3A_1160] {strides = array<i32>} : memref<50x128xf32, #tpu.memory_space<vmem>>, vector<1x16xf32>,
      %swap3A_1162 = vector.shape_cast %swap3A_1161 : vector<1x16xf32> to vector<16xf32>
      %swap3A_1163 = vector.shape_cast %add3A_1122 : vector<16xf32> to vector<1x16xf32>
      tpu.vector_store %arg7[%swap3A_1159, %swap3A_1160], %swap3A_1163 {strides = array<i32>} : memref<50x128xf32, #tpu.memory_space<vmem>>, vector<1x16xf32>,
      %add3A_1164 = arith.constant 3 : i32
      %add3A_1165 = arith.addi %mul3A_57, %add3A_1164 : i32
      %add3A_1166 = arith.constant 5 : i32
      %add3A_1167 = arith.addi %add3A_1165, %add3A_1166 : i32
      %sub3A_1168 = arith.constant 1 : i32
      %sub3A_1169 = arith.subi %add3A_1167, %sub3A_1168 : i32
      %lt3A_1170 = arith.constant 50 : i32
      %lt3A_1171 = arith.cmpi slt, %sub3A_1169, %lt3A_1170 : i32
      %convert_element_type3A_1172 = arith.extui %lt3A_1171 : i1 to i32
      %cond3A_1173 = arith.constant 0 : i32
      %cond3A_1174 = arith.cmpi ne, %convert_element_type3A_1172, %cond3A_1173 : i32
      scf.if %cond3A_1174 {
        %add3A_1907 = arith.constant 5 : i32
        %add3A_1908 = arith.addi %add3A_1165, %add3A_1907 : i32
        %sub3A_1909 = arith.constant 1 : i32
        %sub3A_1910 = arith.subi %add3A_1908, %sub3A_1909 : i32
        %dma_start3A_1911 = arith.constant 2 : i32
        %dma_start3A_1912 = arith.constant 0 : i32
        %dma_start3A_1913 = arith.constant 0 : i32
        %dma_start3A_1914 = tpu.memref_slice %arg6[%dma_start3A_1911, %dma_start3A_1912, %dma_start3A_1913] : memref<5x128x128xf32, #tpu.memory_space<vmem>> -> memref<1x128x128xf32, #tpu.memory_space<vmem>>
        %dma_start3A_1915 = tpu.memref_squeeze %dma_start3A_1914 : memref<1x128x128xf32, #tpu.memory_space<vmem>> -> memref<128x128xf32, #tpu.memory_space<vmem>>
        %dma_start3A_1916 = arith.constant 0 : i32
        %dma_start3A_1917 = tpu.memref_slice %arg5[%sub3A_1910, %dma_start3A_1916] : memref<50x128xi32, #tpu.memory_space<vmem>> -> memref<1x128xi32, #tpu.memory_space<vmem>>
        %dma_start3A_1918 = tpu.memref_squeeze %dma_start3A_1917 : memref<1x128xi32, #tpu.memory_space<vmem>> -> memref<128xi32, #tpu.memory_space<vmem>>
        %dma_start3A_1919 = arith.constant 0 : i32
        %dma_start3A_1920 = arith.constant 0 : i32
        %dma_start3A_1921 = tpu.memref_slice %arg3[%dma_start3A_1919, %dma_start3A_1920] : memref<100000x128xf32, #tpu.memory_space<hbm>> -> memref<100000x128xf32, #tpu.memory_space<hbm>>
        tpu.enqueue_indirect_dma source(%dma_start3A_1921 : memref<100000x128xf32, #tpu.memory_space<hbm>>) target(%dma_start3A_1915 : memref<128x128xf32, #tpu.memory_space<vmem>>) offsets(%dma_start3A_1918 : memref<128xi32, #tpu.memory_space<vmem>>) semaphore(%arg10 : memref<!tpu.dma_semaphore, #tpu.memory_space<semaphore_mem>>)
      } else {
      }
      %dma_wait3A_1175 = arith.constant 3 : i32
      %dma_wait3A_1176 = arith.constant 0 : i32
      %dma_wait3A_1177 = arith.constant 0 : i32
      %dma_wait3A_1178 = tpu.memref_slice %arg6[%dma_wait3A_1175, %dma_wait3A_1176, %dma_wait3A_1177] : memref<5x128x128xf32, #tpu.memory_space<vmem>> -> memref<1x128x128xf32, #tpu.memory_space<vmem>>
      %dma_wait3A_1179 = tpu.memref_squeeze %dma_wait3A_1178 : memref<1x128x128xf32, #tpu.memory_space<vmem>> -> memref<128x128xf32, #tpu.memory_space<vmem>>
      %dma_wait3A_1180 = arith.constant 0 : i32
      %dma_wait3A_1181 = tpu.memref_slice %arg5[%add3A_1165, %dma_wait3A_1180] : memref<50x128xi32, #tpu.memory_space<vmem>> -> memref<1x128xi32, #tpu.memory_space<vmem>>
      %dma_wait3A_1182 = tpu.memref_squeeze %dma_wait3A_1181 : memref<1x128xi32, #tpu.memory_space<vmem>> -> memref<128xi32, #tpu.memory_space<vmem>>
      %dma_wait3A_1183 = arith.constant 0 : i32
      %dma_wait3A_1184 = arith.constant 0 : i32
      %dma_wait3A_1185 = tpu.memref_slice %arg3[%dma_wait3A_1183, %dma_wait3A_1184] : memref<100000x128xf32, #tpu.memory_space<hbm>> -> memref<100000x128xf32, #tpu.memory_space<hbm>>
      tpu.wait_indirect_dma semaphore(%arg11 : memref<!tpu.dma_semaphore, #tpu.memory_space<semaphore_mem>>) src(%dma_wait3A_1185 : memref<100000x128xf32, #tpu.memory_space<hbm>>) dst(%dma_wait3A_1179 : memref<128x128xf32, #tpu.memory_space<vmem>>)
      %get3A_1186 = arith.constant 3 : i32
      %get3A_1187 = arith.constant 0 : i32
      %get3A_1188 = arith.constant 0 : i32
      %get3A_1189 = arith.constant 0 : i32
      %get3A_1190 = tpu.memref_slice %arg6[%get3A_1186, %get3A_1188, %get3A_1189] : memref<5x128x128xf32, #tpu.memory_space<vmem>> -> memref<1x128x128xf32, #tpu.memory_space<vmem>>
      %get3A_1191 = tpu.memref_squeeze %get3A_1190 : memref<1x128x128xf32, #tpu.memory_space<vmem>> -> memref<128x128xf32, #tpu.memory_space<vmem>>
      %get3A_1192 = arith.index_cast %get3A_1187 : i32 to index
      %get3A_1193 = arith.constant 0 : index
      %get3A_1194 = tpu.vector_load %get3A_1191[%get3A_1192, %get3A_1193] {strides = array<i32>} : memref<128x128xf32, #tpu.memory_space<vmem>>, vector<1x16xf32>,
      %get3A_1195 = vector.shape_cast %get3A_1194 : vector<1x16xf32> to vector<16xf32>
      %get3A_1196 = arith.constant 3 : i32
      %get3A_1197 = arith.constant 0 : i32
      %get3A_1198 = arith.constant 0 : i32
      %get3A_1199 = arith.constant 0 : i32
      %get3A_1200 = tpu.memref_slice %arg6[%get3A_1196, %get3A_1198, %get3A_1199] : memref<5x128x128xf32, #tpu.memory_space<vmem>> -> memref<1x128x128xf32, #tpu.memory_space<vmem>>
      %get3A_1201 = tpu.memref_squeeze %get3A_1200 : memref<1x128x128xf32, #tpu.memory_space<vmem>> -> memref<128x128xf32, #tpu.memory_space<vmem>>
      %get3A_1202 = arith.index_cast %get3A_1197 : i32 to index
      %get3A_1203 = arith.constant 16 : index
      %get3A_1204 = tpu.vector_load %get3A_1201[%get3A_1202, %get3A_1203] {strides = array<i32>} : memref<128x128xf32, #tpu.memory_space<vmem>>, vector<1x16xf32>,
      %get3A_1205 = vector.shape_cast %get3A_1204 : vector<1x16xf32> to vector<16xf32>
      %get3A_1206 = arith.constant 3 : i32
      %get3A_1207 = arith.constant 0 : i32
      %get3A_1208 = arith.constant 0 : i32
      %get3A_1209 = arith.constant 0 : i32
      %get3A_1210 = tpu.memref_slice %arg6[%get3A_1206, %get3A_1208, %get3A_1209] : memref<5x128x128xf32, #tpu.memory_space<vmem>> -> memref<1x128x128xf32, #tpu.memory_space<vmem>>
      %get3A_1211 = tpu.memref_squeeze %get3A_1210 : memref<1x128x128xf32, #tpu.memory_space<vmem>> -> memref<128x128xf32, #tpu.memory_space<vmem>>
      %get3A_1212 = arith.index_cast %get3A_1207 : i32 to index
      %get3A_1213 = arith.constant 32 : index
      %get3A_1214 = tpu.vector_load %get3A_1211[%get3A_1212, %get3A_1213] {strides = array<i32>} : memref<128x128xf32, #tpu.memory_space<vmem>>, vector<1x16xf32>,
      %get3A_1215 = vector.shape_cast %get3A_1214 : vector<1x16xf32> to vector<16xf32>
      %get3A_1216 = arith.constant 3 : i32
      %get3A_1217 = arith.constant 0 : i32
      %get3A_1218 = arith.constant 0 : i32
      %get3A_1219 = arith.constant 0 : i32
      %get3A_1220 = tpu.memref_slice %arg6[%get3A_1216, %get3A_1218, %get3A_1219] : memref<5x128x128xf32, #tpu.memory_space<vmem>> -> memref<1x128x128xf32, #tpu.memory_space<vmem>>
      %get3A_1221 = tpu.memref_squeeze %get3A_1220 : memref<1x128x128xf32, #tpu.memory_space<vmem>> -> memref<128x128xf32, #tpu.memory_space<vmem>>
      %get3A_1222 = arith.index_cast %get3A_1217 : i32 to index
      %get3A_1223 = arith.constant 48 : index
      %get3A_1224 = tpu.vector_load %get3A_1221[%get3A_1222, %get3A_1223] {strides = array<i32>} : memref<128x128xf32, #tpu.memory_space<vmem>>, vector<1x16xf32>,
      %get3A_1225 = vector.shape_cast %get3A_1224 : vector<1x16xf32> to vector<16xf32>
      %get3A_1226 = arith.constant 3 : i32
      %get3A_1227 = arith.constant 0 : i32
      %get3A_1228 = arith.constant 0 : i32
      %get3A_1229 = arith.constant 0 : i32
      %get3A_1230 = tpu.memref_slice %arg6[%get3A_1226, %get3A_1228, %get3A_1229] : memref<5x128x128xf32, #tpu.memory_space<vmem>> -> memref<1x128x128xf32, #tpu.memory_space<vmem>>
      %get3A_1231 = tpu.memref_squeeze %get3A_1230 : memref<1x128x128xf32, #tpu.memory_space<vmem>> -> memref<128x128xf32, #tpu.memory_space<vmem>>
      %get3A_1232 = arith.index_cast %get3A_1227 : i32 to index
      %get3A_1233 = arith.constant 64 : index
      %get3A_1234 = tpu.vector_load %get3A_1231[%get3A_1232, %get3A_1233] {strides = array<i32>} : memref<128x128xf32, #tpu.memory_space<vmem>>, vector<1x16xf32>,
      %get3A_1235 = vector.shape_cast %get3A_1234 : vector<1x16xf32> to vector<16xf32>
      %get3A_1236 = arith.constant 3 : i32
      %get3A_1237 = arith.constant 0 : i32
      %get3A_1238 = arith.constant 0 : i32
      %get3A_1239 = arith.constant 0 : i32
      %get3A_1240 = tpu.memref_slice %arg6[%get3A_1236, %get3A_1238, %get3A_1239] : memref<5x128x128xf32, #tpu.memory_space<vmem>> -> memref<1x128x128xf32, #tpu.memory_space<vmem>>
      %get3A_1241 = tpu.memref_squeeze %get3A_1240 : memref<1x128x128xf32, #tpu.memory_space<vmem>> -> memref<128x128xf32, #tpu.memory_space<vmem>>
      %get3A_1242 = arith.index_cast %get3A_1237 : i32 to index
      %get3A_1243 = arith.constant 80 : index
      %get3A_1244 = tpu.vector_load %get3A_1241[%get3A_1242, %get3A_1243] {strides = array<i32>} : memref<128x128xf32, #tpu.memory_space<vmem>>, vector<1x16xf32>,
      %get3A_1245 = vector.shape_cast %get3A_1244 : vector<1x16xf32> to vector<16xf32>
      %get3A_1246 = arith.constant 3 : i32
      %get3A_1247 = arith.constant 0 : i32
      %get3A_1248 = arith.constant 0 : i32
      %get3A_1249 = arith.constant 0 : i32
      %get3A_1250 = tpu.memref_slice %arg6[%get3A_1246, %get3A_1248, %get3A_1249] : memref<5x128x128xf32, #tpu.memory_space<vmem>> -> memref<1x128x128xf32, #tpu.memory_space<vmem>>
      %get3A_1251 = tpu.memref_squeeze %get3A_1250 : memref<1x128x128xf32, #tpu.memory_space<vmem>> -> memref<128x128xf32, #tpu.memory_space<vmem>>
      %get3A_1252 = arith.index_cast %get3A_1247 : i32 to index
      %get3A_1253 = arith.constant 96 : index
      %get3A_1254 = tpu.vector_load %get3A_1251[%get3A_1252, %get3A_1253] {strides = array<i32>} : memref<128x128xf32, #tpu.memory_space<vmem>>, vector<1x16xf32>,
      %get3A_1255 = vector.shape_cast %get3A_1254 : vector<1x16xf32> to vector<16xf32>
      %get3A_1256 = arith.constant 3 : i32
      %get3A_1257 = arith.constant 0 : i32
      %get3A_1258 = arith.constant 0 : i32
      %get3A_1259 = arith.constant 0 : i32
      %get3A_1260 = tpu.memref_slice %arg6[%get3A_1256, %get3A_1258, %get3A_1259] : memref<5x128x128xf32, #tpu.memory_space<vmem>> -> memref<1x128x128xf32, #tpu.memory_space<vmem>>
      %get3A_1261 = tpu.memref_squeeze %get3A_1260 : memref<1x128x128xf32, #tpu.memory_space<vmem>> -> memref<128x128xf32, #tpu.memory_space<vmem>>
      %get3A_1262 = arith.index_cast %get3A_1257 : i32 to index
      %get3A_1263 = arith.constant 112 : index
      %get3A_1264 = tpu.vector_load %get3A_1261[%get3A_1262, %get3A_1263] {strides = array<i32>} : memref<128x128xf32, #tpu.memory_space<vmem>>, vector<1x16xf32>,
      %get3A_1265 = vector.shape_cast %get3A_1264 : vector<1x16xf32> to vector<16xf32>
      %scan3A_1266 = arith.constant 3 : i32
      %scan3A_1267 = arith.constant 1 : i32
      %scan3A_1268 = arith.constant 124 : i32
      %scan3A_1269 = arith.addi %scan3A_1267, %scan3A_1268 : i32
      %scan3A_1270 = arith.constant 4 : i32
      %scan3A_1271:8 = scf.for %scan3A_1907 = %scan3A_1267 to %scan3A_1269 step %scan3A_1270 iter_args(%scan3A_1908 = %get3A_1195, %scan3A_1909 = %get3A_1205, %scan3A_1910 = %get3A_1215, %scan3A_1911 = %get3A_1225, %scan3A_1912 = %get3A_1235, %scan3A_1913 = %get3A_1245, %scan3A_1914 = %get3A_1255, %scan3A_1915 = %get3A_1265) -> (vector<16xf32>, vector<16xf32>, vector<16xf32>, vector<16xf32>, vector<16xf32>, vector<16xf32>, vector<16xf32>, vector<16xf32>)  : i32 {
        %get3A_1916 = arith.constant 0 : i32
        %get3A_1917 = arith.constant 0 : i32
        %get3A_1918 = tpu.memref_slice %arg6[%scan3A_1266, %get3A_1916, %get3A_1917] : memref<5x128x128xf32, #tpu.memory_space<vmem>> -> memref<1x128x128xf32, #tpu.memory_space<vmem>>
        %get3A_1919 = tpu.memref_squeeze %get3A_1918 : memref<1x128x128xf32, #tpu.memory_space<vmem>> -> memref<128x128xf32, #tpu.memory_space<vmem>>
        %get3A_1920 = arith.index_cast %scan3A_1907 : i32 to index
        %get3A_1921 = arith.constant 0 : index
        %get3A_1922 = tpu.vector_load %get3A_1919[%get3A_1920, %get3A_1921] {strides = array<i32>} : memref<128x128xf32, #tpu.memory_space<vmem>>, vector<1x16xf32>,
        %get3A_1923 = vector.shape_cast %get3A_1922 : vector<1x16xf32> to vector<16xf32>
        %add3A_1924 = arith.addf %scan3A_1908, %get3A_1923 : vector<16xf32>
        %get3A_1925 = arith.constant 0 : i32
        %get3A_1926 = arith.constant 0 : i32
        %get3A_1927 = tpu.memref_slice %arg6[%scan3A_1266, %get3A_1925, %get3A_1926] : memref<5x128x128xf32, #tpu.memory_space<vmem>> -> memref<1x128x128xf32, #tpu.memory_space<vmem>>
        %get3A_1928 = tpu.memref_squeeze %get3A_1927 : memref<1x128x128xf32, #tpu.memory_space<vmem>> -> memref<128x128xf32, #tpu.memory_space<vmem>>
        %get3A_1929 = arith.index_cast %scan3A_1907 : i32 to index
        %get3A_1930 = arith.constant 16 : index
        %get3A_1931 = tpu.vector_load %get3A_1928[%get3A_1929, %get3A_1930] {strides = array<i32>} : memref<128x128xf32, #tpu.memory_space<vmem>>, vector<1x16xf32>,
        %get3A_1932 = vector.shape_cast %get3A_1931 : vector<1x16xf32> to vector<16xf32>
        %add3A_1933 = arith.addf %scan3A_1909, %get3A_1932 : vector<16xf32>
        %get3A_1934 = arith.constant 0 : i32
        %get3A_1935 = arith.constant 0 : i32
        %get3A_1936 = tpu.memref_slice %arg6[%scan3A_1266, %get3A_1934, %get3A_1935] : memref<5x128x128xf32, #tpu.memory_space<vmem>> -> memref<1x128x128xf32, #tpu.memory_space<vmem>>
        %get3A_1937 = tpu.memref_squeeze %get3A_1936 : memref<1x128x128xf32, #tpu.memory_space<vmem>> -> memref<128x128xf32, #tpu.memory_space<vmem>>
        %get3A_1938 = arith.index_cast %scan3A_1907 : i32 to index
        %get3A_1939 = arith.constant 32 : index
        %get3A_1940 = tpu.vector_load %get3A_1937[%get3A_1938, %get3A_1939] {strides = array<i32>} : memref<128x128xf32, #tpu.memory_space<vmem>>, vector<1x16xf32>,
        %get3A_1941 = vector.shape_cast %get3A_1940 : vector<1x16xf32> to vector<16xf32>
        %add3A_1942 = arith.addf %scan3A_1910, %get3A_1941 : vector<16xf32>
        %get3A_1943 = arith.constant 0 : i32
        %get3A_1944 = arith.constant 0 : i32
        %get3A_1945 = tpu.memref_slice %arg6[%scan3A_1266, %get3A_1943, %get3A_1944] : memref<5x128x128xf32, #tpu.memory_space<vmem>> -> memref<1x128x128xf32, #tpu.memory_space<vmem>>
        %get3A_1946 = tpu.memref_squeeze %get3A_1945 : memref<1x128x128xf32, #tpu.memory_space<vmem>> -> memref<128x128xf32, #tpu.memory_space<vmem>>
        %get3A_1947 = arith.index_cast %scan3A_1907 : i32 to index
        %get3A_1948 = arith.constant 48 : index
        %get3A_1949 = tpu.vector_load %get3A_1946[%get3A_1947, %get3A_1948] {strides = array<i32>} : memref<128x128xf32, #tpu.memory_space<vmem>>, vector<1x16xf32>,
        %get3A_1950 = vector.shape_cast %get3A_1949 : vector<1x16xf32> to vector<16xf32>
        %add3A_1951 = arith.addf %scan3A_1911, %get3A_1950 : vector<16xf32>
        %get3A_1952 = arith.constant 0 : i32
        %get3A_1953 = arith.constant 0 : i32
        %get3A_1954 = tpu.memref_slice %arg6[%scan3A_1266, %get3A_1952, %get3A_1953] : memref<5x128x128xf32, #tpu.memory_space<vmem>> -> memref<1x128x128xf32, #tpu.memory_space<vmem>>
        %get3A_1955 = tpu.memref_squeeze %get3A_1954 : memref<1x128x128xf32, #tpu.memory_space<vmem>> -> memref<128x128xf32, #tpu.memory_space<vmem>>
        %get3A_1956 = arith.index_cast %scan3A_1907 : i32 to index
        %get3A_1957 = arith.constant 64 : index
        %get3A_1958 = tpu.vector_load %get3A_1955[%get3A_1956, %get3A_1957] {strides = array<i32>} : memref<128x128xf32, #tpu.memory_space<vmem>>, vector<1x16xf32>,
        %get3A_1959 = vector.shape_cast %get3A_1958 : vector<1x16xf32> to vector<16xf32>
        %add3A_1960 = arith.addf %scan3A_1912, %get3A_1959 : vector<16xf32>
        %get3A_1961 = arith.constant 0 : i32
        %get3A_1962 = arith.constant 0 : i32
        %get3A_1963 = tpu.memref_slice %arg6[%scan3A_1266, %get3A_1961, %get3A_1962] : memref<5x128x128xf32, #tpu.memory_space<vmem>> -> memref<1x128x128xf32, #tpu.memory_space<vmem>>
        %get3A_1964 = tpu.memref_squeeze %get3A_1963 : memref<1x128x128xf32, #tpu.memory_space<vmem>> -> memref<128x128xf32, #tpu.memory_space<vmem>>
        %get3A_1965 = arith.index_cast %scan3A_1907 : i32 to index
        %get3A_1966 = arith.constant 80 : index
        %get3A_1967 = tpu.vector_load %get3A_1964[%get3A_1965, %get3A_1966] {strides = array<i32>} : memref<128x128xf32, #tpu.memory_space<vmem>>, vector<1x16xf32>,
        %get3A_1968 = vector.shape_cast %get3A_1967 : vector<1x16xf32> to vector<16xf32>
        %add3A_1969 = arith.addf %scan3A_1913, %get3A_1968 : vector<16xf32>
        %get3A_1970 = arith.constant 0 : i32
        %get3A_1971 = arith.constant 0 : i32
        %get3A_1972 = tpu.memref_slice %arg6[%scan3A_1266, %get3A_1970, %get3A_1971] : memref<5x128x128xf32, #tpu.memory_space<vmem>> -> memref<1x128x128xf32, #tpu.memory_space<vmem>>
        %get3A_1973 = tpu.memref_squeeze %get3A_1972 : memref<1x128x128xf32, #tpu.memory_space<vmem>> -> memref<128x128xf32, #tpu.memory_space<vmem>>
        %get3A_1974 = arith.index_cast %scan3A_1907 : i32 to index
        %get3A_1975 = arith.constant 96 : index
        %get3A_1976 = tpu.vector_load %get3A_1973[%get3A_1974, %get3A_1975] {strides = array<i32>} : memref<128x128xf32, #tpu.memory_space<vmem>>, vector<1x16xf32>,
        %get3A_1977 = vector.shape_cast %get3A_1976 : vector<1x16xf32> to vector<16xf32>
        %add3A_1978 = arith.addf %scan3A_1914, %get3A_1977 : vector<16xf32>
        %get3A_1979 = arith.constant 0 : i32
        %get3A_1980 = arith.constant 0 : i32
        %get3A_1981 = tpu.memref_slice %arg6[%scan3A_1266, %get3A_1979, %get3A_1980] : memref<5x128x128xf32, #tpu.memory_space<vmem>> -> memref<1x128x128xf32, #tpu.memory_space<vmem>>
        %get3A_1982 = tpu.memref_squeeze %get3A_1981 : memref<1x128x128xf32, #tpu.memory_space<vmem>> -> memref<128x128xf32, #tpu.memory_space<vmem>>
        %get3A_1983 = arith.index_cast %scan3A_1907 : i32 to index
        %get3A_1984 = arith.constant 112 : index
        %get3A_1985 = tpu.vector_load %get3A_1982[%get3A_1983, %get3A_1984] {strides = array<i32>} : memref<128x128xf32, #tpu.memory_space<vmem>>, vector<1x16xf32>,
        %get3A_1986 = vector.shape_cast %get3A_1985 : vector<1x16xf32> to vector<16xf32>
        %add3A_1987 = arith.addf %scan3A_1915, %get3A_1986 : vector<16xf32>
        %scan3A_1988 = arith.constant 1 : i32
        %scan3A_1989 = arith.addi %scan3A_1907, %scan3A_1988 : i32
        %get3A_1990 = arith.constant 0 : i32
        %get3A_1991 = arith.constant 0 : i32
        %get3A_1992 = tpu.memref_slice %arg6[%scan3A_1266, %get3A_1990, %get3A_1991] : memref<5x128x128xf32, #tpu.memory_space<vmem>> -> memref<1x128x128xf32, #tpu.memory_space<vmem>>
        %get3A_1993 = tpu.memref_squeeze %get3A_1992 : memref<1x128x128xf32, #tpu.memory_space<vmem>> -> memref<128x128xf32, #tpu.memory_space<vmem>>
        %get3A_1994 = arith.index_cast %scan3A_1989 : i32 to index
        %get3A_1995 = arith.constant 0 : index
        %get3A_1996 = tpu.vector_load %get3A_1993[%get3A_1994, %get3A_1995] {strides = array<i32>} : memref<128x128xf32, #tpu.memory_space<vmem>>, vector<1x16xf32>,
        %get3A_1997 = vector.shape_cast %get3A_1996 : vector<1x16xf32> to vector<16xf32>
        %add3A_1998 = arith.addf %add3A_1924, %get3A_1997 : vector<16xf32>
        %get3A_1999 = arith.constant 0 : i32
        %get3A_2000 = arith.constant 0 : i32
        %get3A_2001 = tpu.memref_slice %arg6[%scan3A_1266, %get3A_1999, %get3A_2000] : memref<5x128x128xf32, #tpu.memory_space<vmem>> -> memref<1x128x128xf32, #tpu.memory_space<vmem>>
        %get3A_2002 = tpu.memref_squeeze %get3A_2001 : memref<1x128x128xf32, #tpu.memory_space<vmem>> -> memref<128x128xf32, #tpu.memory_space<vmem>>
        %get3A_2003 = arith.index_cast %scan3A_1989 : i32 to index
        %get3A_2004 = arith.constant 16 : index
        %get3A_2005 = tpu.vector_load %get3A_2002[%get3A_2003, %get3A_2004] {strides = array<i32>} : memref<128x128xf32, #tpu.memory_space<vmem>>, vector<1x16xf32>,
        %get3A_2006 = vector.shape_cast %get3A_2005 : vector<1x16xf32> to vector<16xf32>
        %add3A_2007 = arith.addf %add3A_1933, %get3A_2006 : vector<16xf32>
        %get3A_2008 = arith.constant 0 : i32
        %get3A_2009 = arith.constant 0 : i32
        %get3A_2010 = tpu.memref_slice %arg6[%scan3A_1266, %get3A_2008, %get3A_2009] : memref<5x128x128xf32, #tpu.memory_space<vmem>> -> memref<1x128x128xf32, #tpu.memory_space<vmem>>
        %get3A_2011 = tpu.memref_squeeze %get3A_2010 : memref<1x128x128xf32, #tpu.memory_space<vmem>> -> memref<128x128xf32, #tpu.memory_space<vmem>>
        %get3A_2012 = arith.index_cast %scan3A_1989 : i32 to index
        %get3A_2013 = arith.constant 32 : index
        %get3A_2014 = tpu.vector_load %get3A_2011[%get3A_2012, %get3A_2013] {strides = array<i32>} : memref<128x128xf32, #tpu.memory_space<vmem>>, vector<1x16xf32>,
        %get3A_2015 = vector.shape_cast %get3A_2014 : vector<1x16xf32> to vector<16xf32>
        %add3A_2016 = arith.addf %add3A_1942, %get3A_2015 : vector<16xf32>
        %get3A_2017 = arith.constant 0 : i32
        %get3A_2018 = arith.constant 0 : i32
        %get3A_2019 = tpu.memref_slice %arg6[%scan3A_1266, %get3A_2017, %get3A_2018] : memref<5x128x128xf32, #tpu.memory_space<vmem>> -> memref<1x128x128xf32, #tpu.memory_space<vmem>>
        %get3A_2020 = tpu.memref_squeeze %get3A_2019 : memref<1x128x128xf32, #tpu.memory_space<vmem>> -> memref<128x128xf32, #tpu.memory_space<vmem>>
        %get3A_2021 = arith.index_cast %scan3A_1989 : i32 to index
        %get3A_2022 = arith.constant 48 : index
        %get3A_2023 = tpu.vector_load %get3A_2020[%get3A_2021, %get3A_2022] {strides = array<i32>} : memref<128x128xf32, #tpu.memory_space<vmem>>, vector<1x16xf32>,
        %get3A_2024 = vector.shape_cast %get3A_2023 : vector<1x16xf32> to vector<16xf32>
        %add3A_2025 = arith.addf %add3A_1951, %get3A_2024 : vector<16xf32>
        %get3A_2026 = arith.constant 0 : i32
        %get3A_2027 = arith.constant 0 : i32
        %get3A_2028 = tpu.memref_slice %arg6[%scan3A_1266, %get3A_2026, %get3A_2027] : memref<5x128x128xf32, #tpu.memory_space<vmem>> -> memref<1x128x128xf32, #tpu.memory_space<vmem>>
        %get3A_2029 = tpu.memref_squeeze %get3A_2028 : memref<1x128x128xf32, #tpu.memory_space<vmem>> -> memref<128x128xf32, #tpu.memory_space<vmem>>
        %get3A_2030 = arith.index_cast %scan3A_1989 : i32 to index
        %get3A_2031 = arith.constant 64 : index
        %get3A_2032 = tpu.vector_load %get3A_2029[%get3A_2030, %get3A_2031] {strides = array<i32>} : memref<128x128xf32, #tpu.memory_space<vmem>>, vector<1x16xf32>,
        %get3A_2033 = vector.shape_cast %get3A_2032 : vector<1x16xf32> to vector<16xf32>
        %add3A_2034 = arith.addf %add3A_1960, %get3A_2033 : vector<16xf32>
        %get3A_2035 = arith.constant 0 : i32
        %get3A_2036 = arith.constant 0 : i32
        %get3A_2037 = tpu.memref_slice %arg6[%scan3A_1266, %get3A_2035, %get3A_2036] : memref<5x128x128xf32, #tpu.memory_space<vmem>> -> memref<1x128x128xf32, #tpu.memory_space<vmem>>
        %get3A_2038 = tpu.memref_squeeze %get3A_2037 : memref<1x128x128xf32, #tpu.memory_space<vmem>> -> memref<128x128xf32, #tpu.memory_space<vmem>>
        %get3A_2039 = arith.index_cast %scan3A_1989 : i32 to index
        %get3A_2040 = arith.constant 80 : index
        %get3A_2041 = tpu.vector_load %get3A_2038[%get3A_2039, %get3A_2040] {strides = array<i32>} : memref<128x128xf32, #tpu.memory_space<vmem>>, vector<1x16xf32>,
        %get3A_2042 = vector.shape_cast %get3A_2041 : vector<1x16xf32> to vector<16xf32>
        %add3A_2043 = arith.addf %add3A_1969, %get3A_2042 : vector<16xf32>
        %get3A_2044 = arith.constant 0 : i32
        %get3A_2045 = arith.constant 0 : i32
        %get3A_2046 = tpu.memref_slice %arg6[%scan3A_1266, %get3A_2044, %get3A_2045] : memref<5x128x128xf32, #tpu.memory_space<vmem>> -> memref<1x128x128xf32, #tpu.memory_space<vmem>>
        %get3A_2047 = tpu.memref_squeeze %get3A_2046 : memref<1x128x128xf32, #tpu.memory_space<vmem>> -> memref<128x128xf32, #tpu.memory_space<vmem>>
        %get3A_2048 = arith.index_cast %scan3A_1989 : i32 to index
        %get3A_2049 = arith.constant 96 : index
        %get3A_2050 = tpu.vector_load %get3A_2047[%get3A_2048, %get3A_2049] {strides = array<i32>} : memref<128x128xf32, #tpu.memory_space<vmem>>, vector<1x16xf32>,
        %get3A_2051 = vector.shape_cast %get3A_2050 : vector<1x16xf32> to vector<16xf32>
        %add3A_2052 = arith.addf %add3A_1978, %get3A_2051 : vector<16xf32>
        %get3A_2053 = arith.constant 0 : i32
        %get3A_2054 = arith.constant 0 : i32
        %get3A_2055 = tpu.memref_slice %arg6[%scan3A_1266, %get3A_2053, %get3A_2054] : memref<5x128x128xf32, #tpu.memory_space<vmem>> -> memref<1x128x128xf32, #tpu.memory_space<vmem>>
        %get3A_2056 = tpu.memref_squeeze %get3A_2055 : memref<1x128x128xf32, #tpu.memory_space<vmem>> -> memref<128x128xf32, #tpu.memory_space<vmem>>
        %get3A_2057 = arith.index_cast %scan3A_1989 : i32 to index
        %get3A_2058 = arith.constant 112 : index
        %get3A_2059 = tpu.vector_load %get3A_2056[%get3A_2057, %get3A_2058] {strides = array<i32>} : memref<128x128xf32, #tpu.memory_space<vmem>>, vector<1x16xf32>,
        %get3A_2060 = vector.shape_cast %get3A_2059 : vector<1x16xf32> to vector<16xf32>
        %add3A_2061 = arith.addf %add3A_1987, %get3A_2060 : vector<16xf32>
        %scan3A_2062 = arith.constant 2 : i32
        %scan3A_2063 = arith.addi %scan3A_1907, %scan3A_2062 : i32
        %get3A_2064 = arith.constant 0 : i32
        %get3A_2065 = arith.constant 0 : i32
        %get3A_2066 = tpu.memref_slice %arg6[%scan3A_1266, %get3A_2064, %get3A_2065] : memref<5x128x128xf32, #tpu.memory_space<vmem>> -> memref<1x128x128xf32, #tpu.memory_space<vmem>>
        %get3A_2067 = tpu.memref_squeeze %get3A_2066 : memref<1x128x128xf32, #tpu.memory_space<vmem>> -> memref<128x128xf32, #tpu.memory_space<vmem>>
        %get3A_2068 = arith.index_cast %scan3A_2063 : i32 to index
        %get3A_2069 = arith.constant 0 : index
        %get3A_2070 = tpu.vector_load %get3A_2067[%get3A_2068, %get3A_2069] {strides = array<i32>} : memref<128x128xf32, #tpu.memory_space<vmem>>, vector<1x16xf32>,
        %get3A_2071 = vector.shape_cast %get3A_2070 : vector<1x16xf32> to vector<16xf32>
        %add3A_2072 = arith.addf %add3A_1998, %get3A_2071 : vector<16xf32>
        %get3A_2073 = arith.constant 0 : i32
        %get3A_2074 = arith.constant 0 : i32
        %get3A_2075 = tpu.memref_slice %arg6[%scan3A_1266, %get3A_2073, %get3A_2074] : memref<5x128x128xf32, #tpu.memory_space<vmem>> -> memref<1x128x128xf32, #tpu.memory_space<vmem>>
        %get3A_2076 = tpu.memref_squeeze %get3A_2075 : memref<1x128x128xf32, #tpu.memory_space<vmem>> -> memref<128x128xf32, #tpu.memory_space<vmem>>
        %get3A_2077 = arith.index_cast %scan3A_2063 : i32 to index
        %get3A_2078 = arith.constant 16 : index
        %get3A_2079 = tpu.vector_load %get3A_2076[%get3A_2077, %get3A_2078] {strides = array<i32>} : memref<128x128xf32, #tpu.memory_space<vmem>>, vector<1x16xf32>,
        %get3A_2080 = vector.shape_cast %get3A_2079 : vector<1x16xf32> to vector<16xf32>
        %add3A_2081 = arith.addf %add3A_2007, %get3A_2080 : vector<16xf32>
        %get3A_2082 = arith.constant 0 : i32
        %get3A_2083 = arith.constant 0 : i32
        %get3A_2084 = tpu.memref_slice %arg6[%scan3A_1266, %get3A_2082, %get3A_2083] : memref<5x128x128xf32, #tpu.memory_space<vmem>> -> memref<1x128x128xf32, #tpu.memory_space<vmem>>
        %get3A_2085 = tpu.memref_squeeze %get3A_2084 : memref<1x128x128xf32, #tpu.memory_space<vmem>> -> memref<128x128xf32, #tpu.memory_space<vmem>>
        %get3A_2086 = arith.index_cast %scan3A_2063 : i32 to index
        %get3A_2087 = arith.constant 32 : index
        %get3A_2088 = tpu.vector_load %get3A_2085[%get3A_2086, %get3A_2087] {strides = array<i32>} : memref<128x128xf32, #tpu.memory_space<vmem>>, vector<1x16xf32>,
        %get3A_2089 = vector.shape_cast %get3A_2088 : vector<1x16xf32> to vector<16xf32>
        %add3A_2090 = arith.addf %add3A_2016, %get3A_2089 : vector<16xf32>
        %get3A_2091 = arith.constant 0 : i32
        %get3A_2092 = arith.constant 0 : i32
        %get3A_2093 = tpu.memref_slice %arg6[%scan3A_1266, %get3A_2091, %get3A_2092] : memref<5x128x128xf32, #tpu.memory_space<vmem>> -> memref<1x128x128xf32, #tpu.memory_space<vmem>>
        %get3A_2094 = tpu.memref_squeeze %get3A_2093 : memref<1x128x128xf32, #tpu.memory_space<vmem>> -> memref<128x128xf32, #tpu.memory_space<vmem>>
        %get3A_2095 = arith.index_cast %scan3A_2063 : i32 to index
        %get3A_2096 = arith.constant 48 : index
        %get3A_2097 = tpu.vector_load %get3A_2094[%get3A_2095, %get3A_2096] {strides = array<i32>} : memref<128x128xf32, #tpu.memory_space<vmem>>, vector<1x16xf32>,
        %get3A_2098 = vector.shape_cast %get3A_2097 : vector<1x16xf32> to vector<16xf32>
        %add3A_2099 = arith.addf %add3A_2025, %get3A_2098 : vector<16xf32>
        %get3A_2100 = arith.constant 0 : i32
        %get3A_2101 = arith.constant 0 : i32
        %get3A_2102 = tpu.memref_slice %arg6[%scan3A_1266, %get3A_2100, %get3A_2101] : memref<5x128x128xf32, #tpu.memory_space<vmem>> -> memref<1x128x128xf32, #tpu.memory_space<vmem>>
        %get3A_2103 = tpu.memref_squeeze %get3A_2102 : memref<1x128x128xf32, #tpu.memory_space<vmem>> -> memref<128x128xf32, #tpu.memory_space<vmem>>
        %get3A_2104 = arith.index_cast %scan3A_2063 : i32 to index
        %get3A_2105 = arith.constant 64 : index
        %get3A_2106 = tpu.vector_load %get3A_2103[%get3A_2104, %get3A_2105] {strides = array<i32>} : memref<128x128xf32, #tpu.memory_space<vmem>>, vector<1x16xf32>,
        %get3A_2107 = vector.shape_cast %get3A_2106 : vector<1x16xf32> to vector<16xf32>
        %add3A_2108 = arith.addf %add3A_2034, %get3A_2107 : vector<16xf32>
        %get3A_2109 = arith.constant 0 : i32
        %get3A_2110 = arith.constant 0 : i32
        %get3A_2111 = tpu.memref_slice %arg6[%scan3A_1266, %get3A_2109, %get3A_2110] : memref<5x128x128xf32, #tpu.memory_space<vmem>> -> memref<1x128x128xf32, #tpu.memory_space<vmem>>
        %get3A_2112 = tpu.memref_squeeze %get3A_2111 : memref<1x128x128xf32, #tpu.memory_space<vmem>> -> memref<128x128xf32, #tpu.memory_space<vmem>>
        %get3A_2113 = arith.index_cast %scan3A_2063 : i32 to index
        %get3A_2114 = arith.constant 80 : index
        %get3A_2115 = tpu.vector_load %get3A_2112[%get3A_2113, %get3A_2114] {strides = array<i32>} : memref<128x128xf32, #tpu.memory_space<vmem>>, vector<1x16xf32>,
        %get3A_2116 = vector.shape_cast %get3A_2115 : vector<1x16xf32> to vector<16xf32>
        %add3A_2117 = arith.addf %add3A_2043, %get3A_2116 : vector<16xf32>
        %get3A_2118 = arith.constant 0 : i32
        %get3A_2119 = arith.constant 0 : i32
        %get3A_2120 = tpu.memref_slice %arg6[%scan3A_1266, %get3A_2118, %get3A_2119] : memref<5x128x128xf32, #tpu.memory_space<vmem>> -> memref<1x128x128xf32, #tpu.memory_space<vmem>>
        %get3A_2121 = tpu.memref_squeeze %get3A_2120 : memref<1x128x128xf32, #tpu.memory_space<vmem>> -> memref<128x128xf32, #tpu.memory_space<vmem>>
        %get3A_2122 = arith.index_cast %scan3A_2063 : i32 to index
        %get3A_2123 = arith.constant 96 : index
        %get3A_2124 = tpu.vector_load %get3A_2121[%get3A_2122, %get3A_2123] {strides = array<i32>} : memref<128x128xf32, #tpu.memory_space<vmem>>, vector<1x16xf32>,
        %get3A_2125 = vector.shape_cast %get3A_2124 : vector<1x16xf32> to vector<16xf32>
        %add3A_2126 = arith.addf %add3A_2052, %get3A_2125 : vector<16xf32>
        %get3A_2127 = arith.constant 0 : i32
        %get3A_2128 = arith.constant 0 : i32
        %get3A_2129 = tpu.memref_slice %arg6[%scan3A_1266, %get3A_2127, %get3A_2128] : memref<5x128x128xf32, #tpu.memory_space<vmem>> -> memref<1x128x128xf32, #tpu.memory_space<vmem>>
        %get3A_2130 = tpu.memref_squeeze %get3A_2129 : memref<1x128x128xf32, #tpu.memory_space<vmem>> -> memref<128x128xf32, #tpu.memory_space<vmem>>
        %get3A_2131 = arith.index_cast %scan3A_2063 : i32 to index
        %get3A_2132 = arith.constant 112 : index
        %get3A_2133 = tpu.vector_load %get3A_2130[%get3A_2131, %get3A_2132] {strides = array<i32>} : memref<128x128xf32, #tpu.memory_space<vmem>>, vector<1x16xf32>,
        %get3A_2134 = vector.shape_cast %get3A_2133 : vector<1x16xf32> to vector<16xf32>
        %add3A_2135 = arith.addf %add3A_2061, %get3A_2134 : vector<16xf32>
        %scan3A_2136 = arith.constant 3 : i32
        %scan3A_2137 = arith.addi %scan3A_1907, %scan3A_2136 : i32
        %get3A_2138 = arith.constant 0 : i32
        %get3A_2139 = arith.constant 0 : i32
        %get3A_2140 = tpu.memref_slice %arg6[%scan3A_1266, %get3A_2138, %get3A_2139] : memref<5x128x128xf32, #tpu.memory_space<vmem>> -> memref<1x128x128xf32, #tpu.memory_space<vmem>>
        %get3A_2141 = tpu.memref_squeeze %get3A_2140 : memref<1x128x128xf32, #tpu.memory_space<vmem>> -> memref<128x128xf32, #tpu.memory_space<vmem>>
        %get3A_2142 = arith.index_cast %scan3A_2137 : i32 to index
        %get3A_2143 = arith.constant 0 : index
        %get3A_2144 = tpu.vector_load %get3A_2141[%get3A_2142, %get3A_2143] {strides = array<i32>} : memref<128x128xf32, #tpu.memory_space<vmem>>, vector<1x16xf32>,
        %get3A_2145 = vector.shape_cast %get3A_2144 : vector<1x16xf32> to vector<16xf32>
        %add3A_2146 = arith.addf %add3A_2072, %get3A_2145 : vector<16xf32>
        %get3A_2147 = arith.constant 0 : i32
        %get3A_2148 = arith.constant 0 : i32
        %get3A_2149 = tpu.memref_slice %arg6[%scan3A_1266, %get3A_2147, %get3A_2148] : memref<5x128x128xf32, #tpu.memory_space<vmem>> -> memref<1x128x128xf32, #tpu.memory_space<vmem>>
        %get3A_2150 = tpu.memref_squeeze %get3A_2149 : memref<1x128x128xf32, #tpu.memory_space<vmem>> -> memref<128x128xf32, #tpu.memory_space<vmem>>
        %get3A_2151 = arith.index_cast %scan3A_2137 : i32 to index
        %get3A_2152 = arith.constant 16 : index
        %get3A_2153 = tpu.vector_load %get3A_2150[%get3A_2151, %get3A_2152] {strides = array<i32>} : memref<128x128xf32, #tpu.memory_space<vmem>>, vector<1x16xf32>,
        %get3A_2154 = vector.shape_cast %get3A_2153 : vector<1x16xf32> to vector<16xf32>
        %add3A_2155 = arith.addf %add3A_2081, %get3A_2154 : vector<16xf32>
        %get3A_2156 = arith.constant 0 : i32
        %get3A_2157 = arith.constant 0 : i32
        %get3A_2158 = tpu.memref_slice %arg6[%scan3A_1266, %get3A_2156, %get3A_2157] : memref<5x128x128xf32, #tpu.memory_space<vmem>> -> memref<1x128x128xf32, #tpu.memory_space<vmem>>
        %get3A_2159 = tpu.memref_squeeze %get3A_2158 : memref<1x128x128xf32, #tpu.memory_space<vmem>> -> memref<128x128xf32, #tpu.memory_space<vmem>>
        %get3A_2160 = arith.index_cast %scan3A_2137 : i32 to index
        %get3A_2161 = arith.constant 32 : index
        %get3A_2162 = tpu.vector_load %get3A_2159[%get3A_2160, %get3A_2161] {strides = array<i32>} : memref<128x128xf32, #tpu.memory_space<vmem>>, vector<1x16xf32>,
        %get3A_2163 = vector.shape_cast %get3A_2162 : vector<1x16xf32> to vector<16xf32>
        %add3A_2164 = arith.addf %add3A_2090, %get3A_2163 : vector<16xf32>
        %get3A_2165 = arith.constant 0 : i32
        %get3A_2166 = arith.constant 0 : i32
        %get3A_2167 = tpu.memref_slice %arg6[%scan3A_1266, %get3A_2165, %get3A_2166] : memref<5x128x128xf32, #tpu.memory_space<vmem>> -> memref<1x128x128xf32, #tpu.memory_space<vmem>>
        %get3A_2168 = tpu.memref_squeeze %get3A_2167 : memref<1x128x128xf32, #tpu.memory_space<vmem>> -> memref<128x128xf32, #tpu.memory_space<vmem>>
        %get3A_2169 = arith.index_cast %scan3A_2137 : i32 to index
        %get3A_2170 = arith.constant 48 : index
        %get3A_2171 = tpu.vector_load %get3A_2168[%get3A_2169, %get3A_2170] {strides = array<i32>} : memref<128x128xf32, #tpu.memory_space<vmem>>, vector<1x16xf32>,
        %get3A_2172 = vector.shape_cast %get3A_2171 : vector<1x16xf32> to vector<16xf32>
        %add3A_2173 = arith.addf %add3A_2099, %get3A_2172 : vector<16xf32>
        %get3A_2174 = arith.constant 0 : i32
        %get3A_2175 = arith.constant 0 : i32
        %get3A_2176 = tpu.memref_slice %arg6[%scan3A_1266, %get3A_2174, %get3A_2175] : memref<5x128x128xf32, #tpu.memory_space<vmem>> -> memref<1x128x128xf32, #tpu.memory_space<vmem>>
        %get3A_2177 = tpu.memref_squeeze %get3A_2176 : memref<1x128x128xf32, #tpu.memory_space<vmem>> -> memref<128x128xf32, #tpu.memory_space<vmem>>
        %get3A_2178 = arith.index_cast %scan3A_2137 : i32 to index
        %get3A_2179 = arith.constant 64 : index
        %get3A_2180 = tpu.vector_load %get3A_2177[%get3A_2178, %get3A_2179] {strides = array<i32>} : memref<128x128xf32, #tpu.memory_space<vmem>>, vector<1x16xf32>,
        %get3A_2181 = vector.shape_cast %get3A_2180 : vector<1x16xf32> to vector<16xf32>
        %add3A_2182 = arith.addf %add3A_2108, %get3A_2181 : vector<16xf32>
        %get3A_2183 = arith.constant 0 : i32
        %get3A_2184 = arith.constant 0 : i32
        %get3A_2185 = tpu.memref_slice %arg6[%scan3A_1266, %get3A_2183, %get3A_2184] : memref<5x128x128xf32, #tpu.memory_space<vmem>> -> memref<1x128x128xf32, #tpu.memory_space<vmem>>
        %get3A_2186 = tpu.memref_squeeze %get3A_2185 : memref<1x128x128xf32, #tpu.memory_space<vmem>> -> memref<128x128xf32, #tpu.memory_space<vmem>>
        %get3A_2187 = arith.index_cast %scan3A_2137 : i32 to index
        %get3A_2188 = arith.constant 80 : index
        %get3A_2189 = tpu.vector_load %get3A_2186[%get3A_2187, %get3A_2188] {strides = array<i32>} : memref<128x128xf32, #tpu.memory_space<vmem>>, vector<1x16xf32>,
        %get3A_2190 = vector.shape_cast %get3A_2189 : vector<1x16xf32> to vector<16xf32>
        %add3A_2191 = arith.addf %add3A_2117, %get3A_2190 : vector<16xf32>
        %get3A_2192 = arith.constant 0 : i32
        %get3A_2193 = arith.constant 0 : i32
        %get3A_2194 = tpu.memref_slice %arg6[%scan3A_1266, %get3A_2192, %get3A_2193] : memref<5x128x128xf32, #tpu.memory_space<vmem>> -> memref<1x128x128xf32, #tpu.memory_space<vmem>>
        %get3A_2195 = tpu.memref_squeeze %get3A_2194 : memref<1x128x128xf32, #tpu.memory_space<vmem>> -> memref<128x128xf32, #tpu.memory_space<vmem>>
        %get3A_2196 = arith.index_cast %scan3A_2137 : i32 to index
        %get3A_2197 = arith.constant 96 : index
        %get3A_2198 = tpu.vector_load %get3A_2195[%get3A_2196, %get3A_2197] {strides = array<i32>} : memref<128x128xf32, #tpu.memory_space<vmem>>, vector<1x16xf32>,
        %get3A_2199 = vector.shape_cast %get3A_2198 : vector<1x16xf32> to vector<16xf32>
        %add3A_2200 = arith.addf %add3A_2126, %get3A_2199 : vector<16xf32>
        %get3A_2201 = arith.constant 0 : i32
        %get3A_2202 = arith.constant 0 : i32
        %get3A_2203 = tpu.memref_slice %arg6[%scan3A_1266, %get3A_2201, %get3A_2202] : memref<5x128x128xf32, #tpu.memory_space<vmem>> -> memref<1x128x128xf32, #tpu.memory_space<vmem>>
        %get3A_2204 = tpu.memref_squeeze %get3A_2203 : memref<1x128x128xf32, #tpu.memory_space<vmem>> -> memref<128x128xf32, #tpu.memory_space<vmem>>
        %get3A_2205 = arith.index_cast %scan3A_2137 : i32 to index
        %get3A_2206 = arith.constant 112 : index
        %get3A_2207 = tpu.vector_load %get3A_2204[%get3A_2205, %get3A_2206] {strides = array<i32>} : memref<128x128xf32, #tpu.memory_space<vmem>>, vector<1x16xf32>,
        %get3A_2208 = vector.shape_cast %get3A_2207 : vector<1x16xf32> to vector<16xf32>
        %add3A_2209 = arith.addf %add3A_2135, %get3A_2208 : vector<16xf32>
        scf.yield %add3A_2146, %add3A_2155, %add3A_2164, %add3A_2173, %add3A_2182, %add3A_2191, %add3A_2200, %add3A_2209 : vector<16xf32>, vector<16xf32>, vector<16xf32>, vector<16xf32>, vector<16xf32>, vector<16xf32>, vector<16xf32>, vector<16xf32>
      }
      %scan3A_1272 = arith.constant 124 : i32
      %scan3A_1273 = arith.addi %scan3A_1267, %scan3A_1272 : i32
      %get3A_1274 = arith.constant 0 : i32
      %get3A_1275 = arith.constant 0 : i32
      %get3A_1276 = tpu.memref_slice %arg6[%scan3A_1266, %get3A_1274, %get3A_1275] : memref<5x128x128xf32, #tpu.memory_space<vmem>> -> memref<1x128x128xf32, #tpu.memory_space<vmem>>
      %get3A_1277 = tpu.memref_squeeze %get3A_1276 : memref<1x128x128xf32, #tpu.memory_space<vmem>> -> memref<128x128xf32, #tpu.memory_space<vmem>>
      %get3A_1278 = arith.index_cast %scan3A_1273 : i32 to index
      %get3A_1279 = arith.constant 0 : index
      %get3A_1280 = tpu.vector_load %get3A_1277[%get3A_1278, %get3A_1279] {strides = array<i32>} : memref<128x128xf32, #tpu.memory_space<vmem>>, vector<1x16xf32>,
      %get3A_1281 = vector.shape_cast %get3A_1280 : vector<1x16xf32> to vector<16xf32>
      %add3A_1282 = arith.addf %scan3A_1271#0, %get3A_1281 : vector<16xf32>
      %get3A_1283 = arith.constant 0 : i32
      %get3A_1284 = arith.constant 0 : i32
      %get3A_1285 = tpu.memref_slice %arg6[%scan3A_1266, %get3A_1283, %get3A_1284] : memref<5x128x128xf32, #tpu.memory_space<vmem>> -> memref<1x128x128xf32, #tpu.memory_space<vmem>>
      %get3A_1286 = tpu.memref_squeeze %get3A_1285 : memref<1x128x128xf32, #tpu.memory_space<vmem>> -> memref<128x128xf32, #tpu.memory_space<vmem>>
      %get3A_1287 = arith.index_cast %scan3A_1273 : i32 to index
      %get3A_1288 = arith.constant 16 : index
      %get3A_1289 = tpu.vector_load %get3A_1286[%get3A_1287, %get3A_1288] {strides = array<i32>} : memref<128x128xf32, #tpu.memory_space<vmem>>, vector<1x16xf32>,
      %get3A_1290 = vector.shape_cast %get3A_1289 : vector<1x16xf32> to vector<16xf32>
      %add3A_1291 = arith.addf %scan3A_1271#1, %get3A_1290 : vector<16xf32>
      %get3A_1292 = arith.constant 0 : i32
      %get3A_1293 = arith.constant 0 : i32
      %get3A_1294 = tpu.memref_slice %arg6[%scan3A_1266, %get3A_1292, %get3A_1293] : memref<5x128x128xf32, #tpu.memory_space<vmem>> -> memref<1x128x128xf32, #tpu.memory_space<vmem>>
      %get3A_1295 = tpu.memref_squeeze %get3A_1294 : memref<1x128x128xf32, #tpu.memory_space<vmem>> -> memref<128x128xf32, #tpu.memory_space<vmem>>
      %get3A_1296 = arith.index_cast %scan3A_1273 : i32 to index
      %get3A_1297 = arith.constant 32 : index
      %get3A_1298 = tpu.vector_load %get3A_1295[%get3A_1296, %get3A_1297] {strides = array<i32>} : memref<128x128xf32, #tpu.memory_space<vmem>>, vector<1x16xf32>,
      %get3A_1299 = vector.shape_cast %get3A_1298 : vector<1x16xf32> to vector<16xf32>
      %add3A_1300 = arith.addf %scan3A_1271#2, %get3A_1299 : vector<16xf32>
      %get3A_1301 = arith.constant 0 : i32
      %get3A_1302 = arith.constant 0 : i32
      %get3A_1303 = tpu.memref_slice %arg6[%scan3A_1266, %get3A_1301, %get3A_1302] : memref<5x128x128xf32, #tpu.memory_space<vmem>> -> memref<1x128x128xf32, #tpu.memory_space<vmem>>
      %get3A_1304 = tpu.memref_squeeze %get3A_1303 : memref<1x128x128xf32, #tpu.memory_space<vmem>> -> memref<128x128xf32, #tpu.memory_space<vmem>>
      %get3A_1305 = arith.index_cast %scan3A_1273 : i32 to index
      %get3A_1306 = arith.constant 48 : index
      %get3A_1307 = tpu.vector_load %get3A_1304[%get3A_1305, %get3A_1306] {strides = array<i32>} : memref<128x128xf32, #tpu.memory_space<vmem>>, vector<1x16xf32>,
      %get3A_1308 = vector.shape_cast %get3A_1307 : vector<1x16xf32> to vector<16xf32>
      %add3A_1309 = arith.addf %scan3A_1271#3, %get3A_1308 : vector<16xf32>
      %get3A_1310 = arith.constant 0 : i32
      %get3A_1311 = arith.constant 0 : i32
      %get3A_1312 = tpu.memref_slice %arg6[%scan3A_1266, %get3A_1310, %get3A_1311] : memref<5x128x128xf32, #tpu.memory_space<vmem>> -> memref<1x128x128xf32, #tpu.memory_space<vmem>>
      %get3A_1313 = tpu.memref_squeeze %get3A_1312 : memref<1x128x128xf32, #tpu.memory_space<vmem>> -> memref<128x128xf32, #tpu.memory_space<vmem>>
      %get3A_1314 = arith.index_cast %scan3A_1273 : i32 to index
      %get3A_1315 = arith.constant 64 : index
      %get3A_1316 = tpu.vector_load %get3A_1313[%get3A_1314, %get3A_1315] {strides = array<i32>} : memref<128x128xf32, #tpu.memory_space<vmem>>, vector<1x16xf32>,
      %get3A_1317 = vector.shape_cast %get3A_1316 : vector<1x16xf32> to vector<16xf32>
      %add3A_1318 = arith.addf %scan3A_1271#4, %get3A_1317 : vector<16xf32>
      %get3A_1319 = arith.constant 0 : i32
      %get3A_1320 = arith.constant 0 : i32
      %get3A_1321 = tpu.memref_slice %arg6[%scan3A_1266, %get3A_1319, %get3A_1320] : memref<5x128x128xf32, #tpu.memory_space<vmem>> -> memref<1x128x128xf32, #tpu.memory_space<vmem>>
      %get3A_1322 = tpu.memref_squeeze %get3A_1321 : memref<1x128x128xf32, #tpu.memory_space<vmem>> -> memref<128x128xf32, #tpu.memory_space<vmem>>
      %get3A_1323 = arith.index_cast %scan3A_1273 : i32 to index
      %get3A_1324 = arith.constant 80 : index
      %get3A_1325 = tpu.vector_load %get3A_1322[%get3A_1323, %get3A_1324] {strides = array<i32>} : memref<128x128xf32, #tpu.memory_space<vmem>>, vector<1x16xf32>,
      %get3A_1326 = vector.shape_cast %get3A_1325 : vector<1x16xf32> to vector<16xf32>
      %add3A_1327 = arith.addf %scan3A_1271#5, %get3A_1326 : vector<16xf32>
      %get3A_1328 = arith.constant 0 : i32
      %get3A_1329 = arith.constant 0 : i32
      %get3A_1330 = tpu.memref_slice %arg6[%scan3A_1266, %get3A_1328, %get3A_1329] : memref<5x128x128xf32, #tpu.memory_space<vmem>> -> memref<1x128x128xf32, #tpu.memory_space<vmem>>
      %get3A_1331 = tpu.memref_squeeze %get3A_1330 : memref<1x128x128xf32, #tpu.memory_space<vmem>> -> memref<128x128xf32, #tpu.memory_space<vmem>>
      %get3A_1332 = arith.index_cast %scan3A_1273 : i32 to index
      %get3A_1333 = arith.constant 96 : index
      %get3A_1334 = tpu.vector_load %get3A_1331[%get3A_1332, %get3A_1333] {strides = array<i32>} : memref<128x128xf32, #tpu.memory_space<vmem>>, vector<1x16xf32>,
      %get3A_1335 = vector.shape_cast %get3A_1334 : vector<1x16xf32> to vector<16xf32>
      %add3A_1336 = arith.addf %scan3A_1271#6, %get3A_1335 : vector<16xf32>
      %get3A_1337 = arith.constant 0 : i32
      %get3A_1338 = arith.constant 0 : i32
      %get3A_1339 = tpu.memref_slice %arg6[%scan3A_1266, %get3A_1337, %get3A_1338] : memref<5x128x128xf32, #tpu.memory_space<vmem>> -> memref<1x128x128xf32, #tpu.memory_space<vmem>>
      %get3A_1340 = tpu.memref_squeeze %get3A_1339 : memref<1x128x128xf32, #tpu.memory_space<vmem>> -> memref<128x128xf32, #tpu.memory_space<vmem>>
      %get3A_1341 = arith.index_cast %scan3A_1273 : i32 to index
      %get3A_1342 = arith.constant 112 : index
      %get3A_1343 = tpu.vector_load %get3A_1340[%get3A_1341, %get3A_1342] {strides = array<i32>} : memref<128x128xf32, #tpu.memory_space<vmem>>, vector<1x16xf32>,
      %get3A_1344 = vector.shape_cast %get3A_1343 : vector<1x16xf32> to vector<16xf32>
      %add3A_1345 = arith.addf %scan3A_1271#7, %get3A_1344 : vector<16xf32>
      %scan3A_1346 = arith.constant 125 : i32
      %scan3A_1347 = arith.addi %scan3A_1267, %scan3A_1346 : i32
      %get3A_1348 = arith.constant 0 : i32
      %get3A_1349 = arith.constant 0 : i32
      %get3A_1350 = tpu.memref_slice %arg6[%scan3A_1266, %get3A_1348, %get3A_1349] : memref<5x128x128xf32, #tpu.memory_space<vmem>> -> memref<1x128x128xf32, #tpu.memory_space<vmem>>
      %get3A_1351 = tpu.memref_squeeze %get3A_1350 : memref<1x128x128xf32, #tpu.memory_space<vmem>> -> memref<128x128xf32, #tpu.memory_space<vmem>>
      %get3A_1352 = arith.index_cast %scan3A_1347 : i32 to index
      %get3A_1353 = arith.constant 0 : index
      %get3A_1354 = tpu.vector_load %get3A_1351[%get3A_1352, %get3A_1353] {strides = array<i32>} : memref<128x128xf32, #tpu.memory_space<vmem>>, vector<1x16xf32>,
      %get3A_1355 = vector.shape_cast %get3A_1354 : vector<1x16xf32> to vector<16xf32>
      %add3A_1356 = arith.addf %add3A_1282, %get3A_1355 : vector<16xf32>
      %get3A_1357 = arith.constant 0 : i32
      %get3A_1358 = arith.constant 0 : i32
      %get3A_1359 = tpu.memref_slice %arg6[%scan3A_1266, %get3A_1357, %get3A_1358] : memref<5x128x128xf32, #tpu.memory_space<vmem>> -> memref<1x128x128xf32, #tpu.memory_space<vmem>>
      %get3A_1360 = tpu.memref_squeeze %get3A_1359 : memref<1x128x128xf32, #tpu.memory_space<vmem>> -> memref<128x128xf32, #tpu.memory_space<vmem>>
      %get3A_1361 = arith.index_cast %scan3A_1347 : i32 to index
      %get3A_1362 = arith.constant 16 : index
      %get3A_1363 = tpu.vector_load %get3A_1360[%get3A_1361, %get3A_1362] {strides = array<i32>} : memref<128x128xf32, #tpu.memory_space<vmem>>, vector<1x16xf32>,
      %get3A_1364 = vector.shape_cast %get3A_1363 : vector<1x16xf32> to vector<16xf32>
      %add3A_1365 = arith.addf %add3A_1291, %get3A_1364 : vector<16xf32>
      %get3A_1366 = arith.constant 0 : i32
      %get3A_1367 = arith.constant 0 : i32
      %get3A_1368 = tpu.memref_slice %arg6[%scan3A_1266, %get3A_1366, %get3A_1367] : memref<5x128x128xf32, #tpu.memory_space<vmem>> -> memref<1x128x128xf32, #tpu.memory_space<vmem>>
      %get3A_1369 = tpu.memref_squeeze %get3A_1368 : memref<1x128x128xf32, #tpu.memory_space<vmem>> -> memref<128x128xf32, #tpu.memory_space<vmem>>
      %get3A_1370 = arith.index_cast %scan3A_1347 : i32 to index
      %get3A_1371 = arith.constant 32 : index
      %get3A_1372 = tpu.vector_load %get3A_1369[%get3A_1370, %get3A_1371] {strides = array<i32>} : memref<128x128xf32, #tpu.memory_space<vmem>>, vector<1x16xf32>,
      %get3A_1373 = vector.shape_cast %get3A_1372 : vector<1x16xf32> to vector<16xf32>
      %add3A_1374 = arith.addf %add3A_1300, %get3A_1373 : vector<16xf32>
      %get3A_1375 = arith.constant 0 : i32
      %get3A_1376 = arith.constant 0 : i32
      %get3A_1377 = tpu.memref_slice %arg6[%scan3A_1266, %get3A_1375, %get3A_1376] : memref<5x128x128xf32, #tpu.memory_space<vmem>> -> memref<1x128x128xf32, #tpu.memory_space<vmem>>
      %get3A_1378 = tpu.memref_squeeze %get3A_1377 : memref<1x128x128xf32, #tpu.memory_space<vmem>> -> memref<128x128xf32, #tpu.memory_space<vmem>>
      %get3A_1379 = arith.index_cast %scan3A_1347 : i32 to index
      %get3A_1380 = arith.constant 48 : index
      %get3A_1381 = tpu.vector_load %get3A_1378[%get3A_1379, %get3A_1380] {strides = array<i32>} : memref<128x128xf32, #tpu.memory_space<vmem>>, vector<1x16xf32>,
      %get3A_1382 = vector.shape_cast %get3A_1381 : vector<1x16xf32> to vector<16xf32>
      %add3A_1383 = arith.addf %add3A_1309, %get3A_1382 : vector<16xf32>
      %get3A_1384 = arith.constant 0 : i32
      %get3A_1385 = arith.constant 0 : i32
      %get3A_1386 = tpu.memref_slice %arg6[%scan3A_1266, %get3A_1384, %get3A_1385] : memref<5x128x128xf32, #tpu.memory_space<vmem>> -> memref<1x128x128xf32, #tpu.memory_space<vmem>>
      %get3A_1387 = tpu.memref_squeeze %get3A_1386 : memref<1x128x128xf32, #tpu.memory_space<vmem>> -> memref<128x128xf32, #tpu.memory_space<vmem>>
      %get3A_1388 = arith.index_cast %scan3A_1347 : i32 to index
      %get3A_1389 = arith.constant 64 : index
      %get3A_1390 = tpu.vector_load %get3A_1387[%get3A_1388, %get3A_1389] {strides = array<i32>} : memref<128x128xf32, #tpu.memory_space<vmem>>, vector<1x16xf32>,
      %get3A_1391 = vector.shape_cast %get3A_1390 : vector<1x16xf32> to vector<16xf32>
      %add3A_1392 = arith.addf %add3A_1318, %get3A_1391 : vector<16xf32>
      %get3A_1393 = arith.constant 0 : i32
      %get3A_1394 = arith.constant 0 : i32
      %get3A_1395 = tpu.memref_slice %arg6[%scan3A_1266, %get3A_1393, %get3A_1394] : memref<5x128x128xf32, #tpu.memory_space<vmem>> -> memref<1x128x128xf32, #tpu.memory_space<vmem>>
      %get3A_1396 = tpu.memref_squeeze %get3A_1395 : memref<1x128x128xf32, #tpu.memory_space<vmem>> -> memref<128x128xf32, #tpu.memory_space<vmem>>
      %get3A_1397 = arith.index_cast %scan3A_1347 : i32 to index
      %get3A_1398 = arith.constant 80 : index
      %get3A_1399 = tpu.vector_load %get3A_1396[%get3A_1397, %get3A_1398] {strides = array<i32>} : memref<128x128xf32, #tpu.memory_space<vmem>>, vector<1x16xf32>,
      %get3A_1400 = vector.shape_cast %get3A_1399 : vector<1x16xf32> to vector<16xf32>
      %add3A_1401 = arith.addf %add3A_1327, %get3A_1400 : vector<16xf32>
      %get3A_1402 = arith.constant 0 : i32
      %get3A_1403 = arith.constant 0 : i32
      %get3A_1404 = tpu.memref_slice %arg6[%scan3A_1266, %get3A_1402, %get3A_1403] : memref<5x128x128xf32, #tpu.memory_space<vmem>> -> memref<1x128x128xf32, #tpu.memory_space<vmem>>
      %get3A_1405 = tpu.memref_squeeze %get3A_1404 : memref<1x128x128xf32, #tpu.memory_space<vmem>> -> memref<128x128xf32, #tpu.memory_space<vmem>>
      %get3A_1406 = arith.index_cast %scan3A_1347 : i32 to index
      %get3A_1407 = arith.constant 96 : index
      %get3A_1408 = tpu.vector_load %get3A_1405[%get3A_1406, %get3A_1407] {strides = array<i32>} : memref<128x128xf32, #tpu.memory_space<vmem>>, vector<1x16xf32>,
      %get3A_1409 = vector.shape_cast %get3A_1408 : vector<1x16xf32> to vector<16xf32>
      %add3A_1410 = arith.addf %add3A_1336, %get3A_1409 : vector<16xf32>
      %get3A_1411 = arith.constant 0 : i32
      %get3A_1412 = arith.constant 0 : i32
      %get3A_1413 = tpu.memref_slice %arg6[%scan3A_1266, %get3A_1411, %get3A_1412] : memref<5x128x128xf32, #tpu.memory_space<vmem>> -> memref<1x128x128xf32, #tpu.memory_space<vmem>>
      %get3A_1414 = tpu.memref_squeeze %get3A_1413 : memref<1x128x128xf32, #tpu.memory_space<vmem>> -> memref<128x128xf32, #tpu.memory_space<vmem>>
      %get3A_1415 = arith.index_cast %scan3A_1347 : i32 to index
      %get3A_1416 = arith.constant 112 : index
      %get3A_1417 = tpu.vector_load %get3A_1414[%get3A_1415, %get3A_1416] {strides = array<i32>} : memref<128x128xf32, #tpu.memory_space<vmem>>, vector<1x16xf32>,
      %get3A_1418 = vector.shape_cast %get3A_1417 : vector<1x16xf32> to vector<16xf32>
      %add3A_1419 = arith.addf %add3A_1345, %get3A_1418 : vector<16xf32>
      %scan3A_1420 = arith.constant 126 : i32
      %scan3A_1421 = arith.addi %scan3A_1267, %scan3A_1420 : i32
      %get3A_1422 = arith.constant 0 : i32
      %get3A_1423 = arith.constant 0 : i32
      %get3A_1424 = tpu.memref_slice %arg6[%scan3A_1266, %get3A_1422, %get3A_1423] : memref<5x128x128xf32, #tpu.memory_space<vmem>> -> memref<1x128x128xf32, #tpu.memory_space<vmem>>
      %get3A_1425 = tpu.memref_squeeze %get3A_1424 : memref<1x128x128xf32, #tpu.memory_space<vmem>> -> memref<128x128xf32, #tpu.memory_space<vmem>>
      %get3A_1426 = arith.index_cast %scan3A_1421 : i32 to index
      %get3A_1427 = arith.constant 0 : index
      %get3A_1428 = tpu.vector_load %get3A_1425[%get3A_1426, %get3A_1427] {strides = array<i32>} : memref<128x128xf32, #tpu.memory_space<vmem>>, vector<1x16xf32>,
      %get3A_1429 = vector.shape_cast %get3A_1428 : vector<1x16xf32> to vector<16xf32>
      %add3A_1430 = arith.addf %add3A_1356, %get3A_1429 : vector<16xf32>
      %get3A_1431 = arith.constant 0 : i32
      %get3A_1432 = arith.constant 0 : i32
      %get3A_1433 = tpu.memref_slice %arg6[%scan3A_1266, %get3A_1431, %get3A_1432] : memref<5x128x128xf32, #tpu.memory_space<vmem>> -> memref<1x128x128xf32, #tpu.memory_space<vmem>>
      %get3A_1434 = tpu.memref_squeeze %get3A_1433 : memref<1x128x128xf32, #tpu.memory_space<vmem>> -> memref<128x128xf32, #tpu.memory_space<vmem>>
      %get3A_1435 = arith.index_cast %scan3A_1421 : i32 to index
      %get3A_1436 = arith.constant 16 : index
      %get3A_1437 = tpu.vector_load %get3A_1434[%get3A_1435, %get3A_1436] {strides = array<i32>} : memref<128x128xf32, #tpu.memory_space<vmem>>, vector<1x16xf32>,
      %get3A_1438 = vector.shape_cast %get3A_1437 : vector<1x16xf32> to vector<16xf32>
      %add3A_1439 = arith.addf %add3A_1365, %get3A_1438 : vector<16xf32>
      %get3A_1440 = arith.constant 0 : i32
      %get3A_1441 = arith.constant 0 : i32
      %get3A_1442 = tpu.memref_slice %arg6[%scan3A_1266, %get3A_1440, %get3A_1441] : memref<5x128x128xf32, #tpu.memory_space<vmem>> -> memref<1x128x128xf32, #tpu.memory_space<vmem>>
      %get3A_1443 = tpu.memref_squeeze %get3A_1442 : memref<1x128x128xf32, #tpu.memory_space<vmem>> -> memref<128x128xf32, #tpu.memory_space<vmem>>
      %get3A_1444 = arith.index_cast %scan3A_1421 : i32 to index
      %get3A_1445 = arith.constant 32 : index
      %get3A_1446 = tpu.vector_load %get3A_1443[%get3A_1444, %get3A_1445] {strides = array<i32>} : memref<128x128xf32, #tpu.memory_space<vmem>>, vector<1x16xf32>,
      %get3A_1447 = vector.shape_cast %get3A_1446 : vector<1x16xf32> to vector<16xf32>
      %add3A_1448 = arith.addf %add3A_1374, %get3A_1447 : vector<16xf32>
      %get3A_1449 = arith.constant 0 : i32
      %get3A_1450 = arith.constant 0 : i32
      %get3A_1451 = tpu.memref_slice %arg6[%scan3A_1266, %get3A_1449, %get3A_1450] : memref<5x128x128xf32, #tpu.memory_space<vmem>> -> memref<1x128x128xf32, #tpu.memory_space<vmem>>
      %get3A_1452 = tpu.memref_squeeze %get3A_1451 : memref<1x128x128xf32, #tpu.memory_space<vmem>> -> memref<128x128xf32, #tpu.memory_space<vmem>>
      %get3A_1453 = arith.index_cast %scan3A_1421 : i32 to index
      %get3A_1454 = arith.constant 48 : index
      %get3A_1455 = tpu.vector_load %get3A_1452[%get3A_1453, %get3A_1454] {strides = array<i32>} : memref<128x128xf32, #tpu.memory_space<vmem>>, vector<1x16xf32>,
      %get3A_1456 = vector.shape_cast %get3A_1455 : vector<1x16xf32> to vector<16xf32>
      %add3A_1457 = arith.addf %add3A_1383, %get3A_1456 : vector<16xf32>
      %get3A_1458 = arith.constant 0 : i32
      %get3A_1459 = arith.constant 0 : i32
      %get3A_1460 = tpu.memref_slice %arg6[%scan3A_1266, %get3A_1458, %get3A_1459] : memref<5x128x128xf32, #tpu.memory_space<vmem>> -> memref<1x128x128xf32, #tpu.memory_space<vmem>>
      %get3A_1461 = tpu.memref_squeeze %get3A_1460 : memref<1x128x128xf32, #tpu.memory_space<vmem>> -> memref<128x128xf32, #tpu.memory_space<vmem>>
      %get3A_1462 = arith.index_cast %scan3A_1421 : i32 to index
      %get3A_1463 = arith.constant 64 : index
      %get3A_1464 = tpu.vector_load %get3A_1461[%get3A_1462, %get3A_1463] {strides = array<i32>} : memref<128x128xf32, #tpu.memory_space<vmem>>, vector<1x16xf32>,
      %get3A_1465 = vector.shape_cast %get3A_1464 : vector<1x16xf32> to vector<16xf32>
      %add3A_1466 = arith.addf %add3A_1392, %get3A_1465 : vector<16xf32>
      %get3A_1467 = arith.constant 0 : i32
      %get3A_1468 = arith.constant 0 : i32
      %get3A_1469 = tpu.memref_slice %arg6[%scan3A_1266, %get3A_1467, %get3A_1468] : memref<5x128x128xf32, #tpu.memory_space<vmem>> -> memref<1x128x128xf32, #tpu.memory_space<vmem>>
      %get3A_1470 = tpu.memref_squeeze %get3A_1469 : memref<1x128x128xf32, #tpu.memory_space<vmem>> -> memref<128x128xf32, #tpu.memory_space<vmem>>
      %get3A_1471 = arith.index_cast %scan3A_1421 : i32 to index
      %get3A_1472 = arith.constant 80 : index
      %get3A_1473 = tpu.vector_load %get3A_1470[%get3A_1471, %get3A_1472] {strides = array<i32>} : memref<128x128xf32, #tpu.memory_space<vmem>>, vector<1x16xf32>,
      %get3A_1474 = vector.shape_cast %get3A_1473 : vector<1x16xf32> to vector<16xf32>
      %add3A_1475 = arith.addf %add3A_1401, %get3A_1474 : vector<16xf32>
      %get3A_1476 = arith.constant 0 : i32
      %get3A_1477 = arith.constant 0 : i32
      %get3A_1478 = tpu.memref_slice %arg6[%scan3A_1266, %get3A_1476, %get3A_1477] : memref<5x128x128xf32, #tpu.memory_space<vmem>> -> memref<1x128x128xf32, #tpu.memory_space<vmem>>
      %get3A_1479 = tpu.memref_squeeze %get3A_1478 : memref<1x128x128xf32, #tpu.memory_space<vmem>> -> memref<128x128xf32, #tpu.memory_space<vmem>>
      %get3A_1480 = arith.index_cast %scan3A_1421 : i32 to index
      %get3A_1481 = arith.constant 96 : index
      %get3A_1482 = tpu.vector_load %get3A_1479[%get3A_1480, %get3A_1481] {strides = array<i32>} : memref<128x128xf32, #tpu.memory_space<vmem>>, vector<1x16xf32>,
      %get3A_1483 = vector.shape_cast %get3A_1482 : vector<1x16xf32> to vector<16xf32>
      %add3A_1484 = arith.addf %add3A_1410, %get3A_1483 : vector<16xf32>
      %get3A_1485 = arith.constant 0 : i32
      %get3A_1486 = arith.constant 0 : i32
      %get3A_1487 = tpu.memref_slice %arg6[%scan3A_1266, %get3A_1485, %get3A_1486] : memref<5x128x128xf32, #tpu.memory_space<vmem>> -> memref<1x128x128xf32, #tpu.memory_space<vmem>>
      %get3A_1488 = tpu.memref_squeeze %get3A_1487 : memref<1x128x128xf32, #tpu.memory_space<vmem>> -> memref<128x128xf32, #tpu.memory_space<vmem>>
      %get3A_1489 = arith.index_cast %scan3A_1421 : i32 to index
      %get3A_1490 = arith.constant 112 : index
      %get3A_1491 = tpu.vector_load %get3A_1488[%get3A_1489, %get3A_1490] {strides = array<i32>} : memref<128x128xf32, #tpu.memory_space<vmem>>, vector<1x16xf32>,
      %get3A_1492 = vector.shape_cast %get3A_1491 : vector<1x16xf32> to vector<16xf32>
      %add3A_1493 = arith.addf %add3A_1419, %get3A_1492 : vector<16xf32>
      %scan3A_1494 = arith.constant 127 : i32
      %swap3A_1495 = arith.index_cast %add3A_1165 : i32 to index
      %swap3A_1496 = arith.constant 0 : index
      %swap3A_1497 = tpu.vector_load %arg7[%swap3A_1495, %swap3A_1496] {strides = array<i32>} : memref<50x128xf32, #tpu.memory_space<vmem>>, vector<1x16xf32>,
      %swap3A_1498 = vector.shape_cast %swap3A_1497 : vector<1x16xf32> to vector<16xf32>
      %swap3A_1499 = vector.shape_cast %add3A_1430 : vector<16xf32> to vector<1x16xf32>
      tpu.vector_store %arg7[%swap3A_1495, %swap3A_1496], %swap3A_1499 {strides = array<i32>} : memref<50x128xf32, #tpu.memory_space<vmem>>, vector<1x16xf32>,
      %swap3A_1500 = arith.index_cast %add3A_1165 : i32 to index
      %swap3A_1501 = arith.constant 16 : index
      %swap3A_1502 = tpu.vector_load %arg7[%swap3A_1500, %swap3A_1501] {strides = array<i32>} : memref<50x128xf32, #tpu.memory_space<vmem>>, vector<1x16xf32>,
      %swap3A_1503 = vector.shape_cast %swap3A_1502 : vector<1x16xf32> to vector<16xf32>
      %swap3A_1504 = vector.shape_cast %add3A_1439 : vector<16xf32> to vector<1x16xf32>
      tpu.vector_store %arg7[%swap3A_1500, %swap3A_1501], %swap3A_1504 {strides = array<i32>} : memref<50x128xf32, #tpu.memory_space<vmem>>, vector<1x16xf32>,
      %swap3A_1505 = arith.index_cast %add3A_1165 : i32 to index
      %swap3A_1506 = arith.constant 32 : index
      %swap3A_1507 = tpu.vector_load %arg7[%swap3A_1505, %swap3A_1506] {strides = array<i32>} : memref<50x128xf32, #tpu.memory_space<vmem>>, vector<1x16xf32>,
      %swap3A_1508 = vector.shape_cast %swap3A_1507 : vector<1x16xf32> to vector<16xf32>
      %swap3A_1509 = vector.shape_cast %add3A_1448 : vector<16xf32> to vector<1x16xf32>
      tpu.vector_store %arg7[%swap3A_1505, %swap3A_1506], %swap3A_1509 {strides = array<i32>} : memref<50x128xf32, #tpu.memory_space<vmem>>, vector<1x16xf32>,
      %swap3A_1510 = arith.index_cast %add3A_1165 : i32 to index
      %swap3A_1511 = arith.constant 48 : index
      %swap3A_1512 = tpu.vector_load %arg7[%swap3A_1510, %swap3A_1511] {strides = array<i32>} : memref<50x128xf32, #tpu.memory_space<vmem>>, vector<1x16xf32>,
      %swap3A_1513 = vector.shape_cast %swap3A_1512 : vector<1x16xf32> to vector<16xf32>
      %swap3A_1514 = vector.shape_cast %add3A_1457 : vector<16xf32> to vector<1x16xf32>
      tpu.vector_store %arg7[%swap3A_1510, %swap3A_1511], %swap3A_1514 {strides = array<i32>} : memref<50x128xf32, #tpu.memory_space<vmem>>, vector<1x16xf32>,
      %swap3A_1515 = arith.index_cast %add3A_1165 : i32 to index
      %swap3A_1516 = arith.constant 64 : index
      %swap3A_1517 = tpu.vector_load %arg7[%swap3A_1515, %swap3A_1516] {strides = array<i32>} : memref<50x128xf32, #tpu.memory_space<vmem>>, vector<1x16xf32>,
      %swap3A_1518 = vector.shape_cast %swap3A_1517 : vector<1x16xf32> to vector<16xf32>
      %swap3A_1519 = vector.shape_cast %add3A_1466 : vector<16xf32> to vector<1x16xf32>
      tpu.vector_store %arg7[%swap3A_1515, %swap3A_1516], %swap3A_1519 {strides = array<i32>} : memref<50x128xf32, #tpu.memory_space<vmem>>, vector<1x16xf32>,
      %swap3A_1520 = arith.index_cast %add3A_1165 : i32 to index
      %swap3A_1521 = arith.constant 80 : index
      %swap3A_1522 = tpu.vector_load %arg7[%swap3A_1520, %swap3A_1521] {strides = array<i32>} : memref<50x128xf32, #tpu.memory_space<vmem>>, vector<1x16xf32>,
      %swap3A_1523 = vector.shape_cast %swap3A_1522 : vector<1x16xf32> to vector<16xf32>
      %swap3A_1524 = vector.shape_cast %add3A_1475 : vector<16xf32> to vector<1x16xf32>
      tpu.vector_store %arg7[%swap3A_1520, %swap3A_1521], %swap3A_1524 {strides = array<i32>} : memref<50x128xf32, #tpu.memory_space<vmem>>, vector<1x16xf32>,
      %swap3A_1525 = arith.index_cast %add3A_1165 : i32 to index
      %swap3A_1526 = arith.constant 96 : index
      %swap3A_1527 = tpu.vector_load %arg7[%swap3A_1525, %swap3A_1526] {strides = array<i32>} : memref<50x128xf32, #tpu.memory_space<vmem>>, vector<1x16xf32>,
      %swap3A_1528 = vector.shape_cast %swap3A_1527 : vector<1x16xf32> to vector<16xf32>
      %swap3A_1529 = vector.shape_cast %add3A_1484 : vector<16xf32> to vector<1x16xf32>
      tpu.vector_store %arg7[%swap3A_1525, %swap3A_1526], %swap3A_1529 {strides = array<i32>} : memref<50x128xf32, #tpu.memory_space<vmem>>, vector<1x16xf32>,
      %swap3A_1530 = arith.index_cast %add3A_1165 : i32 to index
      %swap3A_1531 = arith.constant 112 : index
      %swap3A_1532 = tpu.vector_load %arg7[%swap3A_1530, %swap3A_1531] {strides = array<i32>} : memref<50x128xf32, #tpu.memory_space<vmem>>, vector<1x16xf32>,
      %swap3A_1533 = vector.shape_cast %swap3A_1532 : vector<1x16xf32> to vector<16xf32>
      %swap3A_1534 = vector.shape_cast %add3A_1493 : vector<16xf32> to vector<1x16xf32>
      tpu.vector_store %arg7[%swap3A_1530, %swap3A_1531], %swap3A_1534 {strides = array<i32>} : memref<50x128xf32, #tpu.memory_space<vmem>>, vector<1x16xf32>,
      %add3A_1535 = arith.constant 4 : i32
      %add3A_1536 = arith.addi %mul3A_57, %add3A_1535 : i32
      %add3A_1537 = arith.constant 5 : i32
      %add3A_1538 = arith.addi %add3A_1536, %add3A_1537 : i32
      %sub3A_1539 = arith.constant 1 : i32
      %sub3A_1540 = arith.subi %add3A_1538, %sub3A_1539 : i32
      %lt3A_1541 = arith.constant 50 : i32
      %lt3A_1542 = arith.cmpi slt, %sub3A_1540, %lt3A_1541 : i32
      %convert_element_type3A_1543 = arith.extui %lt3A_1542 : i1 to i32
      %cond3A_1544 = arith.constant 0 : i32
      %cond3A_1545 = arith.cmpi ne, %convert_element_type3A_1543, %cond3A_1544 : i32
      scf.if %cond3A_1545 {
        %add3A_1907 = arith.constant 5 : i32
        %add3A_1908 = arith.addi %add3A_1536, %add3A_1907 : i32
        %sub3A_1909 = arith.constant 1 : i32
        %sub3A_1910 = arith.subi %add3A_1908, %sub3A_1909 : i32
        %dma_start3A_1911 = arith.constant 3 : i32
        %dma_start3A_1912 = arith.constant 0 : i32
        %dma_start3A_1913 = arith.constant 0 : i32
        %dma_start3A_1914 = tpu.memref_slice %arg6[%dma_start3A_1911, %dma_start3A_1912, %dma_start3A_1913] : memref<5x128x128xf32, #tpu.memory_space<vmem>> -> memref<1x128x128xf32, #tpu.memory_space<vmem>>
        %dma_start3A_1915 = tpu.memref_squeeze %dma_start3A_1914 : memref<1x128x128xf32, #tpu.memory_space<vmem>> -> memref<128x128xf32, #tpu.memory_space<vmem>>
        %dma_start3A_1916 = arith.constant 0 : i32
        %dma_start3A_1917 = tpu.memref_slice %arg5[%sub3A_1910, %dma_start3A_1916] : memref<50x128xi32, #tpu.memory_space<vmem>> -> memref<1x128xi32, #tpu.memory_space<vmem>>
        %dma_start3A_1918 = tpu.memref_squeeze %dma_start3A_1917 : memref<1x128xi32, #tpu.memory_space<vmem>> -> memref<128xi32, #tpu.memory_space<vmem>>
        %dma_start3A_1919 = arith.constant 0 : i32
        %dma_start3A_1920 = arith.constant 0 : i32
        %dma_start3A_1921 = tpu.memref_slice %arg3[%dma_start3A_1919, %dma_start3A_1920] : memref<100000x128xf32, #tpu.memory_space<hbm>> -> memref<100000x128xf32, #tpu.memory_space<hbm>>
        tpu.enqueue_indirect_dma source(%dma_start3A_1921 : memref<100000x128xf32, #tpu.memory_space<hbm>>) target(%dma_start3A_1915 : memref<128x128xf32, #tpu.memory_space<vmem>>) offsets(%dma_start3A_1918 : memref<128xi32, #tpu.memory_space<vmem>>) semaphore(%arg11 : memref<!tpu.dma_semaphore, #tpu.memory_space<semaphore_mem>>)
      } else {
      }
      %dma_wait3A_1546 = arith.constant 4 : i32
      %dma_wait3A_1547 = arith.constant 0 : i32
      %dma_wait3A_1548 = arith.constant 0 : i32
      %dma_wait3A_1549 = tpu.memref_slice %arg6[%dma_wait3A_1546, %dma_wait3A_1547, %dma_wait3A_1548] : memref<5x128x128xf32, #tpu.memory_space<vmem>> -> memref<1x128x128xf32, #tpu.memory_space<vmem>>
      %dma_wait3A_1550 = tpu.memref_squeeze %dma_wait3A_1549 : memref<1x128x128xf32, #tpu.memory_space<vmem>> -> memref<128x128xf32, #tpu.memory_space<vmem>>
      %dma_wait3A_1551 = arith.constant 0 : i32
      %dma_wait3A_1552 = tpu.memref_slice %arg5[%add3A_1536, %dma_wait3A_1551] : memref<50x128xi32, #tpu.memory_space<vmem>> -> memref<1x128xi32, #tpu.memory_space<vmem>>
      %dma_wait3A_1553 = tpu.memref_squeeze %dma_wait3A_1552 : memref<1x128xi32, #tpu.memory_space<vmem>> -> memref<128xi32, #tpu.memory_space<vmem>>
      %dma_wait3A_1554 = arith.constant 0 : i32
      %dma_wait3A_1555 = arith.constant 0 : i32
      %dma_wait3A_1556 = tpu.memref_slice %arg3[%dma_wait3A_1554, %dma_wait3A_1555] : memref<100000x128xf32, #tpu.memory_space<hbm>> -> memref<100000x128xf32, #tpu.memory_space<hbm>>
      tpu.wait_indirect_dma semaphore(%arg12 : memref<!tpu.dma_semaphore, #tpu.memory_space<semaphore_mem>>) src(%dma_wait3A_1556 : memref<100000x128xf32, #tpu.memory_space<hbm>>) dst(%dma_wait3A_1550 : memref<128x128xf32, #tpu.memory_space<vmem>>)
      %get3A_1557 = arith.constant 4 : i32
      %get3A_1558 = arith.constant 0 : i32
      %get3A_1559 = arith.constant 0 : i32
      %get3A_1560 = arith.constant 0 : i32
      %get3A_1561 = tpu.memref_slice %arg6[%get3A_1557, %get3A_1559, %get3A_1560] : memref<5x128x128xf32, #tpu.memory_space<vmem>> -> memref<1x128x128xf32, #tpu.memory_space<vmem>>
      %get3A_1562 = tpu.memref_squeeze %get3A_1561 : memref<1x128x128xf32, #tpu.memory_space<vmem>> -> memref<128x128xf32, #tpu.memory_space<vmem>>
      %get3A_1563 = arith.index_cast %get3A_1558 : i32 to index
      %get3A_1564 = arith.constant 0 : index
      %get3A_1565 = tpu.vector_load %get3A_1562[%get3A_1563, %get3A_1564] {strides = array<i32>} : memref<128x128xf32, #tpu.memory_space<vmem>>, vector<1x16xf32>,
      %get3A_1566 = vector.shape_cast %get3A_1565 : vector<1x16xf32> to vector<16xf32>
      %get3A_1567 = arith.constant 4 : i32
      %get3A_1568 = arith.constant 0 : i32
      %get3A_1569 = arith.constant 0 : i32
      %get3A_1570 = arith.constant 0 : i32
      %get3A_1571 = tpu.memref_slice %arg6[%get3A_1567, %get3A_1569, %get3A_1570] : memref<5x128x128xf32, #tpu.memory_space<vmem>> -> memref<1x128x128xf32, #tpu.memory_space<vmem>>
      %get3A_1572 = tpu.memref_squeeze %get3A_1571 : memref<1x128x128xf32, #tpu.memory_space<vmem>> -> memref<128x128xf32, #tpu.memory_space<vmem>>
      %get3A_1573 = arith.index_cast %get3A_1568 : i32 to index
      %get3A_1574 = arith.constant 16 : index
      %get3A_1575 = tpu.vector_load %get3A_1572[%get3A_1573, %get3A_1574] {strides = array<i32>} : memref<128x128xf32, #tpu.memory_space<vmem>>, vector<1x16xf32>,
      %get3A_1576 = vector.shape_cast %get3A_1575 : vector<1x16xf32> to vector<16xf32>
      %get3A_1577 = arith.constant 4 : i32
      %get3A_1578 = arith.constant 0 : i32
      %get3A_1579 = arith.constant 0 : i32
      %get3A_1580 = arith.constant 0 : i32
      %get3A_1581 = tpu.memref_slice %arg6[%get3A_1577, %get3A_1579, %get3A_1580] : memref<5x128x128xf32, #tpu.memory_space<vmem>> -> memref<1x128x128xf32, #tpu.memory_space<vmem>>
      %get3A_1582 = tpu.memref_squeeze %get3A_1581 : memref<1x128x128xf32, #tpu.memory_space<vmem>> -> memref<128x128xf32, #tpu.memory_space<vmem>>
      %get3A_1583 = arith.index_cast %get3A_1578 : i32 to index
      %get3A_1584 = arith.constant 32 : index
      %get3A_1585 = tpu.vector_load %get3A_1582[%get3A_1583, %get3A_1584] {strides = array<i32>} : memref<128x128xf32, #tpu.memory_space<vmem>>, vector<1x16xf32>,
      %get3A_1586 = vector.shape_cast %get3A_1585 : vector<1x16xf32> to vector<16xf32>
      %get3A_1587 = arith.constant 4 : i32
      %get3A_1588 = arith.constant 0 : i32
      %get3A_1589 = arith.constant 0 : i32
      %get3A_1590 = arith.constant 0 : i32
      %get3A_1591 = tpu.memref_slice %arg6[%get3A_1587, %get3A_1589, %get3A_1590] : memref<5x128x128xf32, #tpu.memory_space<vmem>> -> memref<1x128x128xf32, #tpu.memory_space<vmem>>
      %get3A_1592 = tpu.memref_squeeze %get3A_1591 : memref<1x128x128xf32, #tpu.memory_space<vmem>> -> memref<128x128xf32, #tpu.memory_space<vmem>>
      %get3A_1593 = arith.index_cast %get3A_1588 : i32 to index
      %get3A_1594 = arith.constant 48 : index
      %get3A_1595 = tpu.vector_load %get3A_1592[%get3A_1593, %get3A_1594] {strides = array<i32>} : memref<128x128xf32, #tpu.memory_space<vmem>>, vector<1x16xf32>,
      %get3A_1596 = vector.shape_cast %get3A_1595 : vector<1x16xf32> to vector<16xf32>
      %get3A_1597 = arith.constant 4 : i32
      %get3A_1598 = arith.constant 0 : i32
      %get3A_1599 = arith.constant 0 : i32
      %get3A_1600 = arith.constant 0 : i32
      %get3A_1601 = tpu.memref_slice %arg6[%get3A_1597, %get3A_1599, %get3A_1600] : memref<5x128x128xf32, #tpu.memory_space<vmem>> -> memref<1x128x128xf32, #tpu.memory_space<vmem>>
      %get3A_1602 = tpu.memref_squeeze %get3A_1601 : memref<1x128x128xf32, #tpu.memory_space<vmem>> -> memref<128x128xf32, #tpu.memory_space<vmem>>
      %get3A_1603 = arith.index_cast %get3A_1598 : i32 to index
      %get3A_1604 = arith.constant 64 : index
      %get3A_1605 = tpu.vector_load %get3A_1602[%get3A_1603, %get3A_1604] {strides = array<i32>} : memref<128x128xf32, #tpu.memory_space<vmem>>, vector<1x16xf32>,
      %get3A_1606 = vector.shape_cast %get3A_1605 : vector<1x16xf32> to vector<16xf32>
      %get3A_1607 = arith.constant 4 : i32
      %get3A_1608 = arith.constant 0 : i32
      %get3A_1609 = arith.constant 0 : i32
      %get3A_1610 = arith.constant 0 : i32
      %get3A_1611 = tpu.memref_slice %arg6[%get3A_1607, %get3A_1609, %get3A_1610] : memref<5x128x128xf32, #tpu.memory_space<vmem>> -> memref<1x128x128xf32, #tpu.memory_space<vmem>>
      %get3A_1612 = tpu.memref_squeeze %get3A_1611 : memref<1x128x128xf32, #tpu.memory_space<vmem>> -> memref<128x128xf32, #tpu.memory_space<vmem>>
      %get3A_1613 = arith.index_cast %get3A_1608 : i32 to index
      %get3A_1614 = arith.constant 80 : index
      %get3A_1615 = tpu.vector_load %get3A_1612[%get3A_1613, %get3A_1614] {strides = array<i32>} : memref<128x128xf32, #tpu.memory_space<vmem>>, vector<1x16xf32>,
      %get3A_1616 = vector.shape_cast %get3A_1615 : vector<1x16xf32> to vector<16xf32>
      %get3A_1617 = arith.constant 4 : i32
      %get3A_1618 = arith.constant 0 : i32
      %get3A_1619 = arith.constant 0 : i32
      %get3A_1620 = arith.constant 0 : i32
      %get3A_1621 = tpu.memref_slice %arg6[%get3A_1617, %get3A_1619, %get3A_1620] : memref<5x128x128xf32, #tpu.memory_space<vmem>> -> memref<1x128x128xf32, #tpu.memory_space<vmem>>
      %get3A_1622 = tpu.memref_squeeze %get3A_1621 : memref<1x128x128xf32, #tpu.memory_space<vmem>> -> memref<128x128xf32, #tpu.memory_space<vmem>>
      %get3A_1623 = arith.index_cast %get3A_1618 : i32 to index
      %get3A_1624 = arith.constant 96 : index
      %get3A_1625 = tpu.vector_load %get3A_1622[%get3A_1623, %get3A_1624] {strides = array<i32>} : memref<128x128xf32, #tpu.memory_space<vmem>>, vector<1x16xf32>,
      %get3A_1626 = vector.shape_cast %get3A_1625 : vector<1x16xf32> to vector<16xf32>
      %get3A_1627 = arith.constant 4 : i32
      %get3A_1628 = arith.constant 0 : i32
      %get3A_1629 = arith.constant 0 : i32
      %get3A_1630 = arith.constant 0 : i32
      %get3A_1631 = tpu.memref_slice %arg6[%get3A_1627, %get3A_1629, %get3A_1630] : memref<5x128x128xf32, #tpu.memory_space<vmem>> -> memref<1x128x128xf32, #tpu.memory_space<vmem>>
      %get3A_1632 = tpu.memref_squeeze %get3A_1631 : memref<1x128x128xf32, #tpu.memory_space<vmem>> -> memref<128x128xf32, #tpu.memory_space<vmem>>
      %get3A_1633 = arith.index_cast %get3A_1628 : i32 to index
      %get3A_1634 = arith.constant 112 : index
      %get3A_1635 = tpu.vector_load %get3A_1632[%get3A_1633, %get3A_1634] {strides = array<i32>} : memref<128x128xf32, #tpu.memory_space<vmem>>, vector<1x16xf32>,
      %get3A_1636 = vector.shape_cast %get3A_1635 : vector<1x16xf32> to vector<16xf32>
      %scan3A_1637 = arith.constant 4 : i32
      %scan3A_1638 = arith.constant 1 : i32
      %scan3A_1639 = arith.constant 124 : i32
      %scan3A_1640 = arith.addi %scan3A_1638, %scan3A_1639 : i32
      %scan3A_1641 = arith.constant 4 : i32
      %scan3A_1642:8 = scf.for %scan3A_1907 = %scan3A_1638 to %scan3A_1640 step %scan3A_1641 iter_args(%scan3A_1908 = %get3A_1566, %scan3A_1909 = %get3A_1576, %scan3A_1910 = %get3A_1586, %scan3A_1911 = %get3A_1596, %scan3A_1912 = %get3A_1606, %scan3A_1913 = %get3A_1616, %scan3A_1914 = %get3A_1626, %scan3A_1915 = %get3A_1636) -> (vector<16xf32>, vector<16xf32>, vector<16xf32>, vector<16xf32>, vector<16xf32>, vector<16xf32>, vector<16xf32>, vector<16xf32>)  : i32 {
        %get3A_1916 = arith.constant 0 : i32
        %get3A_1917 = arith.constant 0 : i32
        %get3A_1918 = tpu.memref_slice %arg6[%scan3A_1637, %get3A_1916, %get3A_1917] : memref<5x128x128xf32, #tpu.memory_space<vmem>> -> memref<1x128x128xf32, #tpu.memory_space<vmem>>
        %get3A_1919 = tpu.memref_squeeze %get3A_1918 : memref<1x128x128xf32, #tpu.memory_space<vmem>> -> memref<128x128xf32, #tpu.memory_space<vmem>>
        %get3A_1920 = arith.index_cast %scan3A_1907 : i32 to index
        %get3A_1921 = arith.constant 0 : index
        %get3A_1922 = tpu.vector_load %get3A_1919[%get3A_1920, %get3A_1921] {strides = array<i32>} : memref<128x128xf32, #tpu.memory_space<vmem>>, vector<1x16xf32>,
        %get3A_1923 = vector.shape_cast %get3A_1922 : vector<1x16xf32> to vector<16xf32>
        %add3A_1924 = arith.addf %scan3A_1908, %get3A_1923 : vector<16xf32>
        %get3A_1925 = arith.constant 0 : i32
        %get3A_1926 = arith.constant 0 : i32
        %get3A_1927 = tpu.memref_slice %arg6[%scan3A_1637, %get3A_1925, %get3A_1926] : memref<5x128x128xf32, #tpu.memory_space<vmem>> -> memref<1x128x128xf32, #tpu.memory_space<vmem>>
        %get3A_1928 = tpu.memref_squeeze %get3A_1927 : memref<1x128x128xf32, #tpu.memory_space<vmem>> -> memref<128x128xf32, #tpu.memory_space<vmem>>
        %get3A_1929 = arith.index_cast %scan3A_1907 : i32 to index
        %get3A_1930 = arith.constant 16 : index
        %get3A_1931 = tpu.vector_load %get3A_1928[%get3A_1929, %get3A_1930] {strides = array<i32>} : memref<128x128xf32, #tpu.memory_space<vmem>>, vector<1x16xf32>,
        %get3A_1932 = vector.shape_cast %get3A_1931 : vector<1x16xf32> to vector<16xf32>
        %add3A_1933 = arith.addf %scan3A_1909, %get3A_1932 : vector<16xf32>
        %get3A_1934 = arith.constant 0 : i32
        %get3A_1935 = arith.constant 0 : i32
        %get3A_1936 = tpu.memref_slice %arg6[%scan3A_1637, %get3A_1934, %get3A_1935] : memref<5x128x128xf32, #tpu.memory_space<vmem>> -> memref<1x128x128xf32, #tpu.memory_space<vmem>>
        %get3A_1937 = tpu.memref_squeeze %get3A_1936 : memref<1x128x128xf32, #tpu.memory_space<vmem>> -> memref<128x128xf32, #tpu.memory_space<vmem>>
        %get3A_1938 = arith.index_cast %scan3A_1907 : i32 to index
        %get3A_1939 = arith.constant 32 : index
        %get3A_1940 = tpu.vector_load %get3A_1937[%get3A_1938, %get3A_1939] {strides = array<i32>} : memref<128x128xf32, #tpu.memory_space<vmem>>, vector<1x16xf32>,
        %get3A_1941 = vector.shape_cast %get3A_1940 : vector<1x16xf32> to vector<16xf32>
        %add3A_1942 = arith.addf %scan3A_1910, %get3A_1941 : vector<16xf32>
        %get3A_1943 = arith.constant 0 : i32
        %get3A_1944 = arith.constant 0 : i32
        %get3A_1945 = tpu.memref_slice %arg6[%scan3A_1637, %get3A_1943, %get3A_1944] : memref<5x128x128xf32, #tpu.memory_space<vmem>> -> memref<1x128x128xf32, #tpu.memory_space<vmem>>
        %get3A_1946 = tpu.memref_squeeze %get3A_1945 : memref<1x128x128xf32, #tpu.memory_space<vmem>> -> memref<128x128xf32, #tpu.memory_space<vmem>>
        %get3A_1947 = arith.index_cast %scan3A_1907 : i32 to index
        %get3A_1948 = arith.constant 48 : index
        %get3A_1949 = tpu.vector_load %get3A_1946[%get3A_1947, %get3A_1948] {strides = array<i32>} : memref<128x128xf32, #tpu.memory_space<vmem>>, vector<1x16xf32>,
        %get3A_1950 = vector.shape_cast %get3A_1949 : vector<1x16xf32> to vector<16xf32>
        %add3A_1951 = arith.addf %scan3A_1911, %get3A_1950 : vector<16xf32>
        %get3A_1952 = arith.constant 0 : i32
        %get3A_1953 = arith.constant 0 : i32
        %get3A_1954 = tpu.memref_slice %arg6[%scan3A_1637, %get3A_1952, %get3A_1953] : memref<5x128x128xf32, #tpu.memory_space<vmem>> -> memref<1x128x128xf32, #tpu.memory_space<vmem>>
        %get3A_1955 = tpu.memref_squeeze %get3A_1954 : memref<1x128x128xf32, #tpu.memory_space<vmem>> -> memref<128x128xf32, #tpu.memory_space<vmem>>
        %get3A_1956 = arith.index_cast %scan3A_1907 : i32 to index
        %get3A_1957 = arith.constant 64 : index
        %get3A_1958 = tpu.vector_load %get3A_1955[%get3A_1956, %get3A_1957] {strides = array<i32>} : memref<128x128xf32, #tpu.memory_space<vmem>>, vector<1x16xf32>,
        %get3A_1959 = vector.shape_cast %get3A_1958 : vector<1x16xf32> to vector<16xf32>
        %add3A_1960 = arith.addf %scan3A_1912, %get3A_1959 : vector<16xf32>
        %get3A_1961 = arith.constant 0 : i32
        %get3A_1962 = arith.constant 0 : i32
        %get3A_1963 = tpu.memref_slice %arg6[%scan3A_1637, %get3A_1961, %get3A_1962] : memref<5x128x128xf32, #tpu.memory_space<vmem>> -> memref<1x128x128xf32, #tpu.memory_space<vmem>>
        %get3A_1964 = tpu.memref_squeeze %get3A_1963 : memref<1x128x128xf32, #tpu.memory_space<vmem>> -> memref<128x128xf32, #tpu.memory_space<vmem>>
        %get3A_1965 = arith.index_cast %scan3A_1907 : i32 to index
        %get3A_1966 = arith.constant 80 : index
        %get3A_1967 = tpu.vector_load %get3A_1964[%get3A_1965, %get3A_1966] {strides = array<i32>} : memref<128x128xf32, #tpu.memory_space<vmem>>, vector<1x16xf32>,
        %get3A_1968 = vector.shape_cast %get3A_1967 : vector<1x16xf32> to vector<16xf32>
        %add3A_1969 = arith.addf %scan3A_1913, %get3A_1968 : vector<16xf32>
        %get3A_1970 = arith.constant 0 : i32
        %get3A_1971 = arith.constant 0 : i32
        %get3A_1972 = tpu.memref_slice %arg6[%scan3A_1637, %get3A_1970, %get3A_1971] : memref<5x128x128xf32, #tpu.memory_space<vmem>> -> memref<1x128x128xf32, #tpu.memory_space<vmem>>
        %get3A_1973 = tpu.memref_squeeze %get3A_1972 : memref<1x128x128xf32, #tpu.memory_space<vmem>> -> memref<128x128xf32, #tpu.memory_space<vmem>>
        %get3A_1974 = arith.index_cast %scan3A_1907 : i32 to index
        %get3A_1975 = arith.constant 96 : index
        %get3A_1976 = tpu.vector_load %get3A_1973[%get3A_1974, %get3A_1975] {strides = array<i32>} : memref<128x128xf32, #tpu.memory_space<vmem>>, vector<1x16xf32>,
        %get3A_1977 = vector.shape_cast %get3A_1976 : vector<1x16xf32> to vector<16xf32>
        %add3A_1978 = arith.addf %scan3A_1914, %get3A_1977 : vector<16xf32>
        %get3A_1979 = arith.constant 0 : i32
        %get3A_1980 = arith.constant 0 : i32
        %get3A_1981 = tpu.memref_slice %arg6[%scan3A_1637, %get3A_1979, %get3A_1980] : memref<5x128x128xf32, #tpu.memory_space<vmem>> -> memref<1x128x128xf32, #tpu.memory_space<vmem>>
        %get3A_1982 = tpu.memref_squeeze %get3A_1981 : memref<1x128x128xf32, #tpu.memory_space<vmem>> -> memref<128x128xf32, #tpu.memory_space<vmem>>
        %get3A_1983 = arith.index_cast %scan3A_1907 : i32 to index
        %get3A_1984 = arith.constant 112 : index
        %get3A_1985 = tpu.vector_load %get3A_1982[%get3A_1983, %get3A_1984] {strides = array<i32>} : memref<128x128xf32, #tpu.memory_space<vmem>>, vector<1x16xf32>,
        %get3A_1986 = vector.shape_cast %get3A_1985 : vector<1x16xf32> to vector<16xf32>
        %add3A_1987 = arith.addf %scan3A_1915, %get3A_1986 : vector<16xf32>
        %scan3A_1988 = arith.constant 1 : i32
        %scan3A_1989 = arith.addi %scan3A_1907, %scan3A_1988 : i32
        %get3A_1990 = arith.constant 0 : i32
        %get3A_1991 = arith.constant 0 : i32
        %get3A_1992 = tpu.memref_slice %arg6[%scan3A_1637, %get3A_1990, %get3A_1991] : memref<5x128x128xf32, #tpu.memory_space<vmem>> -> memref<1x128x128xf32, #tpu.memory_space<vmem>>
        %get3A_1993 = tpu.memref_squeeze %get3A_1992 : memref<1x128x128xf32, #tpu.memory_space<vmem>> -> memref<128x128xf32, #tpu.memory_space<vmem>>
        %get3A_1994 = arith.index_cast %scan3A_1989 : i32 to index
        %get3A_1995 = arith.constant 0 : index
        %get3A_1996 = tpu.vector_load %get3A_1993[%get3A_1994, %get3A_1995] {strides = array<i32>} : memref<128x128xf32, #tpu.memory_space<vmem>>, vector<1x16xf32>,
        %get3A_1997 = vector.shape_cast %get3A_1996 : vector<1x16xf32> to vector<16xf32>
        %add3A_1998 = arith.addf %add3A_1924, %get3A_1997 : vector<16xf32>
        %get3A_1999 = arith.constant 0 : i32
        %get3A_2000 = arith.constant 0 : i32
        %get3A_2001 = tpu.memref_slice %arg6[%scan3A_1637, %get3A_1999, %get3A_2000] : memref<5x128x128xf32, #tpu.memory_space<vmem>> -> memref<1x128x128xf32, #tpu.memory_space<vmem>>
        %get3A_2002 = tpu.memref_squeeze %get3A_2001 : memref<1x128x128xf32, #tpu.memory_space<vmem>> -> memref<128x128xf32, #tpu.memory_space<vmem>>
        %get3A_2003 = arith.index_cast %scan3A_1989 : i32 to index
        %get3A_2004 = arith.constant 16 : index
        %get3A_2005 = tpu.vector_load %get3A_2002[%get3A_2003, %get3A_2004] {strides = array<i32>} : memref<128x128xf32, #tpu.memory_space<vmem>>, vector<1x16xf32>,
        %get3A_2006 = vector.shape_cast %get3A_2005 : vector<1x16xf32> to vector<16xf32>
        %add3A_2007 = arith.addf %add3A_1933, %get3A_2006 : vector<16xf32>
        %get3A_2008 = arith.constant 0 : i32
        %get3A_2009 = arith.constant 0 : i32
        %get3A_2010 = tpu.memref_slice %arg6[%scan3A_1637, %get3A_2008, %get3A_2009] : memref<5x128x128xf32, #tpu.memory_space<vmem>> -> memref<1x128x128xf32, #tpu.memory_space<vmem>>
        %get3A_2011 = tpu.memref_squeeze %get3A_2010 : memref<1x128x128xf32, #tpu.memory_space<vmem>> -> memref<128x128xf32, #tpu.memory_space<vmem>>
        %get3A_2012 = arith.index_cast %scan3A_1989 : i32 to index
        %get3A_2013 = arith.constant 32 : index
        %get3A_2014 = tpu.vector_load %get3A_2011[%get3A_2012, %get3A_2013] {strides = array<i32>} : memref<128x128xf32, #tpu.memory_space<vmem>>, vector<1x16xf32>,
        %get3A_2015 = vector.shape_cast %get3A_2014 : vector<1x16xf32> to vector<16xf32>
        %add3A_2016 = arith.addf %add3A_1942, %get3A_2015 : vector<16xf32>
        %get3A_2017 = arith.constant 0 : i32
        %get3A_2018 = arith.constant 0 : i32
        %get3A_2019 = tpu.memref_slice %arg6[%scan3A_1637, %get3A_2017, %get3A_2018] : memref<5x128x128xf32, #tpu.memory_space<vmem>> -> memref<1x128x128xf32, #tpu.memory_space<vmem>>
        %get3A_2020 = tpu.memref_squeeze %get3A_2019 : memref<1x128x128xf32, #tpu.memory_space<vmem>> -> memref<128x128xf32, #tpu.memory_space<vmem>>
        %get3A_2021 = arith.index_cast %scan3A_1989 : i32 to index
        %get3A_2022 = arith.constant 48 : index
        %get3A_2023 = tpu.vector_load %get3A_2020[%get3A_2021, %get3A_2022] {strides = array<i32>} : memref<128x128xf32, #tpu.memory_space<vmem>>, vector<1x16xf32>,
        %get3A_2024 = vector.shape_cast %get3A_2023 : vector<1x16xf32> to vector<16xf32>
        %add3A_2025 = arith.addf %add3A_1951, %get3A_2024 : vector<16xf32>
        %get3A_2026 = arith.constant 0 : i32
        %get3A_2027 = arith.constant 0 : i32
        %get3A_2028 = tpu.memref_slice %arg6[%scan3A_1637, %get3A_2026, %get3A_2027] : memref<5x128x128xf32, #tpu.memory_space<vmem>> -> memref<1x128x128xf32, #tpu.memory_space<vmem>>
        %get3A_2029 = tpu.memref_squeeze %get3A_2028 : memref<1x128x128xf32, #tpu.memory_space<vmem>> -> memref<128x128xf32, #tpu.memory_space<vmem>>
        %get3A_2030 = arith.index_cast %scan3A_1989 : i32 to index
        %get3A_2031 = arith.constant 64 : index
        %get3A_2032 = tpu.vector_load %get3A_2029[%get3A_2030, %get3A_2031] {strides = array<i32>} : memref<128x128xf32, #tpu.memory_space<vmem>>, vector<1x16xf32>,
        %get3A_2033 = vector.shape_cast %get3A_2032 : vector<1x16xf32> to vector<16xf32>
        %add3A_2034 = arith.addf %add3A_1960, %get3A_2033 : vector<16xf32>
        %get3A_2035 = arith.constant 0 : i32
        %get3A_2036 = arith.constant 0 : i32
        %get3A_2037 = tpu.memref_slice %arg6[%scan3A_1637, %get3A_2035, %get3A_2036] : memref<5x128x128xf32, #tpu.memory_space<vmem>> -> memref<1x128x128xf32, #tpu.memory_space<vmem>>
        %get3A_2038 = tpu.memref_squeeze %get3A_2037 : memref<1x128x128xf32, #tpu.memory_space<vmem>> -> memref<128x128xf32, #tpu.memory_space<vmem>>
        %get3A_2039 = arith.index_cast %scan3A_1989 : i32 to index
        %get3A_2040 = arith.constant 80 : index
        %get3A_2041 = tpu.vector_load %get3A_2038[%get3A_2039, %get3A_2040] {strides = array<i32>} : memref<128x128xf32, #tpu.memory_space<vmem>>, vector<1x16xf32>,
        %get3A_2042 = vector.shape_cast %get3A_2041 : vector<1x16xf32> to vector<16xf32>
        %add3A_2043 = arith.addf %add3A_1969, %get3A_2042 : vector<16xf32>
        %get3A_2044 = arith.constant 0 : i32
        %get3A_2045 = arith.constant 0 : i32
        %get3A_2046 = tpu.memref_slice %arg6[%scan3A_1637, %get3A_2044, %get3A_2045] : memref<5x128x128xf32, #tpu.memory_space<vmem>> -> memref<1x128x128xf32, #tpu.memory_space<vmem>>
        %get3A_2047 = tpu.memref_squeeze %get3A_2046 : memref<1x128x128xf32, #tpu.memory_space<vmem>> -> memref<128x128xf32, #tpu.memory_space<vmem>>
        %get3A_2048 = arith.index_cast %scan3A_1989 : i32 to index
        %get3A_2049 = arith.constant 96 : index
        %get3A_2050 = tpu.vector_load %get3A_2047[%get3A_2048, %get3A_2049] {strides = array<i32>} : memref<128x128xf32, #tpu.memory_space<vmem>>, vector<1x16xf32>,
        %get3A_2051 = vector.shape_cast %get3A_2050 : vector<1x16xf32> to vector<16xf32>
        %add3A_2052 = arith.addf %add3A_1978, %get3A_2051 : vector<16xf32>
        %get3A_2053 = arith.constant 0 : i32
        %get3A_2054 = arith.constant 0 : i32
        %get3A_2055 = tpu.memref_slice %arg6[%scan3A_1637, %get3A_2053, %get3A_2054] : memref<5x128x128xf32, #tpu.memory_space<vmem>> -> memref<1x128x128xf32, #tpu.memory_space<vmem>>
        %get3A_2056 = tpu.memref_squeeze %get3A_2055 : memref<1x128x128xf32, #tpu.memory_space<vmem>> -> memref<128x128xf32, #tpu.memory_space<vmem>>
        %get3A_2057 = arith.index_cast %scan3A_1989 : i32 to index
        %get3A_2058 = arith.constant 112 : index
        %get3A_2059 = tpu.vector_load %get3A_2056[%get3A_2057, %get3A_2058] {strides = array<i32>} : memref<128x128xf32, #tpu.memory_space<vmem>>, vector<1x16xf32>,
        %get3A_2060 = vector.shape_cast %get3A_2059 : vector<1x16xf32> to vector<16xf32>
        %add3A_2061 = arith.addf %add3A_1987, %get3A_2060 : vector<16xf32>
        %scan3A_2062 = arith.constant 2 : i32
        %scan3A_2063 = arith.addi %scan3A_1907, %scan3A_2062 : i32
        %get3A_2064 = arith.constant 0 : i32
        %get3A_2065 = arith.constant 0 : i32
        %get3A_2066 = tpu.memref_slice %arg6[%scan3A_1637, %get3A_2064, %get3A_2065] : memref<5x128x128xf32, #tpu.memory_space<vmem>> -> memref<1x128x128xf32, #tpu.memory_space<vmem>>
        %get3A_2067 = tpu.memref_squeeze %get3A_2066 : memref<1x128x128xf32, #tpu.memory_space<vmem>> -> memref<128x128xf32, #tpu.memory_space<vmem>>
        %get3A_2068 = arith.index_cast %scan3A_2063 : i32 to index
        %get3A_2069 = arith.constant 0 : index
        %get3A_2070 = tpu.vector_load %get3A_2067[%get3A_2068, %get3A_2069] {strides = array<i32>} : memref<128x128xf32, #tpu.memory_space<vmem>>, vector<1x16xf32>,
        %get3A_2071 = vector.shape_cast %get3A_2070 : vector<1x16xf32> to vector<16xf32>
        %add3A_2072 = arith.addf %add3A_1998, %get3A_2071 : vector<16xf32>
        %get3A_2073 = arith.constant 0 : i32
        %get3A_2074 = arith.constant 0 : i32
        %get3A_2075 = tpu.memref_slice %arg6[%scan3A_1637, %get3A_2073, %get3A_2074] : memref<5x128x128xf32, #tpu.memory_space<vmem>> -> memref<1x128x128xf32, #tpu.memory_space<vmem>>
        %get3A_2076 = tpu.memref_squeeze %get3A_2075 : memref<1x128x128xf32, #tpu.memory_space<vmem>> -> memref<128x128xf32, #tpu.memory_space<vmem>>
        %get3A_2077 = arith.index_cast %scan3A_2063 : i32 to index
        %get3A_2078 = arith.constant 16 : index
        %get3A_2079 = tpu.vector_load %get3A_2076[%get3A_2077, %get3A_2078] {strides = array<i32>} : memref<128x128xf32, #tpu.memory_space<vmem>>, vector<1x16xf32>,
        %get3A_2080 = vector.shape_cast %get3A_2079 : vector<1x16xf32> to vector<16xf32>
        %add3A_2081 = arith.addf %add3A_2007, %get3A_2080 : vector<16xf32>
        %get3A_2082 = arith.constant 0 : i32
        %get3A_2083 = arith.constant 0 : i32
        %get3A_2084 = tpu.memref_slice %arg6[%scan3A_1637, %get3A_2082, %get3A_2083] : memref<5x128x128xf32, #tpu.memory_space<vmem>> -> memref<1x128x128xf32, #tpu.memory_space<vmem>>
        %get3A_2085 = tpu.memref_squeeze %get3A_2084 : memref<1x128x128xf32, #tpu.memory_space<vmem>> -> memref<128x128xf32, #tpu.memory_space<vmem>>
        %get3A_2086 = arith.index_cast %scan3A_2063 : i32 to index
        %get3A_2087 = arith.constant 32 : index
        %get3A_2088 = tpu.vector_load %get3A_2085[%get3A_2086, %get3A_2087] {strides = array<i32>} : memref<128x128xf32, #tpu.memory_space<vmem>>, vector<1x16xf32>,
        %get3A_2089 = vector.shape_cast %get3A_2088 : vector<1x16xf32> to vector<16xf32>
        %add3A_2090 = arith.addf %add3A_2016, %get3A_2089 : vector<16xf32>
        %get3A_2091 = arith.constant 0 : i32
        %get3A_2092 = arith.constant 0 : i32
        %get3A_2093 = tpu.memref_slice %arg6[%scan3A_1637, %get3A_2091, %get3A_2092] : memref<5x128x128xf32, #tpu.memory_space<vmem>> -> memref<1x128x128xf32, #tpu.memory_space<vmem>>
        %get3A_2094 = tpu.memref_squeeze %get3A_2093 : memref<1x128x128xf32, #tpu.memory_space<vmem>> -> memref<128x128xf32, #tpu.memory_space<vmem>>
        %get3A_2095 = arith.index_cast %scan3A_2063 : i32 to index
        %get3A_2096 = arith.constant 48 : index
        %get3A_2097 = tpu.vector_load %get3A_2094[%get3A_2095, %get3A_2096] {strides = array<i32>} : memref<128x128xf32, #tpu.memory_space<vmem>>, vector<1x16xf32>,
        %get3A_2098 = vector.shape_cast %get3A_2097 : vector<1x16xf32> to vector<16xf32>
        %add3A_2099 = arith.addf %add3A_2025, %get3A_2098 : vector<16xf32>
        %get3A_2100 = arith.constant 0 : i32
        %get3A_2101 = arith.constant 0 : i32
        %get3A_2102 = tpu.memref_slice %arg6[%scan3A_1637, %get3A_2100, %get3A_2101] : memref<5x128x128xf32, #tpu.memory_space<vmem>> -> memref<1x128x128xf32, #tpu.memory_space<vmem>>
        %get3A_2103 = tpu.memref_squeeze %get3A_2102 : memref<1x128x128xf32, #tpu.memory_space<vmem>> -> memref<128x128xf32, #tpu.memory_space<vmem>>
        %get3A_2104 = arith.index_cast %scan3A_2063 : i32 to index
        %get3A_2105 = arith.constant 64 : index
        %get3A_2106 = tpu.vector_load %get3A_2103[%get3A_2104, %get3A_2105] {strides = array<i32>} : memref<128x128xf32, #tpu.memory_space<vmem>>, vector<1x16xf32>,
        %get3A_2107 = vector.shape_cast %get3A_2106 : vector<1x16xf32> to vector<16xf32>
        %add3A_2108 = arith.addf %add3A_2034, %get3A_2107 : vector<16xf32>
        %get3A_2109 = arith.constant 0 : i32
        %get3A_2110 = arith.constant 0 : i32
        %get3A_2111 = tpu.memref_slice %arg6[%scan3A_1637, %get3A_2109, %get3A_2110] : memref<5x128x128xf32, #tpu.memory_space<vmem>> -> memref<1x128x128xf32, #tpu.memory_space<vmem>>
        %get3A_2112 = tpu.memref_squeeze %get3A_2111 : memref<1x128x128xf32, #tpu.memory_space<vmem>> -> memref<128x128xf32, #tpu.memory_space<vmem>>
        %get3A_2113 = arith.index_cast %scan3A_2063 : i32 to index
        %get3A_2114 = arith.constant 80 : index
        %get3A_2115 = tpu.vector_load %get3A_2112[%get3A_2113, %get3A_2114] {strides = array<i32>} : memref<128x128xf32, #tpu.memory_space<vmem>>, vector<1x16xf32>,
        %get3A_2116 = vector.shape_cast %get3A_2115 : vector<1x16xf32> to vector<16xf32>
        %add3A_2117 = arith.addf %add3A_2043, %get3A_2116 : vector<16xf32>
        %get3A_2118 = arith.constant 0 : i32
        %get3A_2119 = arith.constant 0 : i32
        %get3A_2120 = tpu.memref_slice %arg6[%scan3A_1637, %get3A_2118, %get3A_2119] : memref<5x128x128xf32, #tpu.memory_space<vmem>> -> memref<1x128x128xf32, #tpu.memory_space<vmem>>
        %get3A_2121 = tpu.memref_squeeze %get3A_2120 : memref<1x128x128xf32, #tpu.memory_space<vmem>> -> memref<128x128xf32, #tpu.memory_space<vmem>>
        %get3A_2122 = arith.index_cast %scan3A_2063 : i32 to index
        %get3A_2123 = arith.constant 96 : index
        %get3A_2124 = tpu.vector_load %get3A_2121[%get3A_2122, %get3A_2123] {strides = array<i32>} : memref<128x128xf32, #tpu.memory_space<vmem>>, vector<1x16xf32>,
        %get3A_2125 = vector.shape_cast %get3A_2124 : vector<1x16xf32> to vector<16xf32>
        %add3A_2126 = arith.addf %add3A_2052, %get3A_2125 : vector<16xf32>
        %get3A_2127 = arith.constant 0 : i32
        %get3A_2128 = arith.constant 0 : i32
        %get3A_2129 = tpu.memref_slice %arg6[%scan3A_1637, %get3A_2127, %get3A_2128] : memref<5x128x128xf32, #tpu.memory_space<vmem>> -> memref<1x128x128xf32, #tpu.memory_space<vmem>>
        %get3A_2130 = tpu.memref_squeeze %get3A_2129 : memref<1x128x128xf32, #tpu.memory_space<vmem>> -> memref<128x128xf32, #tpu.memory_space<vmem>>
        %get3A_2131 = arith.index_cast %scan3A_2063 : i32 to index
        %get3A_2132 = arith.constant 112 : index
        %get3A_2133 = tpu.vector_load %get3A_2130[%get3A_2131, %get3A_2132] {strides = array<i32>} : memref<128x128xf32, #tpu.memory_space<vmem>>, vector<1x16xf32>,
        %get3A_2134 = vector.shape_cast %get3A_2133 : vector<1x16xf32> to vector<16xf32>
        %add3A_2135 = arith.addf %add3A_2061, %get3A_2134 : vector<16xf32>
        %scan3A_2136 = arith.constant 3 : i32
        %scan3A_2137 = arith.addi %scan3A_1907, %scan3A_2136 : i32
        %get3A_2138 = arith.constant 0 : i32
        %get3A_2139 = arith.constant 0 : i32
        %get3A_2140 = tpu.memref_slice %arg6[%scan3A_1637, %get3A_2138, %get3A_2139] : memref<5x128x128xf32, #tpu.memory_space<vmem>> -> memref<1x128x128xf32, #tpu.memory_space<vmem>>
        %get3A_2141 = tpu.memref_squeeze %get3A_2140 : memref<1x128x128xf32, #tpu.memory_space<vmem>> -> memref<128x128xf32, #tpu.memory_space<vmem>>
        %get3A_2142 = arith.index_cast %scan3A_2137 : i32 to index
        %get3A_2143 = arith.constant 0 : index
        %get3A_2144 = tpu.vector_load %get3A_2141[%get3A_2142, %get3A_2143] {strides = array<i32>} : memref<128x128xf32, #tpu.memory_space<vmem>>, vector<1x16xf32>,
        %get3A_2145 = vector.shape_cast %get3A_2144 : vector<1x16xf32> to vector<16xf32>
        %add3A_2146 = arith.addf %add3A_2072, %get3A_2145 : vector<16xf32>
        %get3A_2147 = arith.constant 0 : i32
        %get3A_2148 = arith.constant 0 : i32
        %get3A_2149 = tpu.memref_slice %arg6[%scan3A_1637, %get3A_2147, %get3A_2148] : memref<5x128x128xf32, #tpu.memory_space<vmem>> -> memref<1x128x128xf32, #tpu.memory_space<vmem>>
        %get3A_2150 = tpu.memref_squeeze %get3A_2149 : memref<1x128x128xf32, #tpu.memory_space<vmem>> -> memref<128x128xf32, #tpu.memory_space<vmem>>
        %get3A_2151 = arith.index_cast %scan3A_2137 : i32 to index
        %get3A_2152 = arith.constant 16 : index
        %get3A_2153 = tpu.vector_load %get3A_2150[%get3A_2151, %get3A_2152] {strides = array<i32>} : memref<128x128xf32, #tpu.memory_space<vmem>>, vector<1x16xf32>,
        %get3A_2154 = vector.shape_cast %get3A_2153 : vector<1x16xf32> to vector<16xf32>
        %add3A_2155 = arith.addf %add3A_2081, %get3A_2154 : vector<16xf32>
        %get3A_2156 = arith.constant 0 : i32
        %get3A_2157 = arith.constant 0 : i32
        %get3A_2158 = tpu.memref_slice %arg6[%scan3A_1637, %get3A_2156, %get3A_2157] : memref<5x128x128xf32, #tpu.memory_space<vmem>> -> memref<1x128x128xf32, #tpu.memory_space<vmem>>
        %get3A_2159 = tpu.memref_squeeze %get3A_2158 : memref<1x128x128xf32, #tpu.memory_space<vmem>> -> memref<128x128xf32, #tpu.memory_space<vmem>>
        %get3A_2160 = arith.index_cast %scan3A_2137 : i32 to index
        %get3A_2161 = arith.constant 32 : index
        %get3A_2162 = tpu.vector_load %get3A_2159[%get3A_2160, %get3A_2161] {strides = array<i32>} : memref<128x128xf32, #tpu.memory_space<vmem>>, vector<1x16xf32>,
        %get3A_2163 = vector.shape_cast %get3A_2162 : vector<1x16xf32> to vector<16xf32>
        %add3A_2164 = arith.addf %add3A_2090, %get3A_2163 : vector<16xf32>
        %get3A_2165 = arith.constant 0 : i32
        %get3A_2166 = arith.constant 0 : i32
        %get3A_2167 = tpu.memref_slice %arg6[%scan3A_1637, %get3A_2165, %get3A_2166] : memref<5x128x128xf32, #tpu.memory_space<vmem>> -> memref<1x128x128xf32, #tpu.memory_space<vmem>>
        %get3A_2168 = tpu.memref_squeeze %get3A_2167 : memref<1x128x128xf32, #tpu.memory_space<vmem>> -> memref<128x128xf32, #tpu.memory_space<vmem>>
        %get3A_2169 = arith.index_cast %scan3A_2137 : i32 to index
        %get3A_2170 = arith.constant 48 : index
        %get3A_2171 = tpu.vector_load %get3A_2168[%get3A_2169, %get3A_2170] {strides = array<i32>} : memref<128x128xf32, #tpu.memory_space<vmem>>, vector<1x16xf32>,
        %get3A_2172 = vector.shape_cast %get3A_2171 : vector<1x16xf32> to vector<16xf32>
        %add3A_2173 = arith.addf %add3A_2099, %get3A_2172 : vector<16xf32>
        %get3A_2174 = arith.constant 0 : i32
        %get3A_2175 = arith.constant 0 : i32
        %get3A_2176 = tpu.memref_slice %arg6[%scan3A_1637, %get3A_2174, %get3A_2175] : memref<5x128x128xf32, #tpu.memory_space<vmem>> -> memref<1x128x128xf32, #tpu.memory_space<vmem>>
        %get3A_2177 = tpu.memref_squeeze %get3A_2176 : memref<1x128x128xf32, #tpu.memory_space<vmem>> -> memref<128x128xf32, #tpu.memory_space<vmem>>
        %get3A_2178 = arith.index_cast %scan3A_2137 : i32 to index
        %get3A_2179 = arith.constant 64 : index
        %get3A_2180 = tpu.vector_load %get3A_2177[%get3A_2178, %get3A_2179] {strides = array<i32>} : memref<128x128xf32, #tpu.memory_space<vmem>>, vector<1x16xf32>,
        %get3A_2181 = vector.shape_cast %get3A_2180 : vector<1x16xf32> to vector<16xf32>
        %add3A_2182 = arith.addf %add3A_2108, %get3A_2181 : vector<16xf32>
        %get3A_2183 = arith.constant 0 : i32
        %get3A_2184 = arith.constant 0 : i32
        %get3A_2185 = tpu.memref_slice %arg6[%scan3A_1637, %get3A_2183, %get3A_2184] : memref<5x128x128xf32, #tpu.memory_space<vmem>> -> memref<1x128x128xf32, #tpu.memory_space<vmem>>
        %get3A_2186 = tpu.memref_squeeze %get3A_2185 : memref<1x128x128xf32, #tpu.memory_space<vmem>> -> memref<128x128xf32, #tpu.memory_space<vmem>>
        %get3A_2187 = arith.index_cast %scan3A_2137 : i32 to index
        %get3A_2188 = arith.constant 80 : index
        %get3A_2189 = tpu.vector_load %get3A_2186[%get3A_2187, %get3A_2188] {strides = array<i32>} : memref<128x128xf32, #tpu.memory_space<vmem>>, vector<1x16xf32>,
        %get3A_2190 = vector.shape_cast %get3A_2189 : vector<1x16xf32> to vector<16xf32>
        %add3A_2191 = arith.addf %add3A_2117, %get3A_2190 : vector<16xf32>
        %get3A_2192 = arith.constant 0 : i32
        %get3A_2193 = arith.constant 0 : i32
        %get3A_2194 = tpu.memref_slice %arg6[%scan3A_1637, %get3A_2192, %get3A_2193] : memref<5x128x128xf32, #tpu.memory_space<vmem>> -> memref<1x128x128xf32, #tpu.memory_space<vmem>>
        %get3A_2195 = tpu.memref_squeeze %get3A_2194 : memref<1x128x128xf32, #tpu.memory_space<vmem>> -> memref<128x128xf32, #tpu.memory_space<vmem>>
        %get3A_2196 = arith.index_cast %scan3A_2137 : i32 to index
        %get3A_2197 = arith.constant 96 : index
        %get3A_2198 = tpu.vector_load %get3A_2195[%get3A_2196, %get3A_2197] {strides = array<i32>} : memref<128x128xf32, #tpu.memory_space<vmem>>, vector<1x16xf32>,
        %get3A_2199 = vector.shape_cast %get3A_2198 : vector<1x16xf32> to vector<16xf32>
        %add3A_2200 = arith.addf %add3A_2126, %get3A_2199 : vector<16xf32>
        %get3A_2201 = arith.constant 0 : i32
        %get3A_2202 = arith.constant 0 : i32
        %get3A_2203 = tpu.memref_slice %arg6[%scan3A_1637, %get3A_2201, %get3A_2202] : memref<5x128x128xf32, #tpu.memory_space<vmem>> -> memref<1x128x128xf32, #tpu.memory_space<vmem>>
        %get3A_2204 = tpu.memref_squeeze %get3A_2203 : memref<1x128x128xf32, #tpu.memory_space<vmem>> -> memref<128x128xf32, #tpu.memory_space<vmem>>
        %get3A_2205 = arith.index_cast %scan3A_2137 : i32 to index
        %get3A_2206 = arith.constant 112 : index
        %get3A_2207 = tpu.vector_load %get3A_2204[%get3A_2205, %get3A_2206] {strides = array<i32>} : memref<128x128xf32, #tpu.memory_space<vmem>>, vector<1x16xf32>,
        %get3A_2208 = vector.shape_cast %get3A_2207 : vector<1x16xf32> to vector<16xf32>
        %add3A_2209 = arith.addf %add3A_2135, %get3A_2208 : vector<16xf32>
        scf.yield %add3A_2146, %add3A_2155, %add3A_2164, %add3A_2173, %add3A_2182, %add3A_2191, %add3A_2200, %add3A_2209 : vector<16xf32>, vector<16xf32>, vector<16xf32>, vector<16xf32>, vector<16xf32>, vector<16xf32>, vector<16xf32>, vector<16xf32>
      }
      %scan3A_1643 = arith.constant 124 : i32
      %scan3A_1644 = arith.addi %scan3A_1638, %scan3A_1643 : i32
      %get3A_1645 = arith.constant 0 : i32
      %get3A_1646 = arith.constant 0 : i32
      %get3A_1647 = tpu.memref_slice %arg6[%scan3A_1637, %get3A_1645, %get3A_1646] : memref<5x128x128xf32, #tpu.memory_space<vmem>> -> memref<1x128x128xf32, #tpu.memory_space<vmem>>
      %get3A_1648 = tpu.memref_squeeze %get3A_1647 : memref<1x128x128xf32, #tpu.memory_space<vmem>> -> memref<128x128xf32, #tpu.memory_space<vmem>>
      %get3A_1649 = arith.index_cast %scan3A_1644 : i32 to index
      %get3A_1650 = arith.constant 0 : index
      %get3A_1651 = tpu.vector_load %get3A_1648[%get3A_1649, %get3A_1650] {strides = array<i32>} : memref<128x128xf32, #tpu.memory_space<vmem>>, vector<1x16xf32>,
      %get3A_1652 = vector.shape_cast %get3A_1651 : vector<1x16xf32> to vector<16xf32>
      %add3A_1653 = arith.addf %scan3A_1642#0, %get3A_1652 : vector<16xf32>
      %get3A_1654 = arith.constant 0 : i32
      %get3A_1655 = arith.constant 0 : i32
      %get3A_1656 = tpu.memref_slice %arg6[%scan3A_1637, %get3A_1654, %get3A_1655] : memref<5x128x128xf32, #tpu.memory_space<vmem>> -> memref<1x128x128xf32, #tpu.memory_space<vmem>>
      %get3A_1657 = tpu.memref_squeeze %get3A_1656 : memref<1x128x128xf32, #tpu.memory_space<vmem>> -> memref<128x128xf32, #tpu.memory_space<vmem>>
      %get3A_1658 = arith.index_cast %scan3A_1644 : i32 to index
      %get3A_1659 = arith.constant 16 : index
      %get3A_1660 = tpu.vector_load %get3A_1657[%get3A_1658, %get3A_1659] {strides = array<i32>} : memref<128x128xf32, #tpu.memory_space<vmem>>, vector<1x16xf32>,
      %get3A_1661 = vector.shape_cast %get3A_1660 : vector<1x16xf32> to vector<16xf32>
      %add3A_1662 = arith.addf %scan3A_1642#1, %get3A_1661 : vector<16xf32>
      %get3A_1663 = arith.constant 0 : i32
      %get3A_1664 = arith.constant 0 : i32
      %get3A_1665 = tpu.memref_slice %arg6[%scan3A_1637, %get3A_1663, %get3A_1664] : memref<5x128x128xf32, #tpu.memory_space<vmem>> -> memref<1x128x128xf32, #tpu.memory_space<vmem>>
      %get3A_1666 = tpu.memref_squeeze %get3A_1665 : memref<1x128x128xf32, #tpu.memory_space<vmem>> -> memref<128x128xf32, #tpu.memory_space<vmem>>
      %get3A_1667 = arith.index_cast %scan3A_1644 : i32 to index
      %get3A_1668 = arith.constant 32 : index
      %get3A_1669 = tpu.vector_load %get3A_1666[%get3A_1667, %get3A_1668] {strides = array<i32>} : memref<128x128xf32, #tpu.memory_space<vmem>>, vector<1x16xf32>,
      %get3A_1670 = vector.shape_cast %get3A_1669 : vector<1x16xf32> to vector<16xf32>
      %add3A_1671 = arith.addf %scan3A_1642#2, %get3A_1670 : vector<16xf32>
      %get3A_1672 = arith.constant 0 : i32
      %get3A_1673 = arith.constant 0 : i32
      %get3A_1674 = tpu.memref_slice %arg6[%scan3A_1637, %get3A_1672, %get3A_1673] : memref<5x128x128xf32, #tpu.memory_space<vmem>> -> memref<1x128x128xf32, #tpu.memory_space<vmem>>
      %get3A_1675 = tpu.memref_squeeze %get3A_1674 : memref<1x128x128xf32, #tpu.memory_space<vmem>> -> memref<128x128xf32, #tpu.memory_space<vmem>>
      %get3A_1676 = arith.index_cast %scan3A_1644 : i32 to index
      %get3A_1677 = arith.constant 48 : index
      %get3A_1678 = tpu.vector_load %get3A_1675[%get3A_1676, %get3A_1677] {strides = array<i32>} : memref<128x128xf32, #tpu.memory_space<vmem>>, vector<1x16xf32>,
      %get3A_1679 = vector.shape_cast %get3A_1678 : vector<1x16xf32> to vector<16xf32>
      %add3A_1680 = arith.addf %scan3A_1642#3, %get3A_1679 : vector<16xf32>
      %get3A_1681 = arith.constant 0 : i32
      %get3A_1682 = arith.constant 0 : i32
      %get3A_1683 = tpu.memref_slice %arg6[%scan3A_1637, %get3A_1681, %get3A_1682] : memref<5x128x128xf32, #tpu.memory_space<vmem>> -> memref<1x128x128xf32, #tpu.memory_space<vmem>>
      %get3A_1684 = tpu.memref_squeeze %get3A_1683 : memref<1x128x128xf32, #tpu.memory_space<vmem>> -> memref<128x128xf32, #tpu.memory_space<vmem>>
      %get3A_1685 = arith.index_cast %scan3A_1644 : i32 to index
      %get3A_1686 = arith.constant 64 : index
      %get3A_1687 = tpu.vector_load %get3A_1684[%get3A_1685, %get3A_1686] {strides = array<i32>} : memref<128x128xf32, #tpu.memory_space<vmem>>, vector<1x16xf32>,
      %get3A_1688 = vector.shape_cast %get3A_1687 : vector<1x16xf32> to vector<16xf32>
      %add3A_1689 = arith.addf %scan3A_1642#4, %get3A_1688 : vector<16xf32>
      %get3A_1690 = arith.constant 0 : i32
      %get3A_1691 = arith.constant 0 : i32
      %get3A_1692 = tpu.memref_slice %arg6[%scan3A_1637, %get3A_1690, %get3A_1691] : memref<5x128x128xf32, #tpu.memory_space<vmem>> -> memref<1x128x128xf32, #tpu.memory_space<vmem>>
      %get3A_1693 = tpu.memref_squeeze %get3A_1692 : memref<1x128x128xf32, #tpu.memory_space<vmem>> -> memref<128x128xf32, #tpu.memory_space<vmem>>
      %get3A_1694 = arith.index_cast %scan3A_1644 : i32 to index
      %get3A_1695 = arith.constant 80 : index
      %get3A_1696 = tpu.vector_load %get3A_1693[%get3A_1694, %get3A_1695] {strides = array<i32>} : memref<128x128xf32, #tpu.memory_space<vmem>>, vector<1x16xf32>,
      %get3A_1697 = vector.shape_cast %get3A_1696 : vector<1x16xf32> to vector<16xf32>
      %add3A_1698 = arith.addf %scan3A_1642#5, %get3A_1697 : vector<16xf32>
      %get3A_1699 = arith.constant 0 : i32
      %get3A_1700 = arith.constant 0 : i32
      %get3A_1701 = tpu.memref_slice %arg6[%scan3A_1637, %get3A_1699, %get3A_1700] : memref<5x128x128xf32, #tpu.memory_space<vmem>> -> memref<1x128x128xf32, #tpu.memory_space<vmem>>
      %get3A_1702 = tpu.memref_squeeze %get3A_1701 : memref<1x128x128xf32, #tpu.memory_space<vmem>> -> memref<128x128xf32, #tpu.memory_space<vmem>>
      %get3A_1703 = arith.index_cast %scan3A_1644 : i32 to index
      %get3A_1704 = arith.constant 96 : index
      %get3A_1705 = tpu.vector_load %get3A_1702[%get3A_1703, %get3A_1704] {strides = array<i32>} : memref<128x128xf32, #tpu.memory_space<vmem>>, vector<1x16xf32>,
      %get3A_1706 = vector.shape_cast %get3A_1705 : vector<1x16xf32> to vector<16xf32>
      %add3A_1707 = arith.addf %scan3A_1642#6, %get3A_1706 : vector<16xf32>
      %get3A_1708 = arith.constant 0 : i32
      %get3A_1709 = arith.constant 0 : i32
      %get3A_1710 = tpu.memref_slice %arg6[%scan3A_1637, %get3A_1708, %get3A_1709] : memref<5x128x128xf32, #tpu.memory_space<vmem>> -> memref<1x128x128xf32, #tpu.memory_space<vmem>>
      %get3A_1711 = tpu.memref_squeeze %get3A_1710 : memref<1x128x128xf32, #tpu.memory_space<vmem>> -> memref<128x128xf32, #tpu.memory_space<vmem>>
      %get3A_1712 = arith.index_cast %scan3A_1644 : i32 to index
      %get3A_1713 = arith.constant 112 : index
      %get3A_1714 = tpu.vector_load %get3A_1711[%get3A_1712, %get3A_1713] {strides = array<i32>} : memref<128x128xf32, #tpu.memory_space<vmem>>, vector<1x16xf32>,
      %get3A_1715 = vector.shape_cast %get3A_1714 : vector<1x16xf32> to vector<16xf32>
      %add3A_1716 = arith.addf %scan3A_1642#7, %get3A_1715 : vector<16xf32>
      %scan3A_1717 = arith.constant 125 : i32
      %scan3A_1718 = arith.addi %scan3A_1638, %scan3A_1717 : i32
      %get3A_1719 = arith.constant 0 : i32
      %get3A_1720 = arith.constant 0 : i32
      %get3A_1721 = tpu.memref_slice %arg6[%scan3A_1637, %get3A_1719, %get3A_1720] : memref<5x128x128xf32, #tpu.memory_space<vmem>> -> memref<1x128x128xf32, #tpu.memory_space<vmem>>
      %get3A_1722 = tpu.memref_squeeze %get3A_1721 : memref<1x128x128xf32, #tpu.memory_space<vmem>> -> memref<128x128xf32, #tpu.memory_space<vmem>>
      %get3A_1723 = arith.index_cast %scan3A_1718 : i32 to index
      %get3A_1724 = arith.constant 0 : index
      %get3A_1725 = tpu.vector_load %get3A_1722[%get3A_1723, %get3A_1724] {strides = array<i32>} : memref<128x128xf32, #tpu.memory_space<vmem>>, vector<1x16xf32>,
      %get3A_1726 = vector.shape_cast %get3A_1725 : vector<1x16xf32> to vector<16xf32>
      %add3A_1727 = arith.addf %add3A_1653, %get3A_1726 : vector<16xf32>
      %get3A_1728 = arith.constant 0 : i32
      %get3A_1729 = arith.constant 0 : i32
      %get3A_1730 = tpu.memref_slice %arg6[%scan3A_1637, %get3A_1728, %get3A_1729] : memref<5x128x128xf32, #tpu.memory_space<vmem>> -> memref<1x128x128xf32, #tpu.memory_space<vmem>>
      %get3A_1731 = tpu.memref_squeeze %get3A_1730 : memref<1x128x128xf32, #tpu.memory_space<vmem>> -> memref<128x128xf32, #tpu.memory_space<vmem>>
      %get3A_1732 = arith.index_cast %scan3A_1718 : i32 to index
      %get3A_1733 = arith.constant 16 : index
      %get3A_1734 = tpu.vector_load %get3A_1731[%get3A_1732, %get3A_1733] {strides = array<i32>} : memref<128x128xf32, #tpu.memory_space<vmem>>, vector<1x16xf32>,
      %get3A_1735 = vector.shape_cast %get3A_1734 : vector<1x16xf32> to vector<16xf32>
      %add3A_1736 = arith.addf %add3A_1662, %get3A_1735 : vector<16xf32>
      %get3A_1737 = arith.constant 0 : i32
      %get3A_1738 = arith.constant 0 : i32
      %get3A_1739 = tpu.memref_slice %arg6[%scan3A_1637, %get3A_1737, %get3A_1738] : memref<5x128x128xf32, #tpu.memory_space<vmem>> -> memref<1x128x128xf32, #tpu.memory_space<vmem>>
      %get3A_1740 = tpu.memref_squeeze %get3A_1739 : memref<1x128x128xf32, #tpu.memory_space<vmem>> -> memref<128x128xf32, #tpu.memory_space<vmem>>
      %get3A_1741 = arith.index_cast %scan3A_1718 : i32 to index
      %get3A_1742 = arith.constant 32 : index
      %get3A_1743 = tpu.vector_load %get3A_1740[%get3A_1741, %get3A_1742] {strides = array<i32>} : memref<128x128xf32, #tpu.memory_space<vmem>>, vector<1x16xf32>,
      %get3A_1744 = vector.shape_cast %get3A_1743 : vector<1x16xf32> to vector<16xf32>
      %add3A_1745 = arith.addf %add3A_1671, %get3A_1744 : vector<16xf32>
      %get3A_1746 = arith.constant 0 : i32
      %get3A_1747 = arith.constant 0 : i32
      %get3A_1748 = tpu.memref_slice %arg6[%scan3A_1637, %get3A_1746, %get3A_1747] : memref<5x128x128xf32, #tpu.memory_space<vmem>> -> memref<1x128x128xf32, #tpu.memory_space<vmem>>
      %get3A_1749 = tpu.memref_squeeze %get3A_1748 : memref<1x128x128xf32, #tpu.memory_space<vmem>> -> memref<128x128xf32, #tpu.memory_space<vmem>>
      %get3A_1750 = arith.index_cast %scan3A_1718 : i32 to index
      %get3A_1751 = arith.constant 48 : index
      %get3A_1752 = tpu.vector_load %get3A_1749[%get3A_1750, %get3A_1751] {strides = array<i32>} : memref<128x128xf32, #tpu.memory_space<vmem>>, vector<1x16xf32>,
      %get3A_1753 = vector.shape_cast %get3A_1752 : vector<1x16xf32> to vector<16xf32>
      %add3A_1754 = arith.addf %add3A_1680, %get3A_1753 : vector<16xf32>
      %get3A_1755 = arith.constant 0 : i32
      %get3A_1756 = arith.constant 0 : i32
      %get3A_1757 = tpu.memref_slice %arg6[%scan3A_1637, %get3A_1755, %get3A_1756] : memref<5x128x128xf32, #tpu.memory_space<vmem>> -> memref<1x128x128xf32, #tpu.memory_space<vmem>>
      %get3A_1758 = tpu.memref_squeeze %get3A_1757 : memref<1x128x128xf32, #tpu.memory_space<vmem>> -> memref<128x128xf32, #tpu.memory_space<vmem>>
      %get3A_1759 = arith.index_cast %scan3A_1718 : i32 to index
      %get3A_1760 = arith.constant 64 : index
      %get3A_1761 = tpu.vector_load %get3A_1758[%get3A_1759, %get3A_1760] {strides = array<i32>} : memref<128x128xf32, #tpu.memory_space<vmem>>, vector<1x16xf32>,
      %get3A_1762 = vector.shape_cast %get3A_1761 : vector<1x16xf32> to vector<16xf32>
      %add3A_1763 = arith.addf %add3A_1689, %get3A_1762 : vector<16xf32>
      %get3A_1764 = arith.constant 0 : i32
      %get3A_1765 = arith.constant 0 : i32
      %get3A_1766 = tpu.memref_slice %arg6[%scan3A_1637, %get3A_1764, %get3A_1765] : memref<5x128x128xf32, #tpu.memory_space<vmem>> -> memref<1x128x128xf32, #tpu.memory_space<vmem>>
      %get3A_1767 = tpu.memref_squeeze %get3A_1766 : memref<1x128x128xf32, #tpu.memory_space<vmem>> -> memref<128x128xf32, #tpu.memory_space<vmem>>
      %get3A_1768 = arith.index_cast %scan3A_1718 : i32 to index
      %get3A_1769 = arith.constant 80 : index
      %get3A_1770 = tpu.vector_load %get3A_1767[%get3A_1768, %get3A_1769] {strides = array<i32>} : memref<128x128xf32, #tpu.memory_space<vmem>>, vector<1x16xf32>,
      %get3A_1771 = vector.shape_cast %get3A_1770 : vector<1x16xf32> to vector<16xf32>
      %add3A_1772 = arith.addf %add3A_1698, %get3A_1771 : vector<16xf32>
      %get3A_1773 = arith.constant 0 : i32
      %get3A_1774 = arith.constant 0 : i32
      %get3A_1775 = tpu.memref_slice %arg6[%scan3A_1637, %get3A_1773, %get3A_1774] : memref<5x128x128xf32, #tpu.memory_space<vmem>> -> memref<1x128x128xf32, #tpu.memory_space<vmem>>
      %get3A_1776 = tpu.memref_squeeze %get3A_1775 : memref<1x128x128xf32, #tpu.memory_space<vmem>> -> memref<128x128xf32, #tpu.memory_space<vmem>>
      %get3A_1777 = arith.index_cast %scan3A_1718 : i32 to index
      %get3A_1778 = arith.constant 96 : index
      %get3A_1779 = tpu.vector_load %get3A_1776[%get3A_1777, %get3A_1778] {strides = array<i32>} : memref<128x128xf32, #tpu.memory_space<vmem>>, vector<1x16xf32>,
      %get3A_1780 = vector.shape_cast %get3A_1779 : vector<1x16xf32> to vector<16xf32>
      %add3A_1781 = arith.addf %add3A_1707, %get3A_1780 : vector<16xf32>
      %get3A_1782 = arith.constant 0 : i32
      %get3A_1783 = arith.constant 0 : i32
      %get3A_1784 = tpu.memref_slice %arg6[%scan3A_1637, %get3A_1782, %get3A_1783] : memref<5x128x128xf32, #tpu.memory_space<vmem>> -> memref<1x128x128xf32, #tpu.memory_space<vmem>>
      %get3A_1785 = tpu.memref_squeeze %get3A_1784 : memref<1x128x128xf32, #tpu.memory_space<vmem>> -> memref<128x128xf32, #tpu.memory_space<vmem>>
      %get3A_1786 = arith.index_cast %scan3A_1718 : i32 to index
      %get3A_1787 = arith.constant 112 : index
      %get3A_1788 = tpu.vector_load %get3A_1785[%get3A_1786, %get3A_1787] {strides = array<i32>} : memref<128x128xf32, #tpu.memory_space<vmem>>, vector<1x16xf32>,
      %get3A_1789 = vector.shape_cast %get3A_1788 : vector<1x16xf32> to vector<16xf32>
      %add3A_1790 = arith.addf %add3A_1716, %get3A_1789 : vector<16xf32>
      %scan3A_1791 = arith.constant 126 : i32
      %scan3A_1792 = arith.addi %scan3A_1638, %scan3A_1791 : i32
      %get3A_1793 = arith.constant 0 : i32
      %get3A_1794 = arith.constant 0 : i32
      %get3A_1795 = tpu.memref_slice %arg6[%scan3A_1637, %get3A_1793, %get3A_1794] : memref<5x128x128xf32, #tpu.memory_space<vmem>> -> memref<1x128x128xf32, #tpu.memory_space<vmem>>
      %get3A_1796 = tpu.memref_squeeze %get3A_1795 : memref<1x128x128xf32, #tpu.memory_space<vmem>> -> memref<128x128xf32, #tpu.memory_space<vmem>>
      %get3A_1797 = arith.index_cast %scan3A_1792 : i32 to index
      %get3A_1798 = arith.constant 0 : index
      %get3A_1799 = tpu.vector_load %get3A_1796[%get3A_1797, %get3A_1798] {strides = array<i32>} : memref<128x128xf32, #tpu.memory_space<vmem>>, vector<1x16xf32>,
      %get3A_1800 = vector.shape_cast %get3A_1799 : vector<1x16xf32> to vector<16xf32>
      %add3A_1801 = arith.addf %add3A_1727, %get3A_1800 : vector<16xf32>
      %get3A_1802 = arith.constant 0 : i32
      %get3A_1803 = arith.constant 0 : i32
      %get3A_1804 = tpu.memref_slice %arg6[%scan3A_1637, %get3A_1802, %get3A_1803] : memref<5x128x128xf32, #tpu.memory_space<vmem>> -> memref<1x128x128xf32, #tpu.memory_space<vmem>>
      %get3A_1805 = tpu.memref_squeeze %get3A_1804 : memref<1x128x128xf32, #tpu.memory_space<vmem>> -> memref<128x128xf32, #tpu.memory_space<vmem>>
      %get3A_1806 = arith.index_cast %scan3A_1792 : i32 to index
      %get3A_1807 = arith.constant 16 : index
      %get3A_1808 = tpu.vector_load %get3A_1805[%get3A_1806, %get3A_1807] {strides = array<i32>} : memref<128x128xf32, #tpu.memory_space<vmem>>, vector<1x16xf32>,
      %get3A_1809 = vector.shape_cast %get3A_1808 : vector<1x16xf32> to vector<16xf32>
      %add3A_1810 = arith.addf %add3A_1736, %get3A_1809 : vector<16xf32>
      %get3A_1811 = arith.constant 0 : i32
      %get3A_1812 = arith.constant 0 : i32
      %get3A_1813 = tpu.memref_slice %arg6[%scan3A_1637, %get3A_1811, %get3A_1812] : memref<5x128x128xf32, #tpu.memory_space<vmem>> -> memref<1x128x128xf32, #tpu.memory_space<vmem>>
      %get3A_1814 = tpu.memref_squeeze %get3A_1813 : memref<1x128x128xf32, #tpu.memory_space<vmem>> -> memref<128x128xf32, #tpu.memory_space<vmem>>
      %get3A_1815 = arith.index_cast %scan3A_1792 : i32 to index
      %get3A_1816 = arith.constant 32 : index
      %get3A_1817 = tpu.vector_load %get3A_1814[%get3A_1815, %get3A_1816] {strides = array<i32>} : memref<128x128xf32, #tpu.memory_space<vmem>>, vector<1x16xf32>,
      %get3A_1818 = vector.shape_cast %get3A_1817 : vector<1x16xf32> to vector<16xf32>
      %add3A_1819 = arith.addf %add3A_1745, %get3A_1818 : vector<16xf32>
      %get3A_1820 = arith.constant 0 : i32
      %get3A_1821 = arith.constant 0 : i32
      %get3A_1822 = tpu.memref_slice %arg6[%scan3A_1637, %get3A_1820, %get3A_1821] : memref<5x128x128xf32, #tpu.memory_space<vmem>> -> memref<1x128x128xf32, #tpu.memory_space<vmem>>
      %get3A_1823 = tpu.memref_squeeze %get3A_1822 : memref<1x128x128xf32, #tpu.memory_space<vmem>> -> memref<128x128xf32, #tpu.memory_space<vmem>>
      %get3A_1824 = arith.index_cast %scan3A_1792 : i32 to index
      %get3A_1825 = arith.constant 48 : index
      %get3A_1826 = tpu.vector_load %get3A_1823[%get3A_1824, %get3A_1825] {strides = array<i32>} : memref<128x128xf32, #tpu.memory_space<vmem>>, vector<1x16xf32>,
      %get3A_1827 = vector.shape_cast %get3A_1826 : vector<1x16xf32> to vector<16xf32>
      %add3A_1828 = arith.addf %add3A_1754, %get3A_1827 : vector<16xf32>
      %get3A_1829 = arith.constant 0 : i32
      %get3A_1830 = arith.constant 0 : i32
      %get3A_1831 = tpu.memref_slice %arg6[%scan3A_1637, %get3A_1829, %get3A_1830] : memref<5x128x128xf32, #tpu.memory_space<vmem>> -> memref<1x128x128xf32, #tpu.memory_space<vmem>>
      %get3A_1832 = tpu.memref_squeeze %get3A_1831 : memref<1x128x128xf32, #tpu.memory_space<vmem>> -> memref<128x128xf32, #tpu.memory_space<vmem>>
      %get3A_1833 = arith.index_cast %scan3A_1792 : i32 to index
      %get3A_1834 = arith.constant 64 : index
      %get3A_1835 = tpu.vector_load %get3A_1832[%get3A_1833, %get3A_1834] {strides = array<i32>} : memref<128x128xf32, #tpu.memory_space<vmem>>, vector<1x16xf32>,
      %get3A_1836 = vector.shape_cast %get3A_1835 : vector<1x16xf32> to vector<16xf32>
      %add3A_1837 = arith.addf %add3A_1763, %get3A_1836 : vector<16xf32>
      %get3A_1838 = arith.constant 0 : i32
      %get3A_1839 = arith.constant 0 : i32
      %get3A_1840 = tpu.memref_slice %arg6[%scan3A_1637, %get3A_1838, %get3A_1839] : memref<5x128x128xf32, #tpu.memory_space<vmem>> -> memref<1x128x128xf32, #tpu.memory_space<vmem>>
      %get3A_1841 = tpu.memref_squeeze %get3A_1840 : memref<1x128x128xf32, #tpu.memory_space<vmem>> -> memref<128x128xf32, #tpu.memory_space<vmem>>
      %get3A_1842 = arith.index_cast %scan3A_1792 : i32 to index
      %get3A_1843 = arith.constant 80 : index
      %get3A_1844 = tpu.vector_load %get3A_1841[%get3A_1842, %get3A_1843] {strides = array<i32>} : memref<128x128xf32, #tpu.memory_space<vmem>>, vector<1x16xf32>,
      %get3A_1845 = vector.shape_cast %get3A_1844 : vector<1x16xf32> to vector<16xf32>
      %add3A_1846 = arith.addf %add3A_1772, %get3A_1845 : vector<16xf32>
      %get3A_1847 = arith.constant 0 : i32
      %get3A_1848 = arith.constant 0 : i32
      %get3A_1849 = tpu.memref_slice %arg6[%scan3A_1637, %get3A_1847, %get3A_1848] : memref<5x128x128xf32, #tpu.memory_space<vmem>> -> memref<1x128x128xf32, #tpu.memory_space<vmem>>
      %get3A_1850 = tpu.memref_squeeze %get3A_1849 : memref<1x128x128xf32, #tpu.memory_space<vmem>> -> memref<128x128xf32, #tpu.memory_space<vmem>>
      %get3A_1851 = arith.index_cast %scan3A_1792 : i32 to index
      %get3A_1852 = arith.constant 96 : index
      %get3A_1853 = tpu.vector_load %get3A_1850[%get3A_1851, %get3A_1852] {strides = array<i32>} : memref<128x128xf32, #tpu.memory_space<vmem>>, vector<1x16xf32>,
      %get3A_1854 = vector.shape_cast %get3A_1853 : vector<1x16xf32> to vector<16xf32>
      %add3A_1855 = arith.addf %add3A_1781, %get3A_1854 : vector<16xf32>
      %get3A_1856 = arith.constant 0 : i32
      %get3A_1857 = arith.constant 0 : i32
      %get3A_1858 = tpu.memref_slice %arg6[%scan3A_1637, %get3A_1856, %get3A_1857] : memref<5x128x128xf32, #tpu.memory_space<vmem>> -> memref<1x128x128xf32, #tpu.memory_space<vmem>>
      %get3A_1859 = tpu.memref_squeeze %get3A_1858 : memref<1x128x128xf32, #tpu.memory_space<vmem>> -> memref<128x128xf32, #tpu.memory_space<vmem>>
      %get3A_1860 = arith.index_cast %scan3A_1792 : i32 to index
      %get3A_1861 = arith.constant 112 : index
      %get3A_1862 = tpu.vector_load %get3A_1859[%get3A_1860, %get3A_1861] {strides = array<i32>} : memref<128x128xf32, #tpu.memory_space<vmem>>, vector<1x16xf32>,
      %get3A_1863 = vector.shape_cast %get3A_1862 : vector<1x16xf32> to vector<16xf32>
      %add3A_1864 = arith.addf %add3A_1790, %get3A_1863 : vector<16xf32>
      %scan3A_1865 = arith.constant 127 : i32
      %swap3A_1866 = arith.index_cast %add3A_1536 : i32 to index
      %swap3A_1867 = arith.constant 0 : index
      %swap3A_1868 = tpu.vector_load %arg7[%swap3A_1866, %swap3A_1867] {strides = array<i32>} : memref<50x128xf32, #tpu.memory_space<vmem>>, vector<1x16xf32>,
      %swap3A_1869 = vector.shape_cast %swap3A_1868 : vector<1x16xf32> to vector<16xf32>
      %swap3A_1870 = vector.shape_cast %add3A_1801 : vector<16xf32> to vector<1x16xf32>
      tpu.vector_store %arg7[%swap3A_1866, %swap3A_1867], %swap3A_1870 {strides = array<i32>} : memref<50x128xf32, #tpu.memory_space<vmem>>, vector<1x16xf32>,
      %swap3A_1871 = arith.index_cast %add3A_1536 : i32 to index
      %swap3A_1872 = arith.constant 16 : index
      %swap3A_1873 = tpu.vector_load %arg7[%swap3A_1871, %swap3A_1872] {strides = array<i32>} : memref<50x128xf32, #tpu.memory_space<vmem>>, vector<1x16xf32>,
      %swap3A_1874 = vector.shape_cast %swap3A_1873 : vector<1x16xf32> to vector<16xf32>
      %swap3A_1875 = vector.shape_cast %add3A_1810 : vector<16xf32> to vector<1x16xf32>
      tpu.vector_store %arg7[%swap3A_1871, %swap3A_1872], %swap3A_1875 {strides = array<i32>} : memref<50x128xf32, #tpu.memory_space<vmem>>, vector<1x16xf32>,
      %swap3A_1876 = arith.index_cast %add3A_1536 : i32 to index
      %swap3A_1877 = arith.constant 32 : index
      %swap3A_1878 = tpu.vector_load %arg7[%swap3A_1876, %swap3A_1877] {strides = array<i32>} : memref<50x128xf32, #tpu.memory_space<vmem>>, vector<1x16xf32>,
      %swap3A_1879 = vector.shape_cast %swap3A_1878 : vector<1x16xf32> to vector<16xf32>
      %swap3A_1880 = vector.shape_cast %add3A_1819 : vector<16xf32> to vector<1x16xf32>
      tpu.vector_store %arg7[%swap3A_1876, %swap3A_1877], %swap3A_1880 {strides = array<i32>} : memref<50x128xf32, #tpu.memory_space<vmem>>, vector<1x16xf32>,
      %swap3A_1881 = arith.index_cast %add3A_1536 : i32 to index
      %swap3A_1882 = arith.constant 48 : index
      %swap3A_1883 = tpu.vector_load %arg7[%swap3A_1881, %swap3A_1882] {strides = array<i32>} : memref<50x128xf32, #tpu.memory_space<vmem>>, vector<1x16xf32>,
      %swap3A_1884 = vector.shape_cast %swap3A_1883 : vector<1x16xf32> to vector<16xf32>
      %swap3A_1885 = vector.shape_cast %add3A_1828 : vector<16xf32> to vector<1x16xf32>
      tpu.vector_store %arg7[%swap3A_1881, %swap3A_1882], %swap3A_1885 {strides = array<i32>} : memref<50x128xf32, #tpu.memory_space<vmem>>, vector<1x16xf32>,
      %swap3A_1886 = arith.index_cast %add3A_1536 : i32 to index
      %swap3A_1887 = arith.constant 64 : index
      %swap3A_1888 = tpu.vector_load %arg7[%swap3A_1886, %swap3A_1887] {strides = array<i32>} : memref<50x128xf32, #tpu.memory_space<vmem>>, vector<1x16xf32>,
      %swap3A_1889 = vector.shape_cast %swap3A_1888 : vector<1x16xf32> to vector<16xf32>
      %swap3A_1890 = vector.shape_cast %add3A_1837 : vector<16xf32> to vector<1x16xf32>
      tpu.vector_store %arg7[%swap3A_1886, %swap3A_1887], %swap3A_1890 {strides = array<i32>} : memref<50x128xf32, #tpu.memory_space<vmem>>, vector<1x16xf32>,
      %swap3A_1891 = arith.index_cast %add3A_1536 : i32 to index
      %swap3A_1892 = arith.constant 80 : index
      %swap3A_1893 = tpu.vector_load %arg7[%swap3A_1891, %swap3A_1892] {strides = array<i32>} : memref<50x128xf32, #tpu.memory_space<vmem>>, vector<1x16xf32>,
      %swap3A_1894 = vector.shape_cast %swap3A_1893 : vector<1x16xf32> to vector<16xf32>
      %swap3A_1895 = vector.shape_cast %add3A_1846 : vector<16xf32> to vector<1x16xf32>
      tpu.vector_store %arg7[%swap3A_1891, %swap3A_1892], %swap3A_1895 {strides = array<i32>} : memref<50x128xf32, #tpu.memory_space<vmem>>, vector<1x16xf32>,
      %swap3A_1896 = arith.index_cast %add3A_1536 : i32 to index
      %swap3A_1897 = arith.constant 96 : index
      %swap3A_1898 = tpu.vector_load %arg7[%swap3A_1896, %swap3A_1897] {strides = array<i32>} : memref<50x128xf32, #tpu.memory_space<vmem>>, vector<1x16xf32>,
      %swap3A_1899 = vector.shape_cast %swap3A_1898 : vector<1x16xf32> to vector<16xf32>
      %swap3A_1900 = vector.shape_cast %add3A_1855 : vector<16xf32> to vector<1x16xf32>
      tpu.vector_store %arg7[%swap3A_1896, %swap3A_1897], %swap3A_1900 {strides = array<i32>} : memref<50x128xf32, #tpu.memory_space<vmem>>, vector<1x16xf32>,
      %swap3A_1901 = arith.index_cast %add3A_1536 : i32 to index
      %swap3A_1902 = arith.constant 112 : index
      %swap3A_1903 = tpu.vector_load %arg7[%swap3A_1901, %swap3A_1902] {strides = array<i32>} : memref<50x128xf32, #tpu.memory_space<vmem>>, vector<1x16xf32>,
      %swap3A_1904 = vector.shape_cast %swap3A_1903 : vector<1x16xf32> to vector<16xf32>
      %swap3A_1905 = vector.shape_cast %add3A_1864 : vector<16xf32> to vector<1x16xf32>
      tpu.vector_store %arg7[%swap3A_1901, %swap3A_1902], %swap3A_1905 {strides = array<i32>} : memref<50x128xf32, #tpu.memory_space<vmem>>, vector<1x16xf32>,
      %scan3A_1906 = arith.constant 0 : i32
      scf.yield %scan3A_1906 : i32
    }
    %scan3A_53 = arith.constant 10 : i32
    "tpu.region"() ({
      %run_scoped3A = tpu.sem_alloc : memref<!tpu.dma_semaphore, #tpu.memory_space<semaphore_mem>>
      %dma_start3A_54 = arith.constant 0 : i32
      %dma_start3A_55 = arith.constant 0 : i32
      %dma_start3A_56 = tpu.memref_slice %arg4[%add3A, %dma_start3A_54, %dma_start3A_55] : memref<32x50x128xf32, #tpu.memory_space<hbm>> -> memref<1x50x128xf32, #tpu.memory_space<hbm>>
      %dma_start3A_57 = tpu.memref_squeeze %dma_start3A_56 : memref<1x50x128xf32, #tpu.memory_space<hbm>> -> memref<50x128xf32, #tpu.memory_space<hbm>>
      %dma_start3A_58 = arith.constant 0 : i32
      %dma_start3A_59 = arith.constant 0 : i32
      %dma_start3A_60 = tpu.memref_slice %arg4[%add3A, %dma_start3A_58, %dma_start3A_59] : memref<32x50x128xf32, #tpu.memory_space<hbm>> -> memref<1x50x128xf32, #tpu.memory_space<hbm>>
      %dma_start3A_61 = tpu.memref_squeeze %dma_start3A_60 : memref<1x50x128xf32, #tpu.memory_space<hbm>> -> memref<50x128xf32, #tpu.memory_space<hbm>>
      tpu.enqueue_dma source(%arg7 : memref<50x128xf32, #tpu.memory_space<vmem>>) target(%dma_start3A_61 : memref<50x128xf32, #tpu.memory_space<hbm>>) target_semaphore(%run_scoped3A : memref<!tpu.dma_semaphore, #tpu.memory_space<semaphore_mem>>)
      %dma_wait3A = arith.constant 0 : i32
      %dma_wait3A_62 = arith.constant 0 : i32
      %dma_wait3A_63 = tpu.memref_slice %arg4[%add3A, %dma_wait3A, %dma_wait3A_62] : memref<32x50x128xf32, #tpu.memory_space<hbm>> -> memref<1x50x128xf32, #tpu.memory_space<hbm>>
      %dma_wait3A_64 = tpu.memref_squeeze %dma_wait3A_63 : memref<1x50x128xf32, #tpu.memory_space<hbm>> -> memref<50x128xf32, #tpu.memory_space<hbm>>
      %dma_wait3A_65 = arith.constant 0 : i32
      %dma_wait3A_66 = arith.constant 0 : i32
      %dma_wait3A_67 = tpu.memref_slice %arg4[%add3A, %dma_wait3A_65, %dma_wait3A_66] : memref<32x50x128xf32, #tpu.memory_space<hbm>> -> memref<1x50x128xf32, #tpu.memory_space<hbm>>
      %dma_wait3A_68 = tpu.memref_squeeze %dma_wait3A_67 : memref<1x50x128xf32, #tpu.memory_space<hbm>> -> memref<50x128xf32, #tpu.memory_space<hbm>>
      tpu.wait_dma2 semaphore(%run_scoped3A : memref<!tpu.dma_semaphore, #tpu.memory_space<semaphore_mem>>) src(%arg7 : memref<50x128xf32, #tpu.memory_space<vmem>>) dst(%dma_wait3A_68 : memref<50x128xf32, #tpu.memory_space<hbm>>)
      tpu.yield
    }) : () -> ()
    return
  }
}

module attributes {stable_mosaic.version = 14 : i64} {
  func.func @_mlp_body(%arg0: memref<32x50x128xf32, #tpu.memory_space<vmem>>, %arg1: memref<128x512xf32, #tpu.memory_space<vmem>>, %arg2: memref<1x512xf32, #tpu.memory_space<vmem>>, %arg3: memref<512x128xf32, #tpu.memory_space<vmem>>, %arg4: memref<1x128xf32, #tpu.memory_space<vmem>>, %arg5: memref<50x128xf32, #tpu.memory_space<vmem>>) attributes {dimension_semantics = [], scalar_prefetch = 0 : i64, scratch_operands = 0 : i64, tpu.core_type = #tpu.core_type<tc>} {
    %get3A = arith.constant 0 : index
    %get3A_0 = arith.constant 0 : index
    %get3A_1 = arith.constant 0 : index
    %get3A_2 = vector.load %arg0[%get3A, %get3A_0, %get3A_1] : memref<32x50x128xf32, #tpu.memory_space<vmem>>, vector<32x50x128xf32>
    %reduce_sum3A = arith.constant dense<0.000000e+00> : vector<50x128xf32>
    %reduce_sum3A_3 = vector.multi_reduction <add>, %get3A_2, %reduce_sum3A [0] : vector<32x50x128xf32> to vector<50x128xf32>
    %mul3A = arith.constant 2.44140625E-4 : f32
    %mul3A_4 = vector.broadcast %mul3A : f32 to vector<50x128xf32>
    %mul3A_5 = arith.mulf %reduce_sum3A_3, %mul3A_4 : vector<50x128xf32>
    %get3A_6 = arith.constant 0 : index
    %get3A_7 = arith.constant 0 : index
    %get3A_8 = vector.load %arg1[%get3A_6, %get3A_7] : memref<128x512xf32, #tpu.memory_space<vmem>>, vector<128x512xf32>
    %dot_general3A = arith.constant dense<0.000000e+00> : vector<50x512xf32>
    %dot_general3A_9 = tpu.matmul %mul3A_5, %get3A_8, %dot_general3A {dimension_numbers = #tpu.dot_dimension_numbers<[1], [0], [0], [1], [0, 0, 1, 1], [], []>, transpose_lhs_hint = false} : vector<50x128xf32>, vector<128x512xf32>, vector<50x512xf32> -> vector<50x512xf32>
    %get3A_10 = arith.constant 0 : index
    %get3A_11 = arith.constant 0 : index
    %get3A_12 = vector.load %arg2[%get3A_10, %get3A_11] : memref<1x512xf32, #tpu.memory_space<vmem>>, vector<1x512xf32>
    %add3A = vector.broadcast %get3A_12 : vector<1x512xf32> to vector<50x512xf32>
    %add3A_13 = arith.addf %dot_general3A_9, %add3A : vector<50x512xf32>
    %max3A = arith.constant 0.000000e+00 : f32
    %max3A_14 = vector.broadcast %max3A : f32 to vector<50x512xf32>
    %max3A_15 = arith.maximumf %add3A_13, %max3A_14 : vector<50x512xf32>
    %get3A_16 = arith.constant 0 : index
    %get3A_17 = arith.constant 0 : index
    %get3A_18 = vector.load %arg3[%get3A_16, %get3A_17] : memref<512x128xf32, #tpu.memory_space<vmem>>, vector<512x128xf32>
    %dot_general3A_19 = arith.constant dense<0.000000e+00> : vector<50x128xf32>
    %dot_general3A_20 = tpu.matmul %max3A_15, %get3A_18, %dot_general3A_19 {dimension_numbers = #tpu.dot_dimension_numbers<[1], [0], [0], [1], [0, 0, 1, 1], [], []>, transpose_lhs_hint = false} : vector<50x512xf32>, vector<512x128xf32>, vector<50x128xf32> -> vector<50x128xf32>
    %get3A_21 = arith.constant 0 : index
    %get3A_22 = arith.constant 0 : index
    %get3A_23 = vector.load %arg4[%get3A_21, %get3A_22] : memref<1x128xf32, #tpu.memory_space<vmem>>, vector<1x128xf32>
    %add3A_24 = vector.broadcast %get3A_23 : vector<1x128xf32> to vector<50x128xf32>
    %add3A_25 = arith.addf %dot_general3A_20, %add3A_24 : vector<50x128xf32>
    %swap3A = arith.constant 0 : index
    %swap3A_26 = arith.constant 0 : index
    %swap3A_27 = vector.load %arg5[%swap3A, %swap3A_26] : memref<50x128xf32, #tpu.memory_space<vmem>>, vector<50x128xf32>
    tpu.vector_store %arg5[%swap3A, %swap3A_26], %add3A_25 {strides = array<i32>} : memref<50x128xf32, #tpu.memory_space<vmem>>, vector<50x128xf32>,
    return
  }
}

</mosaic_0001>

<sc_bundles>
// kernel: kernel.4.cloned.1.call-start
scs
__scs_entry_jumppad:
0x0: {  	(pc) =	sbr.rel $0x88, $3  }
0x1: {  	(tag) =	ssettag $0x0;
	lr =	simm.s32 $0x1  }
0x2: {  	[smem:$0x3F9B] =	sst lr;
	_ =	strace $0xD0000000  }
0x3: {  	_ = 	snop  }
0x4: {  	_ = 	snop  }
0x5: {  	_ = 	snop  }
0x6: {  	_ = 	snop  }
0x7: {  	_ = 	snop  }
__scs_overlays_trampoline_lowered:
0x8: {  	[smem:$0x3FAA] =	sst s0  }
0x9: {  	[smem:$0x3FAB] =	sst s1  }
0xa: {  	[smem:$0x3FAC] =	sst s2  }
0xb: {  	[smem:$0x3FAD] =	sst s3  }
0xc: {  	[smem:$0x3FAE] =	sst s4  }
0xd: {  	[smem:$0x3FAF] =	sst s5  }
0xe: {  	[smem:$0x3FB0] =	sst s6  }
0xf: {  	[smem:$0x3FB1] =	sst s7  }
0x10: {  	[smem:$0x3FB2] =	sst s8  }
0x11: {  	[smem:$0x3FB3] =	sst s9;
	s0 =	simm.s32 @!p0 $0x0  }
0x12: {  	s1 =	sld [smem:$0x3F99];
	s0 =	simm.s32 @p0 $0x1  }
0x13: {  	[smem:$0x3FB4] =	sst s0;
	s0 =	simm.s32 @!p1 $0x0  }
0x14: {  	s2 =	sld [smem:$0x3F98];
	s0 =	simm.s32 @p1 $0x1  }
0x15: {  	[smem:$0x3FB5] =	sst s0;
	s0 =	simm.s32 @!p2 $0x0  }
0x16: {  	s3 =	sld [smem:$0x3FDB];
	s0 =	simm.s32 @p2 $0x1  }
0x17: {  	s4 =	simm.s32 $0x1BF5;
	[smem:$0x3FB7] =	sst s0  }
0x18: {  	s0 =	sld [smem:$0x3F9A];
	_ =	swait.ge [sflag:s4], $0x0  }
0x19: {  	s7 =	sld [smem:$0x3F9B]  }
0x1a: {  	s8 =	sadd.s32 $0xFFFFE003, lr  }
0x1b: {  	s9 =	sadd.s32 $0xFFFFFEF7, lr;
	s5 =	simm.s32 $0xFFFFFFFF;
	p2 =	slt.u32 s8, $0xFFFFF086  }
0x1c: {  	p1 =	slt.u32 s9, $0xF7A;
	s5 =	simm.s32 @!p2 $0x0  }
0x1d: {  	s5 =	simm.s32 @p1 $0x1;
	p0 =	seq.s32 s7, s2  }
0x1e: {  	s7 =	smul.u32 @!p0 $0xF7A, s2;
	p2 =	seq.s32 @!p0 s5, $0x0  }
0x1f: {  	s9 =	smul.u32 $0xF7A, s1;
	s8 =	simm.s32 @!p0 $0x1BF5;
	p2 =	por !p2, p0  }
0x20: {  	[sflag:s8] =	ssyncset.s32 @!p0 $0xFFFFF086;
	s6 =	sadd.s32 @!p0 s3, s7;
	s7 =	simm.s32 @!p0 $0x108  }
0x21: {  	s3 =	sadd.s32 s3, s9;
	s6 =	sadd.s32 @!p0 $0x88, s6;
	s7 =	simm.s32 @p2 $0x1082  }
0x22: {  	[simem:s7], [sflag:s8] =	dma.local @!p0 [hbm:s6], $0xF7A  }
0x23: {  	s9 =	sor.u32 $0xD0000000, s2;
	s6 =	simm.s32 $0x108;
	_ =	swait.ge @!p0 [sflag:s8], $0x0  }
0x24: {  	s3 =	sadd.s32 $0x88, s3;
	s6 =	simm.s32 @!p1 $0x1082;
	[sflag:s4] =	ssyncset.s32 $0xFFFFF086  }
0x25: {  	[simem:s6], [sflag:s4] =	dma.local [hbm:s3], $0xF7A  }
0x26: {  	[smem:$0x3F9B] =	sst s1;
	(tag) =	ssettag s2;
	_ =	strace s9  }
0x27: {  	s1 =	sld [smem:$0x3FAB]  }
0x28: {  	s2 =	sld [smem:$0x3FAC]  }
0x29: {  	s4 =	sld [smem:$0x3FAE]  }
0x2a: {  	p0 =	seq.s32 s5, $0x0;
	s5 =	sld [smem:$0x3FAF]  }
0x2b: {  	s6 =	sld [smem:$0x3FB0]  }
0x2c: {  	s7 =	sld [smem:$0x3FB1]  }
0x2d: {  	s3 =	simm.s32 $0x108;
	s8 =	sld [smem:$0x3FB2]  }
0x2e: {  	s3 =	simm.s32 @!p0 $0x1082;
	s9 =	sld [smem:$0x3FB3]  }
0x2f: {  	lr =	sadd.s32 s0, s3;
	s0 =	sld [smem:$0x3FAA]  }
0x30: {  	s3 =	sld [smem:$0x3FAD]  }
0x31: {  	[smem:$0x3FB6] =	sst s10  }
0x32: {  	s10 =	sld [smem:$0x3FB4];
	_ =	sdelay $0x3  }
0x33: {  	p0 =	seq.s32 s10, $0x1;
	s10 =	sld [smem:$0x3FB6];
	_ =	sdelay $0x3  }
0x34: {  	[smem:$0x3FB6] =	sst s10  }
0x35: {  	s10 =	sld [smem:$0x3FB5];
	_ =	sdelay $0x3  }
0x36: {  	p1 =	seq.s32 s10, $0x1;
	s10 =	sld [smem:$0x3FB6];
	_ =	sdelay $0x3  }
0x37: {  	[smem:$0x3FB6] =	sst s10  }
0x38: {  	s10 =	sld [smem:$0x3FB7]  }
0x39: {  	_ = 	snop;
	(pc) =	sbr.ind lr, $3  }
0x3a: {  	_ = 	snop  }
0x3b: {  	_ = 	snop  }
0x3c: {  	p2 =	seq.s32 s10, $0x1;
	s10 =	sld [smem:$0x3FB6]  }
0x3d: {  	_ =	shalt  }
0x3e: {  	_ =	shalt  }
0x3f: {  	_ =	shalt  }
0x40: {  	_ =	shalt  }
0x41: {  	_ =	shalt  }
0x42: {  	_ =	shalt  }
0x43: {  	_ =	shalt  }
0x44: {  	_ =	shalt  }
0x45: {  	_ =	shalt  }
0x46: {  	_ =	shalt  }
0x47: {  	_ =	shalt  }
0x48: {  	_ =	shalt  }
0x49: {  	_ =	shalt  }
0x4a: {  	_ =	shalt  }
0x4b: {  	_ =	shalt  }
0x4c: {  	_ =	shalt  }
0x4d: {  	_ =	shalt  }
0x4e: {  	_ =	shalt  }
0x4f: {  	_ =	shalt  }
0x50: {  	_ =	shalt  }
0x51: {  	_ =	shalt  }
0x52: {  	_ =	shalt  }
0x53: {  	_ =	shalt  }
0x54: {  	_ =	shalt  }
0x55: {  	_ =	shalt  }
0x56: {  	_ =	shalt  }
0x57: {  	_ =	shalt  }
0x58: {  	_ =	shalt  }
0x59: {  	_ =	shalt  }
0x5a: {  	_ =	shalt  }
0x5b: {  	_ =	shalt  }
0x5c: {  	_ =	shalt  }
0x5d: {  	_ =	shalt  }
0x5e: {  	_ =	shalt  }
0x5f: {  	_ =	shalt  }
0x60: {  	_ =	shalt  }
0x61: {  	_ =	shalt  }
0x62: {  	_ =	shalt  }
0x63: {  	_ =	shalt  }
0x64: {  	_ =	shalt  }
0x65: {  	_ =	shalt  }
0x66: {  	_ =	shalt  }
0x67: {  	_ =	shalt  }
0x68: {  	_ =	shalt  }
0x69: {  	_ =	shalt  }
0x6a: {  	_ =	shalt  }
0x6b: {  	_ =	shalt  }
0x6c: {  	_ =	shalt  }
0x6d: {  	_ =	shalt  }
0x6e: {  	_ =	shalt  }
0x6f: {  	_ =	shalt  }
0x70: {  	_ =	shalt  }
0x71: {  	_ =	shalt  }
0x72: {  	_ =	shalt  }
0x73: {  	_ =	shalt  }
0x74: {  	_ =	shalt  }
0x75: {  	_ =	shalt  }
0x76: {  	_ =	shalt  }
0x77: {  	_ =	shalt  }
0x78: {  	_ =	shalt  }
0x79: {  	_ =	shalt  }
0x7a: {  	_ =	shalt  }
0x7b: {  	_ =	shalt  }
0x7c: {  	_ =	shalt  }
0x7d: {  	_ =	shalt  }
0x7e: {  	_ =	shalt  }
0x7f: {  	_ =	shalt  }
0x80: {  	_ =	shalt  }
0x81: {  	_ =	shalt  }
0x82: {  	_ =	shalt  }
0x83: {  	_ =	shalt  }
0x84: {  	_ =	shalt  }
0x85: {  	_ =	shalt  }
0x86: {  	_ =	shalt  }
0x87: {  	_ =	shalt  }
.Lfunc_end0:
.L_simem_size_0:
called_computation_lowered:
.L_overlay_start_0:
0x88: {  	s2 =	sld [smem:$0x3FD9]  }
0x89: {  	s3 =	sld [smem:$0x3FFE];
	_ =	sdelay $0x1  }
0x8a: {  	s1 =	srdreg.scid  }
0x8b: {  	s0 =	sand.u32 $0x1, s1  }
0x8c: {  	s17 =	sshll.u32 s0, $0xA;
	s2 =	sadd.s32 s3, s2  }
0x8d: {  	s2 =	sadd.s32 s2, s17  }
0x8e: {  	[smem:$0x3FC2] =	sst s2  }
0x8f: {  	_ = 	snop  }
0x90: {  	s2 =	sld [smem:$0x3FC8];
	(tm) =	ssettm $0x1  }
0x91: {  	s18 =	sld [smem:$0x3FFB];
	_ =	sdelay $0x3  }
0x92: {  	_ =	strace s18  }
0x93: {  	s3 =	sld [smem:$0x3FFC];
	_ =	sdelay $0x3  }
0x94: {  	_ =	strace s3  }
0x95: {  	s3 =	sld [smem:$0x3FFD];
	_ =	sdelay $0x3  }
0x96: {  	_ =	strace s3  }
0x97: {  	_ =	strace $0x8FFFFFFF  }
0x98: {  	s19 =	sld [smem:$0x3FDB];
	_ =	sdelay $0x1  }
0x99: {  	s4 =	simm.s32 $_scs_section_size  }
0x9a: {  	s5 =	simm.s32 $_size__tile_overlayer_lowered;
	s6 =	simm.s32 $_tile_overlayer_lowered  }
0x9b: {  	s22 =	simm.s32 $0x1BFF;
	s21 =	sshll.u32 s6, $0x1;
	s3 =	sadd.s32 s4, s19  }
0x9c: {  	s7 =	simm.s32 $0x0;
	s20 =	sshll.u32 s5, $0x1;
	s5 =	sadd.s32 s21, s3  }
0x9d: {  	[timem:s7], [sflag:s22] =	dma.local [hbm:s5], s20  }
0x9e: {  	_ =	swait.ge [sflag:s22], s20  }
0x9f: {  	s4 =	ssub.s32 $0x0, s20;
	[sflag:s22] =	ssyncset.done $0x0  }
0xa0: {  	[sflag:s22] =	ssyncadd.s32 s4;
	_ =	sdelay $0x1  }
0xa1: {  	s23 =	simm.s32 $0x1B8B  }
0xa2: {  	_ =	swait.ge [sflag:s23], $0x1  }
0xa3: {  	[sflag:s23] =	ssyncset.done $0x0  }
0xa4: {  	s25 =	simm.s32 $0x1B8E;
	s24 =	sld [smem:$0x3FFE];
	[sflag:s23] =	ssyncadd.s32 $0xFFFFFFFF  }
0xa5: {  	s26 =	simm.s32 $execute0_lowered;
	[smem:$0x3FD2] =	sst s25  }
0xa6: {  	s5 =	sshll.u32 s26, $0x1;
	_ =	strace $0x80000046;
	[dreg:$0x1] =	wrdreg $0xFFFFFFFF  }
0xa7: {  	s28 =	simm.s32 $_size_execute0_lowered;
	s3 =	sadd.s32 s3, s5;
	[dreg:$0x0] =	wrdreg $0x0  }
0xa8: {  	s5 =	sshll.u32 s28, $0x1;
	[dreg:$0x2] =	wrdreg s3  }
0xa9: {  	[dreg:$0x3] =	wrdreg s5  }
0xaa: {  	[dreg:$0x4] =	wrdreg $0xC0  }
0xab: {  	_ =	task [dreg:s7], $0x5FFFF  }
0xac: {  	[dreg:$0x1] =	wrdreg $0xFFFFFFFF  }
0xad: {  	[dreg:$0x0] =	wrdreg $0x60  }
0xae: {  	[dreg:$0x2] =	wrdreg s24  }
0xaf: {  	[dreg:$0x3] =	wrdreg s2  }
0xb0: {  	[dreg:$0x4] =	wrdreg $0x9  }
0xb1: {  	_ =	task.clear_ibuf [dreg:s7], $0x5FFFF;
	_ =	strace $0x90000046  }
0xb2: {  	s29 =	simm.s32 $0x9;
	_ =	strace $0x80000048  }
0xb3: {  	_ =	swait.ge [sflag:s29], $0x1  }
0xb4: {  	[sflag:s29] =	ssyncadd.s32 $0xFFFFFFFF  }
0xb5: {  	_ =	strace $0x90000048  }
0xb6: {  	_ =	sfence  }
0xb7: {  	s30 =	sld [smem:$0x0];
	_ =	sdelay $0x2  }
0xb8: {  	s31 =	sshll.u32 s1, $0xD;
	s1 =	sshrl.u32 s1, $0x2  }
0xb9: {  	s3 =	sand.u32 $0x4000, s31;
	s1 =	sadd.s32 s1, s30  }
0xba: {  	s0 =	sor.u32 s3, s0;
	s1 =	sshll.u32 s1, $0x11  }
0xbb: {  	s0 =	sor.u32 s1, s0  }
0xbc: {  	s0 =	sadd.s32 $0x8F2B, s0  }
0xbd: {  	[sflag:s0] =	ssyncadd.remote.s32 $0x1  }
0xbe: {  	_ =	sfence.sel $0xFFFF  }
0xbf: {  	[dreg:$0x0] =	wrdreg $0xFFFFFFFF;
	(pc) =	sbr.abs _section_cstart, $3  }
0xc0: {  	[dreg:$0x1] =	wrdreg $0xFFFFFFFF  }
0xc1: {  	_ =	task.clear_ibuf [dreg:s7], $0x2FFFF;
	_ =	strace $0x9FFFFFFF  }
0xc2: {  	(tm) =	ssettm $0x7FFFFFFF  }
0xc3: {  	_ =	shalt  }
tec
execute0_lowered:
.L_overlay_start_1:
0x0: {  	(tag) =	ssettag $0x1  }
0x1: {  	s1 =	srdreg.scid;
	s5 =	rddreg [dreg:$0x0]  }
0x2: {  	s0 =	stileid.u32;
	s2 =	rddreg [dreg:$0x1];
	s3 =	simm.s32 $0x0  }
0x3: {  	s7 =	simm.s32 $0x6;
	s8 =	simm.s32 $0x80;
	s9 =	simm.s32 $0x1C00  }
0x4: {  	s10 =	simm.s32 $0x5C00;
	s11 =	simm.s32 $0x100;
	s12 =	simm.s32 $0x9C00  }
0x5: {  	s13 =	simm.s32 $0x180;
	s14 =	simm.s32 $0xDC00;
	s15 =	simm.s32 $0x11C00  }
0x6: {  	s16 =	simm.s32 $0x1;
	s17 =	simm.s32 $0x2;
	s18 =	simm.s32 $0x3  }
0x7: {  	s19 =	simm.s32 $0x4;
	s4 =	sand.u32 $0x1, s1;
	s30 =	sshll.u32 s0, $0x1  }
0x8: {  	s20 =	simm.s32 $0x5;
	s21 =	simm.s32 $0x15C00;
	s1 =	sor.u32 s4, s30  }
0x9: {  	[smem:$0x7FF] =	sst s3;
	s4 =	ssub.s32 $0x2, s4;
	s6 =	smul.u32 $0x380, s1  }
0xa: {  	s22 =	simm.s32 $0x0;
	s1 =	rddreg [dreg:$0x2];
	s31 =	sshrl.u32 s4, $0x1  }
0xb: {  	_ =	strace $0x80000047;
	s5 =	sadd.s32 s6, s5;
	s6 =	ssub.s32 s4, s31  }
0xc: {  	s4 =	sadd.s32 $0xE00, s5;
	s5 =	sadd.s32 $0x7E00, s5;
	s6 =	smax.u32 s6, $0x1  }
.LBB2_1:
0xd: {  	[tilespmem:s3], [sflag:$0x6] =	stream.linear.gather [hbm4b:s4+s3], $0x1900, $0x38;
	[tilespmem:$0x17800] =	vst v63  }
0xe: {  	_ =	swait.ge [sflag:s7], $0x1900  }
0xf: {  	[sflag:s7] =	ssyncset.done $0x0  }
0x10: {  	[sflag:s7] =	ssyncadd.s32 $0xFFFFE700  }
0x11: {  	[tilespmem:s9], [sflag:$0x1] =	stream.indirect.gather [hbm4b:s2+s8], $0x80, s3, s8, $0xb8;
	[tilespmem:$0x17800] =	vst v63  }
0x12: {  	_ = 	snop  }
0x13: {  	[tilespmem:s10], [sflag:$0x2] =	stream.indirect.gather [hbm4b:s2+s8], $0x80, s8, s8, $0xb8;
	[tilespmem:$0x17800] =	vst v63  }
0x14: {  	_ = 	snop  }
0x15: {  	[tilespmem:s12], [sflag:$0x3] =	stream.indirect.gather [hbm4b:s2+s8], $0x80, s11, s8, $0xb8;
	[tilespmem:$0x17800] =	vst v63  }
0x16: {  	s23 =	simm.s32 $0x0  }
0x17: {  	[tilespmem:s14], [sflag:$0x4] =	stream.indirect.gather [hbm4b:s2+s8], $0x80, s13, s8, $0xb8;
	[tilespmem:$0x17800] =	vst v63  }
.LBB2_2:
0x18: {  	s26 =	smul.u32 $0xA00, s23;
	_ =	sdelay $0x1  }
0x19: {  	s24 =	sadd.s32 $0x800, s26  }
0x1a: {  	s24 =	sshra.s32 s24, $0x2  }
0x1b: {  	[tilespmem:s15], [sflag:$0x5] =	stream.indirect.gather [hbm4b:s2+s8], $0x80, s24, s8, $0xb8;
	[tilespmem:$0x17800] =	vst v63  }
0x1c: {  	_ =	swait.ge [sflag:s16], $0x4000  }
0x1d: {  	[sflag:s16] =	ssyncset.done $0x0  }
0x1e: {  	[sflag:s16] =	ssyncadd.s32 $0xFFFFC000  }
0x1f: {  	v4 =	vld [tilespmem:$0x1C00]  }
0x20: {  	v5 =	vld [tilespmem:$0x1C10]  }
0x21: {  	v6 =	vld [tilespmem:$0x1C20]  }
0x22: {  	v7 =	vld [tilespmem:$0x1C30]  }
0x23: {  	v10 =	vld [tilespmem:$0x1C40]  }
0x24: {  	v12 =	vld [tilespmem:$0x1C50]  }
0x25: {  	v13 =	vld [tilespmem:$0x1C60]  }
0x26: {  	s28 =	simm.s32 $0x1D40;
	v15 =	vld [tilespmem:$0x1C70]  }
0x27: {  	v9 =	vld [tilespmem:s28+$0xC0]  }
0x28: {  	v14 =	vld [tilespmem:s28+$0xD0]  }
0x29: {  	v16 =	vld [tilespmem:s28+$0xE0]  }
0x2a: {  	v17 =	vld [tilespmem:s28+$0xF0]  }
0x2b: {  	v0 =	vld [tilespmem:s28+$0x100]  }
0x2c: {  	v1 =	vld [tilespmem:s28+$0x110]  }
0x2d: {  	v8 =	vld [tilespmem:s28+$0x40]  }
0x2e: {  	v11 =	vld [tilespmem:s28+$0x50]  }
0x2f: {  	v18 =	vld [tilespmem:s28+$0x60]  }
0x30: {  	v19 =	vld [tilespmem:s28+$0x70]  }
0x31: {  	v2 =	vld [tilespmem:s28+$0x80]  }
0x32: {  	v3 =	vld [tilespmem:s28+$0x90]  }
0x33: {  	v20 =	vld [tilespmem:s28+$0xFFFFFFC0]  }
0x34: {  	v22 =	vld [tilespmem:s28+$0xFFFFFF40]  }
0x35: {  	v23 =	vld [tilespmem:s28+$0xFFFFFF50]  }
0x36: {  	v24 =	vld [tilespmem:s28+$0xFFFFFF60]  }
0x37: {  	v25 =	vld [tilespmem:s28+$0xFFFFFF70]  }
0x38: {  	v26 =	vld [tilespmem:s28+$0xFFFFFFE0]  }
0x39: {  	v63 =	vld [tilespmem:s28+$0xFFFFFFB0]  }
0x3a: {  	v27 =	vld [tilespmem:s28+$0xFFFFFFF0]  }
0x3b: {  	v21 =	vld [tilespmem:s28+$0xFFFFFFD0]  }
0x3c: {  	v28 =	vld [tilespmem:s28+$0x0];
	v4 =	vadd.f32 v22, v4;
	v5 =	vadd.f32 v23, v5  }
0x3d: {  	v59 =	vld [tilespmem:s28+$0x10];
	v6 =	vadd.f32 v24, v6;
	v7 =	vadd.f32 v25, v7  }
0x3e: {  	v60 =	vld [tilespmem:s28+$0xFFFFFF80];
	v15 =	vadd.f32 v63, v15;
	v4 =	vadd.f32 v20, v4  }
0x3f: {  	v61 =	vld [tilespmem:s28+$0xFFFFFF90];
	v6 =	vadd.f32 v26, v6;
	v7 =	vadd.f32 v27, v7  }
0x40: {  	v62 =	vld [tilespmem:s28+$0xFFFFFFA0];
	v5 =	vadd.f32 v21, v5;
	v4 =	vadd.f32 v8, v4  }
0x41: {  	v8 =	vld [tilespmem:s28+$0x20];
	v6 =	vadd.f32 v18, v6;
	v7 =	vadd.f32 v19, v7  }
0x42: {  	v5 =	vadd.f32 v11, v5;
	v11 =	vld [tilespmem:s28+$0x30];
	v4 =	vadd.f32 v9, v4  }
0x43: {  	v9 =	vld [tilespmem:s28+$0xA0];
	v6 =	vadd.f32 v16, v6;
	v7 =	vadd.f32 v17, v7  }
0x44: {  	v16 =	vadd.f32 v60, v10;
	v17 =	vadd.f32 v61, v12;
	v12 =	vld [tilespmem:s28+$0xB0]  }
0x45: {  	v5 =	vadd.f32 v14, v5;
	v14 =	vadd.f32 v62, v13;
	v10 =	vld [tilespmem:s28+$0x120]  }
0x46: {  	s25 =	simm.s32 $0x1;
	v13 =	vld [tilespmem:s28+$0x130];
	s28 =	simm.s32 $0x1F40;
	v16 =	vadd.f32 v28, v16;
	v17 =	vadd.f32 v59, v17  }
.LBB2_3:
0x47: {  	v18 =	vld [tilespmem:s28+$0xC0];
	v8 =	vadd.f32 v8, v14;
	v11 =	vadd.f32 v11, v15  }
0x48: {  	v14 =	vld [tilespmem:s28+$0xD0];
	v2 =	vadd.f32 v2, v16;
	v3 =	vadd.f32 v3, v17  }
0x49: {  	v15 =	vld [tilespmem:s28+$0xE0];
	v8 =	vadd.f32 v9, v8;
	v9 =	vadd.f32 v12, v11  }
0x4a: {  	v12 =	vld [tilespmem:s28+$0xF0];
	v16 =	vadd.f32 v0, v2;
	v17 =	vadd.f32 v1, v3  }
0x4b: {  	v0 =	vld [tilespmem:s28+$0x100];
	v10 =	vadd.f32 v10, v8;
	v13 =	vadd.f32 v13, v9  }
0x4c: {  	v1 =	vld [tilespmem:s28+$0x110]  }
0x4d: {  	v8 =	vld [tilespmem:s28+$0x40]  }
0x4e: {  	v9 =	vld [tilespmem:s28+$0x50]  }
0x4f: {  	v11 =	vld [tilespmem:s28+$0x60]  }
0x50: {  	v19 =	vld [tilespmem:s28+$0x70]  }
0x51: {  	v2 =	vld [tilespmem:s28+$0x80]  }
0x52: {  	v3 =	vld [tilespmem:s28+$0x90]  }
0x53: {  	v20 =	vld [tilespmem:s28+$0xFFFFFFC0]  }
0x54: {  	v21 =	vld [tilespmem:s28+$0xFFFFFFD0]  }
0x55: {  	v22 =	vld [tilespmem:s28+$0xFFFFFF40]  }
0x56: {  	v23 =	vld [tilespmem:s28+$0xFFFFFF50]  }
0x57: {  	v24 =	vld [tilespmem:s28+$0xFFFFFF60]  }
0x58: {  	v25 =	vld [tilespmem:s28+$0xFFFFFF70]  }
0x59: {  	v26 =	vld [tilespmem:s28+$0xFFFFFFE0]  }
0x5a: {  	v27 =	vld [tilespmem:s28+$0xFFFFFFF0]  }
0x5b: {  	v28 =	vld [tilespmem:s28+$0x0]  }
0x5c: {  	v4 =	vadd.f32 v22, v4;
	v5 =	vadd.f32 v23, v5;
	v22 =	vld [tilespmem:s28+$0x10]  }
0x5d: {  	v6 =	vadd.f32 v24, v6;
	v7 =	vadd.f32 v25, v7;
	v23 =	vld [tilespmem:s28+$0xFFFFFF80]  }
0x5e: {  	v4 =	vadd.f32 v20, v4;
	v5 =	vadd.f32 v21, v5;
	v24 =	vld [tilespmem:s28+$0xFFFFFF90]  }
0x5f: {  	v6 =	vadd.f32 v26, v6;
	v20 =	vld [tilespmem:s28+$0xFFFFFFA0];
	v7 =	vadd.f32 v27, v7  }
0x60: {  	s25 =	sadd.s32 $0x4, s25;
	v4 =	vadd.f32 v8, v4;
	v5 =	vadd.f32 v9, v5;
	v21 =	vld [tilespmem:s28+$0xFFFFFFB0]  }
0x61: {  	p0 =	slt.u32 s25, $0x79;
	v6 =	vadd.f32 v11, v6;
	v8 =	vld [tilespmem:s28+$0x20];
	v7 =	vadd.f32 v19, v7  }
.Ltmp0:
0x62: {  	v4 =	vadd.f32 v18, v4;
	v5 =	vadd.f32 v14, v5;
	v11 =	vld [tilespmem:s28+$0x30];
	(pc) =	sbr.rel @p0 .LBB2_3-.Ltmp0, $4  }
0x63: {  	v6 =	vadd.f32 v15, v6;
	v9 =	vld [tilespmem:s28+$0xA0];
	v7 =	vadd.f32 v12, v7  }
0x64: {  	v16 =	vadd.f32 v23, v16;
	v17 =	vadd.f32 v24, v17;
	v12 =	vld [tilespmem:s28+$0xB0]  }
0x65: {  	v14 =	vadd.f32 v20, v10;
	v15 =	vadd.f32 v21, v13;
	v10 =	vld [tilespmem:s28+$0x120]  }
0x66: {  	v16 =	vadd.f32 v28, v16;
	v17 =	vadd.f32 v22, v17;
	v13 =	vld [tilespmem:s28+$0x130];
	s28 =	sadd.s32 $0x200, s28  }
0x67: {  	v18 =	vld [tilespmem:$0x5A80]  }
0x68: {  	v19 =	vld [tilespmem:$0x5A90]  }
0x69: {  	v20 =	vld [tilespmem:$0x5AA0]  }
0x6a: {  	v21 =	vld [tilespmem:$0x5AB0]  }
0x6b: {  	v22 =	vld [tilespmem:$0x5AC0]  }
0x6c: {  	v23 =	vld [tilespmem:$0x5AD0]  }
0x6d: {  	v24 =	vld [tilespmem:$0x5AE0]  }
0x6e: {  	v25 =	vld [tilespmem:$0x5AF0]  }
0x6f: {  	v26 =	vld [tilespmem:$0x5B00]  }
0x70: {  	v27 =	vld [tilespmem:$0x5B10]  }
0x71: {  	v28 =	vld [tilespmem:$0x5B20]  }
0x72: {  	v29 =	vld [tilespmem:$0x5B30];
	v8 =	vadd.f32 v8, v14;
	v11 =	vadd.f32 v11, v15  }
0x73: {  	v14 =	vld [tilespmem:$0x5B40];
	v2 =	vadd.f32 v2, v16;
	v3 =	vadd.f32 v3, v17  }
0x74: {  	v15 =	vld [tilespmem:$0x5B50];
	v8 =	vadd.f32 v9, v8;
	v9 =	vadd.f32 v12, v11  }
0x75: {  	v16 =	vld [tilespmem:$0x5BC0];
	v0 =	vadd.f32 v0, v2;
	v1 =	vadd.f32 v1, v3  }
0x76: {  	v17 =	vld [tilespmem:$0x5BD0];
	v3 =	vadd.f32 v10, v8;
	v8 =	vadd.f32 v13, v9  }
0x77: {  	v9 =	vld [tilespmem:$0x5B80];
	v4 =	vadd.f32 v18, v4;
	v5 =	vadd.f32 v19, v5  }
0x78: {  	v10 =	vld [tilespmem:$0x5B90];
	v6 =	vadd.f32 v20, v6;
	v7 =	vadd.f32 v21, v7  }
0x79: {  	v12 =	vld [tilespmem:$0x5BA0];
	v0 =	vadd.f32 v22, v0;
	v1 =	vadd.f32 v23, v1  }
0x7a: {  	v11 =	vld [tilespmem:$0x5B60];
	v3 =	vadd.f32 v24, v3;
	v4 =	vadd.f32 v26, v4  }
0x7b: {  	v2 =	vld [tilespmem:$0x5B70];
	v8 =	vadd.f32 v25, v8;
	v5 =	vadd.f32 v27, v5  }
0x7c: {  	v13 =	vld [tilespmem:$0x5BB0];
	v6 =	vadd.f32 v28, v6;
	v4 =	vadd.f32 v9, v4  }
0x7d: {  	s25 =	sshra.s32 s26, $0x2;
	v0 =	vadd.f32 v14, v0;
	v9 =	vld [tilespmem:$0x5BE0];
	v5 =	vadd.f32 v10, v5  }
0x7e: {  	v1 =	vadd.f32 v15, v1;
	v10 =	vld [tilespmem:$0x5BF0];
	v6 =	vadd.f32 v12, v6;
	[tilespmem:s25+$0x15C00] =	vst v4  }
0x7f: {  	v7 =	vadd.f32 v29, v7;
	v0 =	vadd.f32 v16, v0;
	[tilespmem:s25+$0x15C10] =	vst v5  }
0x80: {  	v3 =	vadd.f32 v11, v3;
	v1 =	vadd.f32 v17, v1;
	[tilespmem:s25+$0x15C20] =	vst v6  }
0x81: {  	v2 =	vadd.f32 v2, v8;
	v4 =	vadd.f32 v13, v7;
	[tilespmem:s25+$0x15C40] =	vst v0  }
0x82: {  	[tilespmem:s25+$0x15C50] =	vst v1;
	v3 =	vadd.f32 v9, v3  }
0x83: {  	p0 =	seq.s32 s23, $0x9;
	[tilespmem:s25+$0x15C30] =	vst v4;
	v0 =	vadd.f32 v10, v2  }
0x84: {  	s26 =	sshra.s32 @!p0 s26, $0x2;
	[tilespmem:s25+$0x15C60] =	vst v3  }
0x85: {  	s29 =	simm.s32 @!p0 $0x80;
	s30 =	simm.s32 @!p0 $0x1C00;
	s28 =	sadd.s32 @!p0 $0x280, s26;
	[tilespmem:s25+$0x15C70] =	vst v0  }
0x86: {  	[tilespmem:s30], [sflag:$0x1] =	stream.indirect.gather @!p0 [hbm4b:s2+s29], $0x80, s28, s29, $0xb8;
	[tilespmem:$0x17800] =	vst v63  }
0x87: {  	_ =	swait.ge [sflag:s17], $0x4000  }
0x88: {  	[sflag:s17] =	ssyncset.done $0x0  }
0x89: {  	[sflag:s17] =	ssyncadd.s32 $0xFFFFC000  }
0x8a: {  	v4 =	vld [tilespmem:$0x5C00]  }
0x8b: {  	v5 =	vld [tilespmem:$0x5C10]  }
0x8c: {  	v6 =	vld [tilespmem:$0x5C20]  }
0x8d: {  	v7 =	vld [tilespmem:$0x5C30]  }
0x8e: {  	v10 =	vld [tilespmem:$0x5C40]  }
0x8f: {  	v12 =	vld [tilespmem:$0x5C50]  }
0x90: {  	v13 =	vld [tilespmem:$0x5C60]  }
0x91: {  	s29 =	simm.s32 $0x5C80;
	v15 =	vld [tilespmem:$0x5C70]  }
0x92: {  	v9 =	vld [tilespmem:s29+$0x180]  }
0x93: {  	v14 =	vld [tilespmem:s29+$0x190]  }
0x94: {  	v16 =	vld [tilespmem:s29+$0x1A0]  }
0x95: {  	v17 =	vld [tilespmem:s29+$0x1B0]  }
0x96: {  	v0 =	vld [tilespmem:s29+$0x1C0]  }
0x97: {  	v1 =	vld [tilespmem:s29+$0x1D0]  }
0x98: {  	v8 =	vld [tilespmem:s29+$0x100]  }
0x99: {  	v11 =	vld [tilespmem:s29+$0x110]  }
0x9a: {  	v18 =	vld [tilespmem:s29+$0x120]  }
0x9b: {  	v19 =	vld [tilespmem:s29+$0x130]  }
0x9c: {  	v2 =	vld [tilespmem:s29+$0x140]  }
0x9d: {  	v3 =	vld [tilespmem:s29+$0x150]  }
0x9e: {  	v50 =	vld [tilespmem:s29+$0x80]  }
0x9f: {  	v52 =	vld [tilespmem:s29+$0x0]  }
0xa0: {  	v53 =	vld [tilespmem:s29+$0x10]  }
0xa1: {  	v54 =	vld [tilespmem:s29+$0x20]  }
0xa2: {  	v55 =	vld [tilespmem:s29+$0x30]  }
0xa3: {  	v56 =	vld [tilespmem:s29+$0xA0]  }
0xa4: {  	v63 =	vld [tilespmem:s29+$0x70]  }
0xa5: {  	v57 =	vld [tilespmem:s29+$0xB0]  }
0xa6: {  	v51 =	vld [tilespmem:s29+$0x90]  }
0xa7: {  	v58 =	vld [tilespmem:s29+$0xC0];
	v4 =	vadd.f32 v52, v4;
	v5 =	vadd.f32 v53, v5  }
0xa8: {  	v59 =	vld [tilespmem:s29+$0xD0];
	v6 =	vadd.f32 v54, v6;
	v7 =	vadd.f32 v55, v7  }
0xa9: {  	v60 =	vld [tilespmem:s29+$0x40];
	v15 =	vadd.f32 v63, v15;
	v4 =	vadd.f32 v50, v4  }
0xaa: {  	v61 =	vld [tilespmem:s29+$0x50];
	v6 =	vadd.f32 v56, v6;
	v7 =	vadd.f32 v57, v7  }
0xab: {  	v62 =	vld [tilespmem:s29+$0x60];
	v5 =	vadd.f32 v51, v5;
	v4 =	vadd.f32 v8, v4  }
0xac: {  	v8 =	vld [tilespmem:s29+$0xE0];
	v6 =	vadd.f32 v18, v6;
	v7 =	vadd.f32 v19, v7  }
0xad: {  	v5 =	vadd.f32 v11, v5;
	v11 =	vld [tilespmem:s29+$0xF0];
	v4 =	vadd.f32 v9, v4  }
0xae: {  	v9 =	vld [tilespmem:s29+$0x160];
	v6 =	vadd.f32 v16, v6;
	v7 =	vadd.f32 v17, v7  }
0xaf: {  	v16 =	vadd.f32 v60, v10;
	v17 =	vadd.f32 v61, v12;
	v12 =	vld [tilespmem:s29+$0x170]  }
0xb0: {  	v5 =	vadd.f32 v14, v5;
	v14 =	vadd.f32 v62, v13;
	v10 =	vld [tilespmem:s29+$0x1E0]  }
0xb1: {  	s28 =	simm.s32 $0x1;
	v13 =	vld [tilespmem:s29+$0x1F0];
	s29 =	simm.s32 $0x5E80;
	v16 =	vadd.f32 v58, v16;
	v17 =	vadd.f32 v59, v17  }
.LBB2_5:
0xb2: {  	v18 =	vld [tilespmem:s29+$0x180];
	v8 =	vadd.f32 v8, v14;
	v11 =	vadd.f32 v11, v15  }
0xb3: {  	v14 =	vld [tilespmem:s29+$0x190];
	v2 =	vadd.f32 v2, v16;
	v3 =	vadd.f32 v3, v17  }
0xb4: {  	v15 =	vld [tilespmem:s29+$0x1A0];
	v8 =	vadd.f32 v9, v8;
	v9 =	vadd.f32 v12, v11  }
0xb5: {  	v12 =	vld [tilespmem:s29+$0x1B0];
	v16 =	vadd.f32 v0, v2;
	v17 =	vadd.f32 v1, v3  }
0xb6: {  	v0 =	vld [tilespmem:s29+$0x1C0];
	v10 =	vadd.f32 v10, v8;
	v13 =	vadd.f32 v13, v9  }
0xb7: {  	v1 =	vld [tilespmem:s29+$0x1D0]  }
0xb8: {  	v8 =	vld [tilespmem:s29+$0x100]  }
0xb9: {  	v9 =	vld [tilespmem:s29+$0x110]  }
0xba: {  	v11 =	vld [tilespmem:s29+$0x120]  }
0xbb: {  	v19 =	vld [tilespmem:s29+$0x130]  }
0xbc: {  	v2 =	vld [tilespmem:s29+$0x140]  }
0xbd: {  	v3 =	vld [tilespmem:s29+$0x150]  }
0xbe: {  	v20 =	vld [tilespmem:s29+$0x80]  }
0xbf: {  	v21 =	vld [tilespmem:s29+$0x90]  }
0xc0: {  	v22 =	vld [tilespmem:s29+$0x0]  }
0xc1: {  	v23 =	vld [tilespmem:s29+$0x10]  }
0xc2: {  	v24 =	vld [tilespmem:s29+$0x20]  }
0xc3: {  	v25 =	vld [tilespmem:s29+$0x30]  }
0xc4: {  	v26 =	vld [tilespmem:s29+$0xA0]  }
0xc5: {  	v27 =	vld [tilespmem:s29+$0xB0]  }
0xc6: {  	v28 =	vld [tilespmem:s29+$0xC0]  }
0xc7: {  	v4 =	vadd.f32 v22, v4;
	v5 =	vadd.f32 v23, v5;
	v22 =	vld [tilespmem:s29+$0xD0]  }
0xc8: {  	v6 =	vadd.f32 v24, v6;
	v7 =	vadd.f32 v25, v7;
	v23 =	vld [tilespmem:s29+$0x40]  }
0xc9: {  	v4 =	vadd.f32 v20, v4;
	v5 =	vadd.f32 v21, v5;
	v24 =	vld [tilespmem:s29+$0x50]  }
0xca: {  	v6 =	vadd.f32 v26, v6;
	v20 =	vld [tilespmem:s29+$0x60];
	v7 =	vadd.f32 v27, v7  }
0xcb: {  	s28 =	sadd.s32 $0x4, s28;
	v4 =	vadd.f32 v8, v4;
	v5 =	vadd.f32 v9, v5;
	v21 =	vld [tilespmem:s29+$0x70]  }
0xcc: {  	p1 =	slt.u32 s28, $0x79;
	v6 =	vadd.f32 v11, v6;
	v8 =	vld [tilespmem:s29+$0xE0];
	v7 =	vadd.f32 v19, v7  }
.Ltmp1:
0xcd: {  	v4 =	vadd.f32 v18, v4;
	v5 =	vadd.f32 v14, v5;
	v11 =	vld [tilespmem:s29+$0xF0];
	(pc) =	sbr.rel @p1 .LBB2_5-.Ltmp1, $4  }
0xce: {  	v6 =	vadd.f32 v15, v6;
	v9 =	vld [tilespmem:s29+$0x160];
	v7 =	vadd.f32 v12, v7  }
0xcf: {  	v16 =	vadd.f32 v23, v16;
	v17 =	vadd.f32 v24, v17;
	v12 =	vld [tilespmem:s29+$0x170]  }
0xd0: {  	v14 =	vadd.f32 v20, v10;
	v15 =	vadd.f32 v21, v13;
	v10 =	vld [tilespmem:s29+$0x1E0]  }
0xd1: {  	v16 =	vadd.f32 v28, v16;
	v17 =	vadd.f32 v22, v17;
	v13 =	vld [tilespmem:s29+$0x1F0];
	s29 =	sadd.s32 $0x200, s29  }
0xd2: {  	v18 =	vld [tilespmem:$0x9A80]  }
0xd3: {  	v19 =	vld [tilespmem:$0x9A90]  }
0xd4: {  	v20 =	vld [tilespmem:$0x9AA0]  }
0xd5: {  	v21 =	vld [tilespmem:$0x9AB0]  }
0xd6: {  	v22 =	vld [tilespmem:$0x9AC0]  }
0xd7: {  	v23 =	vld [tilespmem:$0x9AD0]  }
0xd8: {  	v24 =	vld [tilespmem:$0x9AE0]  }
0xd9: {  	v25 =	vld [tilespmem:$0x9AF0]  }
0xda: {  	v26 =	vld [tilespmem:$0x9B00]  }
0xdb: {  	v27 =	vld [tilespmem:$0x9B10]  }
0xdc: {  	v28 =	vld [tilespmem:$0x9B20]  }
0xdd: {  	v29 =	vld [tilespmem:$0x9B30];
	v8 =	vadd.f32 v8, v14;
	v11 =	vadd.f32 v11, v15  }
0xde: {  	v14 =	vld [tilespmem:$0x9B40];
	v2 =	vadd.f32 v2, v16;
	v3 =	vadd.f32 v3, v17  }
0xdf: {  	v15 =	vld [tilespmem:$0x9B50];
	v8 =	vadd.f32 v9, v8;
	v9 =	vadd.f32 v12, v11  }
0xe0: {  	v16 =	vld [tilespmem:$0x9BC0];
	v0 =	vadd.f32 v0, v2;
	v1 =	vadd.f32 v1, v3  }
0xe1: {  	v17 =	vld [tilespmem:$0x9BD0];
	v3 =	vadd.f32 v10, v8;
	v8 =	vadd.f32 v13, v9  }
0xe2: {  	v9 =	vld [tilespmem:$0x9B80];
	v4 =	vadd.f32 v18, v4;
	v5 =	vadd.f32 v19, v5  }
0xe3: {  	v10 =	vld [tilespmem:$0x9B90];
	v6 =	vadd.f32 v20, v6;
	v7 =	vadd.f32 v21, v7  }
0xe4: {  	v12 =	vld [tilespmem:$0x9BA0];
	v0 =	vadd.f32 v22, v0;
	v1 =	vadd.f32 v23, v1  }
0xe5: {  	v11 =	vld [tilespmem:$0x9B60];
	v3 =	vadd.f32 v24, v3;
	v4 =	vadd.f32 v26, v4  }
0xe6: {  	v2 =	vld [tilespmem:$0x9B70];
	v8 =	vadd.f32 v25, v8;
	v5 =	vadd.f32 v27, v5  }
0xe7: {  	v13 =	vld [tilespmem:$0x9BB0];
	v6 =	vadd.f32 v28, v6;
	v4 =	vadd.f32 v9, v4  }
0xe8: {  	v0 =	vadd.f32 v14, v0;
	v9 =	vld [tilespmem:$0x9BE0];
	v5 =	vadd.f32 v10, v5  }
0xe9: {  	v1 =	vadd.f32 v15, v1;
	v10 =	vld [tilespmem:$0x9BF0];
	v6 =	vadd.f32 v12, v6;
	[tilespmem:s25+$0x15C80] =	vst v4  }
0xea: {  	v7 =	vadd.f32 v29, v7;
	v0 =	vadd.f32 v16, v0;
	[tilespmem:s25+$0x15C90] =	vst v5  }
0xeb: {  	v3 =	vadd.f32 v11, v3;
	v1 =	vadd.f32 v17, v1;
	[tilespmem:s25+$0x15CA0] =	vst v6  }
0xec: {  	v2 =	vadd.f32 v2, v8;
	v4 =	vadd.f32 v13, v7;
	[tilespmem:s25+$0x15CC0] =	vst v0  }
0xed: {  	[tilespmem:s25+$0x15CD0] =	vst v1;
	v3 =	vadd.f32 v9, v3  }
0xee: {  	[tilespmem:s25+$0x15CB0] =	vst v4;
	v0 =	vadd.f32 v10, v2  }
0xef: {  	[tilespmem:s25+$0x15CE0] =	vst v3  }
0xf0: {  	s28 =	sadd.s32 @!p0 $0x300, s26;
	s29 =	simm.s32 @!p0 $0x80;
	s30 =	simm.s32 @!p0 $0x5C00;
	[tilespmem:s25+$0x15CF0] =	vst v0  }
0xf1: {  	[tilespmem:s30], [sflag:$0x2] =	stream.indirect.gather @!p0 [hbm4b:s2+s29], $0x80, s28, s29, $0xb8;
	[tilespmem:$0x17800] =	vst v63  }
0xf2: {  	_ =	swait.ge [sflag:s18], $0x4000  }
0xf3: {  	[sflag:s18] =	ssyncset.done $0x0  }
0xf4: {  	[sflag:s18] =	ssyncadd.s32 $0xFFFFC000  }
0xf5: {  	v4 =	vld [tilespmem:$0x9C00]  }
0xf6: {  	v5 =	vld [tilespmem:$0x9C10]  }
0xf7: {  	v6 =	vld [tilespmem:$0x9C20]  }
0xf8: {  	v7 =	vld [tilespmem:$0x9C30]  }
0xf9: {  	v10 =	vld [tilespmem:$0x9C40]  }
0xfa: {  	v12 =	vld [tilespmem:$0x9C50]  }
0xfb: {  	v13 =	vld [tilespmem:$0x9C60]  }
0xfc: {  	s29 =	simm.s32 $0x9C80;
	v15 =	vld [tilespmem:$0x9C70]  }
0xfd: {  	v9 =	vld [tilespmem:s29+$0x180]  }
0xfe: {  	v14 =	vld [tilespmem:s29+$0x190]  }
0xff: {  	v16 =	vld [tilespmem:s29+$0x1A0]  }
0x100: {  	v17 =	vld [tilespmem:s29+$0x1B0]  }
0x101: {  	v0 =	vld [tilespmem:s29+$0x1C0]  }
0x102: {  	v1 =	vld [tilespmem:s29+$0x1D0]  }
0x103: {  	v8 =	vld [tilespmem:s29+$0x100]  }
0x104: {  	v11 =	vld [tilespmem:s29+$0x110]  }
0x105: {  	v18 =	vld [tilespmem:s29+$0x120]  }
0x106: {  	v19 =	vld [tilespmem:s29+$0x130]  }
0x107: {  	v2 =	vld [tilespmem:s29+$0x140]  }
0x108: {  	v3 =	vld [tilespmem:s29+$0x150]  }
0x109: {  	v50 =	vld [tilespmem:s29+$0x80]  }
0x10a: {  	v52 =	vld [tilespmem:s29+$0x0]  }
0x10b: {  	v53 =	vld [tilespmem:s29+$0x10]  }
0x10c: {  	v54 =	vld [tilespmem:s29+$0x20]  }
0x10d: {  	v55 =	vld [tilespmem:s29+$0x30]  }
0x10e: {  	v56 =	vld [tilespmem:s29+$0xA0]  }
0x10f: {  	v63 =	vld [tilespmem:s29+$0x70]  }
0x110: {  	v57 =	vld [tilespmem:s29+$0xB0]  }
0x111: {  	v51 =	vld [tilespmem:s29+$0x90]  }
0x112: {  	v58 =	vld [tilespmem:s29+$0xC0];
	v4 =	vadd.f32 v52, v4;
	v5 =	vadd.f32 v53, v5  }
0x113: {  	v59 =	vld [tilespmem:s29+$0xD0];
	v6 =	vadd.f32 v54, v6;
	v7 =	vadd.f32 v55, v7  }
0x114: {  	v60 =	vld [tilespmem:s29+$0x40];
	v15 =	vadd.f32 v63, v15;
	v4 =	vadd.f32 v50, v4  }
0x115: {  	v61 =	vld [tilespmem:s29+$0x50];
	v6 =	vadd.f32 v56, v6;
	v7 =	vadd.f32 v57, v7  }
0x116: {  	v62 =	vld [tilespmem:s29+$0x60];
	v5 =	vadd.f32 v51, v5;
	v4 =	vadd.f32 v8, v4  }
0x117: {  	v8 =	vld [tilespmem:s29+$0xE0];
	v6 =	vadd.f32 v18, v6;
	v7 =	vadd.f32 v19, v7  }
0x118: {  	v5 =	vadd.f32 v11, v5;
	v11 =	vld [tilespmem:s29+$0xF0];
	v4 =	vadd.f32 v9, v4  }
0x119: {  	v9 =	vld [tilespmem:s29+$0x160];
	v6 =	vadd.f32 v16, v6;
	v7 =	vadd.f32 v17, v7  }
0x11a: {  	v16 =	vadd.f32 v60, v10;
	v17 =	vadd.f32 v61, v12;
	v12 =	vld [tilespmem:s29+$0x170]  }
0x11b: {  	v5 =	vadd.f32 v14, v5;
	v14 =	vadd.f32 v62, v13;
	v10 =	vld [tilespmem:s29+$0x1E0]  }
0x11c: {  	s28 =	simm.s32 $0x1;
	v13 =	vld [tilespmem:s29+$0x1F0];
	s29 =	simm.s32 $0x9E80;
	v16 =	vadd.f32 v58, v16;
	v17 =	vadd.f32 v59, v17  }
.LBB2_7:
0x11d: {  	v18 =	vld [tilespmem:s29+$0x180];
	v8 =	vadd.f32 v8, v14;
	v11 =	vadd.f32 v11, v15  }
0x11e: {  	v14 =	vld [tilespmem:s29+$0x190];
	v2 =	vadd.f32 v2, v16;
	v3 =	vadd.f32 v3, v17  }
0x11f: {  	v15 =	vld [tilespmem:s29+$0x1A0];
	v8 =	vadd.f32 v9, v8;
	v9 =	vadd.f32 v12, v11  }
0x120: {  	v12 =	vld [tilespmem:s29+$0x1B0];
	v16 =	vadd.f32 v0, v2;
	v17 =	vadd.f32 v1, v3  }
0x121: {  	v0 =	vld [tilespmem:s29+$0x1C0];
	v10 =	vadd.f32 v10, v8;
	v13 =	vadd.f32 v13, v9  }
0x122: {  	v1 =	vld [tilespmem:s29+$0x1D0]  }
0x123: {  	v8 =	vld [tilespmem:s29+$0x100]  }
0x124: {  	v9 =	vld [tilespmem:s29+$0x110]  }
0x125: {  	v11 =	vld [tilespmem:s29+$0x120]  }
0x126: {  	v19 =	vld [tilespmem:s29+$0x130]  }
0x127: {  	v2 =	vld [tilespmem:s29+$0x140]  }
0x128: {  	v3 =	vld [tilespmem:s29+$0x150]  }
0x129: {  	v20 =	vld [tilespmem:s29+$0x80]  }
0x12a: {  	v21 =	vld [tilespmem:s29+$0x90]  }
0x12b: {  	v22 =	vld [tilespmem:s29+$0x0]  }
0x12c: {  	v23 =	vld [tilespmem:s29+$0x10]  }
0x12d: {  	v24 =	vld [tilespmem:s29+$0x20]  }
0x12e: {  	v25 =	vld [tilespmem:s29+$0x30]  }
0x12f: {  	v26 =	vld [tilespmem:s29+$0xA0]  }
0x130: {  	v27 =	vld [tilespmem:s29+$0xB0]  }
0x131: {  	v28 =	vld [tilespmem:s29+$0xC0]  }
0x132: {  	v4 =	vadd.f32 v22, v4;
	v5 =	vadd.f32 v23, v5;
	v22 =	vld [tilespmem:s29+$0xD0]  }
0x133: {  	v6 =	vadd.f32 v24, v6;
	v7 =	vadd.f32 v25, v7;
	v23 =	vld [tilespmem:s29+$0x40]  }
0x134: {  	v4 =	vadd.f32 v20, v4;
	v5 =	vadd.f32 v21, v5;
	v24 =	vld [tilespmem:s29+$0x50]  }
0x135: {  	v6 =	vadd.f32 v26, v6;
	v20 =	vld [tilespmem:s29+$0x60];
	v7 =	vadd.f32 v27, v7  }
0x136: {  	s28 =	sadd.s32 $0x4, s28;
	v4 =	vadd.f32 v8, v4;
	v5 =	vadd.f32 v9, v5;
	v21 =	vld [tilespmem:s29+$0x70]  }
0x137: {  	p1 =	slt.u32 s28, $0x79;
	v6 =	vadd.f32 v11, v6;
	v8 =	vld [tilespmem:s29+$0xE0];
	v7 =	vadd.f32 v19, v7  }
.Ltmp2:
0x138: {  	v4 =	vadd.f32 v18, v4;
	v5 =	vadd.f32 v14, v5;
	v11 =	vld [tilespmem:s29+$0xF0];
	(pc) =	sbr.rel @p1 .LBB2_7-.Ltmp2, $4  }
0x139: {  	v6 =	vadd.f32 v15, v6;
	v9 =	vld [tilespmem:s29+$0x160];
	v7 =	vadd.f32 v12, v7  }
0x13a: {  	v16 =	vadd.f32 v23, v16;
	v17 =	vadd.f32 v24, v17;
	v12 =	vld [tilespmem:s29+$0x170]  }
0x13b: {  	v14 =	vadd.f32 v20, v10;
	v15 =	vadd.f32 v21, v13;
	v10 =	vld [tilespmem:s29+$0x1E0]  }
0x13c: {  	v16 =	vadd.f32 v28, v16;
	v17 =	vadd.f32 v22, v17;
	v13 =	vld [tilespmem:s29+$0x1F0];
	s29 =	sadd.s32 $0x200, s29  }
0x13d: {  	v18 =	vld [tilespmem:$0xDA80]  }
0x13e: {  	v19 =	vld [tilespmem:$0xDA90]  }
0x13f: {  	v20 =	vld [tilespmem:$0xDAA0]  }
0x140: {  	v21 =	vld [tilespmem:$0xDAB0]  }
0x141: {  	v22 =	vld [tilespmem:$0xDAC0]  }
0x142: {  	v23 =	vld [tilespmem:$0xDAD0]  }
0x143: {  	v24 =	vld [tilespmem:$0xDAE0]  }
0x144: {  	v25 =	vld [tilespmem:$0xDAF0]  }
0x145: {  	v26 =	vld [tilespmem:$0xDB00]  }
0x146: {  	v27 =	vld [tilespmem:$0xDB10]  }
0x147: {  	v28 =	vld [tilespmem:$0xDB20]  }
0x148: {  	v29 =	vld [tilespmem:$0xDB30];
	v8 =	vadd.f32 v8, v14;
	v11 =	vadd.f32 v11, v15  }
0x149: {  	v14 =	vld [tilespmem:$0xDB40];
	v2 =	vadd.f32 v2, v16;
	v3 =	vadd.f32 v3, v17  }
0x14a: {  	v15 =	vld [tilespmem:$0xDB50];
	v8 =	vadd.f32 v9, v8;
	v9 =	vadd.f32 v12, v11  }
0x14b: {  	v16 =	vld [tilespmem:$0xDBC0];
	v0 =	vadd.f32 v0, v2;
	v1 =	vadd.f32 v1, v3  }
0x14c: {  	v17 =	vld [tilespmem:$0xDBD0];
	v3 =	vadd.f32 v10, v8;
	v8 =	vadd.f32 v13, v9  }
0x14d: {  	v9 =	vld [tilespmem:$0xDB80];
	v4 =	vadd.f32 v18, v4;
	v5 =	vadd.f32 v19, v5  }
0x14e: {  	v10 =	vld [tilespmem:$0xDB90];
	v6 =	vadd.f32 v20, v6;
	v7 =	vadd.f32 v21, v7  }
0x14f: {  	v12 =	vld [tilespmem:$0xDBA0];
	v0 =	vadd.f32 v22, v0;
	v1 =	vadd.f32 v23, v1  }
0x150: {  	v11 =	vld [tilespmem:$0xDB60];
	v3 =	vadd.f32 v24, v3;
	v4 =	vadd.f32 v26, v4  }
0x151: {  	v2 =	vld [tilespmem:$0xDB70];
	v8 =	vadd.f32 v25, v8;
	v5 =	vadd.f32 v27, v5  }
0x152: {  	v13 =	vld [tilespmem:$0xDBB0];
	v6 =	vadd.f32 v28, v6;
	v4 =	vadd.f32 v9, v4  }
0x153: {  	v0 =	vadd.f32 v14, v0;
	v9 =	vld [tilespmem:$0xDBE0];
	v5 =	vadd.f32 v10, v5  }
0x154: {  	v1 =	vadd.f32 v15, v1;
	v10 =	vld [tilespmem:$0xDBF0];
	v6 =	vadd.f32 v12, v6;
	[tilespmem:s25+$0x15D00] =	vst v4  }
0x155: {  	v7 =	vadd.f32 v29, v7;
	v0 =	vadd.f32 v16, v0;
	[tilespmem:s25+$0x15D10] =	vst v5  }
0x156: {  	v3 =	vadd.f32 v11, v3;
	v1 =	vadd.f32 v17, v1;
	[tilespmem:s25+$0x15D20] =	vst v6  }
0x157: {  	v2 =	vadd.f32 v2, v8;
	v4 =	vadd.f32 v13, v7;
	[tilespmem:s25+$0x15D40] =	vst v0  }
0x158: {  	[tilespmem:s25+$0x15D50] =	vst v1;
	v3 =	vadd.f32 v9, v3  }
0x159: {  	[tilespmem:s25+$0x15D30] =	vst v4;
	v0 =	vadd.f32 v10, v2  }
0x15a: {  	[tilespmem:s25+$0x15D60] =	vst v3  }
0x15b: {  	s28 =	sadd.s32 @!p0 $0x380, s26;
	s29 =	simm.s32 @!p0 $0x80;
	s30 =	simm.s32 @!p0 $0x9C00;
	[tilespmem:s25+$0x15D70] =	vst v0  }
0x15c: {  	[tilespmem:s30], [sflag:$0x3] =	stream.indirect.gather @!p0 [hbm4b:s2+s29], $0x80, s28, s29, $0xb8;
	[tilespmem:$0x17800] =	vst v63  }
0x15d: {  	_ =	swait.ge [sflag:s19], $0x4000  }
0x15e: {  	[sflag:s19] =	ssyncset.done $0x0  }
0x15f: {  	[sflag:s19] =	ssyncadd.s32 $0xFFFFC000  }
0x160: {  	v4 =	vld [tilespmem:$0xDC00]  }
0x161: {  	v5 =	vld [tilespmem:$0xDC10]  }
0x162: {  	v6 =	vld [tilespmem:$0xDC20]  }
0x163: {  	v7 =	vld [tilespmem:$0xDC30]  }
0x164: {  	v10 =	vld [tilespmem:$0xDC40]  }
0x165: {  	v12 =	vld [tilespmem:$0xDC50]  }
0x166: {  	v13 =	vld [tilespmem:$0xDC60]  }
0x167: {  	s29 =	simm.s32 $0xDC80;
	v15 =	vld [tilespmem:$0xDC70]  }
0x168: {  	v9 =	vld [tilespmem:s29+$0x180]  }
0x169: {  	v14 =	vld [tilespmem:s29+$0x190]  }
0x16a: {  	v16 =	vld [tilespmem:s29+$0x1A0]  }
0x16b: {  	v17 =	vld [tilespmem:s29+$0x1B0]  }
0x16c: {  	v0 =	vld [tilespmem:s29+$0x1C0]  }
0x16d: {  	v1 =	vld [tilespmem:s29+$0x1D0]  }
0x16e: {  	v8 =	vld [tilespmem:s29+$0x100]  }
0x16f: {  	v11 =	vld [tilespmem:s29+$0x110]  }
0x170: {  	v18 =	vld [tilespmem:s29+$0x120]  }
0x171: {  	v19 =	vld [tilespmem:s29+$0x130]  }
0x172: {  	v2 =	vld [tilespmem:s29+$0x140]  }
0x173: {  	v3 =	vld [tilespmem:s29+$0x150]  }
0x174: {  	v50 =	vld [tilespmem:s29+$0x80]  }
0x175: {  	v52 =	vld [tilespmem:s29+$0x0]  }
0x176: {  	v53 =	vld [tilespmem:s29+$0x10]  }
0x177: {  	v54 =	vld [tilespmem:s29+$0x20]  }
0x178: {  	v55 =	vld [tilespmem:s29+$0x30]  }
0x179: {  	v56 =	vld [tilespmem:s29+$0xA0]  }
0x17a: {  	v63 =	vld [tilespmem:s29+$0x70]  }
0x17b: {  	v57 =	vld [tilespmem:s29+$0xB0]  }
0x17c: {  	v51 =	vld [tilespmem:s29+$0x90]  }
0x17d: {  	v58 =	vld [tilespmem:s29+$0xC0];
	v4 =	vadd.f32 v52, v4;
	v5 =	vadd.f32 v53, v5  }
0x17e: {  	v59 =	vld [tilespmem:s29+$0xD0];
	v6 =	vadd.f32 v54, v6;
	v7 =	vadd.f32 v55, v7  }
0x17f: {  	v60 =	vld [tilespmem:s29+$0x40];
	v15 =	vadd.f32 v63, v15;
	v4 =	vadd.f32 v50, v4  }
0x180: {  	v61 =	vld [tilespmem:s29+$0x50];
	v6 =	vadd.f32 v56, v6;
	v7 =	vadd.f32 v57, v7  }
0x181: {  	v62 =	vld [tilespmem:s29+$0x60];
	v5 =	vadd.f32 v51, v5;
	v4 =	vadd.f32 v8, v4  }
0x182: {  	v8 =	vld [tilespmem:s29+$0xE0];
	v6 =	vadd.f32 v18, v6;
	v7 =	vadd.f32 v19, v7  }
0x183: {  	v5 =	vadd.f32 v11, v5;
	v11 =	vld [tilespmem:s29+$0xF0];
	v4 =	vadd.f32 v9, v4  }
0x184: {  	v9 =	vld [tilespmem:s29+$0x160];
	v6 =	vadd.f32 v16, v6;
	v7 =	vadd.f32 v17, v7  }
0x185: {  	v16 =	vadd.f32 v60, v10;
	v17 =	vadd.f32 v61, v12;
	v12 =	vld [tilespmem:s29+$0x170]  }
0x186: {  	v5 =	vadd.f32 v14, v5;
	v14 =	vadd.f32 v62, v13;
	v10 =	vld [tilespmem:s29+$0x1E0]  }
0x187: {  	s28 =	simm.s32 $0x1;
	v13 =	vld [tilespmem:s29+$0x1F0];
	s29 =	simm.s32 $0xDE80;
	v16 =	vadd.f32 v58, v16;
	v17 =	vadd.f32 v59, v17  }
.LBB2_9:
0x188: {  	v18 =	vld [tilespmem:s29+$0x180];
	v8 =	vadd.f32 v8, v14;
	v11 =	vadd.f32 v11, v15  }
0x189: {  	v14 =	vld [tilespmem:s29+$0x190];
	v2 =	vadd.f32 v2, v16;
	v3 =	vadd.f32 v3, v17  }
0x18a: {  	v15 =	vld [tilespmem:s29+$0x1A0];
	v8 =	vadd.f32 v9, v8;
	v9 =	vadd.f32 v12, v11  }
0x18b: {  	v12 =	vld [tilespmem:s29+$0x1B0];
	v16 =	vadd.f32 v0, v2;
	v17 =	vadd.f32 v1, v3  }
0x18c: {  	v0 =	vld [tilespmem:s29+$0x1C0];
	v10 =	vadd.f32 v10, v8;
	v13 =	vadd.f32 v13, v9  }
0x18d: {  	v1 =	vld [tilespmem:s29+$0x1D0]  }
0x18e: {  	v8 =	vld [tilespmem:s29+$0x100]  }
0x18f: {  	v9 =	vld [tilespmem:s29+$0x110]  }
0x190: {  	v11 =	vld [tilespmem:s29+$0x120]  }
0x191: {  	v19 =	vld [tilespmem:s29+$0x130]  }
0x192: {  	v2 =	vld [tilespmem:s29+$0x140]  }
0x193: {  	v3 =	vld [tilespmem:s29+$0x150]  }
0x194: {  	v20 =	vld [tilespmem:s29+$0x80]  }
0x195: {  	v21 =	vld [tilespmem:s29+$0x90]  }
0x196: {  	v22 =	vld [tilespmem:s29+$0x0]  }
0x197: {  	v23 =	vld [tilespmem:s29+$0x10]  }
0x198: {  	v24 =	vld [tilespmem:s29+$0x20]  }
0x199: {  	v25 =	vld [tilespmem:s29+$0x30]  }
0x19a: {  	v26 =	vld [tilespmem:s29+$0xA0]  }
0x19b: {  	v27 =	vld [tilespmem:s29+$0xB0]  }
0x19c: {  	v28 =	vld [tilespmem:s29+$0xC0]  }
0x19d: {  	v4 =	vadd.f32 v22, v4;
	v5 =	vadd.f32 v23, v5;
	v22 =	vld [tilespmem:s29+$0xD0]  }
0x19e: {  	v6 =	vadd.f32 v24, v6;
	v7 =	vadd.f32 v25, v7;
	v23 =	vld [tilespmem:s29+$0x40]  }
0x19f: {  	v4 =	vadd.f32 v20, v4;
	v5 =	vadd.f32 v21, v5;
	v24 =	vld [tilespmem:s29+$0x50]  }
0x1a0: {  	v6 =	vadd.f32 v26, v6;
	v20 =	vld [tilespmem:s29+$0x60];
	v7 =	vadd.f32 v27, v7  }
0x1a1: {  	s28 =	sadd.s32 $0x4, s28;
	v4 =	vadd.f32 v8, v4;
	v5 =	vadd.f32 v9, v5;
	v21 =	vld [tilespmem:s29+$0x70]  }
0x1a2: {  	p1 =	slt.u32 s28, $0x79;
	v6 =	vadd.f32 v11, v6;
	v8 =	vld [tilespmem:s29+$0xE0];
	v7 =	vadd.f32 v19, v7  }
.Ltmp3:
0x1a3: {  	v4 =	vadd.f32 v18, v4;
	v5 =	vadd.f32 v14, v5;
	v11 =	vld [tilespmem:s29+$0xF0];
	(pc) =	sbr.rel @p1 .LBB2_9-.Ltmp3, $4  }
0x1a4: {  	v6 =	vadd.f32 v15, v6;
	v9 =	vld [tilespmem:s29+$0x160];
	v7 =	vadd.f32 v12, v7  }
0x1a5: {  	v16 =	vadd.f32 v23, v16;
	v17 =	vadd.f32 v24, v17;
	v12 =	vld [tilespmem:s29+$0x170]  }
0x1a6: {  	v14 =	vadd.f32 v20, v10;
	v15 =	vadd.f32 v21, v13;
	v10 =	vld [tilespmem:s29+$0x1E0]  }
0x1a7: {  	v16 =	vadd.f32 v28, v16;
	v17 =	vadd.f32 v22, v17;
	v13 =	vld [tilespmem:s29+$0x1F0];
	s29 =	sadd.s32 $0x200, s29  }
0x1a8: {  	v18 =	vld [tilespmem:$0x11A80]  }
0x1a9: {  	v19 =	vld [tilespmem:$0x11A90]  }
0x1aa: {  	v20 =	vld [tilespmem:$0x11AA0]  }
0x1ab: {  	v21 =	vld [tilespmem:$0x11AB0]  }
0x1ac: {  	v22 =	vld [tilespmem:$0x11AC0]  }
0x1ad: {  	v23 =	vld [tilespmem:$0x11AD0]  }
0x1ae: {  	v24 =	vld [tilespmem:$0x11AE0]  }
0x1af: {  	v25 =	vld [tilespmem:$0x11AF0]  }
0x1b0: {  	v26 =	vld [tilespmem:$0x11B00]  }
0x1b1: {  	v27 =	vld [tilespmem:$0x11B10]  }
0x1b2: {  	v28 =	vld [tilespmem:$0x11B20]  }
0x1b3: {  	v29 =	vld [tilespmem:$0x11B30];
	v8 =	vadd.f32 v8, v14;
	v11 =	vadd.f32 v11, v15  }
0x1b4: {  	v14 =	vld [tilespmem:$0x11B40];
	v2 =	vadd.f32 v2, v16;
	v3 =	vadd.f32 v3, v17  }
0x1b5: {  	v15 =	vld [tilespmem:$0x11B50];
	v8 =	vadd.f32 v9, v8;
	v9 =	vadd.f32 v12, v11  }
0x1b6: {  	v16 =	vld [tilespmem:$0x11BC0];
	v0 =	vadd.f32 v0, v2;
	v1 =	vadd.f32 v1, v3  }
0x1b7: {  	v17 =	vld [tilespmem:$0x11BD0];
	v3 =	vadd.f32 v10, v8;
	v8 =	vadd.f32 v13, v9  }
0x1b8: {  	v9 =	vld [tilespmem:$0x11B80];
	v4 =	vadd.f32 v18, v4;
	v5 =	vadd.f32 v19, v5  }
0x1b9: {  	v10 =	vld [tilespmem:$0x11B90];
	v6 =	vadd.f32 v20, v6;
	v7 =	vadd.f32 v21, v7  }
0x1ba: {  	v12 =	vld [tilespmem:$0x11BA0];
	v0 =	vadd.f32 v22, v0;
	v1 =	vadd.f32 v23, v1  }
0x1bb: {  	v11 =	vld [tilespmem:$0x11B60];
	v3 =	vadd.f32 v24, v3;
	v4 =	vadd.f32 v26, v4  }
0x1bc: {  	v2 =	vld [tilespmem:$0x11B70];
	v8 =	vadd.f32 v25, v8;
	v5 =	vadd.f32 v27, v5  }
0x1bd: {  	v13 =	vld [tilespmem:$0x11BB0];
	v6 =	vadd.f32 v28, v6;
	v4 =	vadd.f32 v9, v4  }
0x1be: {  	v0 =	vadd.f32 v14, v0;
	v9 =	vld [tilespmem:$0x11BE0];
	v5 =	vadd.f32 v10, v5  }
0x1bf: {  	v1 =	vadd.f32 v15, v1;
	v10 =	vld [tilespmem:$0x11BF0];
	v6 =	vadd.f32 v12, v6;
	[tilespmem:s25+$0x15D80] =	vst v4  }
0x1c0: {  	v7 =	vadd.f32 v29, v7;
	v0 =	vadd.f32 v16, v0;
	[tilespmem:s25+$0x15D90] =	vst v5  }
0x1c1: {  	v3 =	vadd.f32 v11, v3;
	v1 =	vadd.f32 v17, v1;
	[tilespmem:s25+$0x15DA0] =	vst v6  }
0x1c2: {  	v2 =	vadd.f32 v2, v8;
	v4 =	vadd.f32 v13, v7;
	[tilespmem:s25+$0x15DC0] =	vst v0  }
0x1c3: {  	[tilespmem:s25+$0x15DD0] =	vst v1;
	v3 =	vadd.f32 v9, v3  }
0x1c4: {  	[tilespmem:s25+$0x15DB0] =	vst v4;
	v0 =	vadd.f32 v10, v2  }
0x1c5: {  	[tilespmem:s25+$0x15DE0] =	vst v3  }
0x1c6: {  	s28 =	simm.s32 @!p0 $0xDC00;
	[tilespmem:s25+$0x15DF0] =	vst v0;
	s25 =	sadd.s32 @!p0 $0x400, s26;
	s26 =	simm.s32 @!p0 $0x80  }
0x1c7: {  	[tilespmem:s28], [sflag:$0x4] =	stream.indirect.gather @!p0 [hbm4b:s2+s26], $0x80, s25, s26, $0xb8;
	[tilespmem:$0x17800] =	vst v63  }
0x1c8: {  	_ =	swait.ge [sflag:s20], $0x4000  }
0x1c9: {  	[sflag:s20] =	ssyncset.done $0x0  }
0x1ca: {  	[sflag:s20] =	ssyncadd.s32 $0xFFFFC000  }
0x1cb: {  	v4 =	vld [tilespmem:$0x11C00]  }
0x1cc: {  	v5 =	vld [tilespmem:$0x11C10]  }
0x1cd: {  	v6 =	vld [tilespmem:$0x11C20]  }
0x1ce: {  	v7 =	vld [tilespmem:$0x11C30]  }
0x1cf: {  	v10 =	vld [tilespmem:$0x11C40]  }
0x1d0: {  	v12 =	vld [tilespmem:$0x11C50]  }
0x1d1: {  	v13 =	vld [tilespmem:$0x11C60]  }
0x1d2: {  	s31 =	simm.s32 $0x11C80;
	v15 =	vld [tilespmem:$0x11C70]  }
0x1d3: {  	v9 =	vld [tilespmem:s31+$0x180]  }
0x1d4: {  	v14 =	vld [tilespmem:s31+$0x190]  }
0x1d5: {  	v16 =	vld [tilespmem:s31+$0x1A0]  }
0x1d6: {  	v17 =	vld [tilespmem:s31+$0x1B0]  }
0x1d7: {  	v0 =	vld [tilespmem:s31+$0x1C0]  }
0x1d8: {  	v1 =	vld [tilespmem:s31+$0x1D0]  }
0x1d9: {  	v8 =	vld [tilespmem:s31+$0x100]  }
0x1da: {  	v11 =	vld [tilespmem:s31+$0x110]  }
0x1db: {  	v18 =	vld [tilespmem:s31+$0x120]  }
0x1dc: {  	v19 =	vld [tilespmem:s31+$0x130]  }
0x1dd: {  	v2 =	vld [tilespmem:s31+$0x140]  }
0x1de: {  	v3 =	vld [tilespmem:s31+$0x150]  }
0x1df: {  	v50 =	vld [tilespmem:s31+$0x80]  }
0x1e0: {  	v52 =	vld [tilespmem:s31+$0x0]  }
0x1e1: {  	v53 =	vld [tilespmem:s31+$0x10]  }
0x1e2: {  	v54 =	vld [tilespmem:s31+$0x20]  }
0x1e3: {  	v55 =	vld [tilespmem:s31+$0x30]  }
0x1e4: {  	v56 =	vld [tilespmem:s31+$0xA0]  }
0x1e5: {  	v63 =	vld [tilespmem:s31+$0x70]  }
0x1e6: {  	v57 =	vld [tilespmem:s31+$0xB0]  }
0x1e7: {  	v51 =	vld [tilespmem:s31+$0x90]  }
0x1e8: {  	v58 =	vld [tilespmem:s31+$0xC0];
	v4 =	vadd.f32 v52, v4;
	v5 =	vadd.f32 v53, v5  }
0x1e9: {  	v59 =	vld [tilespmem:s31+$0xD0];
	v6 =	vadd.f32 v54, v6;
	v7 =	vadd.f32 v55, v7  }
0x1ea: {  	v60 =	vld [tilespmem:s31+$0x40];
	v15 =	vadd.f32 v63, v15;
	v4 =	vadd.f32 v50, v4  }
0x1eb: {  	v61 =	vld [tilespmem:s31+$0x50];
	v6 =	vadd.f32 v56, v6;
	v7 =	vadd.f32 v57, v7  }
0x1ec: {  	v62 =	vld [tilespmem:s31+$0x60];
	v5 =	vadd.f32 v51, v5;
	v4 =	vadd.f32 v8, v4  }
0x1ed: {  	v8 =	vld [tilespmem:s31+$0xE0];
	v6 =	vadd.f32 v18, v6;
	v7 =	vadd.f32 v19, v7  }
0x1ee: {  	v5 =	vadd.f32 v11, v5;
	v11 =	vld [tilespmem:s31+$0xF0];
	v4 =	vadd.f32 v9, v4  }
0x1ef: {  	v9 =	vld [tilespmem:s31+$0x160];
	v6 =	vadd.f32 v16, v6;
	v7 =	vadd.f32 v17, v7  }
0x1f0: {  	v16 =	vadd.f32 v60, v10;
	v17 =	vadd.f32 v61, v12;
	v12 =	vld [tilespmem:s31+$0x170]  }
0x1f1: {  	v5 =	vadd.f32 v14, v5;
	v14 =	vadd.f32 v62, v13;
	v10 =	vld [tilespmem:s31+$0x1E0]  }
0x1f2: {  	s25 =	simm.s32 $0x1;
	s26 =	simm.s32 $0x11E80;
	v13 =	vld [tilespmem:s31+$0x1F0];
	v16 =	vadd.f32 v58, v16;
	v17 =	vadd.f32 v59, v17  }
.LBB2_11:
0x1f3: {  	v18 =	vld [tilespmem:s26+$0x180];
	v8 =	vadd.f32 v8, v14;
	v11 =	vadd.f32 v11, v15  }
0x1f4: {  	v14 =	vld [tilespmem:s26+$0x190];
	v2 =	vadd.f32 v2, v16;
	v3 =	vadd.f32 v3, v17  }
0x1f5: {  	v15 =	vld [tilespmem:s26+$0x1A0];
	v8 =	vadd.f32 v9, v8;
	v9 =	vadd.f32 v12, v11  }
0x1f6: {  	v12 =	vld [tilespmem:s26+$0x1B0];
	v16 =	vadd.f32 v0, v2;
	v17 =	vadd.f32 v1, v3  }
0x1f7: {  	v0 =	vld [tilespmem:s26+$0x1C0];
	v10 =	vadd.f32 v10, v8;
	v13 =	vadd.f32 v13, v9  }
0x1f8: {  	v1 =	vld [tilespmem:s26+$0x1D0]  }
0x1f9: {  	v8 =	vld [tilespmem:s26+$0x100]  }
0x1fa: {  	v9 =	vld [tilespmem:s26+$0x110]  }
0x1fb: {  	v11 =	vld [tilespmem:s26+$0x120]  }
0x1fc: {  	v19 =	vld [tilespmem:s26+$0x130]  }
0x1fd: {  	v2 =	vld [tilespmem:s26+$0x140]  }
0x1fe: {  	v3 =	vld [tilespmem:s26+$0x150]  }
0x1ff: {  	v20 =	vld [tilespmem:s26+$0x80]  }
0x200: {  	v21 =	vld [tilespmem:s26+$0x90]  }
0x201: {  	v22 =	vld [tilespmem:s26+$0x0]  }
0x202: {  	v23 =	vld [tilespmem:s26+$0x10]  }
0x203: {  	v24 =	vld [tilespmem:s26+$0x20]  }
0x204: {  	v25 =	vld [tilespmem:s26+$0x30]  }
0x205: {  	v26 =	vld [tilespmem:s26+$0xA0]  }
0x206: {  	v27 =	vld [tilespmem:s26+$0xB0]  }
0x207: {  	v28 =	vld [tilespmem:s26+$0xC0]  }
0x208: {  	v4 =	vadd.f32 v22, v4;
	v5 =	vadd.f32 v23, v5;
	v22 =	vld [tilespmem:s26+$0xD0]  }
0x209: {  	v6 =	vadd.f32 v24, v6;
	v7 =	vadd.f32 v25, v7;
	v23 =	vld [tilespmem:s26+$0x40]  }
0x20a: {  	v4 =	vadd.f32 v20, v4;
	v5 =	vadd.f32 v21, v5;
	v24 =	vld [tilespmem:s26+$0x50]  }
0x20b: {  	v6 =	vadd.f32 v26, v6;
	v20 =	vld [tilespmem:s26+$0x60];
	v7 =	vadd.f32 v27, v7  }
0x20c: {  	s25 =	sadd.s32 $0x4, s25;
	v4 =	vadd.f32 v8, v4;
	v5 =	vadd.f32 v9, v5;
	v21 =	vld [tilespmem:s26+$0x70]  }
0x20d: {  	p0 =	slt.u32 s25, $0x79;
	v6 =	vadd.f32 v11, v6;
	v8 =	vld [tilespmem:s26+$0xE0];
	v7 =	vadd.f32 v19, v7  }
.Ltmp4:
0x20e: {  	v4 =	vadd.f32 v18, v4;
	v5 =	vadd.f32 v14, v5;
	v11 =	vld [tilespmem:s26+$0xF0];
	(pc) =	sbr.rel @p0 .LBB2_11-.Ltmp4, $4  }
0x20f: {  	v6 =	vadd.f32 v15, v6;
	v9 =	vld [tilespmem:s26+$0x160];
	v7 =	vadd.f32 v12, v7  }
0x210: {  	v16 =	vadd.f32 v23, v16;
	v17 =	vadd.f32 v24, v17;
	v12 =	vld [tilespmem:s26+$0x170]  }
0x211: {  	v14 =	vadd.f32 v20, v10;
	v15 =	vadd.f32 v21, v13;
	v10 =	vld [tilespmem:s26+$0x1E0]  }
0x212: {  	v16 =	vadd.f32 v28, v16;
	v17 =	vadd.f32 v22, v17;
	v13 =	vld [tilespmem:s26+$0x1F0];
	s26 =	sadd.s32 $0x200, s26  }
0x213: {  	v18 =	vld [tilespmem:$0x15A80]  }
0x214: {  	v19 =	vld [tilespmem:$0x15A90]  }
0x215: {  	v20 =	vld [tilespmem:$0x15AA0]  }
0x216: {  	v21 =	vld [tilespmem:$0x15AB0]  }
0x217: {  	v22 =	vld [tilespmem:$0x15AC0]  }
0x218: {  	v23 =	vld [tilespmem:$0x15AD0]  }
0x219: {  	v24 =	vld [tilespmem:$0x15AE0]  }
0x21a: {  	v25 =	vld [tilespmem:$0x15AF0]  }
0x21b: {  	v26 =	vld [tilespmem:$0x15B00]  }
0x21c: {  	v27 =	vld [tilespmem:$0x15B10]  }
0x21d: {  	v28 =	vld [tilespmem:$0x15B20]  }
0x21e: {  	v29 =	vld [tilespmem:$0x15B30];
	v8 =	vadd.f32 v8, v14;
	v11 =	vadd.f32 v11, v15  }
0x21f: {  	v47 =	vld [tilespmem:$0x15B40];
	v2 =	vadd.f32 v2, v16;
	v3 =	vadd.f32 v3, v17  }
0x220: {  	v48 =	vld [tilespmem:$0x15B50];
	v8 =	vadd.f32 v9, v8;
	v49 =	vadd.f32 v12, v11  }
0x221: {  	v50 =	vld [tilespmem:$0x15B60];
	v0 =	vadd.f32 v0, v2;
	v1 =	vadd.f32 v1, v3  }
0x222: {  	v51 =	vld [tilespmem:$0x15B70];
	v52 =	vadd.f32 v10, v8;
	v53 =	vadd.f32 v13, v49  }
0x223: {  	v54 =	vld [tilespmem:$0x15B80];
	v4 =	vadd.f32 v18, v4;
	v5 =	vadd.f32 v19, v5  }
0x224: {  	v55 =	vld [tilespmem:$0x15B90];
	v6 =	vadd.f32 v20, v6;
	v7 =	vadd.f32 v21, v7  }
0x225: {  	v56 =	vld [tilespmem:$0x15BA0];
	v0 =	vadd.f32 v22, v0;
	v1 =	vadd.f32 v23, v1  }
0x226: {  	v57 =	vld [tilespmem:$0x15BB0];
	v3 =	vadd.f32 v24, v52;
	v4 =	vadd.f32 v26, v4  }
0x227: {  	v58 =	vld [tilespmem:$0x15BC0];
	v8 =	vadd.f32 v25, v53;
	v5 =	vadd.f32 v27, v5  }
0x228: {  	v59 =	vld [tilespmem:$0x15BD0];
	v6 =	vadd.f32 v28, v6;
	v4 =	vadd.f32 v54, v4  }
0x229: {  	v60 =	vld [tilespmem:$0x15BE0];
	v7 =	vadd.f32 v29, v7;
	v5 =	vadd.f32 v55, v5  }
0x22a: {  	v61 =	vld [tilespmem:$0x15BF0];
	v0 =	vadd.f32 v47, v0;
	v6 =	vadd.f32 v56, v6;
	[tilespmem:s24+$0x15C00] =	vst v4  }
0x22b: {  	s23 =	sadd.s32 $0x1, s23;
	v1 =	vadd.f32 v48, v1;
	v62 =	vadd.f32 v57, v7;
	[tilespmem:s24+$0x15C10] =	vst v5  }
0x22c: {  	p0 =	sne.s32 s23, $0xA;
	v3 =	vadd.f32 v50, v3;
	v0 =	vadd.f32 v58, v0;
	[tilespmem:s24+$0x15C20] =	vst v6  }
.Ltmp5:
0x22d: {  	v2 =	vadd.f32 v51, v8;
	v1 =	vadd.f32 v59, v1;
	[tilespmem:s24+$0x15C30] =	vst v62;
	(pc) =	sbr.rel @p0 .LBB2_2-.Ltmp5, $4  }
0x22e: {  	v3 =	vadd.f32 v60, v3;
	[tilespmem:s24+$0x15C40] =	vst v0  }
0x22f: {  	v63 =	vadd.f32 v61, v2;
	[tilespmem:s24+$0x15C50] =	vst v1  }
0x230: {  	[tilespmem:s24+$0x15C60] =	vst v3  }
0x231: {  	[tilespmem:s24+$0x15C70] =	vst v63  }
0x232: {  	s22 =	sadd.s32 $0x1, s22  }
0x233: {  	p0 =	sne.s32 s22, s6  }
.Ltmp6:
0x234: {  	_ = 	snop;
	(pc) =	sbr.rel @p0 .LBB2_1-.Ltmp6, $4  }
0x235: {  	[hbm4b:s5+s3] =	stream.linear.scatter [tilespmem:s21], [sflag:$0x6], $0x1900, $0x38;
	[tilespmem:$0x17800] =	vst v63  }
0x236: {  	_ =	swait.ge [sflag:s7], $0x1900  }
0x237: {  	[sflag:s7] =	ssyncset.done $0x0  }
0x238: {  	[sflag:s7] =	ssyncadd.s32 $0xFFFFE700  }
0x239: {  	_ =	sfence.sel $0x180000  }
0x23a: {  	[bflag:$0x0] =	sbarrier.arrive $0xFFFF  }
0x23b: {  	p0 =	sne.s32 s0, $0x0;
	_ =	strace $0x90000047  }
0x23c: {  	s0 =	sadd.s32 @!p0 $0x100000, s1;
	[bflag:$0x2] =	sbarrier.arrive $0xFFFF  }
0x23d: {  	[sflag:s0] =	ssyncadd.tile.s32 @!p0 $0x1;
	_ =	shalt  }
.Lfunc_end2:
_tile_overlayer_lowered:
.L_overlay_start_2:
0x23e: {  	(tag) =	ssettag $0x2  }
0x23f: {  	s0 =	rddreg [dreg:$0x0];
	s2 =	stileid.u32  }
0x240: {  	s1 =	rddreg [dreg:$0x1];
	p0 =	sne.s32 s2, $0x0  }
0x241: {  	s3 =	rddreg [dreg:$0x2];
	[bflag:$0x3] =	sbarrier.arrive $0xFFFF;
	s2 =	simm.s32 @!p0 $0x1C06  }
0x242: {  	[timem:s3], [sflag:s2] =	dma.local @!p0 [hbm:s0], s1  }
0x243: {  	s0 =	simm.s32 @!p0 $0x6  }
0x244: {  	_ =	swait.ge @!p0 [sflag:s0], s1  }
0x245: {  	s1 =	ssub.s32 @!p0 $0x0, s1;
	[sflag:s0] =	ssyncset.done @!p0 $0x0  }
0x246: {  	[sflag:s0] =	ssyncadd.s32 @!p0 s1  }
0x247: {  	[bflag:$0x3] =	sbarrier.arrive $0xFFFF  }
0x248: {  	_ =	shalt  }

</sc_bundles>
